<compile_context>
chip_gen: v7x
topology: tpu7x:2x2x1
jax: 0.10.2.dev20260603
libtpu: 0.0.44.dev20260713+nightly
codegen_flags: <defaults>
</compile_context>

<pallas_src>
import functools

import jax
import jax.numpy as jnp
from jax import lax
from jax.experimental import pallas as pl
from jax.experimental.pallas import tpu as pltpu
from jax.experimental.pallas import tpu_sc as plsc

CUT = 6.0
NC = 2
NS = 16
NW = NC * NS
LANES = 16
CHUNK = 128
RPAD = 16
GROUPS = CHUNK // LANES
PI = 3.14159265358979323846

_COS_COEFS = (1.0 / 479001600.0, -1.0 / 3628800.0, 1.0 / 40320.0,
              -1.0 / 720.0, 1.0 / 24.0, -0.5, 1.0)


def _build_edge_kernel(N, E, NB):
    nchunks = E // CHUNK
    nt = (nchunks + NW - 1) // NW
    npad = ((N + NS * 8 - 1) // (NS * 8)) * (NS * 8)
    rpt = npad // NS
    mu_vals = [0.5 + b * (CUT - 0.5) / (NB - 1) for b in range(NB)]
    ncols = 4 * NB

    mesh = plsc.VectorSubcoreMesh(core_axis_name="c", subcore_axis_name="s",
                                  num_cores=NC, num_subcores=NS)

    @functools.partial(
        pl.kernel,
        out_type=jax.ShapeDtypeStruct((NC, npad, ncols), jnp.float32),
        mesh=mesh,
        compiler_params=pltpu.CompilerParams(needs_layout_passes=False,
                                             use_tc_tiling_on_sc=False),
        scratch_types=[
            pltpu.VMEM((CHUNK,), jnp.int32),
            pltpu.VMEM((CHUNK,), jnp.int32),
            pltpu.VMEM((CHUNK, RPAD), jnp.float32),
            pltpu.VMEM((CHUNK, RPAD), jnp.float32),
            pltpu.VMEM((CHUNK, ncols), jnp.float32),
            pltpu.VMEM_SHARED((npad, ncols), jnp.float32),
            pltpu.SemaphoreType.DMA,
            pltpu.SemaphoreType.DMA,
        ],
    )
    def edge(rp_hbm, ii_hbm, ij_hbm, zr_hbm, out_hbm,
             bi, bj, ri, rj, pay, acc, s1, s2):
        c = lax.axis_index("c")
        s = lax.axis_index("s")
        wid = s * NC + c

        pltpu.sync_copy(zr_hbm, acc.at[pl.ds(s * rpt, rpt)])
        plsc.subcore_barrier()

        lane = lax.iota(jnp.int32, LANES)

        def col(k):
            return jnp.full((LANES,), k, jnp.int32)

        def chunk_body(t, carry):
            cid = t * NW + wid

            @pl.when(cid < nchunks)
            def _():
                base = cid * CHUNK
                pltpu.sync_copy(ii_hbm.at[pl.ds(base, CHUNK)], bi)
                pltpu.sync_copy(ij_hbm.at[pl.ds(base, CHUNK)], bj)
                cp1 = pltpu.async_copy(rp_hbm.at[bi], ri, s1)
                cp2 = pltpu.async_copy(rp_hbm.at[bj], rj, s2)
                cp1.wait()
                cp2.wait()
                for g in range(GROUPS):
                    rows = lane + (g * LANES)
                    xi = plsc.load_gather(ri, [rows, col(0)])
                    yi = plsc.load_gather(ri, [rows, col(1)])
                    zi = plsc.load_gather(ri, [rows, col(2)])
                    xj = plsc.load_gather(rj, [rows, col(0)])
                    yj = plsc.load_gather(rj, [rows, col(1)])
                    zj = plsc.load_gather(rj, [rows, col(2)])
                    dx = xj - xi
                    dy = yj - yi
                    dz = zj - zi
                    d2 = dx * dx + dy * dy + dz * dz + 1e-12
                    y = plsc.bitcast(
                        jnp.int32(0x5F3759DF)
                        - lax.shift_right_arithmetic(plsc.bitcast(d2, jnp.int32), 1),
                        jnp.float32)
                    hx = 0.5 * d2
                    y = y * (1.5 - hx * y * y)
                    y = y * (1.5 - hx * y * y)
                    y = y * (1.5 - hx * y * y)
                    d = d2 * y
                    dc = jnp.minimum(d, CUT)
                    xq = dc * (1.0 / CUT)
                    q = ((PI / 2.0) * (PI / 2.0)) * (xq * xq)
                    cv = jnp.float32(_COS_COEFS[0])
                    for cf in _COS_COEFS[1:]:
                        cv = cv * q + cf
                    fc = jnp.where(d < CUT, cv * cv, 0.0)
                    ux = dx * y
                    uy = dy * y
                    uz = dz * y
                    for b in range(NB):
                        tb = dc - mu_vals[b]
                        radb = jnp.exp(-4.0 * (tb * tb)) * fc
                        plsc.store_scatter(pay, [rows, col(b)], radb)
                        plsc.store_scatter(pay, [rows, col(NB + b)], radb * ux)
                        plsc.store_scatter(pay, [rows, col(2 * NB + b)], radb * uy)
                        plsc.store_scatter(pay, [rows, col(3 * NB + b)], radb * uz)
                pltpu.sync_copy(pay, acc.at[bi], add=True)
            return carry

        lax.fori_loop(0, nt, chunk_body, 0)
        plsc.subcore_barrier()
        pltpu.sync_copy(acc.at[pl.ds(s * rpt, rpt)],
                        out_hbm.at[c, pl.ds(s * rpt, rpt)])

    return edge


def _build_atom_kernel(N, NB, NSP, blk):
    nblk = N // blk
    ncols = 4 * NB
    nh = 64

    hp = jax.lax.Precision.HIGHEST

    def body(acc_ref, sa_ref, sb_ref, w1_ref, b1_ref, w2_ref, b2_ref,
             w3_ref, b3_ref, out_ref):
        i = pl.program_id(0)
        m = acc_ref[0] + acc_ref[1]
        m0 = m[:, 0:NB]
        mx = m[:, NB:2 * NB]
        my = m[:, 2 * NB:3 * NB]
        mz = m[:, 3 * NB:4 * NB]
        parts = [m0]
        for b in range(NB):
            parts.append(mx[:, b:b + 1] * mx + my[:, b:b + 1] * my
                         + mz[:, b:b + 1] * mz)
        gm = jnp.concatenate(parts, axis=1)
        h = jnp.tanh(jnp.dot(gm, w1_ref[...], precision=hp,
                             preferred_element_type=jnp.float32) + b1_ref[...])
        h = jnp.tanh(jnp.dot(h, w2_ref[...], precision=hp,
                             preferred_element_type=jnp.float32) + b2_ref[...])
        e = jnp.dot(h, w3_ref[...], precision=hp,
                    preferred_element_type=jnp.float32) + b3_ref[0, 0]
        tot = jnp.sum(sa_ref[...] * e + sb_ref[...]).reshape(1, 1)

        @pl.when(i == 0)
        def _():
            out_ref[...] = jnp.zeros_like(out_ref)

        out_ref[...] += tot

    ngm = NB + NB * NB
    grid_spec = pl.GridSpec(
        grid=(nblk,),
        in_specs=[
            pl.BlockSpec((NC, blk, ncols), lambda i: (0, i, 0)),
            pl.BlockSpec((blk, 1), lambda i: (i, 0)),
            pl.BlockSpec((blk, 1), lambda i: (i, 0)),
            pl.BlockSpec((ngm, nh), lambda i: (0, 0)),
            pl.BlockSpec((1, nh), lambda i: (0, 0)),
            pl.BlockSpec((nh, nh), lambda i: (0, 0)),
            pl.BlockSpec((1, nh), lambda i: (0, 0)),
            pl.BlockSpec((nh, 1), lambda i: (0, 0)),
            pl.BlockSpec((1, 1), lambda i: (0, 0)),
        ],
        out_specs=pl.BlockSpec((1, 1), lambda i: (0, 0)),
    )
    return pl.pallas_call(
        body,
        grid_spec=grid_spec,
        out_shape=jax.ShapeDtypeStruct((1, 1), jnp.float32),
        compiler_params=pltpu.CompilerParams(
            dimension_semantics=("arbitrary",)),
    )


def kernel(R, Z, idx, box, offsets, mu, W1, b1, W2, b2, W3, b3, scale, shift):
    N = R.shape[0]
    E = idx.shape[1]
    NB = mu.shape[0]
    NSP = scale.shape[0]
    nh = W2.shape[0]

    rp = jnp.concatenate(
        [R.astype(jnp.float32), jnp.zeros((N, RPAD - 3), jnp.float32)],
        axis=1)
    ii = idx[0].astype(jnp.int32)
    ij = idx[1].astype(jnp.int32)
    npad = ((N + NS * 8 - 1) // (NS * 8)) * (NS * 8)
    zrows = jnp.zeros((npad // NS, 4 * NB), jnp.float32)

    acc = _build_edge_kernel(N, E, NB)(rp, ii, ij, zrows)

    sa = jnp.take(scale, Z).astype(jnp.float32).reshape(N, 1)
    sb = jnp.take(shift, Z).astype(jnp.float32).reshape(N, 1)
    blk = 2000
    total = _build_atom_kernel(N, NB, NSP, blk)(
        acc, sa, sb, W1, b1.reshape(1, nh), W2, b2.reshape(1, nh),
        W3, b3.reshape(1, 1))
    return total[0, 0]

# --- scband reference (transcript-rebuilt; emitter-appended) ---
"""Pipeline reference for scband-energy-model-t-66838281060515 (READ-ONLY COPY).

The authoritative reference and input builder live on the scoring server;
editing this copy changes nothing except your own understanding.
"""

import jax, jax.numpy as jnp
import numpy as np

N = 50000
E = 1600000
NB = 8
NSP = 10
CUT = 6.0


def setup_inputs(seed: int = 0):
    key = jax.random.key(seed)
    ks = jax.random.split(key, 10)
    R = jax.random.normal(ks[0], (N, 3), dtype=jnp.float32) * 5.0
    Z = jax.random.randint(ks[1], (N,), 0, NSP)
    idx = jax.random.randint(ks[2], (2, E), 0, N)
    box = jnp.zeros((3, 3), jnp.float32)
    offsets = jnp.zeros((E, 3), jnp.float32)
    mu = jnp.linspace(0.5, CUT, NB).astype(jnp.float32)
    W1 = jax.random.normal(ks[3], (NB + NB * NB, 64), jnp.float32) * 0.1
    b1 = jnp.zeros((64,), jnp.float32)
    W2 = jax.random.normal(ks[4], (64, 64), jnp.float32) * 0.1
    b2 = jnp.zeros((64,), jnp.float32)
    W3 = jax.random.normal(ks[5], (64, 1), jnp.float32) * 0.1
    b3 = jnp.zeros((1,), jnp.float32)
    scale = jnp.ones((NSP,), jnp.float32)
    shift = jax.random.normal(ks[6], (NSP,), jnp.float32)
    return {"R": R, "Z": Z, "idx": idx, "box": box, "offsets": offsets,
            "mu": mu, "W1": W1, "b1": b1, "W2": W2, "b2": b2,
            "W3": W3, "b3": b3, "scale": scale, "shift": shift}


def reference(R, Z, idx, box, offsets, mu, W1, b1, W2, b2, W3, b3, scale, shift):
    idx_i = idx[0]
    idx_j = idx[1]
    Ri = jnp.take(R, idx_i, axis=0)
    Rj = jnp.take(R, idx_j, axis=0)
    dr_free = Rj - Ri
    dr_box = jnp.matmul(Rj - Ri, box) + offsets
    dr_vec = jnp.where(jnp.all(box < 1e-6), dr_free, dr_box)
    # Gaussian-moment descriptor (radial gaussians * cosine cutoff, moments of order 0 and 1)
    d = jnp.sqrt(jnp.sum(dr_vec * dr_vec, axis=1) + 1e-12)
    fc = 0.5 * (jnp.cos(jnp.pi * d / CUT) + 1.0) * (d < CUT)
    rad = jnp.exp(-4.0 * (d[:, None] - mu[None, :]) ** 2) * fc[:, None]
    unit = dr_vec / d[:, None]
    M0 = jax.ops.segment_sum(rad, idx_i, num_segments=N)
    M1 = jax.ops.segment_sum(rad[:, :, None] * unit[:, None, :], idx_i, num_segments=N)
    inv1 = jnp.einsum('nbi,nci->nbc', M1, M1).reshape(N, NB * NB)
    gm = jnp.concatenate([M0, inv1], axis=1)
    # Atomistic readout MLP
    h = jnp.tanh(gm @ W1 + b1)
    h = jnp.tanh(h @ W2 + b2)
    h = (h @ W3 + b3).squeeze()
    # Per-element scale/shift
    atomic = jnp.take(scale, Z) * h + jnp.take(shift, Z)
    return jnp.sum(atomic)

if __name__ == "__main__":
    import jax
    _d = setup_inputs()
    print(jax.jit(kernel)(*tuple(_d.values())))

</pallas_src>

<mosaic_0001>
#map = affine_map<(d0, d1) -> (0, 0)>
#map1 = affine_map<(d0, d1) -> (0)>
#map2 = affine_map<(d0, d1) -> (0, 0, 0)>
module attributes {stable_mosaic.version = 14 : i64} {
  func.func @edge(%arg0: i32, %arg1: i32, %arg2: memref<50000x16xf32, #tpu.memory_space<hbm>>, %arg3: memref<1600000xi32, #tpu.memory_space<hbm>>, %arg4: memref<1600000xi32, #tpu.memory_space<hbm>>, %arg5: memref<3128x32xf32, #tpu.memory_space<hbm>>, %arg6: memref<2x50048x32xf32, #tpu.memory_space<hbm>>, %arg7: memref<128xi32, #tpu.memory_space<vmem>>, %arg8: memref<128xi32, #tpu.memory_space<vmem>>, %arg9: memref<128x16xf32, #tpu.memory_space<vmem>>, %arg10: memref<128x16xf32, #tpu.memory_space<vmem>>, %arg11: memref<128x32xf32, #tpu.memory_space<vmem>>, %arg12: memref<50048x32xf32, #tpu.memory_space<vmem_shared>>, %arg13: memref<!tpu.dma_semaphore, #tpu.memory_space<semaphore_mem>>, %arg14: memref<!tpu.dma_semaphore, #tpu.memory_space<semaphore_mem>>) attributes {dimension_semantics = [#tpu.dimension_semantics<core_parallel>, #tpu.dimension_semantics<subcore_parallel>], iteration_bounds = array<i64: 2, 16>, scalar_prefetch = 0 : i64, scratch_operands = 8 : i64, tpu.core_type = #tpu.core_type<sc_vector_subcore>, window_params = [{transform_indices = #map}, {transform_indices = #map1}, {transform_indices = #map1}, {transform_indices = #map}, {transform_indices = #map2}]} {
    %mul3A = arith.constant 2 : i32
    %mul3A_0 = arith.muli %arg1, %mul3A : i32
    %add3A = arith.addi %mul3A_0, %arg0 : i32
    %mul3A_1 = arith.constant 3128 : i32
    %mul3A_2 = arith.muli %arg1, %mul3A_1 : i32
    "tpu.region"() ({
      %run_scoped3A = tpu.sem_alloc : memref<!tpu.dma_semaphore, #tpu.memory_space<semaphore_mem>>
      %dma_start3A = arith.constant 0 : i32
      %dma_start3A_13 = tpu.memref_slice %arg12[%mul3A_2, %dma_start3A] : memref<50048x32xf32, #tpu.memory_space<vmem_shared>> -> memref<3128x32xf32, #tpu.memory_space<vmem_shared>>
      tpu.enqueue_dma source(%arg5 : memref<3128x32xf32, #tpu.memory_space<hbm>>) target(%dma_start3A_13 : memref<3128x32xf32, #tpu.memory_space<vmem_shared>>) target_semaphore(%run_scoped3A : memref<!tpu.dma_semaphore, #tpu.memory_space<semaphore_mem>>)
      %dma_wait3A = arith.constant 0 : i32
      %dma_wait3A_14 = tpu.memref_slice %arg12[%mul3A_2, %dma_wait3A] : memref<50048x32xf32, #tpu.memory_space<vmem_shared>> -> memref<3128x32xf32, #tpu.memory_space<vmem_shared>>
      tpu.wait_dma2 semaphore(%run_scoped3A : memref<!tpu.dma_semaphore, #tpu.memory_space<semaphore_mem>>) src(%arg5 : memref<3128x32xf32, #tpu.memory_space<hbm>>) dst(%dma_wait3A_14 : memref<3128x32xf32, #tpu.memory_space<vmem_shared>>)
      tpu.yield
    }) : () -> ()
    %barrier3A = arith.constant 0 : index
    tpu.barrier barrier_id(%barrier3A)
    %iota3A = tpu.iota {dimensions = array<i32: 0>} : vector<16xi32>
    %scan3A = arith.constant 0 : i32
    %scan3A_3 = arith.constant 0 : i32
    %scan3A_4 = arith.constant 391 : i32
    %scan3A_5 = arith.addi %scan3A_3, %scan3A_4 : i32
    %scan3A_6 = arith.constant 1 : i32
    scf.for %scan3A_13 = %scan3A_3 to %scan3A_5 step %scan3A_6  : i32 {
      %mul3A_14 = arith.constant 32 : i32
      %mul3A_15 = arith.muli %scan3A_13, %mul3A_14 : i32
      %add3A_16 = arith.addi %mul3A_15, %add3A : i32
      %lt3A = arith.constant 12500 : i32
      %lt3A_17 = arith.cmpi slt, %add3A_16, %lt3A : i32
      %convert_element_type3A = arith.extui %lt3A_17 : i1 to i32
      %cond3A = arith.constant 0 : i32
      %cond3A_18 = arith.cmpi ne, %convert_element_type3A, %cond3A : i32
      scf.if %cond3A_18 {
        %mul3A_19 = arith.constant 128 : i32
        %mul3A_20 = arith.muli %add3A_16, %mul3A_19 : i32
        "tpu.region"() ({
          %run_scoped3A = tpu.sem_alloc : memref<!tpu.dma_semaphore, #tpu.memory_space<semaphore_mem>>
          %dma_start3A_2166 = tpu.memref_slice %arg3[%mul3A_20] : memref<1600000xi32, #tpu.memory_space<hbm>> -> memref<128xi32, #tpu.memory_space<hbm>>
          %dma_start3A_2167 = tpu.memref_slice %arg3[%mul3A_20] : memref<1600000xi32, #tpu.memory_space<hbm>> -> memref<128xi32, #tpu.memory_space<hbm>>
          tpu.enqueue_dma source(%dma_start3A_2167 : memref<128xi32, #tpu.memory_space<hbm>>) target(%arg7 : memref<128xi32, #tpu.memory_space<vmem>>) target_semaphore(%run_scoped3A : memref<!tpu.dma_semaphore, #tpu.memory_space<semaphore_mem>>)
          %dma_wait3A_2168 = tpu.memref_slice %arg3[%mul3A_20] : memref<1600000xi32, #tpu.memory_space<hbm>> -> memref<128xi32, #tpu.memory_space<hbm>>
          %dma_wait3A_2169 = tpu.memref_slice %arg3[%mul3A_20] : memref<1600000xi32, #tpu.memory_space<hbm>> -> memref<128xi32, #tpu.memory_space<hbm>>
          tpu.wait_dma2 semaphore(%run_scoped3A : memref<!tpu.dma_semaphore, #tpu.memory_space<semaphore_mem>>) src(%dma_wait3A_2169 : memref<128xi32, #tpu.memory_space<hbm>>) dst(%arg7 : memref<128xi32, #tpu.memory_space<vmem>>)
          tpu.yield
        }) : () -> ()
        "tpu.region"() ({
          %run_scoped3A = tpu.sem_alloc : memref<!tpu.dma_semaphore, #tpu.memory_space<semaphore_mem>>
          %dma_start3A_2166 = tpu.memref_slice %arg4[%mul3A_20] : memref<1600000xi32, #tpu.memory_space<hbm>> -> memref<128xi32, #tpu.memory_space<hbm>>
          %dma_start3A_2167 = tpu.memref_slice %arg4[%mul3A_20] : memref<1600000xi32, #tpu.memory_space<hbm>> -> memref<128xi32, #tpu.memory_space<hbm>>
          tpu.enqueue_dma source(%dma_start3A_2167 : memref<128xi32, #tpu.memory_space<hbm>>) target(%arg8 : memref<128xi32, #tpu.memory_space<vmem>>) target_semaphore(%run_scoped3A : memref<!tpu.dma_semaphore, #tpu.memory_space<semaphore_mem>>)
          %dma_wait3A_2168 = tpu.memref_slice %arg4[%mul3A_20] : memref<1600000xi32, #tpu.memory_space<hbm>> -> memref<128xi32, #tpu.memory_space<hbm>>
          %dma_wait3A_2169 = tpu.memref_slice %arg4[%mul3A_20] : memref<1600000xi32, #tpu.memory_space<hbm>> -> memref<128xi32, #tpu.memory_space<hbm>>
          tpu.wait_dma2 semaphore(%run_scoped3A : memref<!tpu.dma_semaphore, #tpu.memory_space<semaphore_mem>>) src(%dma_wait3A_2169 : memref<128xi32, #tpu.memory_space<hbm>>) dst(%arg8 : memref<128xi32, #tpu.memory_space<vmem>>)
          tpu.yield
        }) : () -> ()
        %dma_start3A = arith.constant 0 : i32
        %dma_start3A_21 = arith.constant 0 : i32
        %dma_start3A_22 = tpu.memref_slice %arg2[%dma_start3A, %dma_start3A_21] : memref<50000x16xf32, #tpu.memory_space<hbm>> -> memref<50000x16xf32, #tpu.memory_space<hbm>>
        tpu.enqueue_indirect_dma source(%dma_start3A_22 : memref<50000x16xf32, #tpu.memory_space<hbm>>) target(%arg9 : memref<128x16xf32, #tpu.memory_space<vmem>>) offsets(%arg7 : memref<128xi32, #tpu.memory_space<vmem>>) semaphore(%arg13 : memref<!tpu.dma_semaphore, #tpu.memory_space<semaphore_mem>>)
        %dma_start3A_23 = arith.constant 0 : i32
        %dma_start3A_24 = arith.constant 0 : i32
        %dma_start3A_25 = tpu.memref_slice %arg2[%dma_start3A_23, %dma_start3A_24] : memref<50000x16xf32, #tpu.memory_space<hbm>> -> memref<50000x16xf32, #tpu.memory_space<hbm>>
        tpu.enqueue_indirect_dma source(%dma_start3A_25 : memref<50000x16xf32, #tpu.memory_space<hbm>>) target(%arg10 : memref<128x16xf32, #tpu.memory_space<vmem>>) offsets(%arg8 : memref<128xi32, #tpu.memory_space<vmem>>) semaphore(%arg14 : memref<!tpu.dma_semaphore, #tpu.memory_space<semaphore_mem>>)
        %dma_wait3A = arith.constant 0 : i32
        %dma_wait3A_26 = arith.constant 0 : i32
        %dma_wait3A_27 = tpu.memref_slice %arg2[%dma_wait3A, %dma_wait3A_26] : memref<50000x16xf32, #tpu.memory_space<hbm>> -> memref<50000x16xf32, #tpu.memory_space<hbm>>
        tpu.wait_indirect_dma semaphore(%arg13 : memref<!tpu.dma_semaphore, #tpu.memory_space<semaphore_mem>>) src(%dma_wait3A_27 : memref<50000x16xf32, #tpu.memory_space<hbm>>) dst(%arg9 : memref<128x16xf32, #tpu.memory_space<vmem>>)
        %dma_wait3A_28 = arith.constant 0 : i32
        %dma_wait3A_29 = arith.constant 0 : i32
        %dma_wait3A_30 = tpu.memref_slice %arg2[%dma_wait3A_28, %dma_wait3A_29] : memref<50000x16xf32, #tpu.memory_space<hbm>> -> memref<50000x16xf32, #tpu.memory_space<hbm>>
        tpu.wait_indirect_dma semaphore(%arg14 : memref<!tpu.dma_semaphore, #tpu.memory_space<semaphore_mem>>) src(%dma_wait3A_30 : memref<50000x16xf32, #tpu.memory_space<hbm>>) dst(%arg10 : memref<128x16xf32, #tpu.memory_space<vmem>>)
        %add3A_31 = arith.constant 0 : i32
        %add3A_32 = vector.broadcast %add3A_31 : i32 to vector<16xi32>
        %add3A_33 = arith.addi %iota3A, %add3A_32 : vector<16xi32>
        %broadcast_in_dim3A = arith.constant 0 : i32
        %broadcast_in_dim3A_34 = vector.broadcast %broadcast_in_dim3A : i32 to vector<16xi32>
        %gather3A = tpu.vector_load_idx %arg9[%add3A_33, %broadcast_in_dim3A_34] : memref<128x16xf32, #tpu.memory_space<vmem>>[vector<16xi32>, vector<16xi32>], vector<16xf32>,
        %broadcast_in_dim3A_35 = arith.constant 1 : i32
        %broadcast_in_dim3A_36 = vector.broadcast %broadcast_in_dim3A_35 : i32 to vector<16xi32>
        %gather3A_37 = tpu.vector_load_idx %arg9[%add3A_33, %broadcast_in_dim3A_36] : memref<128x16xf32, #tpu.memory_space<vmem>>[vector<16xi32>, vector<16xi32>], vector<16xf32>,
        %broadcast_in_dim3A_38 = arith.constant 2 : i32
        %broadcast_in_dim3A_39 = vector.broadcast %broadcast_in_dim3A_38 : i32 to vector<16xi32>
        %gather3A_40 = tpu.vector_load_idx %arg9[%add3A_33, %broadcast_in_dim3A_39] : memref<128x16xf32, #tpu.memory_space<vmem>>[vector<16xi32>, vector<16xi32>], vector<16xf32>,
        %broadcast_in_dim3A_41 = arith.constant 0 : i32
        %broadcast_in_dim3A_42 = vector.broadcast %broadcast_in_dim3A_41 : i32 to vector<16xi32>
        %gather3A_43 = tpu.vector_load_idx %arg10[%add3A_33, %broadcast_in_dim3A_42] : memref<128x16xf32, #tpu.memory_space<vmem>>[vector<16xi32>, vector<16xi32>], vector<16xf32>,
        %broadcast_in_dim3A_44 = arith.constant 1 : i32
        %broadcast_in_dim3A_45 = vector.broadcast %broadcast_in_dim3A_44 : i32 to vector<16xi32>
        %gather3A_46 = tpu.vector_load_idx %arg10[%add3A_33, %broadcast_in_dim3A_45] : memref<128x16xf32, #tpu.memory_space<vmem>>[vector<16xi32>, vector<16xi32>], vector<16xf32>,
        %broadcast_in_dim3A_47 = arith.constant 2 : i32
        %broadcast_in_dim3A_48 = vector.broadcast %broadcast_in_dim3A_47 : i32 to vector<16xi32>
        %gather3A_49 = tpu.vector_load_idx %arg10[%add3A_33, %broadcast_in_dim3A_48] : memref<128x16xf32, #tpu.memory_space<vmem>>[vector<16xi32>, vector<16xi32>], vector<16xf32>,
        %sub3A = arith.subf %gather3A_43, %gather3A : vector<16xf32>
        %sub3A_50 = arith.subf %gather3A_46, %gather3A_37 : vector<16xf32>
        %sub3A_51 = arith.subf %gather3A_49, %gather3A_40 : vector<16xf32>
        %mul3A_52 = arith.mulf %sub3A, %sub3A : vector<16xf32>
        %mul3A_53 = arith.mulf %sub3A_50, %sub3A_50 : vector<16xf32>
        %add3A_54 = arith.addf %mul3A_52, %mul3A_53 : vector<16xf32>
        %mul3A_55 = arith.mulf %sub3A_51, %sub3A_51 : vector<16xf32>
        %add3A_56 = arith.addf %add3A_54, %mul3A_55 : vector<16xf32>
        %add3A_57 = arith.constant 9.99999996E-13 : f32
        %add3A_58 = vector.broadcast %add3A_57 : f32 to vector<16xf32>
        %add3A_59 = arith.addf %add3A_56, %add3A_58 : vector<16xf32>
        %bitcast3A = vector.bitcast %add3A_59 : vector<16xf32> to vector<16xi32>
        %shift_right_arithmetic3A = arith.constant 1 : i32
        %shift_right_arithmetic3A_60 = vector.broadcast %shift_right_arithmetic3A : i32 to vector<16xi32>
        %shift_right_arithmetic3A_61 = arith.shrsi %bitcast3A, %shift_right_arithmetic3A_60 : vector<16xi32>
        %sub3A_62 = arith.constant 1597463007 : i32
        %sub3A_63 = vector.broadcast %sub3A_62 : i32 to vector<16xi32>
        %sub3A_64 = arith.subi %sub3A_63, %shift_right_arithmetic3A_61 : vector<16xi32>
        %bitcast3A_65 = vector.bitcast %sub3A_64 : vector<16xi32> to vector<16xf32>
        %mul3A_66 = arith.constant 5.000000e-01 : f32
        %mul3A_67 = vector.broadcast %mul3A_66 : f32 to vector<16xf32>
        %mul3A_68 = arith.mulf %mul3A_67, %add3A_59 : vector<16xf32>
        %mul3A_69 = arith.mulf %mul3A_68, %bitcast3A_65 : vector<16xf32>
        %mul3A_70 = arith.mulf %mul3A_69, %bitcast3A_65 : vector<16xf32>
        %sub3A_71 = arith.constant 1.500000e+00 : f32
        %sub3A_72 = vector.broadcast %sub3A_71 : f32 to vector<16xf32>
        %sub3A_73 = arith.subf %sub3A_72, %mul3A_70 : vector<16xf32>
        %mul3A_74 = arith.mulf %bitcast3A_65, %sub3A_73 : vector<16xf32>
        %mul3A_75 = arith.mulf %mul3A_68, %mul3A_74 : vector<16xf32>
        %mul3A_76 = arith.mulf %mul3A_75, %mul3A_74 : vector<16xf32>
        %sub3A_77 = arith.constant 1.500000e+00 : f32
        %sub3A_78 = vector.broadcast %sub3A_77 : f32 to vector<16xf32>
        %sub3A_79 = arith.subf %sub3A_78, %mul3A_76 : vector<16xf32>
        %mul3A_80 = arith.mulf %mul3A_74, %sub3A_79 : vector<16xf32>
        %mul3A_81 = arith.mulf %mul3A_68, %mul3A_80 : vector<16xf32>
        %mul3A_82 = arith.mulf %mul3A_81, %mul3A_80 : vector<16xf32>
        %sub3A_83 = arith.constant 1.500000e+00 : f32
        %sub3A_84 = vector.broadcast %sub3A_83 : f32 to vector<16xf32>
        %sub3A_85 = arith.subf %sub3A_84, %mul3A_82 : vector<16xf32>
        %mul3A_86 = arith.mulf %mul3A_80, %sub3A_85 : vector<16xf32>
        %mul3A_87 = arith.mulf %add3A_59, %mul3A_86 : vector<16xf32>
        %min3A = arith.constant 6.000000e+00 : f32
        %min3A_88 = vector.broadcast %min3A : f32 to vector<16xf32>
        %min3A_89 = arith.minimumf %mul3A_87, %min3A_88 : vector<16xf32>
        %mul3A_90 = arith.constant 0.166666672 : f32
        %mul3A_91 = vector.broadcast %mul3A_90 : f32 to vector<16xf32>
        %mul3A_92 = arith.mulf %min3A_89, %mul3A_91 : vector<16xf32>
        %mul3A_93 = arith.mulf %mul3A_92, %mul3A_92 : vector<16xf32>
        %mul3A_94 = arith.constant 2.46740103 : f32
        %mul3A_95 = vector.broadcast %mul3A_94 : f32 to vector<16xf32>
        %mul3A_96 = arith.mulf %mul3A_95, %mul3A_93 : vector<16xf32>
        %mul3A_97 = arith.constant 2.08767559E-9 : f32
        %mul3A_98 = vector.broadcast %mul3A_97 : f32 to vector<16xf32>
        %mul3A_99 = arith.mulf %mul3A_98, %mul3A_96 : vector<16xf32>
        %add3A_100 = arith.constant -2.755732E-7 : f32
        %add3A_101 = vector.broadcast %add3A_100 : f32 to vector<16xf32>
        %add3A_102 = arith.addf %mul3A_99, %add3A_101 : vector<16xf32>
        %mul3A_103 = arith.mulf %add3A_102, %mul3A_96 : vector<16xf32>
        %add3A_104 = arith.constant 2.48015876E-5 : f32
        %add3A_105 = vector.broadcast %add3A_104 : f32 to vector<16xf32>
        %add3A_106 = arith.addf %mul3A_103, %add3A_105 : vector<16xf32>
        %mul3A_107 = arith.mulf %add3A_106, %mul3A_96 : vector<16xf32>
        %add3A_108 = arith.constant -0.00138888892 : f32
        %add3A_109 = vector.broadcast %add3A_108 : f32 to vector<16xf32>
        %add3A_110 = arith.addf %mul3A_107, %add3A_109 : vector<16xf32>
        %mul3A_111 = arith.mulf %add3A_110, %mul3A_96 : vector<16xf32>
        %add3A_112 = arith.constant 0.0416666679 : f32
        %add3A_113 = vector.broadcast %add3A_112 : f32 to vector<16xf32>
        %add3A_114 = arith.addf %mul3A_111, %add3A_113 : vector<16xf32>
        %mul3A_115 = arith.mulf %add3A_114, %mul3A_96 : vector<16xf32>
        %add3A_116 = arith.constant -5.000000e-01 : f32
        %add3A_117 = vector.broadcast %add3A_116 : f32 to vector<16xf32>
        %add3A_118 = arith.addf %mul3A_115, %add3A_117 : vector<16xf32>
        %mul3A_119 = arith.mulf %add3A_118, %mul3A_96 : vector<16xf32>
        %add3A_120 = arith.constant 1.000000e+00 : f32
        %add3A_121 = vector.broadcast %add3A_120 : f32 to vector<16xf32>
        %add3A_122 = arith.addf %mul3A_119, %add3A_121 : vector<16xf32>
        %lt3A_123 = arith.constant 6.000000e+00 : f32
        %lt3A_124 = vector.broadcast %lt3A_123 : f32 to vector<16xf32>
        %lt3A_125 = arith.cmpf olt, %mul3A_87, %lt3A_124 : vector<16xf32>
        %mul3A_126 = arith.mulf %add3A_122, %add3A_122 : vector<16xf32>
        %jit3A = arith.constant 0.000000e+00 : f32
        %broadcast_in_dim3A_127 = vector.broadcast %jit3A : f32 to vector<16xf32>
        %select_n3A = arith.select %lt3A_125, %mul3A_126, %broadcast_in_dim3A_127 : vector<16xi1>, vector<16xf32>
        %mul3A_128 = arith.mulf %sub3A, %mul3A_86 : vector<16xf32>
        %mul3A_129 = arith.mulf %sub3A_50, %mul3A_86 : vector<16xf32>
        %mul3A_130 = arith.mulf %sub3A_51, %mul3A_86 : vector<16xf32>
        %sub3A_131 = arith.constant 5.000000e-01 : f32
        %sub3A_132 = vector.broadcast %sub3A_131 : f32 to vector<16xf32>
        %sub3A_133 = arith.subf %min3A_89, %sub3A_132 : vector<16xf32>
        %mul3A_134 = arith.mulf %sub3A_133, %sub3A_133 : vector<16xf32>
        %mul3A_135 = arith.constant -4.000000e+00 : f32
        %mul3A_136 = vector.broadcast %mul3A_135 : f32 to vector<16xf32>
        %mul3A_137 = arith.mulf %mul3A_136, %mul3A_134 : vector<16xf32>
        %exp3A = math.exp %mul3A_137 : vector<16xf32>
        %mul3A_138 = arith.mulf %exp3A, %select_n3A : vector<16xf32>
        %broadcast_in_dim3A_139 = arith.constant 0 : i32
        %broadcast_in_dim3A_140 = vector.broadcast %broadcast_in_dim3A_139 : i32 to vector<16xi32>
        tpu.vector_store_idx %arg11[%add3A_33, %broadcast_in_dim3A_140], %mul3A_138 : memref<128x32xf32, #tpu.memory_space<vmem>>[vector<16xi32>, vector<16xi32>], vector<16xf32>,
        %broadcast_in_dim3A_141 = arith.constant 8 : i32
        %broadcast_in_dim3A_142 = vector.broadcast %broadcast_in_dim3A_141 : i32 to vector<16xi32>
        %mul3A_143 = arith.mulf %mul3A_138, %mul3A_128 : vector<16xf32>
        tpu.vector_store_idx %arg11[%add3A_33, %broadcast_in_dim3A_142], %mul3A_143 : memref<128x32xf32, #tpu.memory_space<vmem>>[vector<16xi32>, vector<16xi32>], vector<16xf32>,
        %broadcast_in_dim3A_144 = arith.constant 16 : i32
        %broadcast_in_dim3A_145 = vector.broadcast %broadcast_in_dim3A_144 : i32 to vector<16xi32>
        %mul3A_146 = arith.mulf %mul3A_138, %mul3A_129 : vector<16xf32>
        tpu.vector_store_idx %arg11[%add3A_33, %broadcast_in_dim3A_145], %mul3A_146 : memref<128x32xf32, #tpu.memory_space<vmem>>[vector<16xi32>, vector<16xi32>], vector<16xf32>,
        %broadcast_in_dim3A_147 = arith.constant 24 : i32
        %broadcast_in_dim3A_148 = vector.broadcast %broadcast_in_dim3A_147 : i32 to vector<16xi32>
        %mul3A_149 = arith.mulf %mul3A_138, %mul3A_130 : vector<16xf32>
        tpu.vector_store_idx %arg11[%add3A_33, %broadcast_in_dim3A_148], %mul3A_149 : memref<128x32xf32, #tpu.memory_space<vmem>>[vector<16xi32>, vector<16xi32>], vector<16xf32>,
        %sub3A_150 = arith.constant 1.28571427 : f32
        %sub3A_151 = vector.broadcast %sub3A_150 : f32 to vector<16xf32>
        %sub3A_152 = arith.subf %min3A_89, %sub3A_151 : vector<16xf32>
        %mul3A_153 = arith.mulf %sub3A_152, %sub3A_152 : vector<16xf32>
        %mul3A_154 = arith.constant -4.000000e+00 : f32
        %mul3A_155 = vector.broadcast %mul3A_154 : f32 to vector<16xf32>
        %mul3A_156 = arith.mulf %mul3A_155, %mul3A_153 : vector<16xf32>
        %exp3A_157 = math.exp %mul3A_156 : vector<16xf32>
        %mul3A_158 = arith.mulf %exp3A_157, %select_n3A : vector<16xf32>
        %broadcast_in_dim3A_159 = arith.constant 1 : i32
        %broadcast_in_dim3A_160 = vector.broadcast %broadcast_in_dim3A_159 : i32 to vector<16xi32>
        tpu.vector_store_idx %arg11[%add3A_33, %broadcast_in_dim3A_160], %mul3A_158 : memref<128x32xf32, #tpu.memory_space<vmem>>[vector<16xi32>, vector<16xi32>], vector<16xf32>,
        %broadcast_in_dim3A_161 = arith.constant 9 : i32
        %broadcast_in_dim3A_162 = vector.broadcast %broadcast_in_dim3A_161 : i32 to vector<16xi32>
        %mul3A_163 = arith.mulf %mul3A_158, %mul3A_128 : vector<16xf32>
        tpu.vector_store_idx %arg11[%add3A_33, %broadcast_in_dim3A_162], %mul3A_163 : memref<128x32xf32, #tpu.memory_space<vmem>>[vector<16xi32>, vector<16xi32>], vector<16xf32>,
        %broadcast_in_dim3A_164 = arith.constant 17 : i32
        %broadcast_in_dim3A_165 = vector.broadcast %broadcast_in_dim3A_164 : i32 to vector<16xi32>
        %mul3A_166 = arith.mulf %mul3A_158, %mul3A_129 : vector<16xf32>
        tpu.vector_store_idx %arg11[%add3A_33, %broadcast_in_dim3A_165], %mul3A_166 : memref<128x32xf32, #tpu.memory_space<vmem>>[vector<16xi32>, vector<16xi32>], vector<16xf32>,
        %broadcast_in_dim3A_167 = arith.constant 25 : i32
        %broadcast_in_dim3A_168 = vector.broadcast %broadcast_in_dim3A_167 : i32 to vector<16xi32>
        %mul3A_169 = arith.mulf %mul3A_158, %mul3A_130 : vector<16xf32>
        tpu.vector_store_idx %arg11[%add3A_33, %broadcast_in_dim3A_168], %mul3A_169 : memref<128x32xf32, #tpu.memory_space<vmem>>[vector<16xi32>, vector<16xi32>], vector<16xf32>,
        %sub3A_170 = arith.constant 2.07142854 : f32
        %sub3A_171 = vector.broadcast %sub3A_170 : f32 to vector<16xf32>
        %sub3A_172 = arith.subf %min3A_89, %sub3A_171 : vector<16xf32>
        %mul3A_173 = arith.mulf %sub3A_172, %sub3A_172 : vector<16xf32>
        %mul3A_174 = arith.constant -4.000000e+00 : f32
        %mul3A_175 = vector.broadcast %mul3A_174 : f32 to vector<16xf32>
        %mul3A_176 = arith.mulf %mul3A_175, %mul3A_173 : vector<16xf32>
        %exp3A_177 = math.exp %mul3A_176 : vector<16xf32>
        %mul3A_178 = arith.mulf %exp3A_177, %select_n3A : vector<16xf32>
        %broadcast_in_dim3A_179 = arith.constant 2 : i32
        %broadcast_in_dim3A_180 = vector.broadcast %broadcast_in_dim3A_179 : i32 to vector<16xi32>
        tpu.vector_store_idx %arg11[%add3A_33, %broadcast_in_dim3A_180], %mul3A_178 : memref<128x32xf32, #tpu.memory_space<vmem>>[vector<16xi32>, vector<16xi32>], vector<16xf32>,
        %broadcast_in_dim3A_181 = arith.constant 10 : i32
        %broadcast_in_dim3A_182 = vector.broadcast %broadcast_in_dim3A_181 : i32 to vector<16xi32>
        %mul3A_183 = arith.mulf %mul3A_178, %mul3A_128 : vector<16xf32>
        tpu.vector_store_idx %arg11[%add3A_33, %broadcast_in_dim3A_182], %mul3A_183 : memref<128x32xf32, #tpu.memory_space<vmem>>[vector<16xi32>, vector<16xi32>], vector<16xf32>,
        %broadcast_in_dim3A_184 = arith.constant 18 : i32
        %broadcast_in_dim3A_185 = vector.broadcast %broadcast_in_dim3A_184 : i32 to vector<16xi32>
        %mul3A_186 = arith.mulf %mul3A_178, %mul3A_129 : vector<16xf32>
        tpu.vector_store_idx %arg11[%add3A_33, %broadcast_in_dim3A_185], %mul3A_186 : memref<128x32xf32, #tpu.memory_space<vmem>>[vector<16xi32>, vector<16xi32>], vector<16xf32>,
        %broadcast_in_dim3A_187 = arith.constant 26 : i32
        %broadcast_in_dim3A_188 = vector.broadcast %broadcast_in_dim3A_187 : i32 to vector<16xi32>
        %mul3A_189 = arith.mulf %mul3A_178, %mul3A_130 : vector<16xf32>
        tpu.vector_store_idx %arg11[%add3A_33, %broadcast_in_dim3A_188], %mul3A_189 : memref<128x32xf32, #tpu.memory_space<vmem>>[vector<16xi32>, vector<16xi32>], vector<16xf32>,
        %sub3A_190 = arith.constant 2.85714293 : f32
        %sub3A_191 = vector.broadcast %sub3A_190 : f32 to vector<16xf32>
        %sub3A_192 = arith.subf %min3A_89, %sub3A_191 : vector<16xf32>
        %mul3A_193 = arith.mulf %sub3A_192, %sub3A_192 : vector<16xf32>
        %mul3A_194 = arith.constant -4.000000e+00 : f32
        %mul3A_195 = vector.broadcast %mul3A_194 : f32 to vector<16xf32>
        %mul3A_196 = arith.mulf %mul3A_195, %mul3A_193 : vector<16xf32>
        %exp3A_197 = math.exp %mul3A_196 : vector<16xf32>
        %mul3A_198 = arith.mulf %exp3A_197, %select_n3A : vector<16xf32>
        %broadcast_in_dim3A_199 = arith.constant 3 : i32
        %broadcast_in_dim3A_200 = vector.broadcast %broadcast_in_dim3A_199 : i32 to vector<16xi32>
        tpu.vector_store_idx %arg11[%add3A_33, %broadcast_in_dim3A_200], %mul3A_198 : memref<128x32xf32, #tpu.memory_space<vmem>>[vector<16xi32>, vector<16xi32>], vector<16xf32>,
        %broadcast_in_dim3A_201 = arith.constant 11 : i32
        %broadcast_in_dim3A_202 = vector.broadcast %broadcast_in_dim3A_201 : i32 to vector<16xi32>
        %mul3A_203 = arith.mulf %mul3A_198, %mul3A_128 : vector<16xf32>
        tpu.vector_store_idx %arg11[%add3A_33, %broadcast_in_dim3A_202], %mul3A_203 : memref<128x32xf32, #tpu.memory_space<vmem>>[vector<16xi32>, vector<16xi32>], vector<16xf32>,
        %broadcast_in_dim3A_204 = arith.constant 19 : i32
        %broadcast_in_dim3A_205 = vector.broadcast %broadcast_in_dim3A_204 : i32 to vector<16xi32>
        %mul3A_206 = arith.mulf %mul3A_198, %mul3A_129 : vector<16xf32>
        tpu.vector_store_idx %arg11[%add3A_33, %broadcast_in_dim3A_205], %mul3A_206 : memref<128x32xf32, #tpu.memory_space<vmem>>[vector<16xi32>, vector<16xi32>], vector<16xf32>,
        %broadcast_in_dim3A_207 = arith.constant 27 : i32
        %broadcast_in_dim3A_208 = vector.broadcast %broadcast_in_dim3A_207 : i32 to vector<16xi32>
        %mul3A_209 = arith.mulf %mul3A_198, %mul3A_130 : vector<16xf32>
        tpu.vector_store_idx %arg11[%add3A_33, %broadcast_in_dim3A_208], %mul3A_209 : memref<128x32xf32, #tpu.memory_space<vmem>>[vector<16xi32>, vector<16xi32>], vector<16xf32>,
        %sub3A_210 = arith.constant 3.64285707 : f32
        %sub3A_211 = vector.broadcast %sub3A_210 : f32 to vector<16xf32>
        %sub3A_212 = arith.subf %min3A_89, %sub3A_211 : vector<16xf32>
        %mul3A_213 = arith.mulf %sub3A_212, %sub3A_212 : vector<16xf32>
        %mul3A_214 = arith.constant -4.000000e+00 : f32
        %mul3A_215 = vector.broadcast %mul3A_214 : f32 to vector<16xf32>
        %mul3A_216 = arith.mulf %mul3A_215, %mul3A_213 : vector<16xf32>
        %exp3A_217 = math.exp %mul3A_216 : vector<16xf32>
        %mul3A_218 = arith.mulf %exp3A_217, %select_n3A : vector<16xf32>
        %broadcast_in_dim3A_219 = arith.constant 4 : i32
        %broadcast_in_dim3A_220 = vector.broadcast %broadcast_in_dim3A_219 : i32 to vector<16xi32>
        tpu.vector_store_idx %arg11[%add3A_33, %broadcast_in_dim3A_220], %mul3A_218 : memref<128x32xf32, #tpu.memory_space<vmem>>[vector<16xi32>, vector<16xi32>], vector<16xf32>,
        %broadcast_in_dim3A_221 = arith.constant 12 : i32
        %broadcast_in_dim3A_222 = vector.broadcast %broadcast_in_dim3A_221 : i32 to vector<16xi32>
        %mul3A_223 = arith.mulf %mul3A_218, %mul3A_128 : vector<16xf32>
        tpu.vector_store_idx %arg11[%add3A_33, %broadcast_in_dim3A_222], %mul3A_223 : memref<128x32xf32, #tpu.memory_space<vmem>>[vector<16xi32>, vector<16xi32>], vector<16xf32>,
        %broadcast_in_dim3A_224 = arith.constant 20 : i32
        %broadcast_in_dim3A_225 = vector.broadcast %broadcast_in_dim3A_224 : i32 to vector<16xi32>
        %mul3A_226 = arith.mulf %mul3A_218, %mul3A_129 : vector<16xf32>
        tpu.vector_store_idx %arg11[%add3A_33, %broadcast_in_dim3A_225], %mul3A_226 : memref<128x32xf32, #tpu.memory_space<vmem>>[vector<16xi32>, vector<16xi32>], vector<16xf32>,
        %broadcast_in_dim3A_227 = arith.constant 28 : i32
        %broadcast_in_dim3A_228 = vector.broadcast %broadcast_in_dim3A_227 : i32 to vector<16xi32>
        %mul3A_229 = arith.mulf %mul3A_218, %mul3A_130 : vector<16xf32>
        tpu.vector_store_idx %arg11[%add3A_33, %broadcast_in_dim3A_228], %mul3A_229 : memref<128x32xf32, #tpu.memory_space<vmem>>[vector<16xi32>, vector<16xi32>], vector<16xf32>,
        %sub3A_230 = arith.constant 4.42857122 : f32
        %sub3A_231 = vector.broadcast %sub3A_230 : f32 to vector<16xf32>
        %sub3A_232 = arith.subf %min3A_89, %sub3A_231 : vector<16xf32>
        %mul3A_233 = arith.mulf %sub3A_232, %sub3A_232 : vector<16xf32>
        %mul3A_234 = arith.constant -4.000000e+00 : f32
        %mul3A_235 = vector.broadcast %mul3A_234 : f32 to vector<16xf32>
        %mul3A_236 = arith.mulf %mul3A_235, %mul3A_233 : vector<16xf32>
        %exp3A_237 = math.exp %mul3A_236 : vector<16xf32>
        %mul3A_238 = arith.mulf %exp3A_237, %select_n3A : vector<16xf32>
        %broadcast_in_dim3A_239 = arith.constant 5 : i32
        %broadcast_in_dim3A_240 = vector.broadcast %broadcast_in_dim3A_239 : i32 to vector<16xi32>
        tpu.vector_store_idx %arg11[%add3A_33, %broadcast_in_dim3A_240], %mul3A_238 : memref<128x32xf32, #tpu.memory_space<vmem>>[vector<16xi32>, vector<16xi32>], vector<16xf32>,
        %broadcast_in_dim3A_241 = arith.constant 13 : i32
        %broadcast_in_dim3A_242 = vector.broadcast %broadcast_in_dim3A_241 : i32 to vector<16xi32>
        %mul3A_243 = arith.mulf %mul3A_238, %mul3A_128 : vector<16xf32>
        tpu.vector_store_idx %arg11[%add3A_33, %broadcast_in_dim3A_242], %mul3A_243 : memref<128x32xf32, #tpu.memory_space<vmem>>[vector<16xi32>, vector<16xi32>], vector<16xf32>,
        %broadcast_in_dim3A_244 = arith.constant 21 : i32
        %broadcast_in_dim3A_245 = vector.broadcast %broadcast_in_dim3A_244 : i32 to vector<16xi32>
        %mul3A_246 = arith.mulf %mul3A_238, %mul3A_129 : vector<16xf32>
        tpu.vector_store_idx %arg11[%add3A_33, %broadcast_in_dim3A_245], %mul3A_246 : memref<128x32xf32, #tpu.memory_space<vmem>>[vector<16xi32>, vector<16xi32>], vector<16xf32>,
        %broadcast_in_dim3A_247 = arith.constant 29 : i32
        %broadcast_in_dim3A_248 = vector.broadcast %broadcast_in_dim3A_247 : i32 to vector<16xi32>
        %mul3A_249 = arith.mulf %mul3A_238, %mul3A_130 : vector<16xf32>
        tpu.vector_store_idx %arg11[%add3A_33, %broadcast_in_dim3A_248], %mul3A_249 : memref<128x32xf32, #tpu.memory_space<vmem>>[vector<16xi32>, vector<16xi32>], vector<16xf32>,
        %sub3A_250 = arith.constant 5.21428585 : f32
        %sub3A_251 = vector.broadcast %sub3A_250 : f32 to vector<16xf32>
        %sub3A_252 = arith.subf %min3A_89, %sub3A_251 : vector<16xf32>
        %mul3A_253 = arith.mulf %sub3A_252, %sub3A_252 : vector<16xf32>
        %mul3A_254 = arith.constant -4.000000e+00 : f32
        %mul3A_255 = vector.broadcast %mul3A_254 : f32 to vector<16xf32>
        %mul3A_256 = arith.mulf %mul3A_255, %mul3A_253 : vector<16xf32>
        %exp3A_257 = math.exp %mul3A_256 : vector<16xf32>
        %mul3A_258 = arith.mulf %exp3A_257, %select_n3A : vector<16xf32>
        %broadcast_in_dim3A_259 = arith.constant 6 : i32
        %broadcast_in_dim3A_260 = vector.broadcast %broadcast_in_dim3A_259 : i32 to vector<16xi32>
        tpu.vector_store_idx %arg11[%add3A_33, %broadcast_in_dim3A_260], %mul3A_258 : memref<128x32xf32, #tpu.memory_space<vmem>>[vector<16xi32>, vector<16xi32>], vector<16xf32>,
        %broadcast_in_dim3A_261 = arith.constant 14 : i32
        %broadcast_in_dim3A_262 = vector.broadcast %broadcast_in_dim3A_261 : i32 to vector<16xi32>
        %mul3A_263 = arith.mulf %mul3A_258, %mul3A_128 : vector<16xf32>
        tpu.vector_store_idx %arg11[%add3A_33, %broadcast_in_dim3A_262], %mul3A_263 : memref<128x32xf32, #tpu.memory_space<vmem>>[vector<16xi32>, vector<16xi32>], vector<16xf32>,
        %broadcast_in_dim3A_264 = arith.constant 22 : i32
        %broadcast_in_dim3A_265 = vector.broadcast %broadcast_in_dim3A_264 : i32 to vector<16xi32>
        %mul3A_266 = arith.mulf %mul3A_258, %mul3A_129 : vector<16xf32>
        tpu.vector_store_idx %arg11[%add3A_33, %broadcast_in_dim3A_265], %mul3A_266 : memref<128x32xf32, #tpu.memory_space<vmem>>[vector<16xi32>, vector<16xi32>], vector<16xf32>,
        %broadcast_in_dim3A_267 = arith.constant 30 : i32
        %broadcast_in_dim3A_268 = vector.broadcast %broadcast_in_dim3A_267 : i32 to vector<16xi32>
        %mul3A_269 = arith.mulf %mul3A_258, %mul3A_130 : vector<16xf32>
        tpu.vector_store_idx %arg11[%add3A_33, %broadcast_in_dim3A_268], %mul3A_269 : memref<128x32xf32, #tpu.memory_space<vmem>>[vector<16xi32>, vector<16xi32>], vector<16xf32>,
        %sub3A_270 = arith.constant 6.000000e+00 : f32
        %sub3A_271 = vector.broadcast %sub3A_270 : f32 to vector<16xf32>
        %sub3A_272 = arith.subf %min3A_89, %sub3A_271 : vector<16xf32>
        %mul3A_273 = arith.mulf %sub3A_272, %sub3A_272 : vector<16xf32>
        %mul3A_274 = arith.constant -4.000000e+00 : f32
        %mul3A_275 = vector.broadcast %mul3A_274 : f32 to vector<16xf32>
        %mul3A_276 = arith.mulf %mul3A_275, %mul3A_273 : vector<16xf32>
        %exp3A_277 = math.exp %mul3A_276 : vector<16xf32>
        %mul3A_278 = arith.mulf %exp3A_277, %select_n3A : vector<16xf32>
        %broadcast_in_dim3A_279 = arith.constant 7 : i32
        %broadcast_in_dim3A_280 = vector.broadcast %broadcast_in_dim3A_279 : i32 to vector<16xi32>
        tpu.vector_store_idx %arg11[%add3A_33, %broadcast_in_dim3A_280], %mul3A_278 : memref<128x32xf32, #tpu.memory_space<vmem>>[vector<16xi32>, vector<16xi32>], vector<16xf32>,
        %broadcast_in_dim3A_281 = arith.constant 15 : i32
        %broadcast_in_dim3A_282 = vector.broadcast %broadcast_in_dim3A_281 : i32 to vector<16xi32>
        %mul3A_283 = arith.mulf %mul3A_278, %mul3A_128 : vector<16xf32>
        tpu.vector_store_idx %arg11[%add3A_33, %broadcast_in_dim3A_282], %mul3A_283 : memref<128x32xf32, #tpu.memory_space<vmem>>[vector<16xi32>, vector<16xi32>], vector<16xf32>,
        %broadcast_in_dim3A_284 = arith.constant 23 : i32
        %broadcast_in_dim3A_285 = vector.broadcast %broadcast_in_dim3A_284 : i32 to vector<16xi32>
        %mul3A_286 = arith.mulf %mul3A_278, %mul3A_129 : vector<16xf32>
        tpu.vector_store_idx %arg11[%add3A_33, %broadcast_in_dim3A_285], %mul3A_286 : memref<128x32xf32, #tpu.memory_space<vmem>>[vector<16xi32>, vector<16xi32>], vector<16xf32>,
        %broadcast_in_dim3A_287 = arith.constant 31 : i32
        %broadcast_in_dim3A_288 = vector.broadcast %broadcast_in_dim3A_287 : i32 to vector<16xi32>
        %mul3A_289 = arith.mulf %mul3A_278, %mul3A_130 : vector<16xf32>
        tpu.vector_store_idx %arg11[%add3A_33, %broadcast_in_dim3A_288], %mul3A_289 : memref<128x32xf32, #tpu.memory_space<vmem>>[vector<16xi32>, vector<16xi32>], vector<16xf32>,
        %add3A_290 = arith.constant 16 : i32
        %add3A_291 = vector.broadcast %add3A_290 : i32 to vector<16xi32>
        %add3A_292 = arith.addi %iota3A, %add3A_291 : vector<16xi32>
        %broadcast_in_dim3A_293 = arith.constant 0 : i32
        %broadcast_in_dim3A_294 = vector.broadcast %broadcast_in_dim3A_293 : i32 to vector<16xi32>
        %gather3A_295 = tpu.vector_load_idx %arg9[%add3A_292, %broadcast_in_dim3A_294] : memref<128x16xf32, #tpu.memory_space<vmem>>[vector<16xi32>, vector<16xi32>], vector<16xf32>,
        %broadcast_in_dim3A_296 = arith.constant 1 : i32
        %broadcast_in_dim3A_297 = vector.broadcast %broadcast_in_dim3A_296 : i32 to vector<16xi32>
        %gather3A_298 = tpu.vector_load_idx %arg9[%add3A_292, %broadcast_in_dim3A_297] : memref<128x16xf32, #tpu.memory_space<vmem>>[vector<16xi32>, vector<16xi32>], vector<16xf32>,
        %broadcast_in_dim3A_299 = arith.constant 2 : i32
        %broadcast_in_dim3A_300 = vector.broadcast %broadcast_in_dim3A_299 : i32 to vector<16xi32>
        %gather3A_301 = tpu.vector_load_idx %arg9[%add3A_292, %broadcast_in_dim3A_300] : memref<128x16xf32, #tpu.memory_space<vmem>>[vector<16xi32>, vector<16xi32>], vector<16xf32>,
        %broadcast_in_dim3A_302 = arith.constant 0 : i32
        %broadcast_in_dim3A_303 = vector.broadcast %broadcast_in_dim3A_302 : i32 to vector<16xi32>
        %gather3A_304 = tpu.vector_load_idx %arg10[%add3A_292, %broadcast_in_dim3A_303] : memref<128x16xf32, #tpu.memory_space<vmem>>[vector<16xi32>, vector<16xi32>], vector<16xf32>,
        %broadcast_in_dim3A_305 = arith.constant 1 : i32
        %broadcast_in_dim3A_306 = vector.broadcast %broadcast_in_dim3A_305 : i32 to vector<16xi32>
        %gather3A_307 = tpu.vector_load_idx %arg10[%add3A_292, %broadcast_in_dim3A_306] : memref<128x16xf32, #tpu.memory_space<vmem>>[vector<16xi32>, vector<16xi32>], vector<16xf32>,
        %broadcast_in_dim3A_308 = arith.constant 2 : i32
        %broadcast_in_dim3A_309 = vector.broadcast %broadcast_in_dim3A_308 : i32 to vector<16xi32>
        %gather3A_310 = tpu.vector_load_idx %arg10[%add3A_292, %broadcast_in_dim3A_309] : memref<128x16xf32, #tpu.memory_space<vmem>>[vector<16xi32>, vector<16xi32>], vector<16xf32>,
        %sub3A_311 = arith.subf %gather3A_304, %gather3A_295 : vector<16xf32>
        %sub3A_312 = arith.subf %gather3A_307, %gather3A_298 : vector<16xf32>
        %sub3A_313 = arith.subf %gather3A_310, %gather3A_301 : vector<16xf32>
        %mul3A_314 = arith.mulf %sub3A_311, %sub3A_311 : vector<16xf32>
        %mul3A_315 = arith.mulf %sub3A_312, %sub3A_312 : vector<16xf32>
        %add3A_316 = arith.addf %mul3A_314, %mul3A_315 : vector<16xf32>
        %mul3A_317 = arith.mulf %sub3A_313, %sub3A_313 : vector<16xf32>
        %add3A_318 = arith.addf %add3A_316, %mul3A_317 : vector<16xf32>
        %add3A_319 = arith.constant 9.99999996E-13 : f32
        %add3A_320 = vector.broadcast %add3A_319 : f32 to vector<16xf32>
        %add3A_321 = arith.addf %add3A_318, %add3A_320 : vector<16xf32>
        %bitcast3A_322 = vector.bitcast %add3A_321 : vector<16xf32> to vector<16xi32>
        %shift_right_arithmetic3A_323 = arith.constant 1 : i32
        %shift_right_arithmetic3A_324 = vector.broadcast %shift_right_arithmetic3A_323 : i32 to vector<16xi32>
        %shift_right_arithmetic3A_325 = arith.shrsi %bitcast3A_322, %shift_right_arithmetic3A_324 : vector<16xi32>
        %sub3A_326 = arith.constant 1597463007 : i32
        %sub3A_327 = vector.broadcast %sub3A_326 : i32 to vector<16xi32>
        %sub3A_328 = arith.subi %sub3A_327, %shift_right_arithmetic3A_325 : vector<16xi32>
        %bitcast3A_329 = vector.bitcast %sub3A_328 : vector<16xi32> to vector<16xf32>
        %mul3A_330 = arith.constant 5.000000e-01 : f32
        %mul3A_331 = vector.broadcast %mul3A_330 : f32 to vector<16xf32>
        %mul3A_332 = arith.mulf %mul3A_331, %add3A_321 : vector<16xf32>
        %mul3A_333 = arith.mulf %mul3A_332, %bitcast3A_329 : vector<16xf32>
        %mul3A_334 = arith.mulf %mul3A_333, %bitcast3A_329 : vector<16xf32>
        %sub3A_335 = arith.constant 1.500000e+00 : f32
        %sub3A_336 = vector.broadcast %sub3A_335 : f32 to vector<16xf32>
        %sub3A_337 = arith.subf %sub3A_336, %mul3A_334 : vector<16xf32>
        %mul3A_338 = arith.mulf %bitcast3A_329, %sub3A_337 : vector<16xf32>
        %mul3A_339 = arith.mulf %mul3A_332, %mul3A_338 : vector<16xf32>
        %mul3A_340 = arith.mulf %mul3A_339, %mul3A_338 : vector<16xf32>
        %sub3A_341 = arith.constant 1.500000e+00 : f32
        %sub3A_342 = vector.broadcast %sub3A_341 : f32 to vector<16xf32>
        %sub3A_343 = arith.subf %sub3A_342, %mul3A_340 : vector<16xf32>
        %mul3A_344 = arith.mulf %mul3A_338, %sub3A_343 : vector<16xf32>
        %mul3A_345 = arith.mulf %mul3A_332, %mul3A_344 : vector<16xf32>
        %mul3A_346 = arith.mulf %mul3A_345, %mul3A_344 : vector<16xf32>
        %sub3A_347 = arith.constant 1.500000e+00 : f32
        %sub3A_348 = vector.broadcast %sub3A_347 : f32 to vector<16xf32>
        %sub3A_349 = arith.subf %sub3A_348, %mul3A_346 : vector<16xf32>
        %mul3A_350 = arith.mulf %mul3A_344, %sub3A_349 : vector<16xf32>
        %mul3A_351 = arith.mulf %add3A_321, %mul3A_350 : vector<16xf32>
        %min3A_352 = arith.constant 6.000000e+00 : f32
        %min3A_353 = vector.broadcast %min3A_352 : f32 to vector<16xf32>
        %min3A_354 = arith.minimumf %mul3A_351, %min3A_353 : vector<16xf32>
        %mul3A_355 = arith.constant 0.166666672 : f32
        %mul3A_356 = vector.broadcast %mul3A_355 : f32 to vector<16xf32>
        %mul3A_357 = arith.mulf %min3A_354, %mul3A_356 : vector<16xf32>
        %mul3A_358 = arith.mulf %mul3A_357, %mul3A_357 : vector<16xf32>
        %mul3A_359 = arith.constant 2.46740103 : f32
        %mul3A_360 = vector.broadcast %mul3A_359 : f32 to vector<16xf32>
        %mul3A_361 = arith.mulf %mul3A_360, %mul3A_358 : vector<16xf32>
        %mul3A_362 = arith.constant 2.08767559E-9 : f32
        %mul3A_363 = vector.broadcast %mul3A_362 : f32 to vector<16xf32>
        %mul3A_364 = arith.mulf %mul3A_363, %mul3A_361 : vector<16xf32>
        %add3A_365 = arith.constant -2.755732E-7 : f32
        %add3A_366 = vector.broadcast %add3A_365 : f32 to vector<16xf32>
        %add3A_367 = arith.addf %mul3A_364, %add3A_366 : vector<16xf32>
        %mul3A_368 = arith.mulf %add3A_367, %mul3A_361 : vector<16xf32>
        %add3A_369 = arith.constant 2.48015876E-5 : f32
        %add3A_370 = vector.broadcast %add3A_369 : f32 to vector<16xf32>
        %add3A_371 = arith.addf %mul3A_368, %add3A_370 : vector<16xf32>
        %mul3A_372 = arith.mulf %add3A_371, %mul3A_361 : vector<16xf32>
        %add3A_373 = arith.constant -0.00138888892 : f32
        %add3A_374 = vector.broadcast %add3A_373 : f32 to vector<16xf32>
        %add3A_375 = arith.addf %mul3A_372, %add3A_374 : vector<16xf32>
        %mul3A_376 = arith.mulf %add3A_375, %mul3A_361 : vector<16xf32>
        %add3A_377 = arith.constant 0.0416666679 : f32
        %add3A_378 = vector.broadcast %add3A_377 : f32 to vector<16xf32>
        %add3A_379 = arith.addf %mul3A_376, %add3A_378 : vector<16xf32>
        %mul3A_380 = arith.mulf %add3A_379, %mul3A_361 : vector<16xf32>
        %add3A_381 = arith.constant -5.000000e-01 : f32
        %add3A_382 = vector.broadcast %add3A_381 : f32 to vector<16xf32>
        %add3A_383 = arith.addf %mul3A_380, %add3A_382 : vector<16xf32>
        %mul3A_384 = arith.mulf %add3A_383, %mul3A_361 : vector<16xf32>
        %add3A_385 = arith.constant 1.000000e+00 : f32
        %add3A_386 = vector.broadcast %add3A_385 : f32 to vector<16xf32>
        %add3A_387 = arith.addf %mul3A_384, %add3A_386 : vector<16xf32>
        %lt3A_388 = arith.constant 6.000000e+00 : f32
        %lt3A_389 = vector.broadcast %lt3A_388 : f32 to vector<16xf32>
        %lt3A_390 = arith.cmpf olt, %mul3A_351, %lt3A_389 : vector<16xf32>
        %mul3A_391 = arith.mulf %add3A_387, %add3A_387 : vector<16xf32>
        %jit3A_392 = arith.constant 0.000000e+00 : f32
        %broadcast_in_dim3A_393 = vector.broadcast %jit3A_392 : f32 to vector<16xf32>
        %select_n3A_394 = arith.select %lt3A_390, %mul3A_391, %broadcast_in_dim3A_393 : vector<16xi1>, vector<16xf32>
        %mul3A_395 = arith.mulf %sub3A_311, %mul3A_350 : vector<16xf32>
        %mul3A_396 = arith.mulf %sub3A_312, %mul3A_350 : vector<16xf32>
        %mul3A_397 = arith.mulf %sub3A_313, %mul3A_350 : vector<16xf32>
        %sub3A_398 = arith.constant 5.000000e-01 : f32
        %sub3A_399 = vector.broadcast %sub3A_398 : f32 to vector<16xf32>
        %sub3A_400 = arith.subf %min3A_354, %sub3A_399 : vector<16xf32>
        %mul3A_401 = arith.mulf %sub3A_400, %sub3A_400 : vector<16xf32>
        %mul3A_402 = arith.constant -4.000000e+00 : f32
        %mul3A_403 = vector.broadcast %mul3A_402 : f32 to vector<16xf32>
        %mul3A_404 = arith.mulf %mul3A_403, %mul3A_401 : vector<16xf32>
        %exp3A_405 = math.exp %mul3A_404 : vector<16xf32>
        %mul3A_406 = arith.mulf %exp3A_405, %select_n3A_394 : vector<16xf32>
        %broadcast_in_dim3A_407 = arith.constant 0 : i32
        %broadcast_in_dim3A_408 = vector.broadcast %broadcast_in_dim3A_407 : i32 to vector<16xi32>
        tpu.vector_store_idx %arg11[%add3A_292, %broadcast_in_dim3A_408], %mul3A_406 : memref<128x32xf32, #tpu.memory_space<vmem>>[vector<16xi32>, vector<16xi32>], vector<16xf32>,
        %broadcast_in_dim3A_409 = arith.constant 8 : i32
        %broadcast_in_dim3A_410 = vector.broadcast %broadcast_in_dim3A_409 : i32 to vector<16xi32>
        %mul3A_411 = arith.mulf %mul3A_406, %mul3A_395 : vector<16xf32>
        tpu.vector_store_idx %arg11[%add3A_292, %broadcast_in_dim3A_410], %mul3A_411 : memref<128x32xf32, #tpu.memory_space<vmem>>[vector<16xi32>, vector<16xi32>], vector<16xf32>,
        %broadcast_in_dim3A_412 = arith.constant 16 : i32
        %broadcast_in_dim3A_413 = vector.broadcast %broadcast_in_dim3A_412 : i32 to vector<16xi32>
        %mul3A_414 = arith.mulf %mul3A_406, %mul3A_396 : vector<16xf32>
        tpu.vector_store_idx %arg11[%add3A_292, %broadcast_in_dim3A_413], %mul3A_414 : memref<128x32xf32, #tpu.memory_space<vmem>>[vector<16xi32>, vector<16xi32>], vector<16xf32>,
        %broadcast_in_dim3A_415 = arith.constant 24 : i32
        %broadcast_in_dim3A_416 = vector.broadcast %broadcast_in_dim3A_415 : i32 to vector<16xi32>
        %mul3A_417 = arith.mulf %mul3A_406, %mul3A_397 : vector<16xf32>
        tpu.vector_store_idx %arg11[%add3A_292, %broadcast_in_dim3A_416], %mul3A_417 : memref<128x32xf32, #tpu.memory_space<vmem>>[vector<16xi32>, vector<16xi32>], vector<16xf32>,
        %sub3A_418 = arith.constant 1.28571427 : f32
        %sub3A_419 = vector.broadcast %sub3A_418 : f32 to vector<16xf32>
        %sub3A_420 = arith.subf %min3A_354, %sub3A_419 : vector<16xf32>
        %mul3A_421 = arith.mulf %sub3A_420, %sub3A_420 : vector<16xf32>
        %mul3A_422 = arith.constant -4.000000e+00 : f32
        %mul3A_423 = vector.broadcast %mul3A_422 : f32 to vector<16xf32>
        %mul3A_424 = arith.mulf %mul3A_423, %mul3A_421 : vector<16xf32>
        %exp3A_425 = math.exp %mul3A_424 : vector<16xf32>
        %mul3A_426 = arith.mulf %exp3A_425, %select_n3A_394 : vector<16xf32>
        %broadcast_in_dim3A_427 = arith.constant 1 : i32
        %broadcast_in_dim3A_428 = vector.broadcast %broadcast_in_dim3A_427 : i32 to vector<16xi32>
        tpu.vector_store_idx %arg11[%add3A_292, %broadcast_in_dim3A_428], %mul3A_426 : memref<128x32xf32, #tpu.memory_space<vmem>>[vector<16xi32>, vector<16xi32>], vector<16xf32>,
        %broadcast_in_dim3A_429 = arith.constant 9 : i32
        %broadcast_in_dim3A_430 = vector.broadcast %broadcast_in_dim3A_429 : i32 to vector<16xi32>
        %mul3A_431 = arith.mulf %mul3A_426, %mul3A_395 : vector<16xf32>
        tpu.vector_store_idx %arg11[%add3A_292, %broadcast_in_dim3A_430], %mul3A_431 : memref<128x32xf32, #tpu.memory_space<vmem>>[vector<16xi32>, vector<16xi32>], vector<16xf32>,
        %broadcast_in_dim3A_432 = arith.constant 17 : i32
        %broadcast_in_dim3A_433 = vector.broadcast %broadcast_in_dim3A_432 : i32 to vector<16xi32>
        %mul3A_434 = arith.mulf %mul3A_426, %mul3A_396 : vector<16xf32>
        tpu.vector_store_idx %arg11[%add3A_292, %broadcast_in_dim3A_433], %mul3A_434 : memref<128x32xf32, #tpu.memory_space<vmem>>[vector<16xi32>, vector<16xi32>], vector<16xf32>,
        %broadcast_in_dim3A_435 = arith.constant 25 : i32
        %broadcast_in_dim3A_436 = vector.broadcast %broadcast_in_dim3A_435 : i32 to vector<16xi32>
        %mul3A_437 = arith.mulf %mul3A_426, %mul3A_397 : vector<16xf32>
        tpu.vector_store_idx %arg11[%add3A_292, %broadcast_in_dim3A_436], %mul3A_437 : memref<128x32xf32, #tpu.memory_space<vmem>>[vector<16xi32>, vector<16xi32>], vector<16xf32>,
        %sub3A_438 = arith.constant 2.07142854 : f32
        %sub3A_439 = vector.broadcast %sub3A_438 : f32 to vector<16xf32>
        %sub3A_440 = arith.subf %min3A_354, %sub3A_439 : vector<16xf32>
        %mul3A_441 = arith.mulf %sub3A_440, %sub3A_440 : vector<16xf32>
        %mul3A_442 = arith.constant -4.000000e+00 : f32
        %mul3A_443 = vector.broadcast %mul3A_442 : f32 to vector<16xf32>
        %mul3A_444 = arith.mulf %mul3A_443, %mul3A_441 : vector<16xf32>
        %exp3A_445 = math.exp %mul3A_444 : vector<16xf32>
        %mul3A_446 = arith.mulf %exp3A_445, %select_n3A_394 : vector<16xf32>
        %broadcast_in_dim3A_447 = arith.constant 2 : i32
        %broadcast_in_dim3A_448 = vector.broadcast %broadcast_in_dim3A_447 : i32 to vector<16xi32>
        tpu.vector_store_idx %arg11[%add3A_292, %broadcast_in_dim3A_448], %mul3A_446 : memref<128x32xf32, #tpu.memory_space<vmem>>[vector<16xi32>, vector<16xi32>], vector<16xf32>,
        %broadcast_in_dim3A_449 = arith.constant 10 : i32
        %broadcast_in_dim3A_450 = vector.broadcast %broadcast_in_dim3A_449 : i32 to vector<16xi32>
        %mul3A_451 = arith.mulf %mul3A_446, %mul3A_395 : vector<16xf32>
        tpu.vector_store_idx %arg11[%add3A_292, %broadcast_in_dim3A_450], %mul3A_451 : memref<128x32xf32, #tpu.memory_space<vmem>>[vector<16xi32>, vector<16xi32>], vector<16xf32>,
        %broadcast_in_dim3A_452 = arith.constant 18 : i32
        %broadcast_in_dim3A_453 = vector.broadcast %broadcast_in_dim3A_452 : i32 to vector<16xi32>
        %mul3A_454 = arith.mulf %mul3A_446, %mul3A_396 : vector<16xf32>
        tpu.vector_store_idx %arg11[%add3A_292, %broadcast_in_dim3A_453], %mul3A_454 : memref<128x32xf32, #tpu.memory_space<vmem>>[vector<16xi32>, vector<16xi32>], vector<16xf32>,
        %broadcast_in_dim3A_455 = arith.constant 26 : i32
        %broadcast_in_dim3A_456 = vector.broadcast %broadcast_in_dim3A_455 : i32 to vector<16xi32>
        %mul3A_457 = arith.mulf %mul3A_446, %mul3A_397 : vector<16xf32>
        tpu.vector_store_idx %arg11[%add3A_292, %broadcast_in_dim3A_456], %mul3A_457 : memref<128x32xf32, #tpu.memory_space<vmem>>[vector<16xi32>, vector<16xi32>], vector<16xf32>,
        %sub3A_458 = arith.constant 2.85714293 : f32
        %sub3A_459 = vector.broadcast %sub3A_458 : f32 to vector<16xf32>
        %sub3A_460 = arith.subf %min3A_354, %sub3A_459 : vector<16xf32>
        %mul3A_461 = arith.mulf %sub3A_460, %sub3A_460 : vector<16xf32>
        %mul3A_462 = arith.constant -4.000000e+00 : f32
        %mul3A_463 = vector.broadcast %mul3A_462 : f32 to vector<16xf32>
        %mul3A_464 = arith.mulf %mul3A_463, %mul3A_461 : vector<16xf32>
        %exp3A_465 = math.exp %mul3A_464 : vector<16xf32>
        %mul3A_466 = arith.mulf %exp3A_465, %select_n3A_394 : vector<16xf32>
        %broadcast_in_dim3A_467 = arith.constant 3 : i32
        %broadcast_in_dim3A_468 = vector.broadcast %broadcast_in_dim3A_467 : i32 to vector<16xi32>
        tpu.vector_store_idx %arg11[%add3A_292, %broadcast_in_dim3A_468], %mul3A_466 : memref<128x32xf32, #tpu.memory_space<vmem>>[vector<16xi32>, vector<16xi32>], vector<16xf32>,
        %broadcast_in_dim3A_469 = arith.constant 11 : i32
        %broadcast_in_dim3A_470 = vector.broadcast %broadcast_in_dim3A_469 : i32 to vector<16xi32>
        %mul3A_471 = arith.mulf %mul3A_466, %mul3A_395 : vector<16xf32>
        tpu.vector_store_idx %arg11[%add3A_292, %broadcast_in_dim3A_470], %mul3A_471 : memref<128x32xf32, #tpu.memory_space<vmem>>[vector<16xi32>, vector<16xi32>], vector<16xf32>,
        %broadcast_in_dim3A_472 = arith.constant 19 : i32
        %broadcast_in_dim3A_473 = vector.broadcast %broadcast_in_dim3A_472 : i32 to vector<16xi32>
        %mul3A_474 = arith.mulf %mul3A_466, %mul3A_396 : vector<16xf32>
        tpu.vector_store_idx %arg11[%add3A_292, %broadcast_in_dim3A_473], %mul3A_474 : memref<128x32xf32, #tpu.memory_space<vmem>>[vector<16xi32>, vector<16xi32>], vector<16xf32>,
        %broadcast_in_dim3A_475 = arith.constant 27 : i32
        %broadcast_in_dim3A_476 = vector.broadcast %broadcast_in_dim3A_475 : i32 to vector<16xi32>
        %mul3A_477 = arith.mulf %mul3A_466, %mul3A_397 : vector<16xf32>
        tpu.vector_store_idx %arg11[%add3A_292, %broadcast_in_dim3A_476], %mul3A_477 : memref<128x32xf32, #tpu.memory_space<vmem>>[vector<16xi32>, vector<16xi32>], vector<16xf32>,
        %sub3A_478 = arith.constant 3.64285707 : f32
        %sub3A_479 = vector.broadcast %sub3A_478 : f32 to vector<16xf32>
        %sub3A_480 = arith.subf %min3A_354, %sub3A_479 : vector<16xf32>
        %mul3A_481 = arith.mulf %sub3A_480, %sub3A_480 : vector<16xf32>
        %mul3A_482 = arith.constant -4.000000e+00 : f32
        %mul3A_483 = vector.broadcast %mul3A_482 : f32 to vector<16xf32>
        %mul3A_484 = arith.mulf %mul3A_483, %mul3A_481 : vector<16xf32>
        %exp3A_485 = math.exp %mul3A_484 : vector<16xf32>
        %mul3A_486 = arith.mulf %exp3A_485, %select_n3A_394 : vector<16xf32>
        %broadcast_in_dim3A_487 = arith.constant 4 : i32
        %broadcast_in_dim3A_488 = vector.broadcast %broadcast_in_dim3A_487 : i32 to vector<16xi32>
        tpu.vector_store_idx %arg11[%add3A_292, %broadcast_in_dim3A_488], %mul3A_486 : memref<128x32xf32, #tpu.memory_space<vmem>>[vector<16xi32>, vector<16xi32>], vector<16xf32>,
        %broadcast_in_dim3A_489 = arith.constant 12 : i32
        %broadcast_in_dim3A_490 = vector.broadcast %broadcast_in_dim3A_489 : i32 to vector<16xi32>
        %mul3A_491 = arith.mulf %mul3A_486, %mul3A_395 : vector<16xf32>
        tpu.vector_store_idx %arg11[%add3A_292, %broadcast_in_dim3A_490], %mul3A_491 : memref<128x32xf32, #tpu.memory_space<vmem>>[vector<16xi32>, vector<16xi32>], vector<16xf32>,
        %broadcast_in_dim3A_492 = arith.constant 20 : i32
        %broadcast_in_dim3A_493 = vector.broadcast %broadcast_in_dim3A_492 : i32 to vector<16xi32>
        %mul3A_494 = arith.mulf %mul3A_486, %mul3A_396 : vector<16xf32>
        tpu.vector_store_idx %arg11[%add3A_292, %broadcast_in_dim3A_493], %mul3A_494 : memref<128x32xf32, #tpu.memory_space<vmem>>[vector<16xi32>, vector<16xi32>], vector<16xf32>,
        %broadcast_in_dim3A_495 = arith.constant 28 : i32
        %broadcast_in_dim3A_496 = vector.broadcast %broadcast_in_dim3A_495 : i32 to vector<16xi32>
        %mul3A_497 = arith.mulf %mul3A_486, %mul3A_397 : vector<16xf32>
        tpu.vector_store_idx %arg11[%add3A_292, %broadcast_in_dim3A_496], %mul3A_497 : memref<128x32xf32, #tpu.memory_space<vmem>>[vector<16xi32>, vector<16xi32>], vector<16xf32>,
        %sub3A_498 = arith.constant 4.42857122 : f32
        %sub3A_499 = vector.broadcast %sub3A_498 : f32 to vector<16xf32>
        %sub3A_500 = arith.subf %min3A_354, %sub3A_499 : vector<16xf32>
        %mul3A_501 = arith.mulf %sub3A_500, %sub3A_500 : vector<16xf32>
        %mul3A_502 = arith.constant -4.000000e+00 : f32
        %mul3A_503 = vector.broadcast %mul3A_502 : f32 to vector<16xf32>
        %mul3A_504 = arith.mulf %mul3A_503, %mul3A_501 : vector<16xf32>
        %exp3A_505 = math.exp %mul3A_504 : vector<16xf32>
        %mul3A_506 = arith.mulf %exp3A_505, %select_n3A_394 : vector<16xf32>
        %broadcast_in_dim3A_507 = arith.constant 5 : i32
        %broadcast_in_dim3A_508 = vector.broadcast %broadcast_in_dim3A_507 : i32 to vector<16xi32>
        tpu.vector_store_idx %arg11[%add3A_292, %broadcast_in_dim3A_508], %mul3A_506 : memref<128x32xf32, #tpu.memory_space<vmem>>[vector<16xi32>, vector<16xi32>], vector<16xf32>,
        %broadcast_in_dim3A_509 = arith.constant 13 : i32
        %broadcast_in_dim3A_510 = vector.broadcast %broadcast_in_dim3A_509 : i32 to vector<16xi32>
        %mul3A_511 = arith.mulf %mul3A_506, %mul3A_395 : vector<16xf32>
        tpu.vector_store_idx %arg11[%add3A_292, %broadcast_in_dim3A_510], %mul3A_511 : memref<128x32xf32, #tpu.memory_space<vmem>>[vector<16xi32>, vector<16xi32>], vector<16xf32>,
        %broadcast_in_dim3A_512 = arith.constant 21 : i32
        %broadcast_in_dim3A_513 = vector.broadcast %broadcast_in_dim3A_512 : i32 to vector<16xi32>
        %mul3A_514 = arith.mulf %mul3A_506, %mul3A_396 : vector<16xf32>
        tpu.vector_store_idx %arg11[%add3A_292, %broadcast_in_dim3A_513], %mul3A_514 : memref<128x32xf32, #tpu.memory_space<vmem>>[vector<16xi32>, vector<16xi32>], vector<16xf32>,
        %broadcast_in_dim3A_515 = arith.constant 29 : i32
        %broadcast_in_dim3A_516 = vector.broadcast %broadcast_in_dim3A_515 : i32 to vector<16xi32>
        %mul3A_517 = arith.mulf %mul3A_506, %mul3A_397 : vector<16xf32>
        tpu.vector_store_idx %arg11[%add3A_292, %broadcast_in_dim3A_516], %mul3A_517 : memref<128x32xf32, #tpu.memory_space<vmem>>[vector<16xi32>, vector<16xi32>], vector<16xf32>,
        %sub3A_518 = arith.constant 5.21428585 : f32
        %sub3A_519 = vector.broadcast %sub3A_518 : f32 to vector<16xf32>
        %sub3A_520 = arith.subf %min3A_354, %sub3A_519 : vector<16xf32>
        %mul3A_521 = arith.mulf %sub3A_520, %sub3A_520 : vector<16xf32>
        %mul3A_522 = arith.constant -4.000000e+00 : f32
        %mul3A_523 = vector.broadcast %mul3A_522 : f32 to vector<16xf32>
        %mul3A_524 = arith.mulf %mul3A_523, %mul3A_521 : vector<16xf32>
        %exp3A_525 = math.exp %mul3A_524 : vector<16xf32>
        %mul3A_526 = arith.mulf %exp3A_525, %select_n3A_394 : vector<16xf32>
        %broadcast_in_dim3A_527 = arith.constant 6 : i32
        %broadcast_in_dim3A_528 = vector.broadcast %broadcast_in_dim3A_527 : i32 to vector<16xi32>
        tpu.vector_store_idx %arg11[%add3A_292, %broadcast_in_dim3A_528], %mul3A_526 : memref<128x32xf32, #tpu.memory_space<vmem>>[vector<16xi32>, vector<16xi32>], vector<16xf32>,
        %broadcast_in_dim3A_529 = arith.constant 14 : i32
        %broadcast_in_dim3A_530 = vector.broadcast %broadcast_in_dim3A_529 : i32 to vector<16xi32>
        %mul3A_531 = arith.mulf %mul3A_526, %mul3A_395 : vector<16xf32>
        tpu.vector_store_idx %arg11[%add3A_292, %broadcast_in_dim3A_530], %mul3A_531 : memref<128x32xf32, #tpu.memory_space<vmem>>[vector<16xi32>, vector<16xi32>], vector<16xf32>,
        %broadcast_in_dim3A_532 = arith.constant 22 : i32
        %broadcast_in_dim3A_533 = vector.broadcast %broadcast_in_dim3A_532 : i32 to vector<16xi32>
        %mul3A_534 = arith.mulf %mul3A_526, %mul3A_396 : vector<16xf32>
        tpu.vector_store_idx %arg11[%add3A_292, %broadcast_in_dim3A_533], %mul3A_534 : memref<128x32xf32, #tpu.memory_space<vmem>>[vector<16xi32>, vector<16xi32>], vector<16xf32>,
        %broadcast_in_dim3A_535 = arith.constant 30 : i32
        %broadcast_in_dim3A_536 = vector.broadcast %broadcast_in_dim3A_535 : i32 to vector<16xi32>
        %mul3A_537 = arith.mulf %mul3A_526, %mul3A_397 : vector<16xf32>
        tpu.vector_store_idx %arg11[%add3A_292, %broadcast_in_dim3A_536], %mul3A_537 : memref<128x32xf32, #tpu.memory_space<vmem>>[vector<16xi32>, vector<16xi32>], vector<16xf32>,
        %sub3A_538 = arith.constant 6.000000e+00 : f32
        %sub3A_539 = vector.broadcast %sub3A_538 : f32 to vector<16xf32>
        %sub3A_540 = arith.subf %min3A_354, %sub3A_539 : vector<16xf32>
        %mul3A_541 = arith.mulf %sub3A_540, %sub3A_540 : vector<16xf32>
        %mul3A_542 = arith.constant -4.000000e+00 : f32
        %mul3A_543 = vector.broadcast %mul3A_542 : f32 to vector<16xf32>
        %mul3A_544 = arith.mulf %mul3A_543, %mul3A_541 : vector<16xf32>
        %exp3A_545 = math.exp %mul3A_544 : vector<16xf32>
        %mul3A_546 = arith.mulf %exp3A_545, %select_n3A_394 : vector<16xf32>
        %broadcast_in_dim3A_547 = arith.constant 7 : i32
        %broadcast_in_dim3A_548 = vector.broadcast %broadcast_in_dim3A_547 : i32 to vector<16xi32>
        tpu.vector_store_idx %arg11[%add3A_292, %broadcast_in_dim3A_548], %mul3A_546 : memref<128x32xf32, #tpu.memory_space<vmem>>[vector<16xi32>, vector<16xi32>], vector<16xf32>,
        %broadcast_in_dim3A_549 = arith.constant 15 : i32
        %broadcast_in_dim3A_550 = vector.broadcast %broadcast_in_dim3A_549 : i32 to vector<16xi32>
        %mul3A_551 = arith.mulf %mul3A_546, %mul3A_395 : vector<16xf32>
        tpu.vector_store_idx %arg11[%add3A_292, %broadcast_in_dim3A_550], %mul3A_551 : memref<128x32xf32, #tpu.memory_space<vmem>>[vector<16xi32>, vector<16xi32>], vector<16xf32>,
        %broadcast_in_dim3A_552 = arith.constant 23 : i32
        %broadcast_in_dim3A_553 = vector.broadcast %broadcast_in_dim3A_552 : i32 to vector<16xi32>
        %mul3A_554 = arith.mulf %mul3A_546, %mul3A_396 : vector<16xf32>
        tpu.vector_store_idx %arg11[%add3A_292, %broadcast_in_dim3A_553], %mul3A_554 : memref<128x32xf32, #tpu.memory_space<vmem>>[vector<16xi32>, vector<16xi32>], vector<16xf32>,
        %broadcast_in_dim3A_555 = arith.constant 31 : i32
        %broadcast_in_dim3A_556 = vector.broadcast %broadcast_in_dim3A_555 : i32 to vector<16xi32>
        %mul3A_557 = arith.mulf %mul3A_546, %mul3A_397 : vector<16xf32>
        tpu.vector_store_idx %arg11[%add3A_292, %broadcast_in_dim3A_556], %mul3A_557 : memref<128x32xf32, #tpu.memory_space<vmem>>[vector<16xi32>, vector<16xi32>], vector<16xf32>,
        %add3A_558 = arith.constant 32 : i32
        %add3A_559 = vector.broadcast %add3A_558 : i32 to vector<16xi32>
        %add3A_560 = arith.addi %iota3A, %add3A_559 : vector<16xi32>
        %broadcast_in_dim3A_561 = arith.constant 0 : i32
        %broadcast_in_dim3A_562 = vector.broadcast %broadcast_in_dim3A_561 : i32 to vector<16xi32>
        %gather3A_563 = tpu.vector_load_idx %arg9[%add3A_560, %broadcast_in_dim3A_562] : memref<128x16xf32, #tpu.memory_space<vmem>>[vector<16xi32>, vector<16xi32>], vector<16xf32>,
        %broadcast_in_dim3A_564 = arith.constant 1 : i32
        %broadcast_in_dim3A_565 = vector.broadcast %broadcast_in_dim3A_564 : i32 to vector<16xi32>
        %gather3A_566 = tpu.vector_load_idx %arg9[%add3A_560, %broadcast_in_dim3A_565] : memref<128x16xf32, #tpu.memory_space<vmem>>[vector<16xi32>, vector<16xi32>], vector<16xf32>,
        %broadcast_in_dim3A_567 = arith.constant 2 : i32
        %broadcast_in_dim3A_568 = vector.broadcast %broadcast_in_dim3A_567 : i32 to vector<16xi32>
        %gather3A_569 = tpu.vector_load_idx %arg9[%add3A_560, %broadcast_in_dim3A_568] : memref<128x16xf32, #tpu.memory_space<vmem>>[vector<16xi32>, vector<16xi32>], vector<16xf32>,
        %broadcast_in_dim3A_570 = arith.constant 0 : i32
        %broadcast_in_dim3A_571 = vector.broadcast %broadcast_in_dim3A_570 : i32 to vector<16xi32>
        %gather3A_572 = tpu.vector_load_idx %arg10[%add3A_560, %broadcast_in_dim3A_571] : memref<128x16xf32, #tpu.memory_space<vmem>>[vector<16xi32>, vector<16xi32>], vector<16xf32>,
        %broadcast_in_dim3A_573 = arith.constant 1 : i32
        %broadcast_in_dim3A_574 = vector.broadcast %broadcast_in_dim3A_573 : i32 to vector<16xi32>
        %gather3A_575 = tpu.vector_load_idx %arg10[%add3A_560, %broadcast_in_dim3A_574] : memref<128x16xf32, #tpu.memory_space<vmem>>[vector<16xi32>, vector<16xi32>], vector<16xf32>,
        %broadcast_in_dim3A_576 = arith.constant 2 : i32
        %broadcast_in_dim3A_577 = vector.broadcast %broadcast_in_dim3A_576 : i32 to vector<16xi32>
        %gather3A_578 = tpu.vector_load_idx %arg10[%add3A_560, %broadcast_in_dim3A_577] : memref<128x16xf32, #tpu.memory_space<vmem>>[vector<16xi32>, vector<16xi32>], vector<16xf32>,
        %sub3A_579 = arith.subf %gather3A_572, %gather3A_563 : vector<16xf32>
        %sub3A_580 = arith.subf %gather3A_575, %gather3A_566 : vector<16xf32>
        %sub3A_581 = arith.subf %gather3A_578, %gather3A_569 : vector<16xf32>
        %mul3A_582 = arith.mulf %sub3A_579, %sub3A_579 : vector<16xf32>
        %mul3A_583 = arith.mulf %sub3A_580, %sub3A_580 : vector<16xf32>
        %add3A_584 = arith.addf %mul3A_582, %mul3A_583 : vector<16xf32>
        %mul3A_585 = arith.mulf %sub3A_581, %sub3A_581 : vector<16xf32>
        %add3A_586 = arith.addf %add3A_584, %mul3A_585 : vector<16xf32>
        %add3A_587 = arith.constant 9.99999996E-13 : f32
        %add3A_588 = vector.broadcast %add3A_587 : f32 to vector<16xf32>
        %add3A_589 = arith.addf %add3A_586, %add3A_588 : vector<16xf32>
        %bitcast3A_590 = vector.bitcast %add3A_589 : vector<16xf32> to vector<16xi32>
        %shift_right_arithmetic3A_591 = arith.constant 1 : i32
        %shift_right_arithmetic3A_592 = vector.broadcast %shift_right_arithmetic3A_591 : i32 to vector<16xi32>
        %shift_right_arithmetic3A_593 = arith.shrsi %bitcast3A_590, %shift_right_arithmetic3A_592 : vector<16xi32>
        %sub3A_594 = arith.constant 1597463007 : i32
        %sub3A_595 = vector.broadcast %sub3A_594 : i32 to vector<16xi32>
        %sub3A_596 = arith.subi %sub3A_595, %shift_right_arithmetic3A_593 : vector<16xi32>
        %bitcast3A_597 = vector.bitcast %sub3A_596 : vector<16xi32> to vector<16xf32>
        %mul3A_598 = arith.constant 5.000000e-01 : f32
        %mul3A_599 = vector.broadcast %mul3A_598 : f32 to vector<16xf32>
        %mul3A_600 = arith.mulf %mul3A_599, %add3A_589 : vector<16xf32>
        %mul3A_601 = arith.mulf %mul3A_600, %bitcast3A_597 : vector<16xf32>
        %mul3A_602 = arith.mulf %mul3A_601, %bitcast3A_597 : vector<16xf32>
        %sub3A_603 = arith.constant 1.500000e+00 : f32
        %sub3A_604 = vector.broadcast %sub3A_603 : f32 to vector<16xf32>
        %sub3A_605 = arith.subf %sub3A_604, %mul3A_602 : vector<16xf32>
        %mul3A_606 = arith.mulf %bitcast3A_597, %sub3A_605 : vector<16xf32>
        %mul3A_607 = arith.mulf %mul3A_600, %mul3A_606 : vector<16xf32>
        %mul3A_608 = arith.mulf %mul3A_607, %mul3A_606 : vector<16xf32>
        %sub3A_609 = arith.constant 1.500000e+00 : f32
        %sub3A_610 = vector.broadcast %sub3A_609 : f32 to vector<16xf32>
        %sub3A_611 = arith.subf %sub3A_610, %mul3A_608 : vector<16xf32>
        %mul3A_612 = arith.mulf %mul3A_606, %sub3A_611 : vector<16xf32>
        %mul3A_613 = arith.mulf %mul3A_600, %mul3A_612 : vector<16xf32>
        %mul3A_614 = arith.mulf %mul3A_613, %mul3A_612 : vector<16xf32>
        %sub3A_615 = arith.constant 1.500000e+00 : f32
        %sub3A_616 = vector.broadcast %sub3A_615 : f32 to vector<16xf32>
        %sub3A_617 = arith.subf %sub3A_616, %mul3A_614 : vector<16xf32>
        %mul3A_618 = arith.mulf %mul3A_612, %sub3A_617 : vector<16xf32>
        %mul3A_619 = arith.mulf %add3A_589, %mul3A_618 : vector<16xf32>
        %min3A_620 = arith.constant 6.000000e+00 : f32
        %min3A_621 = vector.broadcast %min3A_620 : f32 to vector<16xf32>
        %min3A_622 = arith.minimumf %mul3A_619, %min3A_621 : vector<16xf32>
        %mul3A_623 = arith.constant 0.166666672 : f32
        %mul3A_624 = vector.broadcast %mul3A_623 : f32 to vector<16xf32>
        %mul3A_625 = arith.mulf %min3A_622, %mul3A_624 : vector<16xf32>
        %mul3A_626 = arith.mulf %mul3A_625, %mul3A_625 : vector<16xf32>
        %mul3A_627 = arith.constant 2.46740103 : f32
        %mul3A_628 = vector.broadcast %mul3A_627 : f32 to vector<16xf32>
        %mul3A_629 = arith.mulf %mul3A_628, %mul3A_626 : vector<16xf32>
        %mul3A_630 = arith.constant 2.08767559E-9 : f32
        %mul3A_631 = vector.broadcast %mul3A_630 : f32 to vector<16xf32>
        %mul3A_632 = arith.mulf %mul3A_631, %mul3A_629 : vector<16xf32>
        %add3A_633 = arith.constant -2.755732E-7 : f32
        %add3A_634 = vector.broadcast %add3A_633 : f32 to vector<16xf32>
        %add3A_635 = arith.addf %mul3A_632, %add3A_634 : vector<16xf32>
        %mul3A_636 = arith.mulf %add3A_635, %mul3A_629 : vector<16xf32>
        %add3A_637 = arith.constant 2.48015876E-5 : f32
        %add3A_638 = vector.broadcast %add3A_637 : f32 to vector<16xf32>
        %add3A_639 = arith.addf %mul3A_636, %add3A_638 : vector<16xf32>
        %mul3A_640 = arith.mulf %add3A_639, %mul3A_629 : vector<16xf32>
        %add3A_641 = arith.constant -0.00138888892 : f32
        %add3A_642 = vector.broadcast %add3A_641 : f32 to vector<16xf32>
        %add3A_643 = arith.addf %mul3A_640, %add3A_642 : vector<16xf32>
        %mul3A_644 = arith.mulf %add3A_643, %mul3A_629 : vector<16xf32>
        %add3A_645 = arith.constant 0.0416666679 : f32
        %add3A_646 = vector.broadcast %add3A_645 : f32 to vector<16xf32>
        %add3A_647 = arith.addf %mul3A_644, %add3A_646 : vector<16xf32>
        %mul3A_648 = arith.mulf %add3A_647, %mul3A_629 : vector<16xf32>
        %add3A_649 = arith.constant -5.000000e-01 : f32
        %add3A_650 = vector.broadcast %add3A_649 : f32 to vector<16xf32>
        %add3A_651 = arith.addf %mul3A_648, %add3A_650 : vector<16xf32>
        %mul3A_652 = arith.mulf %add3A_651, %mul3A_629 : vector<16xf32>
        %add3A_653 = arith.constant 1.000000e+00 : f32
        %add3A_654 = vector.broadcast %add3A_653 : f32 to vector<16xf32>
        %add3A_655 = arith.addf %mul3A_652, %add3A_654 : vector<16xf32>
        %lt3A_656 = arith.constant 6.000000e+00 : f32
        %lt3A_657 = vector.broadcast %lt3A_656 : f32 to vector<16xf32>
        %lt3A_658 = arith.cmpf olt, %mul3A_619, %lt3A_657 : vector<16xf32>
        %mul3A_659 = arith.mulf %add3A_655, %add3A_655 : vector<16xf32>
        %jit3A_660 = arith.constant 0.000000e+00 : f32
        %broadcast_in_dim3A_661 = vector.broadcast %jit3A_660 : f32 to vector<16xf32>
        %select_n3A_662 = arith.select %lt3A_658, %mul3A_659, %broadcast_in_dim3A_661 : vector<16xi1>, vector<16xf32>
        %mul3A_663 = arith.mulf %sub3A_579, %mul3A_618 : vector<16xf32>
        %mul3A_664 = arith.mulf %sub3A_580, %mul3A_618 : vector<16xf32>
        %mul3A_665 = arith.mulf %sub3A_581, %mul3A_618 : vector<16xf32>
        %sub3A_666 = arith.constant 5.000000e-01 : f32
        %sub3A_667 = vector.broadcast %sub3A_666 : f32 to vector<16xf32>
        %sub3A_668 = arith.subf %min3A_622, %sub3A_667 : vector<16xf32>
        %mul3A_669 = arith.mulf %sub3A_668, %sub3A_668 : vector<16xf32>
        %mul3A_670 = arith.constant -4.000000e+00 : f32
        %mul3A_671 = vector.broadcast %mul3A_670 : f32 to vector<16xf32>
        %mul3A_672 = arith.mulf %mul3A_671, %mul3A_669 : vector<16xf32>
        %exp3A_673 = math.exp %mul3A_672 : vector<16xf32>
        %mul3A_674 = arith.mulf %exp3A_673, %select_n3A_662 : vector<16xf32>
        %broadcast_in_dim3A_675 = arith.constant 0 : i32
        %broadcast_in_dim3A_676 = vector.broadcast %broadcast_in_dim3A_675 : i32 to vector<16xi32>
        tpu.vector_store_idx %arg11[%add3A_560, %broadcast_in_dim3A_676], %mul3A_674 : memref<128x32xf32, #tpu.memory_space<vmem>>[vector<16xi32>, vector<16xi32>], vector<16xf32>,
        %broadcast_in_dim3A_677 = arith.constant 8 : i32
        %broadcast_in_dim3A_678 = vector.broadcast %broadcast_in_dim3A_677 : i32 to vector<16xi32>
        %mul3A_679 = arith.mulf %mul3A_674, %mul3A_663 : vector<16xf32>
        tpu.vector_store_idx %arg11[%add3A_560, %broadcast_in_dim3A_678], %mul3A_679 : memref<128x32xf32, #tpu.memory_space<vmem>>[vector<16xi32>, vector<16xi32>], vector<16xf32>,
        %broadcast_in_dim3A_680 = arith.constant 16 : i32
        %broadcast_in_dim3A_681 = vector.broadcast %broadcast_in_dim3A_680 : i32 to vector<16xi32>
        %mul3A_682 = arith.mulf %mul3A_674, %mul3A_664 : vector<16xf32>
        tpu.vector_store_idx %arg11[%add3A_560, %broadcast_in_dim3A_681], %mul3A_682 : memref<128x32xf32, #tpu.memory_space<vmem>>[vector<16xi32>, vector<16xi32>], vector<16xf32>,
        %broadcast_in_dim3A_683 = arith.constant 24 : i32
        %broadcast_in_dim3A_684 = vector.broadcast %broadcast_in_dim3A_683 : i32 to vector<16xi32>
        %mul3A_685 = arith.mulf %mul3A_674, %mul3A_665 : vector<16xf32>
        tpu.vector_store_idx %arg11[%add3A_560, %broadcast_in_dim3A_684], %mul3A_685 : memref<128x32xf32, #tpu.memory_space<vmem>>[vector<16xi32>, vector<16xi32>], vector<16xf32>,
        %sub3A_686 = arith.constant 1.28571427 : f32
        %sub3A_687 = vector.broadcast %sub3A_686 : f32 to vector<16xf32>
        %sub3A_688 = arith.subf %min3A_622, %sub3A_687 : vector<16xf32>
        %mul3A_689 = arith.mulf %sub3A_688, %sub3A_688 : vector<16xf32>
        %mul3A_690 = arith.constant -4.000000e+00 : f32
        %mul3A_691 = vector.broadcast %mul3A_690 : f32 to vector<16xf32>
        %mul3A_692 = arith.mulf %mul3A_691, %mul3A_689 : vector<16xf32>
        %exp3A_693 = math.exp %mul3A_692 : vector<16xf32>
        %mul3A_694 = arith.mulf %exp3A_693, %select_n3A_662 : vector<16xf32>
        %broadcast_in_dim3A_695 = arith.constant 1 : i32
        %broadcast_in_dim3A_696 = vector.broadcast %broadcast_in_dim3A_695 : i32 to vector<16xi32>
        tpu.vector_store_idx %arg11[%add3A_560, %broadcast_in_dim3A_696], %mul3A_694 : memref<128x32xf32, #tpu.memory_space<vmem>>[vector<16xi32>, vector<16xi32>], vector<16xf32>,
        %broadcast_in_dim3A_697 = arith.constant 9 : i32
        %broadcast_in_dim3A_698 = vector.broadcast %broadcast_in_dim3A_697 : i32 to vector<16xi32>
        %mul3A_699 = arith.mulf %mul3A_694, %mul3A_663 : vector<16xf32>
        tpu.vector_store_idx %arg11[%add3A_560, %broadcast_in_dim3A_698], %mul3A_699 : memref<128x32xf32, #tpu.memory_space<vmem>>[vector<16xi32>, vector<16xi32>], vector<16xf32>,
        %broadcast_in_dim3A_700 = arith.constant 17 : i32
        %broadcast_in_dim3A_701 = vector.broadcast %broadcast_in_dim3A_700 : i32 to vector<16xi32>
        %mul3A_702 = arith.mulf %mul3A_694, %mul3A_664 : vector<16xf32>
        tpu.vector_store_idx %arg11[%add3A_560, %broadcast_in_dim3A_701], %mul3A_702 : memref<128x32xf32, #tpu.memory_space<vmem>>[vector<16xi32>, vector<16xi32>], vector<16xf32>,
        %broadcast_in_dim3A_703 = arith.constant 25 : i32
        %broadcast_in_dim3A_704 = vector.broadcast %broadcast_in_dim3A_703 : i32 to vector<16xi32>
        %mul3A_705 = arith.mulf %mul3A_694, %mul3A_665 : vector<16xf32>
        tpu.vector_store_idx %arg11[%add3A_560, %broadcast_in_dim3A_704], %mul3A_705 : memref<128x32xf32, #tpu.memory_space<vmem>>[vector<16xi32>, vector<16xi32>], vector<16xf32>,
        %sub3A_706 = arith.constant 2.07142854 : f32
        %sub3A_707 = vector.broadcast %sub3A_706 : f32 to vector<16xf32>
        %sub3A_708 = arith.subf %min3A_622, %sub3A_707 : vector<16xf32>
        %mul3A_709 = arith.mulf %sub3A_708, %sub3A_708 : vector<16xf32>
        %mul3A_710 = arith.constant -4.000000e+00 : f32
        %mul3A_711 = vector.broadcast %mul3A_710 : f32 to vector<16xf32>
        %mul3A_712 = arith.mulf %mul3A_711, %mul3A_709 : vector<16xf32>
        %exp3A_713 = math.exp %mul3A_712 : vector<16xf32>
        %mul3A_714 = arith.mulf %exp3A_713, %select_n3A_662 : vector<16xf32>
        %broadcast_in_dim3A_715 = arith.constant 2 : i32
        %broadcast_in_dim3A_716 = vector.broadcast %broadcast_in_dim3A_715 : i32 to vector<16xi32>
        tpu.vector_store_idx %arg11[%add3A_560, %broadcast_in_dim3A_716], %mul3A_714 : memref<128x32xf32, #tpu.memory_space<vmem>>[vector<16xi32>, vector<16xi32>], vector<16xf32>,
        %broadcast_in_dim3A_717 = arith.constant 10 : i32
        %broadcast_in_dim3A_718 = vector.broadcast %broadcast_in_dim3A_717 : i32 to vector<16xi32>
        %mul3A_719 = arith.mulf %mul3A_714, %mul3A_663 : vector<16xf32>
        tpu.vector_store_idx %arg11[%add3A_560, %broadcast_in_dim3A_718], %mul3A_719 : memref<128x32xf32, #tpu.memory_space<vmem>>[vector<16xi32>, vector<16xi32>], vector<16xf32>,
        %broadcast_in_dim3A_720 = arith.constant 18 : i32
        %broadcast_in_dim3A_721 = vector.broadcast %broadcast_in_dim3A_720 : i32 to vector<16xi32>
        %mul3A_722 = arith.mulf %mul3A_714, %mul3A_664 : vector<16xf32>
        tpu.vector_store_idx %arg11[%add3A_560, %broadcast_in_dim3A_721], %mul3A_722 : memref<128x32xf32, #tpu.memory_space<vmem>>[vector<16xi32>, vector<16xi32>], vector<16xf32>,
        %broadcast_in_dim3A_723 = arith.constant 26 : i32
        %broadcast_in_dim3A_724 = vector.broadcast %broadcast_in_dim3A_723 : i32 to vector<16xi32>
        %mul3A_725 = arith.mulf %mul3A_714, %mul3A_665 : vector<16xf32>
        tpu.vector_store_idx %arg11[%add3A_560, %broadcast_in_dim3A_724], %mul3A_725 : memref<128x32xf32, #tpu.memory_space<vmem>>[vector<16xi32>, vector<16xi32>], vector<16xf32>,
        %sub3A_726 = arith.constant 2.85714293 : f32
        %sub3A_727 = vector.broadcast %sub3A_726 : f32 to vector<16xf32>
        %sub3A_728 = arith.subf %min3A_622, %sub3A_727 : vector<16xf32>
        %mul3A_729 = arith.mulf %sub3A_728, %sub3A_728 : vector<16xf32>
        %mul3A_730 = arith.constant -4.000000e+00 : f32
        %mul3A_731 = vector.broadcast %mul3A_730 : f32 to vector<16xf32>
        %mul3A_732 = arith.mulf %mul3A_731, %mul3A_729 : vector<16xf32>
        %exp3A_733 = math.exp %mul3A_732 : vector<16xf32>
        %mul3A_734 = arith.mulf %exp3A_733, %select_n3A_662 : vector<16xf32>
        %broadcast_in_dim3A_735 = arith.constant 3 : i32
        %broadcast_in_dim3A_736 = vector.broadcast %broadcast_in_dim3A_735 : i32 to vector<16xi32>
        tpu.vector_store_idx %arg11[%add3A_560, %broadcast_in_dim3A_736], %mul3A_734 : memref<128x32xf32, #tpu.memory_space<vmem>>[vector<16xi32>, vector<16xi32>], vector<16xf32>,
        %broadcast_in_dim3A_737 = arith.constant 11 : i32
        %broadcast_in_dim3A_738 = vector.broadcast %broadcast_in_dim3A_737 : i32 to vector<16xi32>
        %mul3A_739 = arith.mulf %mul3A_734, %mul3A_663 : vector<16xf32>
        tpu.vector_store_idx %arg11[%add3A_560, %broadcast_in_dim3A_738], %mul3A_739 : memref<128x32xf32, #tpu.memory_space<vmem>>[vector<16xi32>, vector<16xi32>], vector<16xf32>,
        %broadcast_in_dim3A_740 = arith.constant 19 : i32
        %broadcast_in_dim3A_741 = vector.broadcast %broadcast_in_dim3A_740 : i32 to vector<16xi32>
        %mul3A_742 = arith.mulf %mul3A_734, %mul3A_664 : vector<16xf32>
        tpu.vector_store_idx %arg11[%add3A_560, %broadcast_in_dim3A_741], %mul3A_742 : memref<128x32xf32, #tpu.memory_space<vmem>>[vector<16xi32>, vector<16xi32>], vector<16xf32>,
        %broadcast_in_dim3A_743 = arith.constant 27 : i32
        %broadcast_in_dim3A_744 = vector.broadcast %broadcast_in_dim3A_743 : i32 to vector<16xi32>
        %mul3A_745 = arith.mulf %mul3A_734, %mul3A_665 : vector<16xf32>
        tpu.vector_store_idx %arg11[%add3A_560, %broadcast_in_dim3A_744], %mul3A_745 : memref<128x32xf32, #tpu.memory_space<vmem>>[vector<16xi32>, vector<16xi32>], vector<16xf32>,
        %sub3A_746 = arith.constant 3.64285707 : f32
        %sub3A_747 = vector.broadcast %sub3A_746 : f32 to vector<16xf32>
        %sub3A_748 = arith.subf %min3A_622, %sub3A_747 : vector<16xf32>
        %mul3A_749 = arith.mulf %sub3A_748, %sub3A_748 : vector<16xf32>
        %mul3A_750 = arith.constant -4.000000e+00 : f32
        %mul3A_751 = vector.broadcast %mul3A_750 : f32 to vector<16xf32>
        %mul3A_752 = arith.mulf %mul3A_751, %mul3A_749 : vector<16xf32>
        %exp3A_753 = math.exp %mul3A_752 : vector<16xf32>
        %mul3A_754 = arith.mulf %exp3A_753, %select_n3A_662 : vector<16xf32>
        %broadcast_in_dim3A_755 = arith.constant 4 : i32
        %broadcast_in_dim3A_756 = vector.broadcast %broadcast_in_dim3A_755 : i32 to vector<16xi32>
        tpu.vector_store_idx %arg11[%add3A_560, %broadcast_in_dim3A_756], %mul3A_754 : memref<128x32xf32, #tpu.memory_space<vmem>>[vector<16xi32>, vector<16xi32>], vector<16xf32>,
        %broadcast_in_dim3A_757 = arith.constant 12 : i32
        %broadcast_in_dim3A_758 = vector.broadcast %broadcast_in_dim3A_757 : i32 to vector<16xi32>
        %mul3A_759 = arith.mulf %mul3A_754, %mul3A_663 : vector<16xf32>
        tpu.vector_store_idx %arg11[%add3A_560, %broadcast_in_dim3A_758], %mul3A_759 : memref<128x32xf32, #tpu.memory_space<vmem>>[vector<16xi32>, vector<16xi32>], vector<16xf32>,
        %broadcast_in_dim3A_760 = arith.constant 20 : i32
        %broadcast_in_dim3A_761 = vector.broadcast %broadcast_in_dim3A_760 : i32 to vector<16xi32>
        %mul3A_762 = arith.mulf %mul3A_754, %mul3A_664 : vector<16xf32>
        tpu.vector_store_idx %arg11[%add3A_560, %broadcast_in_dim3A_761], %mul3A_762 : memref<128x32xf32, #tpu.memory_space<vmem>>[vector<16xi32>, vector<16xi32>], vector<16xf32>,
        %broadcast_in_dim3A_763 = arith.constant 28 : i32
        %broadcast_in_dim3A_764 = vector.broadcast %broadcast_in_dim3A_763 : i32 to vector<16xi32>
        %mul3A_765 = arith.mulf %mul3A_754, %mul3A_665 : vector<16xf32>
        tpu.vector_store_idx %arg11[%add3A_560, %broadcast_in_dim3A_764], %mul3A_765 : memref<128x32xf32, #tpu.memory_space<vmem>>[vector<16xi32>, vector<16xi32>], vector<16xf32>,
        %sub3A_766 = arith.constant 4.42857122 : f32
        %sub3A_767 = vector.broadcast %sub3A_766 : f32 to vector<16xf32>
        %sub3A_768 = arith.subf %min3A_622, %sub3A_767 : vector<16xf32>
        %mul3A_769 = arith.mulf %sub3A_768, %sub3A_768 : vector<16xf32>
        %mul3A_770 = arith.constant -4.000000e+00 : f32
        %mul3A_771 = vector.broadcast %mul3A_770 : f32 to vector<16xf32>
        %mul3A_772 = arith.mulf %mul3A_771, %mul3A_769 : vector<16xf32>
        %exp3A_773 = math.exp %mul3A_772 : vector<16xf32>
        %mul3A_774 = arith.mulf %exp3A_773, %select_n3A_662 : vector<16xf32>
        %broadcast_in_dim3A_775 = arith.constant 5 : i32
        %broadcast_in_dim3A_776 = vector.broadcast %broadcast_in_dim3A_775 : i32 to vector<16xi32>
        tpu.vector_store_idx %arg11[%add3A_560, %broadcast_in_dim3A_776], %mul3A_774 : memref<128x32xf32, #tpu.memory_space<vmem>>[vector<16xi32>, vector<16xi32>], vector<16xf32>,
        %broadcast_in_dim3A_777 = arith.constant 13 : i32
        %broadcast_in_dim3A_778 = vector.broadcast %broadcast_in_dim3A_777 : i32 to vector<16xi32>
        %mul3A_779 = arith.mulf %mul3A_774, %mul3A_663 : vector<16xf32>
        tpu.vector_store_idx %arg11[%add3A_560, %broadcast_in_dim3A_778], %mul3A_779 : memref<128x32xf32, #tpu.memory_space<vmem>>[vector<16xi32>, vector<16xi32>], vector<16xf32>,
        %broadcast_in_dim3A_780 = arith.constant 21 : i32
        %broadcast_in_dim3A_781 = vector.broadcast %broadcast_in_dim3A_780 : i32 to vector<16xi32>
        %mul3A_782 = arith.mulf %mul3A_774, %mul3A_664 : vector<16xf32>
        tpu.vector_store_idx %arg11[%add3A_560, %broadcast_in_dim3A_781], %mul3A_782 : memref<128x32xf32, #tpu.memory_space<vmem>>[vector<16xi32>, vector<16xi32>], vector<16xf32>,
        %broadcast_in_dim3A_783 = arith.constant 29 : i32
        %broadcast_in_dim3A_784 = vector.broadcast %broadcast_in_dim3A_783 : i32 to vector<16xi32>
        %mul3A_785 = arith.mulf %mul3A_774, %mul3A_665 : vector<16xf32>
        tpu.vector_store_idx %arg11[%add3A_560, %broadcast_in_dim3A_784], %mul3A_785 : memref<128x32xf32, #tpu.memory_space<vmem>>[vector<16xi32>, vector<16xi32>], vector<16xf32>,
        %sub3A_786 = arith.constant 5.21428585 : f32
        %sub3A_787 = vector.broadcast %sub3A_786 : f32 to vector<16xf32>
        %sub3A_788 = arith.subf %min3A_622, %sub3A_787 : vector<16xf32>
        %mul3A_789 = arith.mulf %sub3A_788, %sub3A_788 : vector<16xf32>
        %mul3A_790 = arith.constant -4.000000e+00 : f32
        %mul3A_791 = vector.broadcast %mul3A_790 : f32 to vector<16xf32>
        %mul3A_792 = arith.mulf %mul3A_791, %mul3A_789 : vector<16xf32>
        %exp3A_793 = math.exp %mul3A_792 : vector<16xf32>
        %mul3A_794 = arith.mulf %exp3A_793, %select_n3A_662 : vector<16xf32>
        %broadcast_in_dim3A_795 = arith.constant 6 : i32
        %broadcast_in_dim3A_796 = vector.broadcast %broadcast_in_dim3A_795 : i32 to vector<16xi32>
        tpu.vector_store_idx %arg11[%add3A_560, %broadcast_in_dim3A_796], %mul3A_794 : memref<128x32xf32, #tpu.memory_space<vmem>>[vector<16xi32>, vector<16xi32>], vector<16xf32>,
        %broadcast_in_dim3A_797 = arith.constant 14 : i32
        %broadcast_in_dim3A_798 = vector.broadcast %broadcast_in_dim3A_797 : i32 to vector<16xi32>
        %mul3A_799 = arith.mulf %mul3A_794, %mul3A_663 : vector<16xf32>
        tpu.vector_store_idx %arg11[%add3A_560, %broadcast_in_dim3A_798], %mul3A_799 : memref<128x32xf32, #tpu.memory_space<vmem>>[vector<16xi32>, vector<16xi32>], vector<16xf32>,
        %broadcast_in_dim3A_800 = arith.constant 22 : i32
        %broadcast_in_dim3A_801 = vector.broadcast %broadcast_in_dim3A_800 : i32 to vector<16xi32>
        %mul3A_802 = arith.mulf %mul3A_794, %mul3A_664 : vector<16xf32>
        tpu.vector_store_idx %arg11[%add3A_560, %broadcast_in_dim3A_801], %mul3A_802 : memref<128x32xf32, #tpu.memory_space<vmem>>[vector<16xi32>, vector<16xi32>], vector<16xf32>,
        %broadcast_in_dim3A_803 = arith.constant 30 : i32
        %broadcast_in_dim3A_804 = vector.broadcast %broadcast_in_dim3A_803 : i32 to vector<16xi32>
        %mul3A_805 = arith.mulf %mul3A_794, %mul3A_665 : vector<16xf32>
        tpu.vector_store_idx %arg11[%add3A_560, %broadcast_in_dim3A_804], %mul3A_805 : memref<128x32xf32, #tpu.memory_space<vmem>>[vector<16xi32>, vector<16xi32>], vector<16xf32>,
        %sub3A_806 = arith.constant 6.000000e+00 : f32
        %sub3A_807 = vector.broadcast %sub3A_806 : f32 to vector<16xf32>
        %sub3A_808 = arith.subf %min3A_622, %sub3A_807 : vector<16xf32>
        %mul3A_809 = arith.mulf %sub3A_808, %sub3A_808 : vector<16xf32>
        %mul3A_810 = arith.constant -4.000000e+00 : f32
        %mul3A_811 = vector.broadcast %mul3A_810 : f32 to vector<16xf32>
        %mul3A_812 = arith.mulf %mul3A_811, %mul3A_809 : vector<16xf32>
        %exp3A_813 = math.exp %mul3A_812 : vector<16xf32>
        %mul3A_814 = arith.mulf %exp3A_813, %select_n3A_662 : vector<16xf32>
        %broadcast_in_dim3A_815 = arith.constant 7 : i32
        %broadcast_in_dim3A_816 = vector.broadcast %broadcast_in_dim3A_815 : i32 to vector<16xi32>
        tpu.vector_store_idx %arg11[%add3A_560, %broadcast_in_dim3A_816], %mul3A_814 : memref<128x32xf32, #tpu.memory_space<vmem>>[vector<16xi32>, vector<16xi32>], vector<16xf32>,
        %broadcast_in_dim3A_817 = arith.constant 15 : i32
        %broadcast_in_dim3A_818 = vector.broadcast %broadcast_in_dim3A_817 : i32 to vector<16xi32>
        %mul3A_819 = arith.mulf %mul3A_814, %mul3A_663 : vector<16xf32>
        tpu.vector_store_idx %arg11[%add3A_560, %broadcast_in_dim3A_818], %mul3A_819 : memref<128x32xf32, #tpu.memory_space<vmem>>[vector<16xi32>, vector<16xi32>], vector<16xf32>,
        %broadcast_in_dim3A_820 = arith.constant 23 : i32
        %broadcast_in_dim3A_821 = vector.broadcast %broadcast_in_dim3A_820 : i32 to vector<16xi32>
        %mul3A_822 = arith.mulf %mul3A_814, %mul3A_664 : vector<16xf32>
        tpu.vector_store_idx %arg11[%add3A_560, %broadcast_in_dim3A_821], %mul3A_822 : memref<128x32xf32, #tpu.memory_space<vmem>>[vector<16xi32>, vector<16xi32>], vector<16xf32>,
        %broadcast_in_dim3A_823 = arith.constant 31 : i32
        %broadcast_in_dim3A_824 = vector.broadcast %broadcast_in_dim3A_823 : i32 to vector<16xi32>
        %mul3A_825 = arith.mulf %mul3A_814, %mul3A_665 : vector<16xf32>
        tpu.vector_store_idx %arg11[%add3A_560, %broadcast_in_dim3A_824], %mul3A_825 : memref<128x32xf32, #tpu.memory_space<vmem>>[vector<16xi32>, vector<16xi32>], vector<16xf32>,
        %add3A_826 = arith.constant 48 : i32
        %add3A_827 = vector.broadcast %add3A_826 : i32 to vector<16xi32>
        %add3A_828 = arith.addi %iota3A, %add3A_827 : vector<16xi32>
        %broadcast_in_dim3A_829 = arith.constant 0 : i32
        %broadcast_in_dim3A_830 = vector.broadcast %broadcast_in_dim3A_829 : i32 to vector<16xi32>
        %gather3A_831 = tpu.vector_load_idx %arg9[%add3A_828, %broadcast_in_dim3A_830] : memref<128x16xf32, #tpu.memory_space<vmem>>[vector<16xi32>, vector<16xi32>], vector<16xf32>,
        %broadcast_in_dim3A_832 = arith.constant 1 : i32
        %broadcast_in_dim3A_833 = vector.broadcast %broadcast_in_dim3A_832 : i32 to vector<16xi32>
        %gather3A_834 = tpu.vector_load_idx %arg9[%add3A_828, %broadcast_in_dim3A_833] : memref<128x16xf32, #tpu.memory_space<vmem>>[vector<16xi32>, vector<16xi32>], vector<16xf32>,
        %broadcast_in_dim3A_835 = arith.constant 2 : i32
        %broadcast_in_dim3A_836 = vector.broadcast %broadcast_in_dim3A_835 : i32 to vector<16xi32>
        %gather3A_837 = tpu.vector_load_idx %arg9[%add3A_828, %broadcast_in_dim3A_836] : memref<128x16xf32, #tpu.memory_space<vmem>>[vector<16xi32>, vector<16xi32>], vector<16xf32>,
        %broadcast_in_dim3A_838 = arith.constant 0 : i32
        %broadcast_in_dim3A_839 = vector.broadcast %broadcast_in_dim3A_838 : i32 to vector<16xi32>
        %gather3A_840 = tpu.vector_load_idx %arg10[%add3A_828, %broadcast_in_dim3A_839] : memref<128x16xf32, #tpu.memory_space<vmem>>[vector<16xi32>, vector<16xi32>], vector<16xf32>,
        %broadcast_in_dim3A_841 = arith.constant 1 : i32
        %broadcast_in_dim3A_842 = vector.broadcast %broadcast_in_dim3A_841 : i32 to vector<16xi32>
        %gather3A_843 = tpu.vector_load_idx %arg10[%add3A_828, %broadcast_in_dim3A_842] : memref<128x16xf32, #tpu.memory_space<vmem>>[vector<16xi32>, vector<16xi32>], vector<16xf32>,
        %broadcast_in_dim3A_844 = arith.constant 2 : i32
        %broadcast_in_dim3A_845 = vector.broadcast %broadcast_in_dim3A_844 : i32 to vector<16xi32>
        %gather3A_846 = tpu.vector_load_idx %arg10[%add3A_828, %broadcast_in_dim3A_845] : memref<128x16xf32, #tpu.memory_space<vmem>>[vector<16xi32>, vector<16xi32>], vector<16xf32>,
        %sub3A_847 = arith.subf %gather3A_840, %gather3A_831 : vector<16xf32>
        %sub3A_848 = arith.subf %gather3A_843, %gather3A_834 : vector<16xf32>
        %sub3A_849 = arith.subf %gather3A_846, %gather3A_837 : vector<16xf32>
        %mul3A_850 = arith.mulf %sub3A_847, %sub3A_847 : vector<16xf32>
        %mul3A_851 = arith.mulf %sub3A_848, %sub3A_848 : vector<16xf32>
        %add3A_852 = arith.addf %mul3A_850, %mul3A_851 : vector<16xf32>
        %mul3A_853 = arith.mulf %sub3A_849, %sub3A_849 : vector<16xf32>
        %add3A_854 = arith.addf %add3A_852, %mul3A_853 : vector<16xf32>
        %add3A_855 = arith.constant 9.99999996E-13 : f32
        %add3A_856 = vector.broadcast %add3A_855 : f32 to vector<16xf32>
        %add3A_857 = arith.addf %add3A_854, %add3A_856 : vector<16xf32>
        %bitcast3A_858 = vector.bitcast %add3A_857 : vector<16xf32> to vector<16xi32>
        %shift_right_arithmetic3A_859 = arith.constant 1 : i32
        %shift_right_arithmetic3A_860 = vector.broadcast %shift_right_arithmetic3A_859 : i32 to vector<16xi32>
        %shift_right_arithmetic3A_861 = arith.shrsi %bitcast3A_858, %shift_right_arithmetic3A_860 : vector<16xi32>
        %sub3A_862 = arith.constant 1597463007 : i32
        %sub3A_863 = vector.broadcast %sub3A_862 : i32 to vector<16xi32>
        %sub3A_864 = arith.subi %sub3A_863, %shift_right_arithmetic3A_861 : vector<16xi32>
        %bitcast3A_865 = vector.bitcast %sub3A_864 : vector<16xi32> to vector<16xf32>
        %mul3A_866 = arith.constant 5.000000e-01 : f32
        %mul3A_867 = vector.broadcast %mul3A_866 : f32 to vector<16xf32>
        %mul3A_868 = arith.mulf %mul3A_867, %add3A_857 : vector<16xf32>
        %mul3A_869 = arith.mulf %mul3A_868, %bitcast3A_865 : vector<16xf32>
        %mul3A_870 = arith.mulf %mul3A_869, %bitcast3A_865 : vector<16xf32>
        %sub3A_871 = arith.constant 1.500000e+00 : f32
        %sub3A_872 = vector.broadcast %sub3A_871 : f32 to vector<16xf32>
        %sub3A_873 = arith.subf %sub3A_872, %mul3A_870 : vector<16xf32>
        %mul3A_874 = arith.mulf %bitcast3A_865, %sub3A_873 : vector<16xf32>
        %mul3A_875 = arith.mulf %mul3A_868, %mul3A_874 : vector<16xf32>
        %mul3A_876 = arith.mulf %mul3A_875, %mul3A_874 : vector<16xf32>
        %sub3A_877 = arith.constant 1.500000e+00 : f32
        %sub3A_878 = vector.broadcast %sub3A_877 : f32 to vector<16xf32>
        %sub3A_879 = arith.subf %sub3A_878, %mul3A_876 : vector<16xf32>
        %mul3A_880 = arith.mulf %mul3A_874, %sub3A_879 : vector<16xf32>
        %mul3A_881 = arith.mulf %mul3A_868, %mul3A_880 : vector<16xf32>
        %mul3A_882 = arith.mulf %mul3A_881, %mul3A_880 : vector<16xf32>
        %sub3A_883 = arith.constant 1.500000e+00 : f32
        %sub3A_884 = vector.broadcast %sub3A_883 : f32 to vector<16xf32>
        %sub3A_885 = arith.subf %sub3A_884, %mul3A_882 : vector<16xf32>
        %mul3A_886 = arith.mulf %mul3A_880, %sub3A_885 : vector<16xf32>
        %mul3A_887 = arith.mulf %add3A_857, %mul3A_886 : vector<16xf32>
        %min3A_888 = arith.constant 6.000000e+00 : f32
        %min3A_889 = vector.broadcast %min3A_888 : f32 to vector<16xf32>
        %min3A_890 = arith.minimumf %mul3A_887, %min3A_889 : vector<16xf32>
        %mul3A_891 = arith.constant 0.166666672 : f32
        %mul3A_892 = vector.broadcast %mul3A_891 : f32 to vector<16xf32>
        %mul3A_893 = arith.mulf %min3A_890, %mul3A_892 : vector<16xf32>
        %mul3A_894 = arith.mulf %mul3A_893, %mul3A_893 : vector<16xf32>
        %mul3A_895 = arith.constant 2.46740103 : f32
        %mul3A_896 = vector.broadcast %mul3A_895 : f32 to vector<16xf32>
        %mul3A_897 = arith.mulf %mul3A_896, %mul3A_894 : vector<16xf32>
        %mul3A_898 = arith.constant 2.08767559E-9 : f32
        %mul3A_899 = vector.broadcast %mul3A_898 : f32 to vector<16xf32>
        %mul3A_900 = arith.mulf %mul3A_899, %mul3A_897 : vector<16xf32>
        %add3A_901 = arith.constant -2.755732E-7 : f32
        %add3A_902 = vector.broadcast %add3A_901 : f32 to vector<16xf32>
        %add3A_903 = arith.addf %mul3A_900, %add3A_902 : vector<16xf32>
        %mul3A_904 = arith.mulf %add3A_903, %mul3A_897 : vector<16xf32>
        %add3A_905 = arith.constant 2.48015876E-5 : f32
        %add3A_906 = vector.broadcast %add3A_905 : f32 to vector<16xf32>
        %add3A_907 = arith.addf %mul3A_904, %add3A_906 : vector<16xf32>
        %mul3A_908 = arith.mulf %add3A_907, %mul3A_897 : vector<16xf32>
        %add3A_909 = arith.constant -0.00138888892 : f32
        %add3A_910 = vector.broadcast %add3A_909 : f32 to vector<16xf32>
        %add3A_911 = arith.addf %mul3A_908, %add3A_910 : vector<16xf32>
        %mul3A_912 = arith.mulf %add3A_911, %mul3A_897 : vector<16xf32>
        %add3A_913 = arith.constant 0.0416666679 : f32
        %add3A_914 = vector.broadcast %add3A_913 : f32 to vector<16xf32>
        %add3A_915 = arith.addf %mul3A_912, %add3A_914 : vector<16xf32>
        %mul3A_916 = arith.mulf %add3A_915, %mul3A_897 : vector<16xf32>
        %add3A_917 = arith.constant -5.000000e-01 : f32
        %add3A_918 = vector.broadcast %add3A_917 : f32 to vector<16xf32>
        %add3A_919 = arith.addf %mul3A_916, %add3A_918 : vector<16xf32>
        %mul3A_920 = arith.mulf %add3A_919, %mul3A_897 : vector<16xf32>
        %add3A_921 = arith.constant 1.000000e+00 : f32
        %add3A_922 = vector.broadcast %add3A_921 : f32 to vector<16xf32>
        %add3A_923 = arith.addf %mul3A_920, %add3A_922 : vector<16xf32>
        %lt3A_924 = arith.constant 6.000000e+00 : f32
        %lt3A_925 = vector.broadcast %lt3A_924 : f32 to vector<16xf32>
        %lt3A_926 = arith.cmpf olt, %mul3A_887, %lt3A_925 : vector<16xf32>
        %mul3A_927 = arith.mulf %add3A_923, %add3A_923 : vector<16xf32>
        %jit3A_928 = arith.constant 0.000000e+00 : f32
        %broadcast_in_dim3A_929 = vector.broadcast %jit3A_928 : f32 to vector<16xf32>
        %select_n3A_930 = arith.select %lt3A_926, %mul3A_927, %broadcast_in_dim3A_929 : vector<16xi1>, vector<16xf32>
        %mul3A_931 = arith.mulf %sub3A_847, %mul3A_886 : vector<16xf32>
        %mul3A_932 = arith.mulf %sub3A_848, %mul3A_886 : vector<16xf32>
        %mul3A_933 = arith.mulf %sub3A_849, %mul3A_886 : vector<16xf32>
        %sub3A_934 = arith.constant 5.000000e-01 : f32
        %sub3A_935 = vector.broadcast %sub3A_934 : f32 to vector<16xf32>
        %sub3A_936 = arith.subf %min3A_890, %sub3A_935 : vector<16xf32>
        %mul3A_937 = arith.mulf %sub3A_936, %sub3A_936 : vector<16xf32>
        %mul3A_938 = arith.constant -4.000000e+00 : f32
        %mul3A_939 = vector.broadcast %mul3A_938 : f32 to vector<16xf32>
        %mul3A_940 = arith.mulf %mul3A_939, %mul3A_937 : vector<16xf32>
        %exp3A_941 = math.exp %mul3A_940 : vector<16xf32>
        %mul3A_942 = arith.mulf %exp3A_941, %select_n3A_930 : vector<16xf32>
        %broadcast_in_dim3A_943 = arith.constant 0 : i32
        %broadcast_in_dim3A_944 = vector.broadcast %broadcast_in_dim3A_943 : i32 to vector<16xi32>
        tpu.vector_store_idx %arg11[%add3A_828, %broadcast_in_dim3A_944], %mul3A_942 : memref<128x32xf32, #tpu.memory_space<vmem>>[vector<16xi32>, vector<16xi32>], vector<16xf32>,
        %broadcast_in_dim3A_945 = arith.constant 8 : i32
        %broadcast_in_dim3A_946 = vector.broadcast %broadcast_in_dim3A_945 : i32 to vector<16xi32>
        %mul3A_947 = arith.mulf %mul3A_942, %mul3A_931 : vector<16xf32>
        tpu.vector_store_idx %arg11[%add3A_828, %broadcast_in_dim3A_946], %mul3A_947 : memref<128x32xf32, #tpu.memory_space<vmem>>[vector<16xi32>, vector<16xi32>], vector<16xf32>,
        %broadcast_in_dim3A_948 = arith.constant 16 : i32
        %broadcast_in_dim3A_949 = vector.broadcast %broadcast_in_dim3A_948 : i32 to vector<16xi32>
        %mul3A_950 = arith.mulf %mul3A_942, %mul3A_932 : vector<16xf32>
        tpu.vector_store_idx %arg11[%add3A_828, %broadcast_in_dim3A_949], %mul3A_950 : memref<128x32xf32, #tpu.memory_space<vmem>>[vector<16xi32>, vector<16xi32>], vector<16xf32>,
        %broadcast_in_dim3A_951 = arith.constant 24 : i32
        %broadcast_in_dim3A_952 = vector.broadcast %broadcast_in_dim3A_951 : i32 to vector<16xi32>
        %mul3A_953 = arith.mulf %mul3A_942, %mul3A_933 : vector<16xf32>
        tpu.vector_store_idx %arg11[%add3A_828, %broadcast_in_dim3A_952], %mul3A_953 : memref<128x32xf32, #tpu.memory_space<vmem>>[vector<16xi32>, vector<16xi32>], vector<16xf32>,
        %sub3A_954 = arith.constant 1.28571427 : f32
        %sub3A_955 = vector.broadcast %sub3A_954 : f32 to vector<16xf32>
        %sub3A_956 = arith.subf %min3A_890, %sub3A_955 : vector<16xf32>
        %mul3A_957 = arith.mulf %sub3A_956, %sub3A_956 : vector<16xf32>
        %mul3A_958 = arith.constant -4.000000e+00 : f32
        %mul3A_959 = vector.broadcast %mul3A_958 : f32 to vector<16xf32>
        %mul3A_960 = arith.mulf %mul3A_959, %mul3A_957 : vector<16xf32>
        %exp3A_961 = math.exp %mul3A_960 : vector<16xf32>
        %mul3A_962 = arith.mulf %exp3A_961, %select_n3A_930 : vector<16xf32>
        %broadcast_in_dim3A_963 = arith.constant 1 : i32
        %broadcast_in_dim3A_964 = vector.broadcast %broadcast_in_dim3A_963 : i32 to vector<16xi32>
        tpu.vector_store_idx %arg11[%add3A_828, %broadcast_in_dim3A_964], %mul3A_962 : memref<128x32xf32, #tpu.memory_space<vmem>>[vector<16xi32>, vector<16xi32>], vector<16xf32>,
        %broadcast_in_dim3A_965 = arith.constant 9 : i32
        %broadcast_in_dim3A_966 = vector.broadcast %broadcast_in_dim3A_965 : i32 to vector<16xi32>
        %mul3A_967 = arith.mulf %mul3A_962, %mul3A_931 : vector<16xf32>
        tpu.vector_store_idx %arg11[%add3A_828, %broadcast_in_dim3A_966], %mul3A_967 : memref<128x32xf32, #tpu.memory_space<vmem>>[vector<16xi32>, vector<16xi32>], vector<16xf32>,
        %broadcast_in_dim3A_968 = arith.constant 17 : i32
        %broadcast_in_dim3A_969 = vector.broadcast %broadcast_in_dim3A_968 : i32 to vector<16xi32>
        %mul3A_970 = arith.mulf %mul3A_962, %mul3A_932 : vector<16xf32>
        tpu.vector_store_idx %arg11[%add3A_828, %broadcast_in_dim3A_969], %mul3A_970 : memref<128x32xf32, #tpu.memory_space<vmem>>[vector<16xi32>, vector<16xi32>], vector<16xf32>,
        %broadcast_in_dim3A_971 = arith.constant 25 : i32
        %broadcast_in_dim3A_972 = vector.broadcast %broadcast_in_dim3A_971 : i32 to vector<16xi32>
        %mul3A_973 = arith.mulf %mul3A_962, %mul3A_933 : vector<16xf32>
        tpu.vector_store_idx %arg11[%add3A_828, %broadcast_in_dim3A_972], %mul3A_973 : memref<128x32xf32, #tpu.memory_space<vmem>>[vector<16xi32>, vector<16xi32>], vector<16xf32>,
        %sub3A_974 = arith.constant 2.07142854 : f32
        %sub3A_975 = vector.broadcast %sub3A_974 : f32 to vector<16xf32>
        %sub3A_976 = arith.subf %min3A_890, %sub3A_975 : vector<16xf32>
        %mul3A_977 = arith.mulf %sub3A_976, %sub3A_976 : vector<16xf32>
        %mul3A_978 = arith.constant -4.000000e+00 : f32
        %mul3A_979 = vector.broadcast %mul3A_978 : f32 to vector<16xf32>
        %mul3A_980 = arith.mulf %mul3A_979, %mul3A_977 : vector<16xf32>
        %exp3A_981 = math.exp %mul3A_980 : vector<16xf32>
        %mul3A_982 = arith.mulf %exp3A_981, %select_n3A_930 : vector<16xf32>
        %broadcast_in_dim3A_983 = arith.constant 2 : i32
        %broadcast_in_dim3A_984 = vector.broadcast %broadcast_in_dim3A_983 : i32 to vector<16xi32>
        tpu.vector_store_idx %arg11[%add3A_828, %broadcast_in_dim3A_984], %mul3A_982 : memref<128x32xf32, #tpu.memory_space<vmem>>[vector<16xi32>, vector<16xi32>], vector<16xf32>,
        %broadcast_in_dim3A_985 = arith.constant 10 : i32
        %broadcast_in_dim3A_986 = vector.broadcast %broadcast_in_dim3A_985 : i32 to vector<16xi32>
        %mul3A_987 = arith.mulf %mul3A_982, %mul3A_931 : vector<16xf32>
        tpu.vector_store_idx %arg11[%add3A_828, %broadcast_in_dim3A_986], %mul3A_987 : memref<128x32xf32, #tpu.memory_space<vmem>>[vector<16xi32>, vector<16xi32>], vector<16xf32>,
        %broadcast_in_dim3A_988 = arith.constant 18 : i32
        %broadcast_in_dim3A_989 = vector.broadcast %broadcast_in_dim3A_988 : i32 to vector<16xi32>
        %mul3A_990 = arith.mulf %mul3A_982, %mul3A_932 : vector<16xf32>
        tpu.vector_store_idx %arg11[%add3A_828, %broadcast_in_dim3A_989], %mul3A_990 : memref<128x32xf32, #tpu.memory_space<vmem>>[vector<16xi32>, vector<16xi32>], vector<16xf32>,
        %broadcast_in_dim3A_991 = arith.constant 26 : i32
        %broadcast_in_dim3A_992 = vector.broadcast %broadcast_in_dim3A_991 : i32 to vector<16xi32>
        %mul3A_993 = arith.mulf %mul3A_982, %mul3A_933 : vector<16xf32>
        tpu.vector_store_idx %arg11[%add3A_828, %broadcast_in_dim3A_992], %mul3A_993 : memref<128x32xf32, #tpu.memory_space<vmem>>[vector<16xi32>, vector<16xi32>], vector<16xf32>,
        %sub3A_994 = arith.constant 2.85714293 : f32
        %sub3A_995 = vector.broadcast %sub3A_994 : f32 to vector<16xf32>
        %sub3A_996 = arith.subf %min3A_890, %sub3A_995 : vector<16xf32>
        %mul3A_997 = arith.mulf %sub3A_996, %sub3A_996 : vector<16xf32>
        %mul3A_998 = arith.constant -4.000000e+00 : f32
        %mul3A_999 = vector.broadcast %mul3A_998 : f32 to vector<16xf32>
        %mul3A_1000 = arith.mulf %mul3A_999, %mul3A_997 : vector<16xf32>
        %exp3A_1001 = math.exp %mul3A_1000 : vector<16xf32>
        %mul3A_1002 = arith.mulf %exp3A_1001, %select_n3A_930 : vector<16xf32>
        %broadcast_in_dim3A_1003 = arith.constant 3 : i32
        %broadcast_in_dim3A_1004 = vector.broadcast %broadcast_in_dim3A_1003 : i32 to vector<16xi32>
        tpu.vector_store_idx %arg11[%add3A_828, %broadcast_in_dim3A_1004], %mul3A_1002 : memref<128x32xf32, #tpu.memory_space<vmem>>[vector<16xi32>, vector<16xi32>], vector<16xf32>,
        %broadcast_in_dim3A_1005 = arith.constant 11 : i32
        %broadcast_in_dim3A_1006 = vector.broadcast %broadcast_in_dim3A_1005 : i32 to vector<16xi32>
        %mul3A_1007 = arith.mulf %mul3A_1002, %mul3A_931 : vector<16xf32>
        tpu.vector_store_idx %arg11[%add3A_828, %broadcast_in_dim3A_1006], %mul3A_1007 : memref<128x32xf32, #tpu.memory_space<vmem>>[vector<16xi32>, vector<16xi32>], vector<16xf32>,
        %broadcast_in_dim3A_1008 = arith.constant 19 : i32
        %broadcast_in_dim3A_1009 = vector.broadcast %broadcast_in_dim3A_1008 : i32 to vector<16xi32>
        %mul3A_1010 = arith.mulf %mul3A_1002, %mul3A_932 : vector<16xf32>
        tpu.vector_store_idx %arg11[%add3A_828, %broadcast_in_dim3A_1009], %mul3A_1010 : memref<128x32xf32, #tpu.memory_space<vmem>>[vector<16xi32>, vector<16xi32>], vector<16xf32>,
        %broadcast_in_dim3A_1011 = arith.constant 27 : i32
        %broadcast_in_dim3A_1012 = vector.broadcast %broadcast_in_dim3A_1011 : i32 to vector<16xi32>
        %mul3A_1013 = arith.mulf %mul3A_1002, %mul3A_933 : vector<16xf32>
        tpu.vector_store_idx %arg11[%add3A_828, %broadcast_in_dim3A_1012], %mul3A_1013 : memref<128x32xf32, #tpu.memory_space<vmem>>[vector<16xi32>, vector<16xi32>], vector<16xf32>,
        %sub3A_1014 = arith.constant 3.64285707 : f32
        %sub3A_1015 = vector.broadcast %sub3A_1014 : f32 to vector<16xf32>
        %sub3A_1016 = arith.subf %min3A_890, %sub3A_1015 : vector<16xf32>
        %mul3A_1017 = arith.mulf %sub3A_1016, %sub3A_1016 : vector<16xf32>
        %mul3A_1018 = arith.constant -4.000000e+00 : f32
        %mul3A_1019 = vector.broadcast %mul3A_1018 : f32 to vector<16xf32>
        %mul3A_1020 = arith.mulf %mul3A_1019, %mul3A_1017 : vector<16xf32>
        %exp3A_1021 = math.exp %mul3A_1020 : vector<16xf32>
        %mul3A_1022 = arith.mulf %exp3A_1021, %select_n3A_930 : vector<16xf32>
        %broadcast_in_dim3A_1023 = arith.constant 4 : i32
        %broadcast_in_dim3A_1024 = vector.broadcast %broadcast_in_dim3A_1023 : i32 to vector<16xi32>
        tpu.vector_store_idx %arg11[%add3A_828, %broadcast_in_dim3A_1024], %mul3A_1022 : memref<128x32xf32, #tpu.memory_space<vmem>>[vector<16xi32>, vector<16xi32>], vector<16xf32>,
        %broadcast_in_dim3A_1025 = arith.constant 12 : i32
        %broadcast_in_dim3A_1026 = vector.broadcast %broadcast_in_dim3A_1025 : i32 to vector<16xi32>
        %mul3A_1027 = arith.mulf %mul3A_1022, %mul3A_931 : vector<16xf32>
        tpu.vector_store_idx %arg11[%add3A_828, %broadcast_in_dim3A_1026], %mul3A_1027 : memref<128x32xf32, #tpu.memory_space<vmem>>[vector<16xi32>, vector<16xi32>], vector<16xf32>,
        %broadcast_in_dim3A_1028 = arith.constant 20 : i32
        %broadcast_in_dim3A_1029 = vector.broadcast %broadcast_in_dim3A_1028 : i32 to vector<16xi32>
        %mul3A_1030 = arith.mulf %mul3A_1022, %mul3A_932 : vector<16xf32>
        tpu.vector_store_idx %arg11[%add3A_828, %broadcast_in_dim3A_1029], %mul3A_1030 : memref<128x32xf32, #tpu.memory_space<vmem>>[vector<16xi32>, vector<16xi32>], vector<16xf32>,
        %broadcast_in_dim3A_1031 = arith.constant 28 : i32
        %broadcast_in_dim3A_1032 = vector.broadcast %broadcast_in_dim3A_1031 : i32 to vector<16xi32>
        %mul3A_1033 = arith.mulf %mul3A_1022, %mul3A_933 : vector<16xf32>
        tpu.vector_store_idx %arg11[%add3A_828, %broadcast_in_dim3A_1032], %mul3A_1033 : memref<128x32xf32, #tpu.memory_space<vmem>>[vector<16xi32>, vector<16xi32>], vector<16xf32>,
        %sub3A_1034 = arith.constant 4.42857122 : f32
        %sub3A_1035 = vector.broadcast %sub3A_1034 : f32 to vector<16xf32>
        %sub3A_1036 = arith.subf %min3A_890, %sub3A_1035 : vector<16xf32>
        %mul3A_1037 = arith.mulf %sub3A_1036, %sub3A_1036 : vector<16xf32>
        %mul3A_1038 = arith.constant -4.000000e+00 : f32
        %mul3A_1039 = vector.broadcast %mul3A_1038 : f32 to vector<16xf32>
        %mul3A_1040 = arith.mulf %mul3A_1039, %mul3A_1037 : vector<16xf32>
        %exp3A_1041 = math.exp %mul3A_1040 : vector<16xf32>
        %mul3A_1042 = arith.mulf %exp3A_1041, %select_n3A_930 : vector<16xf32>
        %broadcast_in_dim3A_1043 = arith.constant 5 : i32
        %broadcast_in_dim3A_1044 = vector.broadcast %broadcast_in_dim3A_1043 : i32 to vector<16xi32>
        tpu.vector_store_idx %arg11[%add3A_828, %broadcast_in_dim3A_1044], %mul3A_1042 : memref<128x32xf32, #tpu.memory_space<vmem>>[vector<16xi32>, vector<16xi32>], vector<16xf32>,
        %broadcast_in_dim3A_1045 = arith.constant 13 : i32
        %broadcast_in_dim3A_1046 = vector.broadcast %broadcast_in_dim3A_1045 : i32 to vector<16xi32>
        %mul3A_1047 = arith.mulf %mul3A_1042, %mul3A_931 : vector<16xf32>
        tpu.vector_store_idx %arg11[%add3A_828, %broadcast_in_dim3A_1046], %mul3A_1047 : memref<128x32xf32, #tpu.memory_space<vmem>>[vector<16xi32>, vector<16xi32>], vector<16xf32>,
        %broadcast_in_dim3A_1048 = arith.constant 21 : i32
        %broadcast_in_dim3A_1049 = vector.broadcast %broadcast_in_dim3A_1048 : i32 to vector<16xi32>
        %mul3A_1050 = arith.mulf %mul3A_1042, %mul3A_932 : vector<16xf32>
        tpu.vector_store_idx %arg11[%add3A_828, %broadcast_in_dim3A_1049], %mul3A_1050 : memref<128x32xf32, #tpu.memory_space<vmem>>[vector<16xi32>, vector<16xi32>], vector<16xf32>,
        %broadcast_in_dim3A_1051 = arith.constant 29 : i32
        %broadcast_in_dim3A_1052 = vector.broadcast %broadcast_in_dim3A_1051 : i32 to vector<16xi32>
        %mul3A_1053 = arith.mulf %mul3A_1042, %mul3A_933 : vector<16xf32>
        tpu.vector_store_idx %arg11[%add3A_828, %broadcast_in_dim3A_1052], %mul3A_1053 : memref<128x32xf32, #tpu.memory_space<vmem>>[vector<16xi32>, vector<16xi32>], vector<16xf32>,
        %sub3A_1054 = arith.constant 5.21428585 : f32
        %sub3A_1055 = vector.broadcast %sub3A_1054 : f32 to vector<16xf32>
        %sub3A_1056 = arith.subf %min3A_890, %sub3A_1055 : vector<16xf32>
        %mul3A_1057 = arith.mulf %sub3A_1056, %sub3A_1056 : vector<16xf32>
        %mul3A_1058 = arith.constant -4.000000e+00 : f32
        %mul3A_1059 = vector.broadcast %mul3A_1058 : f32 to vector<16xf32>
        %mul3A_1060 = arith.mulf %mul3A_1059, %mul3A_1057 : vector<16xf32>
        %exp3A_1061 = math.exp %mul3A_1060 : vector<16xf32>
        %mul3A_1062 = arith.mulf %exp3A_1061, %select_n3A_930 : vector<16xf32>
        %broadcast_in_dim3A_1063 = arith.constant 6 : i32
        %broadcast_in_dim3A_1064 = vector.broadcast %broadcast_in_dim3A_1063 : i32 to vector<16xi32>
        tpu.vector_store_idx %arg11[%add3A_828, %broadcast_in_dim3A_1064], %mul3A_1062 : memref<128x32xf32, #tpu.memory_space<vmem>>[vector<16xi32>, vector<16xi32>], vector<16xf32>,
        %broadcast_in_dim3A_1065 = arith.constant 14 : i32
        %broadcast_in_dim3A_1066 = vector.broadcast %broadcast_in_dim3A_1065 : i32 to vector<16xi32>
        %mul3A_1067 = arith.mulf %mul3A_1062, %mul3A_931 : vector<16xf32>
        tpu.vector_store_idx %arg11[%add3A_828, %broadcast_in_dim3A_1066], %mul3A_1067 : memref<128x32xf32, #tpu.memory_space<vmem>>[vector<16xi32>, vector<16xi32>], vector<16xf32>,
        %broadcast_in_dim3A_1068 = arith.constant 22 : i32
        %broadcast_in_dim3A_1069 = vector.broadcast %broadcast_in_dim3A_1068 : i32 to vector<16xi32>
        %mul3A_1070 = arith.mulf %mul3A_1062, %mul3A_932 : vector<16xf32>
        tpu.vector_store_idx %arg11[%add3A_828, %broadcast_in_dim3A_1069], %mul3A_1070 : memref<128x32xf32, #tpu.memory_space<vmem>>[vector<16xi32>, vector<16xi32>], vector<16xf32>,
        %broadcast_in_dim3A_1071 = arith.constant 30 : i32
        %broadcast_in_dim3A_1072 = vector.broadcast %broadcast_in_dim3A_1071 : i32 to vector<16xi32>
        %mul3A_1073 = arith.mulf %mul3A_1062, %mul3A_933 : vector<16xf32>
        tpu.vector_store_idx %arg11[%add3A_828, %broadcast_in_dim3A_1072], %mul3A_1073 : memref<128x32xf32, #tpu.memory_space<vmem>>[vector<16xi32>, vector<16xi32>], vector<16xf32>,
        %sub3A_1074 = arith.constant 6.000000e+00 : f32
        %sub3A_1075 = vector.broadcast %sub3A_1074 : f32 to vector<16xf32>
        %sub3A_1076 = arith.subf %min3A_890, %sub3A_1075 : vector<16xf32>
        %mul3A_1077 = arith.mulf %sub3A_1076, %sub3A_1076 : vector<16xf32>
        %mul3A_1078 = arith.constant -4.000000e+00 : f32
        %mul3A_1079 = vector.broadcast %mul3A_1078 : f32 to vector<16xf32>
        %mul3A_1080 = arith.mulf %mul3A_1079, %mul3A_1077 : vector<16xf32>
        %exp3A_1081 = math.exp %mul3A_1080 : vector<16xf32>
        %mul3A_1082 = arith.mulf %exp3A_1081, %select_n3A_930 : vector<16xf32>
        %broadcast_in_dim3A_1083 = arith.constant 7 : i32
        %broadcast_in_dim3A_1084 = vector.broadcast %broadcast_in_dim3A_1083 : i32 to vector<16xi32>
        tpu.vector_store_idx %arg11[%add3A_828, %broadcast_in_dim3A_1084], %mul3A_1082 : memref<128x32xf32, #tpu.memory_space<vmem>>[vector<16xi32>, vector<16xi32>], vector<16xf32>,
        %broadcast_in_dim3A_1085 = arith.constant 15 : i32
        %broadcast_in_dim3A_1086 = vector.broadcast %broadcast_in_dim3A_1085 : i32 to vector<16xi32>
        %mul3A_1087 = arith.mulf %mul3A_1082, %mul3A_931 : vector<16xf32>
        tpu.vector_store_idx %arg11[%add3A_828, %broadcast_in_dim3A_1086], %mul3A_1087 : memref<128x32xf32, #tpu.memory_space<vmem>>[vector<16xi32>, vector<16xi32>], vector<16xf32>,
        %broadcast_in_dim3A_1088 = arith.constant 23 : i32
        %broadcast_in_dim3A_1089 = vector.broadcast %broadcast_in_dim3A_1088 : i32 to vector<16xi32>
        %mul3A_1090 = arith.mulf %mul3A_1082, %mul3A_932 : vector<16xf32>
        tpu.vector_store_idx %arg11[%add3A_828, %broadcast_in_dim3A_1089], %mul3A_1090 : memref<128x32xf32, #tpu.memory_space<vmem>>[vector<16xi32>, vector<16xi32>], vector<16xf32>,
        %broadcast_in_dim3A_1091 = arith.constant 31 : i32
        %broadcast_in_dim3A_1092 = vector.broadcast %broadcast_in_dim3A_1091 : i32 to vector<16xi32>
        %mul3A_1093 = arith.mulf %mul3A_1082, %mul3A_933 : vector<16xf32>
        tpu.vector_store_idx %arg11[%add3A_828, %broadcast_in_dim3A_1092], %mul3A_1093 : memref<128x32xf32, #tpu.memory_space<vmem>>[vector<16xi32>, vector<16xi32>], vector<16xf32>,
        %add3A_1094 = arith.constant 64 : i32
        %add3A_1095 = vector.broadcast %add3A_1094 : i32 to vector<16xi32>
        %add3A_1096 = arith.addi %iota3A, %add3A_1095 : vector<16xi32>
        %broadcast_in_dim3A_1097 = arith.constant 0 : i32
        %broadcast_in_dim3A_1098 = vector.broadcast %broadcast_in_dim3A_1097 : i32 to vector<16xi32>
        %gather3A_1099 = tpu.vector_load_idx %arg9[%add3A_1096, %broadcast_in_dim3A_1098] : memref<128x16xf32, #tpu.memory_space<vmem>>[vector<16xi32>, vector<16xi32>], vector<16xf32>,
        %broadcast_in_dim3A_1100 = arith.constant 1 : i32
        %broadcast_in_dim3A_1101 = vector.broadcast %broadcast_in_dim3A_1100 : i32 to vector<16xi32>
        %gather3A_1102 = tpu.vector_load_idx %arg9[%add3A_1096, %broadcast_in_dim3A_1101] : memref<128x16xf32, #tpu.memory_space<vmem>>[vector<16xi32>, vector<16xi32>], vector<16xf32>,
        %broadcast_in_dim3A_1103 = arith.constant 2 : i32
        %broadcast_in_dim3A_1104 = vector.broadcast %broadcast_in_dim3A_1103 : i32 to vector<16xi32>
        %gather3A_1105 = tpu.vector_load_idx %arg9[%add3A_1096, %broadcast_in_dim3A_1104] : memref<128x16xf32, #tpu.memory_space<vmem>>[vector<16xi32>, vector<16xi32>], vector<16xf32>,
        %broadcast_in_dim3A_1106 = arith.constant 0 : i32
        %broadcast_in_dim3A_1107 = vector.broadcast %broadcast_in_dim3A_1106 : i32 to vector<16xi32>
        %gather3A_1108 = tpu.vector_load_idx %arg10[%add3A_1096, %broadcast_in_dim3A_1107] : memref<128x16xf32, #tpu.memory_space<vmem>>[vector<16xi32>, vector<16xi32>], vector<16xf32>,
        %broadcast_in_dim3A_1109 = arith.constant 1 : i32
        %broadcast_in_dim3A_1110 = vector.broadcast %broadcast_in_dim3A_1109 : i32 to vector<16xi32>
        %gather3A_1111 = tpu.vector_load_idx %arg10[%add3A_1096, %broadcast_in_dim3A_1110] : memref<128x16xf32, #tpu.memory_space<vmem>>[vector<16xi32>, vector<16xi32>], vector<16xf32>,
        %broadcast_in_dim3A_1112 = arith.constant 2 : i32
        %broadcast_in_dim3A_1113 = vector.broadcast %broadcast_in_dim3A_1112 : i32 to vector<16xi32>
        %gather3A_1114 = tpu.vector_load_idx %arg10[%add3A_1096, %broadcast_in_dim3A_1113] : memref<128x16xf32, #tpu.memory_space<vmem>>[vector<16xi32>, vector<16xi32>], vector<16xf32>,
        %sub3A_1115 = arith.subf %gather3A_1108, %gather3A_1099 : vector<16xf32>
        %sub3A_1116 = arith.subf %gather3A_1111, %gather3A_1102 : vector<16xf32>
        %sub3A_1117 = arith.subf %gather3A_1114, %gather3A_1105 : vector<16xf32>
        %mul3A_1118 = arith.mulf %sub3A_1115, %sub3A_1115 : vector<16xf32>
        %mul3A_1119 = arith.mulf %sub3A_1116, %sub3A_1116 : vector<16xf32>
        %add3A_1120 = arith.addf %mul3A_1118, %mul3A_1119 : vector<16xf32>
        %mul3A_1121 = arith.mulf %sub3A_1117, %sub3A_1117 : vector<16xf32>
        %add3A_1122 = arith.addf %add3A_1120, %mul3A_1121 : vector<16xf32>
        %add3A_1123 = arith.constant 9.99999996E-13 : f32
        %add3A_1124 = vector.broadcast %add3A_1123 : f32 to vector<16xf32>
        %add3A_1125 = arith.addf %add3A_1122, %add3A_1124 : vector<16xf32>
        %bitcast3A_1126 = vector.bitcast %add3A_1125 : vector<16xf32> to vector<16xi32>
        %shift_right_arithmetic3A_1127 = arith.constant 1 : i32
        %shift_right_arithmetic3A_1128 = vector.broadcast %shift_right_arithmetic3A_1127 : i32 to vector<16xi32>
        %shift_right_arithmetic3A_1129 = arith.shrsi %bitcast3A_1126, %shift_right_arithmetic3A_1128 : vector<16xi32>
        %sub3A_1130 = arith.constant 1597463007 : i32
        %sub3A_1131 = vector.broadcast %sub3A_1130 : i32 to vector<16xi32>
        %sub3A_1132 = arith.subi %sub3A_1131, %shift_right_arithmetic3A_1129 : vector<16xi32>
        %bitcast3A_1133 = vector.bitcast %sub3A_1132 : vector<16xi32> to vector<16xf32>
        %mul3A_1134 = arith.constant 5.000000e-01 : f32
        %mul3A_1135 = vector.broadcast %mul3A_1134 : f32 to vector<16xf32>
        %mul3A_1136 = arith.mulf %mul3A_1135, %add3A_1125 : vector<16xf32>
        %mul3A_1137 = arith.mulf %mul3A_1136, %bitcast3A_1133 : vector<16xf32>
        %mul3A_1138 = arith.mulf %mul3A_1137, %bitcast3A_1133 : vector<16xf32>
        %sub3A_1139 = arith.constant 1.500000e+00 : f32
        %sub3A_1140 = vector.broadcast %sub3A_1139 : f32 to vector<16xf32>
        %sub3A_1141 = arith.subf %sub3A_1140, %mul3A_1138 : vector<16xf32>
        %mul3A_1142 = arith.mulf %bitcast3A_1133, %sub3A_1141 : vector<16xf32>
        %mul3A_1143 = arith.mulf %mul3A_1136, %mul3A_1142 : vector<16xf32>
        %mul3A_1144 = arith.mulf %mul3A_1143, %mul3A_1142 : vector<16xf32>
        %sub3A_1145 = arith.constant 1.500000e+00 : f32
        %sub3A_1146 = vector.broadcast %sub3A_1145 : f32 to vector<16xf32>
        %sub3A_1147 = arith.subf %sub3A_1146, %mul3A_1144 : vector<16xf32>
        %mul3A_1148 = arith.mulf %mul3A_1142, %sub3A_1147 : vector<16xf32>
        %mul3A_1149 = arith.mulf %mul3A_1136, %mul3A_1148 : vector<16xf32>
        %mul3A_1150 = arith.mulf %mul3A_1149, %mul3A_1148 : vector<16xf32>
        %sub3A_1151 = arith.constant 1.500000e+00 : f32
        %sub3A_1152 = vector.broadcast %sub3A_1151 : f32 to vector<16xf32>
        %sub3A_1153 = arith.subf %sub3A_1152, %mul3A_1150 : vector<16xf32>
        %mul3A_1154 = arith.mulf %mul3A_1148, %sub3A_1153 : vector<16xf32>
        %mul3A_1155 = arith.mulf %add3A_1125, %mul3A_1154 : vector<16xf32>
        %min3A_1156 = arith.constant 6.000000e+00 : f32
        %min3A_1157 = vector.broadcast %min3A_1156 : f32 to vector<16xf32>
        %min3A_1158 = arith.minimumf %mul3A_1155, %min3A_1157 : vector<16xf32>
        %mul3A_1159 = arith.constant 0.166666672 : f32
        %mul3A_1160 = vector.broadcast %mul3A_1159 : f32 to vector<16xf32>
        %mul3A_1161 = arith.mulf %min3A_1158, %mul3A_1160 : vector<16xf32>
        %mul3A_1162 = arith.mulf %mul3A_1161, %mul3A_1161 : vector<16xf32>
        %mul3A_1163 = arith.constant 2.46740103 : f32
        %mul3A_1164 = vector.broadcast %mul3A_1163 : f32 to vector<16xf32>
        %mul3A_1165 = arith.mulf %mul3A_1164, %mul3A_1162 : vector<16xf32>
        %mul3A_1166 = arith.constant 2.08767559E-9 : f32
        %mul3A_1167 = vector.broadcast %mul3A_1166 : f32 to vector<16xf32>
        %mul3A_1168 = arith.mulf %mul3A_1167, %mul3A_1165 : vector<16xf32>
        %add3A_1169 = arith.constant -2.755732E-7 : f32
        %add3A_1170 = vector.broadcast %add3A_1169 : f32 to vector<16xf32>
        %add3A_1171 = arith.addf %mul3A_1168, %add3A_1170 : vector<16xf32>
        %mul3A_1172 = arith.mulf %add3A_1171, %mul3A_1165 : vector<16xf32>
        %add3A_1173 = arith.constant 2.48015876E-5 : f32
        %add3A_1174 = vector.broadcast %add3A_1173 : f32 to vector<16xf32>
        %add3A_1175 = arith.addf %mul3A_1172, %add3A_1174 : vector<16xf32>
        %mul3A_1176 = arith.mulf %add3A_1175, %mul3A_1165 : vector<16xf32>
        %add3A_1177 = arith.constant -0.00138888892 : f32
        %add3A_1178 = vector.broadcast %add3A_1177 : f32 to vector<16xf32>
        %add3A_1179 = arith.addf %mul3A_1176, %add3A_1178 : vector<16xf32>
        %mul3A_1180 = arith.mulf %add3A_1179, %mul3A_1165 : vector<16xf32>
        %add3A_1181 = arith.constant 0.0416666679 : f32
        %add3A_1182 = vector.broadcast %add3A_1181 : f32 to vector<16xf32>
        %add3A_1183 = arith.addf %mul3A_1180, %add3A_1182 : vector<16xf32>
        %mul3A_1184 = arith.mulf %add3A_1183, %mul3A_1165 : vector<16xf32>
        %add3A_1185 = arith.constant -5.000000e-01 : f32
        %add3A_1186 = vector.broadcast %add3A_1185 : f32 to vector<16xf32>
        %add3A_1187 = arith.addf %mul3A_1184, %add3A_1186 : vector<16xf32>
        %mul3A_1188 = arith.mulf %add3A_1187, %mul3A_1165 : vector<16xf32>
        %add3A_1189 = arith.constant 1.000000e+00 : f32
        %add3A_1190 = vector.broadcast %add3A_1189 : f32 to vector<16xf32>
        %add3A_1191 = arith.addf %mul3A_1188, %add3A_1190 : vector<16xf32>
        %lt3A_1192 = arith.constant 6.000000e+00 : f32
        %lt3A_1193 = vector.broadcast %lt3A_1192 : f32 to vector<16xf32>
        %lt3A_1194 = arith.cmpf olt, %mul3A_1155, %lt3A_1193 : vector<16xf32>
        %mul3A_1195 = arith.mulf %add3A_1191, %add3A_1191 : vector<16xf32>
        %jit3A_1196 = arith.constant 0.000000e+00 : f32
        %broadcast_in_dim3A_1197 = vector.broadcast %jit3A_1196 : f32 to vector<16xf32>
        %select_n3A_1198 = arith.select %lt3A_1194, %mul3A_1195, %broadcast_in_dim3A_1197 : vector<16xi1>, vector<16xf32>
        %mul3A_1199 = arith.mulf %sub3A_1115, %mul3A_1154 : vector<16xf32>
        %mul3A_1200 = arith.mulf %sub3A_1116, %mul3A_1154 : vector<16xf32>
        %mul3A_1201 = arith.mulf %sub3A_1117, %mul3A_1154 : vector<16xf32>
        %sub3A_1202 = arith.constant 5.000000e-01 : f32
        %sub3A_1203 = vector.broadcast %sub3A_1202 : f32 to vector<16xf32>
        %sub3A_1204 = arith.subf %min3A_1158, %sub3A_1203 : vector<16xf32>
        %mul3A_1205 = arith.mulf %sub3A_1204, %sub3A_1204 : vector<16xf32>
        %mul3A_1206 = arith.constant -4.000000e+00 : f32
        %mul3A_1207 = vector.broadcast %mul3A_1206 : f32 to vector<16xf32>
        %mul3A_1208 = arith.mulf %mul3A_1207, %mul3A_1205 : vector<16xf32>
        %exp3A_1209 = math.exp %mul3A_1208 : vector<16xf32>
        %mul3A_1210 = arith.mulf %exp3A_1209, %select_n3A_1198 : vector<16xf32>
        %broadcast_in_dim3A_1211 = arith.constant 0 : i32
        %broadcast_in_dim3A_1212 = vector.broadcast %broadcast_in_dim3A_1211 : i32 to vector<16xi32>
        tpu.vector_store_idx %arg11[%add3A_1096, %broadcast_in_dim3A_1212], %mul3A_1210 : memref<128x32xf32, #tpu.memory_space<vmem>>[vector<16xi32>, vector<16xi32>], vector<16xf32>,
        %broadcast_in_dim3A_1213 = arith.constant 8 : i32
        %broadcast_in_dim3A_1214 = vector.broadcast %broadcast_in_dim3A_1213 : i32 to vector<16xi32>
        %mul3A_1215 = arith.mulf %mul3A_1210, %mul3A_1199 : vector<16xf32>
        tpu.vector_store_idx %arg11[%add3A_1096, %broadcast_in_dim3A_1214], %mul3A_1215 : memref<128x32xf32, #tpu.memory_space<vmem>>[vector<16xi32>, vector<16xi32>], vector<16xf32>,
        %broadcast_in_dim3A_1216 = arith.constant 16 : i32
        %broadcast_in_dim3A_1217 = vector.broadcast %broadcast_in_dim3A_1216 : i32 to vector<16xi32>
        %mul3A_1218 = arith.mulf %mul3A_1210, %mul3A_1200 : vector<16xf32>
        tpu.vector_store_idx %arg11[%add3A_1096, %broadcast_in_dim3A_1217], %mul3A_1218 : memref<128x32xf32, #tpu.memory_space<vmem>>[vector<16xi32>, vector<16xi32>], vector<16xf32>,
        %broadcast_in_dim3A_1219 = arith.constant 24 : i32
        %broadcast_in_dim3A_1220 = vector.broadcast %broadcast_in_dim3A_1219 : i32 to vector<16xi32>
        %mul3A_1221 = arith.mulf %mul3A_1210, %mul3A_1201 : vector<16xf32>
        tpu.vector_store_idx %arg11[%add3A_1096, %broadcast_in_dim3A_1220], %mul3A_1221 : memref<128x32xf32, #tpu.memory_space<vmem>>[vector<16xi32>, vector<16xi32>], vector<16xf32>,
        %sub3A_1222 = arith.constant 1.28571427 : f32
        %sub3A_1223 = vector.broadcast %sub3A_1222 : f32 to vector<16xf32>
        %sub3A_1224 = arith.subf %min3A_1158, %sub3A_1223 : vector<16xf32>
        %mul3A_1225 = arith.mulf %sub3A_1224, %sub3A_1224 : vector<16xf32>
        %mul3A_1226 = arith.constant -4.000000e+00 : f32
        %mul3A_1227 = vector.broadcast %mul3A_1226 : f32 to vector<16xf32>
        %mul3A_1228 = arith.mulf %mul3A_1227, %mul3A_1225 : vector<16xf32>
        %exp3A_1229 = math.exp %mul3A_1228 : vector<16xf32>
        %mul3A_1230 = arith.mulf %exp3A_1229, %select_n3A_1198 : vector<16xf32>
        %broadcast_in_dim3A_1231 = arith.constant 1 : i32
        %broadcast_in_dim3A_1232 = vector.broadcast %broadcast_in_dim3A_1231 : i32 to vector<16xi32>
        tpu.vector_store_idx %arg11[%add3A_1096, %broadcast_in_dim3A_1232], %mul3A_1230 : memref<128x32xf32, #tpu.memory_space<vmem>>[vector<16xi32>, vector<16xi32>], vector<16xf32>,
        %broadcast_in_dim3A_1233 = arith.constant 9 : i32
        %broadcast_in_dim3A_1234 = vector.broadcast %broadcast_in_dim3A_1233 : i32 to vector<16xi32>
        %mul3A_1235 = arith.mulf %mul3A_1230, %mul3A_1199 : vector<16xf32>
        tpu.vector_store_idx %arg11[%add3A_1096, %broadcast_in_dim3A_1234], %mul3A_1235 : memref<128x32xf32, #tpu.memory_space<vmem>>[vector<16xi32>, vector<16xi32>], vector<16xf32>,
        %broadcast_in_dim3A_1236 = arith.constant 17 : i32
        %broadcast_in_dim3A_1237 = vector.broadcast %broadcast_in_dim3A_1236 : i32 to vector<16xi32>
        %mul3A_1238 = arith.mulf %mul3A_1230, %mul3A_1200 : vector<16xf32>
        tpu.vector_store_idx %arg11[%add3A_1096, %broadcast_in_dim3A_1237], %mul3A_1238 : memref<128x32xf32, #tpu.memory_space<vmem>>[vector<16xi32>, vector<16xi32>], vector<16xf32>,
        %broadcast_in_dim3A_1239 = arith.constant 25 : i32
        %broadcast_in_dim3A_1240 = vector.broadcast %broadcast_in_dim3A_1239 : i32 to vector<16xi32>
        %mul3A_1241 = arith.mulf %mul3A_1230, %mul3A_1201 : vector<16xf32>
        tpu.vector_store_idx %arg11[%add3A_1096, %broadcast_in_dim3A_1240], %mul3A_1241 : memref<128x32xf32, #tpu.memory_space<vmem>>[vector<16xi32>, vector<16xi32>], vector<16xf32>,
        %sub3A_1242 = arith.constant 2.07142854 : f32
        %sub3A_1243 = vector.broadcast %sub3A_1242 : f32 to vector<16xf32>
        %sub3A_1244 = arith.subf %min3A_1158, %sub3A_1243 : vector<16xf32>
        %mul3A_1245 = arith.mulf %sub3A_1244, %sub3A_1244 : vector<16xf32>
        %mul3A_1246 = arith.constant -4.000000e+00 : f32
        %mul3A_1247 = vector.broadcast %mul3A_1246 : f32 to vector<16xf32>
        %mul3A_1248 = arith.mulf %mul3A_1247, %mul3A_1245 : vector<16xf32>
        %exp3A_1249 = math.exp %mul3A_1248 : vector<16xf32>
        %mul3A_1250 = arith.mulf %exp3A_1249, %select_n3A_1198 : vector<16xf32>
        %broadcast_in_dim3A_1251 = arith.constant 2 : i32
        %broadcast_in_dim3A_1252 = vector.broadcast %broadcast_in_dim3A_1251 : i32 to vector<16xi32>
        tpu.vector_store_idx %arg11[%add3A_1096, %broadcast_in_dim3A_1252], %mul3A_1250 : memref<128x32xf32, #tpu.memory_space<vmem>>[vector<16xi32>, vector<16xi32>], vector<16xf32>,
        %broadcast_in_dim3A_1253 = arith.constant 10 : i32
        %broadcast_in_dim3A_1254 = vector.broadcast %broadcast_in_dim3A_1253 : i32 to vector<16xi32>
        %mul3A_1255 = arith.mulf %mul3A_1250, %mul3A_1199 : vector<16xf32>
        tpu.vector_store_idx %arg11[%add3A_1096, %broadcast_in_dim3A_1254], %mul3A_1255 : memref<128x32xf32, #tpu.memory_space<vmem>>[vector<16xi32>, vector<16xi32>], vector<16xf32>,
        %broadcast_in_dim3A_1256 = arith.constant 18 : i32
        %broadcast_in_dim3A_1257 = vector.broadcast %broadcast_in_dim3A_1256 : i32 to vector<16xi32>
        %mul3A_1258 = arith.mulf %mul3A_1250, %mul3A_1200 : vector<16xf32>
        tpu.vector_store_idx %arg11[%add3A_1096, %broadcast_in_dim3A_1257], %mul3A_1258 : memref<128x32xf32, #tpu.memory_space<vmem>>[vector<16xi32>, vector<16xi32>], vector<16xf32>,
        %broadcast_in_dim3A_1259 = arith.constant 26 : i32
        %broadcast_in_dim3A_1260 = vector.broadcast %broadcast_in_dim3A_1259 : i32 to vector<16xi32>
        %mul3A_1261 = arith.mulf %mul3A_1250, %mul3A_1201 : vector<16xf32>
        tpu.vector_store_idx %arg11[%add3A_1096, %broadcast_in_dim3A_1260], %mul3A_1261 : memref<128x32xf32, #tpu.memory_space<vmem>>[vector<16xi32>, vector<16xi32>], vector<16xf32>,
        %sub3A_1262 = arith.constant 2.85714293 : f32
        %sub3A_1263 = vector.broadcast %sub3A_1262 : f32 to vector<16xf32>
        %sub3A_1264 = arith.subf %min3A_1158, %sub3A_1263 : vector<16xf32>
        %mul3A_1265 = arith.mulf %sub3A_1264, %sub3A_1264 : vector<16xf32>
        %mul3A_1266 = arith.constant -4.000000e+00 : f32
        %mul3A_1267 = vector.broadcast %mul3A_1266 : f32 to vector<16xf32>
        %mul3A_1268 = arith.mulf %mul3A_1267, %mul3A_1265 : vector<16xf32>
        %exp3A_1269 = math.exp %mul3A_1268 : vector<16xf32>
        %mul3A_1270 = arith.mulf %exp3A_1269, %select_n3A_1198 : vector<16xf32>
        %broadcast_in_dim3A_1271 = arith.constant 3 : i32
        %broadcast_in_dim3A_1272 = vector.broadcast %broadcast_in_dim3A_1271 : i32 to vector<16xi32>
        tpu.vector_store_idx %arg11[%add3A_1096, %broadcast_in_dim3A_1272], %mul3A_1270 : memref<128x32xf32, #tpu.memory_space<vmem>>[vector<16xi32>, vector<16xi32>], vector<16xf32>,
        %broadcast_in_dim3A_1273 = arith.constant 11 : i32
        %broadcast_in_dim3A_1274 = vector.broadcast %broadcast_in_dim3A_1273 : i32 to vector<16xi32>
        %mul3A_1275 = arith.mulf %mul3A_1270, %mul3A_1199 : vector<16xf32>
        tpu.vector_store_idx %arg11[%add3A_1096, %broadcast_in_dim3A_1274], %mul3A_1275 : memref<128x32xf32, #tpu.memory_space<vmem>>[vector<16xi32>, vector<16xi32>], vector<16xf32>,
        %broadcast_in_dim3A_1276 = arith.constant 19 : i32
        %broadcast_in_dim3A_1277 = vector.broadcast %broadcast_in_dim3A_1276 : i32 to vector<16xi32>
        %mul3A_1278 = arith.mulf %mul3A_1270, %mul3A_1200 : vector<16xf32>
        tpu.vector_store_idx %arg11[%add3A_1096, %broadcast_in_dim3A_1277], %mul3A_1278 : memref<128x32xf32, #tpu.memory_space<vmem>>[vector<16xi32>, vector<16xi32>], vector<16xf32>,
        %broadcast_in_dim3A_1279 = arith.constant 27 : i32
        %broadcast_in_dim3A_1280 = vector.broadcast %broadcast_in_dim3A_1279 : i32 to vector<16xi32>
        %mul3A_1281 = arith.mulf %mul3A_1270, %mul3A_1201 : vector<16xf32>
        tpu.vector_store_idx %arg11[%add3A_1096, %broadcast_in_dim3A_1280], %mul3A_1281 : memref<128x32xf32, #tpu.memory_space<vmem>>[vector<16xi32>, vector<16xi32>], vector<16xf32>,
        %sub3A_1282 = arith.constant 3.64285707 : f32
        %sub3A_1283 = vector.broadcast %sub3A_1282 : f32 to vector<16xf32>
        %sub3A_1284 = arith.subf %min3A_1158, %sub3A_1283 : vector<16xf32>
        %mul3A_1285 = arith.mulf %sub3A_1284, %sub3A_1284 : vector<16xf32>
        %mul3A_1286 = arith.constant -4.000000e+00 : f32
        %mul3A_1287 = vector.broadcast %mul3A_1286 : f32 to vector<16xf32>
        %mul3A_1288 = arith.mulf %mul3A_1287, %mul3A_1285 : vector<16xf32>
        %exp3A_1289 = math.exp %mul3A_1288 : vector<16xf32>
        %mul3A_1290 = arith.mulf %exp3A_1289, %select_n3A_1198 : vector<16xf32>
        %broadcast_in_dim3A_1291 = arith.constant 4 : i32
        %broadcast_in_dim3A_1292 = vector.broadcast %broadcast_in_dim3A_1291 : i32 to vector<16xi32>
        tpu.vector_store_idx %arg11[%add3A_1096, %broadcast_in_dim3A_1292], %mul3A_1290 : memref<128x32xf32, #tpu.memory_space<vmem>>[vector<16xi32>, vector<16xi32>], vector<16xf32>,
        %broadcast_in_dim3A_1293 = arith.constant 12 : i32
        %broadcast_in_dim3A_1294 = vector.broadcast %broadcast_in_dim3A_1293 : i32 to vector<16xi32>
        %mul3A_1295 = arith.mulf %mul3A_1290, %mul3A_1199 : vector<16xf32>
        tpu.vector_store_idx %arg11[%add3A_1096, %broadcast_in_dim3A_1294], %mul3A_1295 : memref<128x32xf32, #tpu.memory_space<vmem>>[vector<16xi32>, vector<16xi32>], vector<16xf32>,
        %broadcast_in_dim3A_1296 = arith.constant 20 : i32
        %broadcast_in_dim3A_1297 = vector.broadcast %broadcast_in_dim3A_1296 : i32 to vector<16xi32>
        %mul3A_1298 = arith.mulf %mul3A_1290, %mul3A_1200 : vector<16xf32>
        tpu.vector_store_idx %arg11[%add3A_1096, %broadcast_in_dim3A_1297], %mul3A_1298 : memref<128x32xf32, #tpu.memory_space<vmem>>[vector<16xi32>, vector<16xi32>], vector<16xf32>,
        %broadcast_in_dim3A_1299 = arith.constant 28 : i32
        %broadcast_in_dim3A_1300 = vector.broadcast %broadcast_in_dim3A_1299 : i32 to vector<16xi32>
        %mul3A_1301 = arith.mulf %mul3A_1290, %mul3A_1201 : vector<16xf32>
        tpu.vector_store_idx %arg11[%add3A_1096, %broadcast_in_dim3A_1300], %mul3A_1301 : memref<128x32xf32, #tpu.memory_space<vmem>>[vector<16xi32>, vector<16xi32>], vector<16xf32>,
        %sub3A_1302 = arith.constant 4.42857122 : f32
        %sub3A_1303 = vector.broadcast %sub3A_1302 : f32 to vector<16xf32>
        %sub3A_1304 = arith.subf %min3A_1158, %sub3A_1303 : vector<16xf32>
        %mul3A_1305 = arith.mulf %sub3A_1304, %sub3A_1304 : vector<16xf32>
        %mul3A_1306 = arith.constant -4.000000e+00 : f32
        %mul3A_1307 = vector.broadcast %mul3A_1306 : f32 to vector<16xf32>
        %mul3A_1308 = arith.mulf %mul3A_1307, %mul3A_1305 : vector<16xf32>
        %exp3A_1309 = math.exp %mul3A_1308 : vector<16xf32>
        %mul3A_1310 = arith.mulf %exp3A_1309, %select_n3A_1198 : vector<16xf32>
        %broadcast_in_dim3A_1311 = arith.constant 5 : i32
        %broadcast_in_dim3A_1312 = vector.broadcast %broadcast_in_dim3A_1311 : i32 to vector<16xi32>
        tpu.vector_store_idx %arg11[%add3A_1096, %broadcast_in_dim3A_1312], %mul3A_1310 : memref<128x32xf32, #tpu.memory_space<vmem>>[vector<16xi32>, vector<16xi32>], vector<16xf32>,
        %broadcast_in_dim3A_1313 = arith.constant 13 : i32
        %broadcast_in_dim3A_1314 = vector.broadcast %broadcast_in_dim3A_1313 : i32 to vector<16xi32>
        %mul3A_1315 = arith.mulf %mul3A_1310, %mul3A_1199 : vector<16xf32>
        tpu.vector_store_idx %arg11[%add3A_1096, %broadcast_in_dim3A_1314], %mul3A_1315 : memref<128x32xf32, #tpu.memory_space<vmem>>[vector<16xi32>, vector<16xi32>], vector<16xf32>,
        %broadcast_in_dim3A_1316 = arith.constant 21 : i32
        %broadcast_in_dim3A_1317 = vector.broadcast %broadcast_in_dim3A_1316 : i32 to vector<16xi32>
        %mul3A_1318 = arith.mulf %mul3A_1310, %mul3A_1200 : vector<16xf32>
        tpu.vector_store_idx %arg11[%add3A_1096, %broadcast_in_dim3A_1317], %mul3A_1318 : memref<128x32xf32, #tpu.memory_space<vmem>>[vector<16xi32>, vector<16xi32>], vector<16xf32>,
        %broadcast_in_dim3A_1319 = arith.constant 29 : i32
        %broadcast_in_dim3A_1320 = vector.broadcast %broadcast_in_dim3A_1319 : i32 to vector<16xi32>
        %mul3A_1321 = arith.mulf %mul3A_1310, %mul3A_1201 : vector<16xf32>
        tpu.vector_store_idx %arg11[%add3A_1096, %broadcast_in_dim3A_1320], %mul3A_1321 : memref<128x32xf32, #tpu.memory_space<vmem>>[vector<16xi32>, vector<16xi32>], vector<16xf32>,
        %sub3A_1322 = arith.constant 5.21428585 : f32
        %sub3A_1323 = vector.broadcast %sub3A_1322 : f32 to vector<16xf32>
        %sub3A_1324 = arith.subf %min3A_1158, %sub3A_1323 : vector<16xf32>
        %mul3A_1325 = arith.mulf %sub3A_1324, %sub3A_1324 : vector<16xf32>
        %mul3A_1326 = arith.constant -4.000000e+00 : f32
        %mul3A_1327 = vector.broadcast %mul3A_1326 : f32 to vector<16xf32>
        %mul3A_1328 = arith.mulf %mul3A_1327, %mul3A_1325 : vector<16xf32>
        %exp3A_1329 = math.exp %mul3A_1328 : vector<16xf32>
        %mul3A_1330 = arith.mulf %exp3A_1329, %select_n3A_1198 : vector<16xf32>
        %broadcast_in_dim3A_1331 = arith.constant 6 : i32
        %broadcast_in_dim3A_1332 = vector.broadcast %broadcast_in_dim3A_1331 : i32 to vector<16xi32>
        tpu.vector_store_idx %arg11[%add3A_1096, %broadcast_in_dim3A_1332], %mul3A_1330 : memref<128x32xf32, #tpu.memory_space<vmem>>[vector<16xi32>, vector<16xi32>], vector<16xf32>,
        %broadcast_in_dim3A_1333 = arith.constant 14 : i32
        %broadcast_in_dim3A_1334 = vector.broadcast %broadcast_in_dim3A_1333 : i32 to vector<16xi32>
        %mul3A_1335 = arith.mulf %mul3A_1330, %mul3A_1199 : vector<16xf32>
        tpu.vector_store_idx %arg11[%add3A_1096, %broadcast_in_dim3A_1334], %mul3A_1335 : memref<128x32xf32, #tpu.memory_space<vmem>>[vector<16xi32>, vector<16xi32>], vector<16xf32>,
        %broadcast_in_dim3A_1336 = arith.constant 22 : i32
        %broadcast_in_dim3A_1337 = vector.broadcast %broadcast_in_dim3A_1336 : i32 to vector<16xi32>
        %mul3A_1338 = arith.mulf %mul3A_1330, %mul3A_1200 : vector<16xf32>
        tpu.vector_store_idx %arg11[%add3A_1096, %broadcast_in_dim3A_1337], %mul3A_1338 : memref<128x32xf32, #tpu.memory_space<vmem>>[vector<16xi32>, vector<16xi32>], vector<16xf32>,
        %broadcast_in_dim3A_1339 = arith.constant 30 : i32
        %broadcast_in_dim3A_1340 = vector.broadcast %broadcast_in_dim3A_1339 : i32 to vector<16xi32>
        %mul3A_1341 = arith.mulf %mul3A_1330, %mul3A_1201 : vector<16xf32>
        tpu.vector_store_idx %arg11[%add3A_1096, %broadcast_in_dim3A_1340], %mul3A_1341 : memref<128x32xf32, #tpu.memory_space<vmem>>[vector<16xi32>, vector<16xi32>], vector<16xf32>,
        %sub3A_1342 = arith.constant 6.000000e+00 : f32
        %sub3A_1343 = vector.broadcast %sub3A_1342 : f32 to vector<16xf32>
        %sub3A_1344 = arith.subf %min3A_1158, %sub3A_1343 : vector<16xf32>
        %mul3A_1345 = arith.mulf %sub3A_1344, %sub3A_1344 : vector<16xf32>
        %mul3A_1346 = arith.constant -4.000000e+00 : f32
        %mul3A_1347 = vector.broadcast %mul3A_1346 : f32 to vector<16xf32>
        %mul3A_1348 = arith.mulf %mul3A_1347, %mul3A_1345 : vector<16xf32>
        %exp3A_1349 = math.exp %mul3A_1348 : vector<16xf32>
        %mul3A_1350 = arith.mulf %exp3A_1349, %select_n3A_1198 : vector<16xf32>
        %broadcast_in_dim3A_1351 = arith.constant 7 : i32
        %broadcast_in_dim3A_1352 = vector.broadcast %broadcast_in_dim3A_1351 : i32 to vector<16xi32>
        tpu.vector_store_idx %arg11[%add3A_1096, %broadcast_in_dim3A_1352], %mul3A_1350 : memref<128x32xf32, #tpu.memory_space<vmem>>[vector<16xi32>, vector<16xi32>], vector<16xf32>,
        %broadcast_in_dim3A_1353 = arith.constant 15 : i32
        %broadcast_in_dim3A_1354 = vector.broadcast %broadcast_in_dim3A_1353 : i32 to vector<16xi32>
        %mul3A_1355 = arith.mulf %mul3A_1350, %mul3A_1199 : vector<16xf32>
        tpu.vector_store_idx %arg11[%add3A_1096, %broadcast_in_dim3A_1354], %mul3A_1355 : memref<128x32xf32, #tpu.memory_space<vmem>>[vector<16xi32>, vector<16xi32>], vector<16xf32>,
        %broadcast_in_dim3A_1356 = arith.constant 23 : i32
        %broadcast_in_dim3A_1357 = vector.broadcast %broadcast_in_dim3A_1356 : i32 to vector<16xi32>
        %mul3A_1358 = arith.mulf %mul3A_1350, %mul3A_1200 : vector<16xf32>
        tpu.vector_store_idx %arg11[%add3A_1096, %broadcast_in_dim3A_1357], %mul3A_1358 : memref<128x32xf32, #tpu.memory_space<vmem>>[vector<16xi32>, vector<16xi32>], vector<16xf32>,
        %broadcast_in_dim3A_1359 = arith.constant 31 : i32
        %broadcast_in_dim3A_1360 = vector.broadcast %broadcast_in_dim3A_1359 : i32 to vector<16xi32>
        %mul3A_1361 = arith.mulf %mul3A_1350, %mul3A_1201 : vector<16xf32>
        tpu.vector_store_idx %arg11[%add3A_1096, %broadcast_in_dim3A_1360], %mul3A_1361 : memref<128x32xf32, #tpu.memory_space<vmem>>[vector<16xi32>, vector<16xi32>], vector<16xf32>,
        %add3A_1362 = arith.constant 80 : i32
        %add3A_1363 = vector.broadcast %add3A_1362 : i32 to vector<16xi32>
        %add3A_1364 = arith.addi %iota3A, %add3A_1363 : vector<16xi32>
        %broadcast_in_dim3A_1365 = arith.constant 0 : i32
        %broadcast_in_dim3A_1366 = vector.broadcast %broadcast_in_dim3A_1365 : i32 to vector<16xi32>
        %gather3A_1367 = tpu.vector_load_idx %arg9[%add3A_1364, %broadcast_in_dim3A_1366] : memref<128x16xf32, #tpu.memory_space<vmem>>[vector<16xi32>, vector<16xi32>], vector<16xf32>,
        %broadcast_in_dim3A_1368 = arith.constant 1 : i32
        %broadcast_in_dim3A_1369 = vector.broadcast %broadcast_in_dim3A_1368 : i32 to vector<16xi32>
        %gather3A_1370 = tpu.vector_load_idx %arg9[%add3A_1364, %broadcast_in_dim3A_1369] : memref<128x16xf32, #tpu.memory_space<vmem>>[vector<16xi32>, vector<16xi32>], vector<16xf32>,
        %broadcast_in_dim3A_1371 = arith.constant 2 : i32
        %broadcast_in_dim3A_1372 = vector.broadcast %broadcast_in_dim3A_1371 : i32 to vector<16xi32>
        %gather3A_1373 = tpu.vector_load_idx %arg9[%add3A_1364, %broadcast_in_dim3A_1372] : memref<128x16xf32, #tpu.memory_space<vmem>>[vector<16xi32>, vector<16xi32>], vector<16xf32>,
        %broadcast_in_dim3A_1374 = arith.constant 0 : i32
        %broadcast_in_dim3A_1375 = vector.broadcast %broadcast_in_dim3A_1374 : i32 to vector<16xi32>
        %gather3A_1376 = tpu.vector_load_idx %arg10[%add3A_1364, %broadcast_in_dim3A_1375] : memref<128x16xf32, #tpu.memory_space<vmem>>[vector<16xi32>, vector<16xi32>], vector<16xf32>,
        %broadcast_in_dim3A_1377 = arith.constant 1 : i32
        %broadcast_in_dim3A_1378 = vector.broadcast %broadcast_in_dim3A_1377 : i32 to vector<16xi32>
        %gather3A_1379 = tpu.vector_load_idx %arg10[%add3A_1364, %broadcast_in_dim3A_1378] : memref<128x16xf32, #tpu.memory_space<vmem>>[vector<16xi32>, vector<16xi32>], vector<16xf32>,
        %broadcast_in_dim3A_1380 = arith.constant 2 : i32
        %broadcast_in_dim3A_1381 = vector.broadcast %broadcast_in_dim3A_1380 : i32 to vector<16xi32>
        %gather3A_1382 = tpu.vector_load_idx %arg10[%add3A_1364, %broadcast_in_dim3A_1381] : memref<128x16xf32, #tpu.memory_space<vmem>>[vector<16xi32>, vector<16xi32>], vector<16xf32>,
        %sub3A_1383 = arith.subf %gather3A_1376, %gather3A_1367 : vector<16xf32>
        %sub3A_1384 = arith.subf %gather3A_1379, %gather3A_1370 : vector<16xf32>
        %sub3A_1385 = arith.subf %gather3A_1382, %gather3A_1373 : vector<16xf32>
        %mul3A_1386 = arith.mulf %sub3A_1383, %sub3A_1383 : vector<16xf32>
        %mul3A_1387 = arith.mulf %sub3A_1384, %sub3A_1384 : vector<16xf32>
        %add3A_1388 = arith.addf %mul3A_1386, %mul3A_1387 : vector<16xf32>
        %mul3A_1389 = arith.mulf %sub3A_1385, %sub3A_1385 : vector<16xf32>
        %add3A_1390 = arith.addf %add3A_1388, %mul3A_1389 : vector<16xf32>
        %add3A_1391 = arith.constant 9.99999996E-13 : f32
        %add3A_1392 = vector.broadcast %add3A_1391 : f32 to vector<16xf32>
        %add3A_1393 = arith.addf %add3A_1390, %add3A_1392 : vector<16xf32>
        %bitcast3A_1394 = vector.bitcast %add3A_1393 : vector<16xf32> to vector<16xi32>
        %shift_right_arithmetic3A_1395 = arith.constant 1 : i32
        %shift_right_arithmetic3A_1396 = vector.broadcast %shift_right_arithmetic3A_1395 : i32 to vector<16xi32>
        %shift_right_arithmetic3A_1397 = arith.shrsi %bitcast3A_1394, %shift_right_arithmetic3A_1396 : vector<16xi32>
        %sub3A_1398 = arith.constant 1597463007 : i32
        %sub3A_1399 = vector.broadcast %sub3A_1398 : i32 to vector<16xi32>
        %sub3A_1400 = arith.subi %sub3A_1399, %shift_right_arithmetic3A_1397 : vector<16xi32>
        %bitcast3A_1401 = vector.bitcast %sub3A_1400 : vector<16xi32> to vector<16xf32>
        %mul3A_1402 = arith.constant 5.000000e-01 : f32
        %mul3A_1403 = vector.broadcast %mul3A_1402 : f32 to vector<16xf32>
        %mul3A_1404 = arith.mulf %mul3A_1403, %add3A_1393 : vector<16xf32>
        %mul3A_1405 = arith.mulf %mul3A_1404, %bitcast3A_1401 : vector<16xf32>
        %mul3A_1406 = arith.mulf %mul3A_1405, %bitcast3A_1401 : vector<16xf32>
        %sub3A_1407 = arith.constant 1.500000e+00 : f32
        %sub3A_1408 = vector.broadcast %sub3A_1407 : f32 to vector<16xf32>
        %sub3A_1409 = arith.subf %sub3A_1408, %mul3A_1406 : vector<16xf32>
        %mul3A_1410 = arith.mulf %bitcast3A_1401, %sub3A_1409 : vector<16xf32>
        %mul3A_1411 = arith.mulf %mul3A_1404, %mul3A_1410 : vector<16xf32>
        %mul3A_1412 = arith.mulf %mul3A_1411, %mul3A_1410 : vector<16xf32>
        %sub3A_1413 = arith.constant 1.500000e+00 : f32
        %sub3A_1414 = vector.broadcast %sub3A_1413 : f32 to vector<16xf32>
        %sub3A_1415 = arith.subf %sub3A_1414, %mul3A_1412 : vector<16xf32>
        %mul3A_1416 = arith.mulf %mul3A_1410, %sub3A_1415 : vector<16xf32>
        %mul3A_1417 = arith.mulf %mul3A_1404, %mul3A_1416 : vector<16xf32>
        %mul3A_1418 = arith.mulf %mul3A_1417, %mul3A_1416 : vector<16xf32>
        %sub3A_1419 = arith.constant 1.500000e+00 : f32
        %sub3A_1420 = vector.broadcast %sub3A_1419 : f32 to vector<16xf32>
        %sub3A_1421 = arith.subf %sub3A_1420, %mul3A_1418 : vector<16xf32>
        %mul3A_1422 = arith.mulf %mul3A_1416, %sub3A_1421 : vector<16xf32>
        %mul3A_1423 = arith.mulf %add3A_1393, %mul3A_1422 : vector<16xf32>
        %min3A_1424 = arith.constant 6.000000e+00 : f32
        %min3A_1425 = vector.broadcast %min3A_1424 : f32 to vector<16xf32>
        %min3A_1426 = arith.minimumf %mul3A_1423, %min3A_1425 : vector<16xf32>
        %mul3A_1427 = arith.constant 0.166666672 : f32
        %mul3A_1428 = vector.broadcast %mul3A_1427 : f32 to vector<16xf32>
        %mul3A_1429 = arith.mulf %min3A_1426, %mul3A_1428 : vector<16xf32>
        %mul3A_1430 = arith.mulf %mul3A_1429, %mul3A_1429 : vector<16xf32>
        %mul3A_1431 = arith.constant 2.46740103 : f32
        %mul3A_1432 = vector.broadcast %mul3A_1431 : f32 to vector<16xf32>
        %mul3A_1433 = arith.mulf %mul3A_1432, %mul3A_1430 : vector<16xf32>
        %mul3A_1434 = arith.constant 2.08767559E-9 : f32
        %mul3A_1435 = vector.broadcast %mul3A_1434 : f32 to vector<16xf32>
        %mul3A_1436 = arith.mulf %mul3A_1435, %mul3A_1433 : vector<16xf32>
        %add3A_1437 = arith.constant -2.755732E-7 : f32
        %add3A_1438 = vector.broadcast %add3A_1437 : f32 to vector<16xf32>
        %add3A_1439 = arith.addf %mul3A_1436, %add3A_1438 : vector<16xf32>
        %mul3A_1440 = arith.mulf %add3A_1439, %mul3A_1433 : vector<16xf32>
        %add3A_1441 = arith.constant 2.48015876E-5 : f32
        %add3A_1442 = vector.broadcast %add3A_1441 : f32 to vector<16xf32>
        %add3A_1443 = arith.addf %mul3A_1440, %add3A_1442 : vector<16xf32>
        %mul3A_1444 = arith.mulf %add3A_1443, %mul3A_1433 : vector<16xf32>
        %add3A_1445 = arith.constant -0.00138888892 : f32
        %add3A_1446 = vector.broadcast %add3A_1445 : f32 to vector<16xf32>
        %add3A_1447 = arith.addf %mul3A_1444, %add3A_1446 : vector<16xf32>
        %mul3A_1448 = arith.mulf %add3A_1447, %mul3A_1433 : vector<16xf32>
        %add3A_1449 = arith.constant 0.0416666679 : f32
        %add3A_1450 = vector.broadcast %add3A_1449 : f32 to vector<16xf32>
        %add3A_1451 = arith.addf %mul3A_1448, %add3A_1450 : vector<16xf32>
        %mul3A_1452 = arith.mulf %add3A_1451, %mul3A_1433 : vector<16xf32>
        %add3A_1453 = arith.constant -5.000000e-01 : f32
        %add3A_1454 = vector.broadcast %add3A_1453 : f32 to vector<16xf32>
        %add3A_1455 = arith.addf %mul3A_1452, %add3A_1454 : vector<16xf32>
        %mul3A_1456 = arith.mulf %add3A_1455, %mul3A_1433 : vector<16xf32>
        %add3A_1457 = arith.constant 1.000000e+00 : f32
        %add3A_1458 = vector.broadcast %add3A_1457 : f32 to vector<16xf32>
        %add3A_1459 = arith.addf %mul3A_1456, %add3A_1458 : vector<16xf32>
        %lt3A_1460 = arith.constant 6.000000e+00 : f32
        %lt3A_1461 = vector.broadcast %lt3A_1460 : f32 to vector<16xf32>
        %lt3A_1462 = arith.cmpf olt, %mul3A_1423, %lt3A_1461 : vector<16xf32>
        %mul3A_1463 = arith.mulf %add3A_1459, %add3A_1459 : vector<16xf32>
        %jit3A_1464 = arith.constant 0.000000e+00 : f32
        %broadcast_in_dim3A_1465 = vector.broadcast %jit3A_1464 : f32 to vector<16xf32>
        %select_n3A_1466 = arith.select %lt3A_1462, %mul3A_1463, %broadcast_in_dim3A_1465 : vector<16xi1>, vector<16xf32>
        %mul3A_1467 = arith.mulf %sub3A_1383, %mul3A_1422 : vector<16xf32>
        %mul3A_1468 = arith.mulf %sub3A_1384, %mul3A_1422 : vector<16xf32>
        %mul3A_1469 = arith.mulf %sub3A_1385, %mul3A_1422 : vector<16xf32>
        %sub3A_1470 = arith.constant 5.000000e-01 : f32
        %sub3A_1471 = vector.broadcast %sub3A_1470 : f32 to vector<16xf32>
        %sub3A_1472 = arith.subf %min3A_1426, %sub3A_1471 : vector<16xf32>
        %mul3A_1473 = arith.mulf %sub3A_1472, %sub3A_1472 : vector<16xf32>
        %mul3A_1474 = arith.constant -4.000000e+00 : f32
        %mul3A_1475 = vector.broadcast %mul3A_1474 : f32 to vector<16xf32>
        %mul3A_1476 = arith.mulf %mul3A_1475, %mul3A_1473 : vector<16xf32>
        %exp3A_1477 = math.exp %mul3A_1476 : vector<16xf32>
        %mul3A_1478 = arith.mulf %exp3A_1477, %select_n3A_1466 : vector<16xf32>
        %broadcast_in_dim3A_1479 = arith.constant 0 : i32
        %broadcast_in_dim3A_1480 = vector.broadcast %broadcast_in_dim3A_1479 : i32 to vector<16xi32>
        tpu.vector_store_idx %arg11[%add3A_1364, %broadcast_in_dim3A_1480], %mul3A_1478 : memref<128x32xf32, #tpu.memory_space<vmem>>[vector<16xi32>, vector<16xi32>], vector<16xf32>,
        %broadcast_in_dim3A_1481 = arith.constant 8 : i32
        %broadcast_in_dim3A_1482 = vector.broadcast %broadcast_in_dim3A_1481 : i32 to vector<16xi32>
        %mul3A_1483 = arith.mulf %mul3A_1478, %mul3A_1467 : vector<16xf32>
        tpu.vector_store_idx %arg11[%add3A_1364, %broadcast_in_dim3A_1482], %mul3A_1483 : memref<128x32xf32, #tpu.memory_space<vmem>>[vector<16xi32>, vector<16xi32>], vector<16xf32>,
        %broadcast_in_dim3A_1484 = arith.constant 16 : i32
        %broadcast_in_dim3A_1485 = vector.broadcast %broadcast_in_dim3A_1484 : i32 to vector<16xi32>
        %mul3A_1486 = arith.mulf %mul3A_1478, %mul3A_1468 : vector<16xf32>
        tpu.vector_store_idx %arg11[%add3A_1364, %broadcast_in_dim3A_1485], %mul3A_1486 : memref<128x32xf32, #tpu.memory_space<vmem>>[vector<16xi32>, vector<16xi32>], vector<16xf32>,
        %broadcast_in_dim3A_1487 = arith.constant 24 : i32
        %broadcast_in_dim3A_1488 = vector.broadcast %broadcast_in_dim3A_1487 : i32 to vector<16xi32>
        %mul3A_1489 = arith.mulf %mul3A_1478, %mul3A_1469 : vector<16xf32>
        tpu.vector_store_idx %arg11[%add3A_1364, %broadcast_in_dim3A_1488], %mul3A_1489 : memref<128x32xf32, #tpu.memory_space<vmem>>[vector<16xi32>, vector<16xi32>], vector<16xf32>,
        %sub3A_1490 = arith.constant 1.28571427 : f32
        %sub3A_1491 = vector.broadcast %sub3A_1490 : f32 to vector<16xf32>
        %sub3A_1492 = arith.subf %min3A_1426, %sub3A_1491 : vector<16xf32>
        %mul3A_1493 = arith.mulf %sub3A_1492, %sub3A_1492 : vector<16xf32>
        %mul3A_1494 = arith.constant -4.000000e+00 : f32
        %mul3A_1495 = vector.broadcast %mul3A_1494 : f32 to vector<16xf32>
        %mul3A_1496 = arith.mulf %mul3A_1495, %mul3A_1493 : vector<16xf32>
        %exp3A_1497 = math.exp %mul3A_1496 : vector<16xf32>
        %mul3A_1498 = arith.mulf %exp3A_1497, %select_n3A_1466 : vector<16xf32>
        %broadcast_in_dim3A_1499 = arith.constant 1 : i32
        %broadcast_in_dim3A_1500 = vector.broadcast %broadcast_in_dim3A_1499 : i32 to vector<16xi32>
        tpu.vector_store_idx %arg11[%add3A_1364, %broadcast_in_dim3A_1500], %mul3A_1498 : memref<128x32xf32, #tpu.memory_space<vmem>>[vector<16xi32>, vector<16xi32>], vector<16xf32>,
        %broadcast_in_dim3A_1501 = arith.constant 9 : i32
        %broadcast_in_dim3A_1502 = vector.broadcast %broadcast_in_dim3A_1501 : i32 to vector<16xi32>
        %mul3A_1503 = arith.mulf %mul3A_1498, %mul3A_1467 : vector<16xf32>
        tpu.vector_store_idx %arg11[%add3A_1364, %broadcast_in_dim3A_1502], %mul3A_1503 : memref<128x32xf32, #tpu.memory_space<vmem>>[vector<16xi32>, vector<16xi32>], vector<16xf32>,
        %broadcast_in_dim3A_1504 = arith.constant 17 : i32
        %broadcast_in_dim3A_1505 = vector.broadcast %broadcast_in_dim3A_1504 : i32 to vector<16xi32>
        %mul3A_1506 = arith.mulf %mul3A_1498, %mul3A_1468 : vector<16xf32>
        tpu.vector_store_idx %arg11[%add3A_1364, %broadcast_in_dim3A_1505], %mul3A_1506 : memref<128x32xf32, #tpu.memory_space<vmem>>[vector<16xi32>, vector<16xi32>], vector<16xf32>,
        %broadcast_in_dim3A_1507 = arith.constant 25 : i32
        %broadcast_in_dim3A_1508 = vector.broadcast %broadcast_in_dim3A_1507 : i32 to vector<16xi32>
        %mul3A_1509 = arith.mulf %mul3A_1498, %mul3A_1469 : vector<16xf32>
        tpu.vector_store_idx %arg11[%add3A_1364, %broadcast_in_dim3A_1508], %mul3A_1509 : memref<128x32xf32, #tpu.memory_space<vmem>>[vector<16xi32>, vector<16xi32>], vector<16xf32>,
        %sub3A_1510 = arith.constant 2.07142854 : f32
        %sub3A_1511 = vector.broadcast %sub3A_1510 : f32 to vector<16xf32>
        %sub3A_1512 = arith.subf %min3A_1426, %sub3A_1511 : vector<16xf32>
        %mul3A_1513 = arith.mulf %sub3A_1512, %sub3A_1512 : vector<16xf32>
        %mul3A_1514 = arith.constant -4.000000e+00 : f32
        %mul3A_1515 = vector.broadcast %mul3A_1514 : f32 to vector<16xf32>
        %mul3A_1516 = arith.mulf %mul3A_1515, %mul3A_1513 : vector<16xf32>
        %exp3A_1517 = math.exp %mul3A_1516 : vector<16xf32>
        %mul3A_1518 = arith.mulf %exp3A_1517, %select_n3A_1466 : vector<16xf32>
        %broadcast_in_dim3A_1519 = arith.constant 2 : i32
        %broadcast_in_dim3A_1520 = vector.broadcast %broadcast_in_dim3A_1519 : i32 to vector<16xi32>
        tpu.vector_store_idx %arg11[%add3A_1364, %broadcast_in_dim3A_1520], %mul3A_1518 : memref<128x32xf32, #tpu.memory_space<vmem>>[vector<16xi32>, vector<16xi32>], vector<16xf32>,
        %broadcast_in_dim3A_1521 = arith.constant 10 : i32
        %broadcast_in_dim3A_1522 = vector.broadcast %broadcast_in_dim3A_1521 : i32 to vector<16xi32>
        %mul3A_1523 = arith.mulf %mul3A_1518, %mul3A_1467 : vector<16xf32>
        tpu.vector_store_idx %arg11[%add3A_1364, %broadcast_in_dim3A_1522], %mul3A_1523 : memref<128x32xf32, #tpu.memory_space<vmem>>[vector<16xi32>, vector<16xi32>], vector<16xf32>,
        %broadcast_in_dim3A_1524 = arith.constant 18 : i32
        %broadcast_in_dim3A_1525 = vector.broadcast %broadcast_in_dim3A_1524 : i32 to vector<16xi32>
        %mul3A_1526 = arith.mulf %mul3A_1518, %mul3A_1468 : vector<16xf32>
        tpu.vector_store_idx %arg11[%add3A_1364, %broadcast_in_dim3A_1525], %mul3A_1526 : memref<128x32xf32, #tpu.memory_space<vmem>>[vector<16xi32>, vector<16xi32>], vector<16xf32>,
        %broadcast_in_dim3A_1527 = arith.constant 26 : i32
        %broadcast_in_dim3A_1528 = vector.broadcast %broadcast_in_dim3A_1527 : i32 to vector<16xi32>
        %mul3A_1529 = arith.mulf %mul3A_1518, %mul3A_1469 : vector<16xf32>
        tpu.vector_store_idx %arg11[%add3A_1364, %broadcast_in_dim3A_1528], %mul3A_1529 : memref<128x32xf32, #tpu.memory_space<vmem>>[vector<16xi32>, vector<16xi32>], vector<16xf32>,
        %sub3A_1530 = arith.constant 2.85714293 : f32
        %sub3A_1531 = vector.broadcast %sub3A_1530 : f32 to vector<16xf32>
        %sub3A_1532 = arith.subf %min3A_1426, %sub3A_1531 : vector<16xf32>
        %mul3A_1533 = arith.mulf %sub3A_1532, %sub3A_1532 : vector<16xf32>
        %mul3A_1534 = arith.constant -4.000000e+00 : f32
        %mul3A_1535 = vector.broadcast %mul3A_1534 : f32 to vector<16xf32>
        %mul3A_1536 = arith.mulf %mul3A_1535, %mul3A_1533 : vector<16xf32>
        %exp3A_1537 = math.exp %mul3A_1536 : vector<16xf32>
        %mul3A_1538 = arith.mulf %exp3A_1537, %select_n3A_1466 : vector<16xf32>
        %broadcast_in_dim3A_1539 = arith.constant 3 : i32
        %broadcast_in_dim3A_1540 = vector.broadcast %broadcast_in_dim3A_1539 : i32 to vector<16xi32>
        tpu.vector_store_idx %arg11[%add3A_1364, %broadcast_in_dim3A_1540], %mul3A_1538 : memref<128x32xf32, #tpu.memory_space<vmem>>[vector<16xi32>, vector<16xi32>], vector<16xf32>,
        %broadcast_in_dim3A_1541 = arith.constant 11 : i32
        %broadcast_in_dim3A_1542 = vector.broadcast %broadcast_in_dim3A_1541 : i32 to vector<16xi32>
        %mul3A_1543 = arith.mulf %mul3A_1538, %mul3A_1467 : vector<16xf32>
        tpu.vector_store_idx %arg11[%add3A_1364, %broadcast_in_dim3A_1542], %mul3A_1543 : memref<128x32xf32, #tpu.memory_space<vmem>>[vector<16xi32>, vector<16xi32>], vector<16xf32>,
        %broadcast_in_dim3A_1544 = arith.constant 19 : i32
        %broadcast_in_dim3A_1545 = vector.broadcast %broadcast_in_dim3A_1544 : i32 to vector<16xi32>
        %mul3A_1546 = arith.mulf %mul3A_1538, %mul3A_1468 : vector<16xf32>
        tpu.vector_store_idx %arg11[%add3A_1364, %broadcast_in_dim3A_1545], %mul3A_1546 : memref<128x32xf32, #tpu.memory_space<vmem>>[vector<16xi32>, vector<16xi32>], vector<16xf32>,
        %broadcast_in_dim3A_1547 = arith.constant 27 : i32
        %broadcast_in_dim3A_1548 = vector.broadcast %broadcast_in_dim3A_1547 : i32 to vector<16xi32>
        %mul3A_1549 = arith.mulf %mul3A_1538, %mul3A_1469 : vector<16xf32>
        tpu.vector_store_idx %arg11[%add3A_1364, %broadcast_in_dim3A_1548], %mul3A_1549 : memref<128x32xf32, #tpu.memory_space<vmem>>[vector<16xi32>, vector<16xi32>], vector<16xf32>,
        %sub3A_1550 = arith.constant 3.64285707 : f32
        %sub3A_1551 = vector.broadcast %sub3A_1550 : f32 to vector<16xf32>
        %sub3A_1552 = arith.subf %min3A_1426, %sub3A_1551 : vector<16xf32>
        %mul3A_1553 = arith.mulf %sub3A_1552, %sub3A_1552 : vector<16xf32>
        %mul3A_1554 = arith.constant -4.000000e+00 : f32
        %mul3A_1555 = vector.broadcast %mul3A_1554 : f32 to vector<16xf32>
        %mul3A_1556 = arith.mulf %mul3A_1555, %mul3A_1553 : vector<16xf32>
        %exp3A_1557 = math.exp %mul3A_1556 : vector<16xf32>
        %mul3A_1558 = arith.mulf %exp3A_1557, %select_n3A_1466 : vector<16xf32>
        %broadcast_in_dim3A_1559 = arith.constant 4 : i32
        %broadcast_in_dim3A_1560 = vector.broadcast %broadcast_in_dim3A_1559 : i32 to vector<16xi32>
        tpu.vector_store_idx %arg11[%add3A_1364, %broadcast_in_dim3A_1560], %mul3A_1558 : memref<128x32xf32, #tpu.memory_space<vmem>>[vector<16xi32>, vector<16xi32>], vector<16xf32>,
        %broadcast_in_dim3A_1561 = arith.constant 12 : i32
        %broadcast_in_dim3A_1562 = vector.broadcast %broadcast_in_dim3A_1561 : i32 to vector<16xi32>
        %mul3A_1563 = arith.mulf %mul3A_1558, %mul3A_1467 : vector<16xf32>
        tpu.vector_store_idx %arg11[%add3A_1364, %broadcast_in_dim3A_1562], %mul3A_1563 : memref<128x32xf32, #tpu.memory_space<vmem>>[vector<16xi32>, vector<16xi32>], vector<16xf32>,
        %broadcast_in_dim3A_1564 = arith.constant 20 : i32
        %broadcast_in_dim3A_1565 = vector.broadcast %broadcast_in_dim3A_1564 : i32 to vector<16xi32>
        %mul3A_1566 = arith.mulf %mul3A_1558, %mul3A_1468 : vector<16xf32>
        tpu.vector_store_idx %arg11[%add3A_1364, %broadcast_in_dim3A_1565], %mul3A_1566 : memref<128x32xf32, #tpu.memory_space<vmem>>[vector<16xi32>, vector<16xi32>], vector<16xf32>,
        %broadcast_in_dim3A_1567 = arith.constant 28 : i32
        %broadcast_in_dim3A_1568 = vector.broadcast %broadcast_in_dim3A_1567 : i32 to vector<16xi32>
        %mul3A_1569 = arith.mulf %mul3A_1558, %mul3A_1469 : vector<16xf32>
        tpu.vector_store_idx %arg11[%add3A_1364, %broadcast_in_dim3A_1568], %mul3A_1569 : memref<128x32xf32, #tpu.memory_space<vmem>>[vector<16xi32>, vector<16xi32>], vector<16xf32>,
        %sub3A_1570 = arith.constant 4.42857122 : f32
        %sub3A_1571 = vector.broadcast %sub3A_1570 : f32 to vector<16xf32>
        %sub3A_1572 = arith.subf %min3A_1426, %sub3A_1571 : vector<16xf32>
        %mul3A_1573 = arith.mulf %sub3A_1572, %sub3A_1572 : vector<16xf32>
        %mul3A_1574 = arith.constant -4.000000e+00 : f32
        %mul3A_1575 = vector.broadcast %mul3A_1574 : f32 to vector<16xf32>
        %mul3A_1576 = arith.mulf %mul3A_1575, %mul3A_1573 : vector<16xf32>
        %exp3A_1577 = math.exp %mul3A_1576 : vector<16xf32>
        %mul3A_1578 = arith.mulf %exp3A_1577, %select_n3A_1466 : vector<16xf32>
        %broadcast_in_dim3A_1579 = arith.constant 5 : i32
        %broadcast_in_dim3A_1580 = vector.broadcast %broadcast_in_dim3A_1579 : i32 to vector<16xi32>
        tpu.vector_store_idx %arg11[%add3A_1364, %broadcast_in_dim3A_1580], %mul3A_1578 : memref<128x32xf32, #tpu.memory_space<vmem>>[vector<16xi32>, vector<16xi32>], vector<16xf32>,
        %broadcast_in_dim3A_1581 = arith.constant 13 : i32
        %broadcast_in_dim3A_1582 = vector.broadcast %broadcast_in_dim3A_1581 : i32 to vector<16xi32>
        %mul3A_1583 = arith.mulf %mul3A_1578, %mul3A_1467 : vector<16xf32>
        tpu.vector_store_idx %arg11[%add3A_1364, %broadcast_in_dim3A_1582], %mul3A_1583 : memref<128x32xf32, #tpu.memory_space<vmem>>[vector<16xi32>, vector<16xi32>], vector<16xf32>,
        %broadcast_in_dim3A_1584 = arith.constant 21 : i32
        %broadcast_in_dim3A_1585 = vector.broadcast %broadcast_in_dim3A_1584 : i32 to vector<16xi32>
        %mul3A_1586 = arith.mulf %mul3A_1578, %mul3A_1468 : vector<16xf32>
        tpu.vector_store_idx %arg11[%add3A_1364, %broadcast_in_dim3A_1585], %mul3A_1586 : memref<128x32xf32, #tpu.memory_space<vmem>>[vector<16xi32>, vector<16xi32>], vector<16xf32>,
        %broadcast_in_dim3A_1587 = arith.constant 29 : i32
        %broadcast_in_dim3A_1588 = vector.broadcast %broadcast_in_dim3A_1587 : i32 to vector<16xi32>
        %mul3A_1589 = arith.mulf %mul3A_1578, %mul3A_1469 : vector<16xf32>
        tpu.vector_store_idx %arg11[%add3A_1364, %broadcast_in_dim3A_1588], %mul3A_1589 : memref<128x32xf32, #tpu.memory_space<vmem>>[vector<16xi32>, vector<16xi32>], vector<16xf32>,
        %sub3A_1590 = arith.constant 5.21428585 : f32
        %sub3A_1591 = vector.broadcast %sub3A_1590 : f32 to vector<16xf32>
        %sub3A_1592 = arith.subf %min3A_1426, %sub3A_1591 : vector<16xf32>
        %mul3A_1593 = arith.mulf %sub3A_1592, %sub3A_1592 : vector<16xf32>
        %mul3A_1594 = arith.constant -4.000000e+00 : f32
        %mul3A_1595 = vector.broadcast %mul3A_1594 : f32 to vector<16xf32>
        %mul3A_1596 = arith.mulf %mul3A_1595, %mul3A_1593 : vector<16xf32>
        %exp3A_1597 = math.exp %mul3A_1596 : vector<16xf32>
        %mul3A_1598 = arith.mulf %exp3A_1597, %select_n3A_1466 : vector<16xf32>
        %broadcast_in_dim3A_1599 = arith.constant 6 : i32
        %broadcast_in_dim3A_1600 = vector.broadcast %broadcast_in_dim3A_1599 : i32 to vector<16xi32>
        tpu.vector_store_idx %arg11[%add3A_1364, %broadcast_in_dim3A_1600], %mul3A_1598 : memref<128x32xf32, #tpu.memory_space<vmem>>[vector<16xi32>, vector<16xi32>], vector<16xf32>,
        %broadcast_in_dim3A_1601 = arith.constant 14 : i32
        %broadcast_in_dim3A_1602 = vector.broadcast %broadcast_in_dim3A_1601 : i32 to vector<16xi32>
        %mul3A_1603 = arith.mulf %mul3A_1598, %mul3A_1467 : vector<16xf32>
        tpu.vector_store_idx %arg11[%add3A_1364, %broadcast_in_dim3A_1602], %mul3A_1603 : memref<128x32xf32, #tpu.memory_space<vmem>>[vector<16xi32>, vector<16xi32>], vector<16xf32>,
        %broadcast_in_dim3A_1604 = arith.constant 22 : i32
        %broadcast_in_dim3A_1605 = vector.broadcast %broadcast_in_dim3A_1604 : i32 to vector<16xi32>
        %mul3A_1606 = arith.mulf %mul3A_1598, %mul3A_1468 : vector<16xf32>
        tpu.vector_store_idx %arg11[%add3A_1364, %broadcast_in_dim3A_1605], %mul3A_1606 : memref<128x32xf32, #tpu.memory_space<vmem>>[vector<16xi32>, vector<16xi32>], vector<16xf32>,
        %broadcast_in_dim3A_1607 = arith.constant 30 : i32
        %broadcast_in_dim3A_1608 = vector.broadcast %broadcast_in_dim3A_1607 : i32 to vector<16xi32>
        %mul3A_1609 = arith.mulf %mul3A_1598, %mul3A_1469 : vector<16xf32>
        tpu.vector_store_idx %arg11[%add3A_1364, %broadcast_in_dim3A_1608], %mul3A_1609 : memref<128x32xf32, #tpu.memory_space<vmem>>[vector<16xi32>, vector<16xi32>], vector<16xf32>,
        %sub3A_1610 = arith.constant 6.000000e+00 : f32
        %sub3A_1611 = vector.broadcast %sub3A_1610 : f32 to vector<16xf32>
        %sub3A_1612 = arith.subf %min3A_1426, %sub3A_1611 : vector<16xf32>
        %mul3A_1613 = arith.mulf %sub3A_1612, %sub3A_1612 : vector<16xf32>
        %mul3A_1614 = arith.constant -4.000000e+00 : f32
        %mul3A_1615 = vector.broadcast %mul3A_1614 : f32 to vector<16xf32>
        %mul3A_1616 = arith.mulf %mul3A_1615, %mul3A_1613 : vector<16xf32>
        %exp3A_1617 = math.exp %mul3A_1616 : vector<16xf32>
        %mul3A_1618 = arith.mulf %exp3A_1617, %select_n3A_1466 : vector<16xf32>
        %broadcast_in_dim3A_1619 = arith.constant 7 : i32
        %broadcast_in_dim3A_1620 = vector.broadcast %broadcast_in_dim3A_1619 : i32 to vector<16xi32>
        tpu.vector_store_idx %arg11[%add3A_1364, %broadcast_in_dim3A_1620], %mul3A_1618 : memref<128x32xf32, #tpu.memory_space<vmem>>[vector<16xi32>, vector<16xi32>], vector<16xf32>,
        %broadcast_in_dim3A_1621 = arith.constant 15 : i32
        %broadcast_in_dim3A_1622 = vector.broadcast %broadcast_in_dim3A_1621 : i32 to vector<16xi32>
        %mul3A_1623 = arith.mulf %mul3A_1618, %mul3A_1467 : vector<16xf32>
        tpu.vector_store_idx %arg11[%add3A_1364, %broadcast_in_dim3A_1622], %mul3A_1623 : memref<128x32xf32, #tpu.memory_space<vmem>>[vector<16xi32>, vector<16xi32>], vector<16xf32>,
        %broadcast_in_dim3A_1624 = arith.constant 23 : i32
        %broadcast_in_dim3A_1625 = vector.broadcast %broadcast_in_dim3A_1624 : i32 to vector<16xi32>
        %mul3A_1626 = arith.mulf %mul3A_1618, %mul3A_1468 : vector<16xf32>
        tpu.vector_store_idx %arg11[%add3A_1364, %broadcast_in_dim3A_1625], %mul3A_1626 : memref<128x32xf32, #tpu.memory_space<vmem>>[vector<16xi32>, vector<16xi32>], vector<16xf32>,
        %broadcast_in_dim3A_1627 = arith.constant 31 : i32
        %broadcast_in_dim3A_1628 = vector.broadcast %broadcast_in_dim3A_1627 : i32 to vector<16xi32>
        %mul3A_1629 = arith.mulf %mul3A_1618, %mul3A_1469 : vector<16xf32>
        tpu.vector_store_idx %arg11[%add3A_1364, %broadcast_in_dim3A_1628], %mul3A_1629 : memref<128x32xf32, #tpu.memory_space<vmem>>[vector<16xi32>, vector<16xi32>], vector<16xf32>,
        %add3A_1630 = arith.constant 96 : i32
        %add3A_1631 = vector.broadcast %add3A_1630 : i32 to vector<16xi32>
        %add3A_1632 = arith.addi %iota3A, %add3A_1631 : vector<16xi32>
        %broadcast_in_dim3A_1633 = arith.constant 0 : i32
        %broadcast_in_dim3A_1634 = vector.broadcast %broadcast_in_dim3A_1633 : i32 to vector<16xi32>
        %gather3A_1635 = tpu.vector_load_idx %arg9[%add3A_1632, %broadcast_in_dim3A_1634] : memref<128x16xf32, #tpu.memory_space<vmem>>[vector<16xi32>, vector<16xi32>], vector<16xf32>,
        %broadcast_in_dim3A_1636 = arith.constant 1 : i32
        %broadcast_in_dim3A_1637 = vector.broadcast %broadcast_in_dim3A_1636 : i32 to vector<16xi32>
        %gather3A_1638 = tpu.vector_load_idx %arg9[%add3A_1632, %broadcast_in_dim3A_1637] : memref<128x16xf32, #tpu.memory_space<vmem>>[vector<16xi32>, vector<16xi32>], vector<16xf32>,
        %broadcast_in_dim3A_1639 = arith.constant 2 : i32
        %broadcast_in_dim3A_1640 = vector.broadcast %broadcast_in_dim3A_1639 : i32 to vector<16xi32>
        %gather3A_1641 = tpu.vector_load_idx %arg9[%add3A_1632, %broadcast_in_dim3A_1640] : memref<128x16xf32, #tpu.memory_space<vmem>>[vector<16xi32>, vector<16xi32>], vector<16xf32>,
        %broadcast_in_dim3A_1642 = arith.constant 0 : i32
        %broadcast_in_dim3A_1643 = vector.broadcast %broadcast_in_dim3A_1642 : i32 to vector<16xi32>
        %gather3A_1644 = tpu.vector_load_idx %arg10[%add3A_1632, %broadcast_in_dim3A_1643] : memref<128x16xf32, #tpu.memory_space<vmem>>[vector<16xi32>, vector<16xi32>], vector<16xf32>,
        %broadcast_in_dim3A_1645 = arith.constant 1 : i32
        %broadcast_in_dim3A_1646 = vector.broadcast %broadcast_in_dim3A_1645 : i32 to vector<16xi32>
        %gather3A_1647 = tpu.vector_load_idx %arg10[%add3A_1632, %broadcast_in_dim3A_1646] : memref<128x16xf32, #tpu.memory_space<vmem>>[vector<16xi32>, vector<16xi32>], vector<16xf32>,
        %broadcast_in_dim3A_1648 = arith.constant 2 : i32
        %broadcast_in_dim3A_1649 = vector.broadcast %broadcast_in_dim3A_1648 : i32 to vector<16xi32>
        %gather3A_1650 = tpu.vector_load_idx %arg10[%add3A_1632, %broadcast_in_dim3A_1649] : memref<128x16xf32, #tpu.memory_space<vmem>>[vector<16xi32>, vector<16xi32>], vector<16xf32>,
        %sub3A_1651 = arith.subf %gather3A_1644, %gather3A_1635 : vector<16xf32>
        %sub3A_1652 = arith.subf %gather3A_1647, %gather3A_1638 : vector<16xf32>
        %sub3A_1653 = arith.subf %gather3A_1650, %gather3A_1641 : vector<16xf32>
        %mul3A_1654 = arith.mulf %sub3A_1651, %sub3A_1651 : vector<16xf32>
        %mul3A_1655 = arith.mulf %sub3A_1652, %sub3A_1652 : vector<16xf32>
        %add3A_1656 = arith.addf %mul3A_1654, %mul3A_1655 : vector<16xf32>
        %mul3A_1657 = arith.mulf %sub3A_1653, %sub3A_1653 : vector<16xf32>
        %add3A_1658 = arith.addf %add3A_1656, %mul3A_1657 : vector<16xf32>
        %add3A_1659 = arith.constant 9.99999996E-13 : f32
        %add3A_1660 = vector.broadcast %add3A_1659 : f32 to vector<16xf32>
        %add3A_1661 = arith.addf %add3A_1658, %add3A_1660 : vector<16xf32>
        %bitcast3A_1662 = vector.bitcast %add3A_1661 : vector<16xf32> to vector<16xi32>
        %shift_right_arithmetic3A_1663 = arith.constant 1 : i32
        %shift_right_arithmetic3A_1664 = vector.broadcast %shift_right_arithmetic3A_1663 : i32 to vector<16xi32>
        %shift_right_arithmetic3A_1665 = arith.shrsi %bitcast3A_1662, %shift_right_arithmetic3A_1664 : vector<16xi32>
        %sub3A_1666 = arith.constant 1597463007 : i32
        %sub3A_1667 = vector.broadcast %sub3A_1666 : i32 to vector<16xi32>
        %sub3A_1668 = arith.subi %sub3A_1667, %shift_right_arithmetic3A_1665 : vector<16xi32>
        %bitcast3A_1669 = vector.bitcast %sub3A_1668 : vector<16xi32> to vector<16xf32>
        %mul3A_1670 = arith.constant 5.000000e-01 : f32
        %mul3A_1671 = vector.broadcast %mul3A_1670 : f32 to vector<16xf32>
        %mul3A_1672 = arith.mulf %mul3A_1671, %add3A_1661 : vector<16xf32>
        %mul3A_1673 = arith.mulf %mul3A_1672, %bitcast3A_1669 : vector<16xf32>
        %mul3A_1674 = arith.mulf %mul3A_1673, %bitcast3A_1669 : vector<16xf32>
        %sub3A_1675 = arith.constant 1.500000e+00 : f32
        %sub3A_1676 = vector.broadcast %sub3A_1675 : f32 to vector<16xf32>
        %sub3A_1677 = arith.subf %sub3A_1676, %mul3A_1674 : vector<16xf32>
        %mul3A_1678 = arith.mulf %bitcast3A_1669, %sub3A_1677 : vector<16xf32>
        %mul3A_1679 = arith.mulf %mul3A_1672, %mul3A_1678 : vector<16xf32>
        %mul3A_1680 = arith.mulf %mul3A_1679, %mul3A_1678 : vector<16xf32>
        %sub3A_1681 = arith.constant 1.500000e+00 : f32
        %sub3A_1682 = vector.broadcast %sub3A_1681 : f32 to vector<16xf32>
        %sub3A_1683 = arith.subf %sub3A_1682, %mul3A_1680 : vector<16xf32>
        %mul3A_1684 = arith.mulf %mul3A_1678, %sub3A_1683 : vector<16xf32>
        %mul3A_1685 = arith.mulf %mul3A_1672, %mul3A_1684 : vector<16xf32>
        %mul3A_1686 = arith.mulf %mul3A_1685, %mul3A_1684 : vector<16xf32>
        %sub3A_1687 = arith.constant 1.500000e+00 : f32
        %sub3A_1688 = vector.broadcast %sub3A_1687 : f32 to vector<16xf32>
        %sub3A_1689 = arith.subf %sub3A_1688, %mul3A_1686 : vector<16xf32>
        %mul3A_1690 = arith.mulf %mul3A_1684, %sub3A_1689 : vector<16xf32>
        %mul3A_1691 = arith.mulf %add3A_1661, %mul3A_1690 : vector<16xf32>
        %min3A_1692 = arith.constant 6.000000e+00 : f32
        %min3A_1693 = vector.broadcast %min3A_1692 : f32 to vector<16xf32>
        %min3A_1694 = arith.minimumf %mul3A_1691, %min3A_1693 : vector<16xf32>
        %mul3A_1695 = arith.constant 0.166666672 : f32
        %mul3A_1696 = vector.broadcast %mul3A_1695 : f32 to vector<16xf32>
        %mul3A_1697 = arith.mulf %min3A_1694, %mul3A_1696 : vector<16xf32>
        %mul3A_1698 = arith.mulf %mul3A_1697, %mul3A_1697 : vector<16xf32>
        %mul3A_1699 = arith.constant 2.46740103 : f32
        %mul3A_1700 = vector.broadcast %mul3A_1699 : f32 to vector<16xf32>
        %mul3A_1701 = arith.mulf %mul3A_1700, %mul3A_1698 : vector<16xf32>
        %mul3A_1702 = arith.constant 2.08767559E-9 : f32
        %mul3A_1703 = vector.broadcast %mul3A_1702 : f32 to vector<16xf32>
        %mul3A_1704 = arith.mulf %mul3A_1703, %mul3A_1701 : vector<16xf32>
        %add3A_1705 = arith.constant -2.755732E-7 : f32
        %add3A_1706 = vector.broadcast %add3A_1705 : f32 to vector<16xf32>
        %add3A_1707 = arith.addf %mul3A_1704, %add3A_1706 : vector<16xf32>
        %mul3A_1708 = arith.mulf %add3A_1707, %mul3A_1701 : vector<16xf32>
        %add3A_1709 = arith.constant 2.48015876E-5 : f32
        %add3A_1710 = vector.broadcast %add3A_1709 : f32 to vector<16xf32>
        %add3A_1711 = arith.addf %mul3A_1708, %add3A_1710 : vector<16xf32>
        %mul3A_1712 = arith.mulf %add3A_1711, %mul3A_1701 : vector<16xf32>
        %add3A_1713 = arith.constant -0.00138888892 : f32
        %add3A_1714 = vector.broadcast %add3A_1713 : f32 to vector<16xf32>
        %add3A_1715 = arith.addf %mul3A_1712, %add3A_1714 : vector<16xf32>
        %mul3A_1716 = arith.mulf %add3A_1715, %mul3A_1701 : vector<16xf32>
        %add3A_1717 = arith.constant 0.0416666679 : f32
        %add3A_1718 = vector.broadcast %add3A_1717 : f32 to vector<16xf32>
        %add3A_1719 = arith.addf %mul3A_1716, %add3A_1718 : vector<16xf32>
        %mul3A_1720 = arith.mulf %add3A_1719, %mul3A_1701 : vector<16xf32>
        %add3A_1721 = arith.constant -5.000000e-01 : f32
        %add3A_1722 = vector.broadcast %add3A_1721 : f32 to vector<16xf32>
        %add3A_1723 = arith.addf %mul3A_1720, %add3A_1722 : vector<16xf32>
        %mul3A_1724 = arith.mulf %add3A_1723, %mul3A_1701 : vector<16xf32>
        %add3A_1725 = arith.constant 1.000000e+00 : f32
        %add3A_1726 = vector.broadcast %add3A_1725 : f32 to vector<16xf32>
        %add3A_1727 = arith.addf %mul3A_1724, %add3A_1726 : vector<16xf32>
        %lt3A_1728 = arith.constant 6.000000e+00 : f32
        %lt3A_1729 = vector.broadcast %lt3A_1728 : f32 to vector<16xf32>
        %lt3A_1730 = arith.cmpf olt, %mul3A_1691, %lt3A_1729 : vector<16xf32>
        %mul3A_1731 = arith.mulf %add3A_1727, %add3A_1727 : vector<16xf32>
        %jit3A_1732 = arith.constant 0.000000e+00 : f32
        %broadcast_in_dim3A_1733 = vector.broadcast %jit3A_1732 : f32 to vector<16xf32>
        %select_n3A_1734 = arith.select %lt3A_1730, %mul3A_1731, %broadcast_in_dim3A_1733 : vector<16xi1>, vector<16xf32>
        %mul3A_1735 = arith.mulf %sub3A_1651, %mul3A_1690 : vector<16xf32>
        %mul3A_1736 = arith.mulf %sub3A_1652, %mul3A_1690 : vector<16xf32>
        %mul3A_1737 = arith.mulf %sub3A_1653, %mul3A_1690 : vector<16xf32>
        %sub3A_1738 = arith.constant 5.000000e-01 : f32
        %sub3A_1739 = vector.broadcast %sub3A_1738 : f32 to vector<16xf32>
        %sub3A_1740 = arith.subf %min3A_1694, %sub3A_1739 : vector<16xf32>
        %mul3A_1741 = arith.mulf %sub3A_1740, %sub3A_1740 : vector<16xf32>
        %mul3A_1742 = arith.constant -4.000000e+00 : f32
        %mul3A_1743 = vector.broadcast %mul3A_1742 : f32 to vector<16xf32>
        %mul3A_1744 = arith.mulf %mul3A_1743, %mul3A_1741 : vector<16xf32>
        %exp3A_1745 = math.exp %mul3A_1744 : vector<16xf32>
        %mul3A_1746 = arith.mulf %exp3A_1745, %select_n3A_1734 : vector<16xf32>
        %broadcast_in_dim3A_1747 = arith.constant 0 : i32
        %broadcast_in_dim3A_1748 = vector.broadcast %broadcast_in_dim3A_1747 : i32 to vector<16xi32>
        tpu.vector_store_idx %arg11[%add3A_1632, %broadcast_in_dim3A_1748], %mul3A_1746 : memref<128x32xf32, #tpu.memory_space<vmem>>[vector<16xi32>, vector<16xi32>], vector<16xf32>,
        %broadcast_in_dim3A_1749 = arith.constant 8 : i32
        %broadcast_in_dim3A_1750 = vector.broadcast %broadcast_in_dim3A_1749 : i32 to vector<16xi32>
        %mul3A_1751 = arith.mulf %mul3A_1746, %mul3A_1735 : vector<16xf32>
        tpu.vector_store_idx %arg11[%add3A_1632, %broadcast_in_dim3A_1750], %mul3A_1751 : memref<128x32xf32, #tpu.memory_space<vmem>>[vector<16xi32>, vector<16xi32>], vector<16xf32>,
        %broadcast_in_dim3A_1752 = arith.constant 16 : i32
        %broadcast_in_dim3A_1753 = vector.broadcast %broadcast_in_dim3A_1752 : i32 to vector<16xi32>
        %mul3A_1754 = arith.mulf %mul3A_1746, %mul3A_1736 : vector<16xf32>
        tpu.vector_store_idx %arg11[%add3A_1632, %broadcast_in_dim3A_1753], %mul3A_1754 : memref<128x32xf32, #tpu.memory_space<vmem>>[vector<16xi32>, vector<16xi32>], vector<16xf32>,
        %broadcast_in_dim3A_1755 = arith.constant 24 : i32
        %broadcast_in_dim3A_1756 = vector.broadcast %broadcast_in_dim3A_1755 : i32 to vector<16xi32>
        %mul3A_1757 = arith.mulf %mul3A_1746, %mul3A_1737 : vector<16xf32>
        tpu.vector_store_idx %arg11[%add3A_1632, %broadcast_in_dim3A_1756], %mul3A_1757 : memref<128x32xf32, #tpu.memory_space<vmem>>[vector<16xi32>, vector<16xi32>], vector<16xf32>,
        %sub3A_1758 = arith.constant 1.28571427 : f32
        %sub3A_1759 = vector.broadcast %sub3A_1758 : f32 to vector<16xf32>
        %sub3A_1760 = arith.subf %min3A_1694, %sub3A_1759 : vector<16xf32>
        %mul3A_1761 = arith.mulf %sub3A_1760, %sub3A_1760 : vector<16xf32>
        %mul3A_1762 = arith.constant -4.000000e+00 : f32
        %mul3A_1763 = vector.broadcast %mul3A_1762 : f32 to vector<16xf32>
        %mul3A_1764 = arith.mulf %mul3A_1763, %mul3A_1761 : vector<16xf32>
        %exp3A_1765 = math.exp %mul3A_1764 : vector<16xf32>
        %mul3A_1766 = arith.mulf %exp3A_1765, %select_n3A_1734 : vector<16xf32>
        %broadcast_in_dim3A_1767 = arith.constant 1 : i32
        %broadcast_in_dim3A_1768 = vector.broadcast %broadcast_in_dim3A_1767 : i32 to vector<16xi32>
        tpu.vector_store_idx %arg11[%add3A_1632, %broadcast_in_dim3A_1768], %mul3A_1766 : memref<128x32xf32, #tpu.memory_space<vmem>>[vector<16xi32>, vector<16xi32>], vector<16xf32>,
        %broadcast_in_dim3A_1769 = arith.constant 9 : i32
        %broadcast_in_dim3A_1770 = vector.broadcast %broadcast_in_dim3A_1769 : i32 to vector<16xi32>
        %mul3A_1771 = arith.mulf %mul3A_1766, %mul3A_1735 : vector<16xf32>
        tpu.vector_store_idx %arg11[%add3A_1632, %broadcast_in_dim3A_1770], %mul3A_1771 : memref<128x32xf32, #tpu.memory_space<vmem>>[vector<16xi32>, vector<16xi32>], vector<16xf32>,
        %broadcast_in_dim3A_1772 = arith.constant 17 : i32
        %broadcast_in_dim3A_1773 = vector.broadcast %broadcast_in_dim3A_1772 : i32 to vector<16xi32>
        %mul3A_1774 = arith.mulf %mul3A_1766, %mul3A_1736 : vector<16xf32>
        tpu.vector_store_idx %arg11[%add3A_1632, %broadcast_in_dim3A_1773], %mul3A_1774 : memref<128x32xf32, #tpu.memory_space<vmem>>[vector<16xi32>, vector<16xi32>], vector<16xf32>,
        %broadcast_in_dim3A_1775 = arith.constant 25 : i32
        %broadcast_in_dim3A_1776 = vector.broadcast %broadcast_in_dim3A_1775 : i32 to vector<16xi32>
        %mul3A_1777 = arith.mulf %mul3A_1766, %mul3A_1737 : vector<16xf32>
        tpu.vector_store_idx %arg11[%add3A_1632, %broadcast_in_dim3A_1776], %mul3A_1777 : memref<128x32xf32, #tpu.memory_space<vmem>>[vector<16xi32>, vector<16xi32>], vector<16xf32>,
        %sub3A_1778 = arith.constant 2.07142854 : f32
        %sub3A_1779 = vector.broadcast %sub3A_1778 : f32 to vector<16xf32>
        %sub3A_1780 = arith.subf %min3A_1694, %sub3A_1779 : vector<16xf32>
        %mul3A_1781 = arith.mulf %sub3A_1780, %sub3A_1780 : vector<16xf32>
        %mul3A_1782 = arith.constant -4.000000e+00 : f32
        %mul3A_1783 = vector.broadcast %mul3A_1782 : f32 to vector<16xf32>
        %mul3A_1784 = arith.mulf %mul3A_1783, %mul3A_1781 : vector<16xf32>
        %exp3A_1785 = math.exp %mul3A_1784 : vector<16xf32>
        %mul3A_1786 = arith.mulf %exp3A_1785, %select_n3A_1734 : vector<16xf32>
        %broadcast_in_dim3A_1787 = arith.constant 2 : i32
        %broadcast_in_dim3A_1788 = vector.broadcast %broadcast_in_dim3A_1787 : i32 to vector<16xi32>
        tpu.vector_store_idx %arg11[%add3A_1632, %broadcast_in_dim3A_1788], %mul3A_1786 : memref<128x32xf32, #tpu.memory_space<vmem>>[vector<16xi32>, vector<16xi32>], vector<16xf32>,
        %broadcast_in_dim3A_1789 = arith.constant 10 : i32
        %broadcast_in_dim3A_1790 = vector.broadcast %broadcast_in_dim3A_1789 : i32 to vector<16xi32>
        %mul3A_1791 = arith.mulf %mul3A_1786, %mul3A_1735 : vector<16xf32>
        tpu.vector_store_idx %arg11[%add3A_1632, %broadcast_in_dim3A_1790], %mul3A_1791 : memref<128x32xf32, #tpu.memory_space<vmem>>[vector<16xi32>, vector<16xi32>], vector<16xf32>,
        %broadcast_in_dim3A_1792 = arith.constant 18 : i32
        %broadcast_in_dim3A_1793 = vector.broadcast %broadcast_in_dim3A_1792 : i32 to vector<16xi32>
        %mul3A_1794 = arith.mulf %mul3A_1786, %mul3A_1736 : vector<16xf32>
        tpu.vector_store_idx %arg11[%add3A_1632, %broadcast_in_dim3A_1793], %mul3A_1794 : memref<128x32xf32, #tpu.memory_space<vmem>>[vector<16xi32>, vector<16xi32>], vector<16xf32>,
        %broadcast_in_dim3A_1795 = arith.constant 26 : i32
        %broadcast_in_dim3A_1796 = vector.broadcast %broadcast_in_dim3A_1795 : i32 to vector<16xi32>
        %mul3A_1797 = arith.mulf %mul3A_1786, %mul3A_1737 : vector<16xf32>
        tpu.vector_store_idx %arg11[%add3A_1632, %broadcast_in_dim3A_1796], %mul3A_1797 : memref<128x32xf32, #tpu.memory_space<vmem>>[vector<16xi32>, vector<16xi32>], vector<16xf32>,
        %sub3A_1798 = arith.constant 2.85714293 : f32
        %sub3A_1799 = vector.broadcast %sub3A_1798 : f32 to vector<16xf32>
        %sub3A_1800 = arith.subf %min3A_1694, %sub3A_1799 : vector<16xf32>
        %mul3A_1801 = arith.mulf %sub3A_1800, %sub3A_1800 : vector<16xf32>
        %mul3A_1802 = arith.constant -4.000000e+00 : f32
        %mul3A_1803 = vector.broadcast %mul3A_1802 : f32 to vector<16xf32>
        %mul3A_1804 = arith.mulf %mul3A_1803, %mul3A_1801 : vector<16xf32>
        %exp3A_1805 = math.exp %mul3A_1804 : vector<16xf32>
        %mul3A_1806 = arith.mulf %exp3A_1805, %select_n3A_1734 : vector<16xf32>
        %broadcast_in_dim3A_1807 = arith.constant 3 : i32
        %broadcast_in_dim3A_1808 = vector.broadcast %broadcast_in_dim3A_1807 : i32 to vector<16xi32>
        tpu.vector_store_idx %arg11[%add3A_1632, %broadcast_in_dim3A_1808], %mul3A_1806 : memref<128x32xf32, #tpu.memory_space<vmem>>[vector<16xi32>, vector<16xi32>], vector<16xf32>,
        %broadcast_in_dim3A_1809 = arith.constant 11 : i32
        %broadcast_in_dim3A_1810 = vector.broadcast %broadcast_in_dim3A_1809 : i32 to vector<16xi32>
        %mul3A_1811 = arith.mulf %mul3A_1806, %mul3A_1735 : vector<16xf32>
        tpu.vector_store_idx %arg11[%add3A_1632, %broadcast_in_dim3A_1810], %mul3A_1811 : memref<128x32xf32, #tpu.memory_space<vmem>>[vector<16xi32>, vector<16xi32>], vector<16xf32>,
        %broadcast_in_dim3A_1812 = arith.constant 19 : i32
        %broadcast_in_dim3A_1813 = vector.broadcast %broadcast_in_dim3A_1812 : i32 to vector<16xi32>
        %mul3A_1814 = arith.mulf %mul3A_1806, %mul3A_1736 : vector<16xf32>
        tpu.vector_store_idx %arg11[%add3A_1632, %broadcast_in_dim3A_1813], %mul3A_1814 : memref<128x32xf32, #tpu.memory_space<vmem>>[vector<16xi32>, vector<16xi32>], vector<16xf32>,
        %broadcast_in_dim3A_1815 = arith.constant 27 : i32
        %broadcast_in_dim3A_1816 = vector.broadcast %broadcast_in_dim3A_1815 : i32 to vector<16xi32>
        %mul3A_1817 = arith.mulf %mul3A_1806, %mul3A_1737 : vector<16xf32>
        tpu.vector_store_idx %arg11[%add3A_1632, %broadcast_in_dim3A_1816], %mul3A_1817 : memref<128x32xf32, #tpu.memory_space<vmem>>[vector<16xi32>, vector<16xi32>], vector<16xf32>,
        %sub3A_1818 = arith.constant 3.64285707 : f32
        %sub3A_1819 = vector.broadcast %sub3A_1818 : f32 to vector<16xf32>
        %sub3A_1820 = arith.subf %min3A_1694, %sub3A_1819 : vector<16xf32>
        %mul3A_1821 = arith.mulf %sub3A_1820, %sub3A_1820 : vector<16xf32>
        %mul3A_1822 = arith.constant -4.000000e+00 : f32
        %mul3A_1823 = vector.broadcast %mul3A_1822 : f32 to vector<16xf32>
        %mul3A_1824 = arith.mulf %mul3A_1823, %mul3A_1821 : vector<16xf32>
        %exp3A_1825 = math.exp %mul3A_1824 : vector<16xf32>
        %mul3A_1826 = arith.mulf %exp3A_1825, %select_n3A_1734 : vector<16xf32>
        %broadcast_in_dim3A_1827 = arith.constant 4 : i32
        %broadcast_in_dim3A_1828 = vector.broadcast %broadcast_in_dim3A_1827 : i32 to vector<16xi32>
        tpu.vector_store_idx %arg11[%add3A_1632, %broadcast_in_dim3A_1828], %mul3A_1826 : memref<128x32xf32, #tpu.memory_space<vmem>>[vector<16xi32>, vector<16xi32>], vector<16xf32>,
        %broadcast_in_dim3A_1829 = arith.constant 12 : i32
        %broadcast_in_dim3A_1830 = vector.broadcast %broadcast_in_dim3A_1829 : i32 to vector<16xi32>
        %mul3A_1831 = arith.mulf %mul3A_1826, %mul3A_1735 : vector<16xf32>
        tpu.vector_store_idx %arg11[%add3A_1632, %broadcast_in_dim3A_1830], %mul3A_1831 : memref<128x32xf32, #tpu.memory_space<vmem>>[vector<16xi32>, vector<16xi32>], vector<16xf32>,
        %broadcast_in_dim3A_1832 = arith.constant 20 : i32
        %broadcast_in_dim3A_1833 = vector.broadcast %broadcast_in_dim3A_1832 : i32 to vector<16xi32>
        %mul3A_1834 = arith.mulf %mul3A_1826, %mul3A_1736 : vector<16xf32>
        tpu.vector_store_idx %arg11[%add3A_1632, %broadcast_in_dim3A_1833], %mul3A_1834 : memref<128x32xf32, #tpu.memory_space<vmem>>[vector<16xi32>, vector<16xi32>], vector<16xf32>,
        %broadcast_in_dim3A_1835 = arith.constant 28 : i32
        %broadcast_in_dim3A_1836 = vector.broadcast %broadcast_in_dim3A_1835 : i32 to vector<16xi32>
        %mul3A_1837 = arith.mulf %mul3A_1826, %mul3A_1737 : vector<16xf32>
        tpu.vector_store_idx %arg11[%add3A_1632, %broadcast_in_dim3A_1836], %mul3A_1837 : memref<128x32xf32, #tpu.memory_space<vmem>>[vector<16xi32>, vector<16xi32>], vector<16xf32>,
        %sub3A_1838 = arith.constant 4.42857122 : f32
        %sub3A_1839 = vector.broadcast %sub3A_1838 : f32 to vector<16xf32>
        %sub3A_1840 = arith.subf %min3A_1694, %sub3A_1839 : vector<16xf32>
        %mul3A_1841 = arith.mulf %sub3A_1840, %sub3A_1840 : vector<16xf32>
        %mul3A_1842 = arith.constant -4.000000e+00 : f32
        %mul3A_1843 = vector.broadcast %mul3A_1842 : f32 to vector<16xf32>
        %mul3A_1844 = arith.mulf %mul3A_1843, %mul3A_1841 : vector<16xf32>
        %exp3A_1845 = math.exp %mul3A_1844 : vector<16xf32>
        %mul3A_1846 = arith.mulf %exp3A_1845, %select_n3A_1734 : vector<16xf32>
        %broadcast_in_dim3A_1847 = arith.constant 5 : i32
        %broadcast_in_dim3A_1848 = vector.broadcast %broadcast_in_dim3A_1847 : i32 to vector<16xi32>
        tpu.vector_store_idx %arg11[%add3A_1632, %broadcast_in_dim3A_1848], %mul3A_1846 : memref<128x32xf32, #tpu.memory_space<vmem>>[vector<16xi32>, vector<16xi32>], vector<16xf32>,
        %broadcast_in_dim3A_1849 = arith.constant 13 : i32
        %broadcast_in_dim3A_1850 = vector.broadcast %broadcast_in_dim3A_1849 : i32 to vector<16xi32>
        %mul3A_1851 = arith.mulf %mul3A_1846, %mul3A_1735 : vector<16xf32>
        tpu.vector_store_idx %arg11[%add3A_1632, %broadcast_in_dim3A_1850], %mul3A_1851 : memref<128x32xf32, #tpu.memory_space<vmem>>[vector<16xi32>, vector<16xi32>], vector<16xf32>,
        %broadcast_in_dim3A_1852 = arith.constant 21 : i32
        %broadcast_in_dim3A_1853 = vector.broadcast %broadcast_in_dim3A_1852 : i32 to vector<16xi32>
        %mul3A_1854 = arith.mulf %mul3A_1846, %mul3A_1736 : vector<16xf32>
        tpu.vector_store_idx %arg11[%add3A_1632, %broadcast_in_dim3A_1853], %mul3A_1854 : memref<128x32xf32, #tpu.memory_space<vmem>>[vector<16xi32>, vector<16xi32>], vector<16xf32>,
        %broadcast_in_dim3A_1855 = arith.constant 29 : i32
        %broadcast_in_dim3A_1856 = vector.broadcast %broadcast_in_dim3A_1855 : i32 to vector<16xi32>
        %mul3A_1857 = arith.mulf %mul3A_1846, %mul3A_1737 : vector<16xf32>
        tpu.vector_store_idx %arg11[%add3A_1632, %broadcast_in_dim3A_1856], %mul3A_1857 : memref<128x32xf32, #tpu.memory_space<vmem>>[vector<16xi32>, vector<16xi32>], vector<16xf32>,
        %sub3A_1858 = arith.constant 5.21428585 : f32
        %sub3A_1859 = vector.broadcast %sub3A_1858 : f32 to vector<16xf32>
        %sub3A_1860 = arith.subf %min3A_1694, %sub3A_1859 : vector<16xf32>
        %mul3A_1861 = arith.mulf %sub3A_1860, %sub3A_1860 : vector<16xf32>
        %mul3A_1862 = arith.constant -4.000000e+00 : f32
        %mul3A_1863 = vector.broadcast %mul3A_1862 : f32 to vector<16xf32>
        %mul3A_1864 = arith.mulf %mul3A_1863, %mul3A_1861 : vector<16xf32>
        %exp3A_1865 = math.exp %mul3A_1864 : vector<16xf32>
        %mul3A_1866 = arith.mulf %exp3A_1865, %select_n3A_1734 : vector<16xf32>
        %broadcast_in_dim3A_1867 = arith.constant 6 : i32
        %broadcast_in_dim3A_1868 = vector.broadcast %broadcast_in_dim3A_1867 : i32 to vector<16xi32>
        tpu.vector_store_idx %arg11[%add3A_1632, %broadcast_in_dim3A_1868], %mul3A_1866 : memref<128x32xf32, #tpu.memory_space<vmem>>[vector<16xi32>, vector<16xi32>], vector<16xf32>,
        %broadcast_in_dim3A_1869 = arith.constant 14 : i32
        %broadcast_in_dim3A_1870 = vector.broadcast %broadcast_in_dim3A_1869 : i32 to vector<16xi32>
        %mul3A_1871 = arith.mulf %mul3A_1866, %mul3A_1735 : vector<16xf32>
        tpu.vector_store_idx %arg11[%add3A_1632, %broadcast_in_dim3A_1870], %mul3A_1871 : memref<128x32xf32, #tpu.memory_space<vmem>>[vector<16xi32>, vector<16xi32>], vector<16xf32>,
        %broadcast_in_dim3A_1872 = arith.constant 22 : i32
        %broadcast_in_dim3A_1873 = vector.broadcast %broadcast_in_dim3A_1872 : i32 to vector<16xi32>
        %mul3A_1874 = arith.mulf %mul3A_1866, %mul3A_1736 : vector<16xf32>
        tpu.vector_store_idx %arg11[%add3A_1632, %broadcast_in_dim3A_1873], %mul3A_1874 : memref<128x32xf32, #tpu.memory_space<vmem>>[vector<16xi32>, vector<16xi32>], vector<16xf32>,
        %broadcast_in_dim3A_1875 = arith.constant 30 : i32
        %broadcast_in_dim3A_1876 = vector.broadcast %broadcast_in_dim3A_1875 : i32 to vector<16xi32>
        %mul3A_1877 = arith.mulf %mul3A_1866, %mul3A_1737 : vector<16xf32>
        tpu.vector_store_idx %arg11[%add3A_1632, %broadcast_in_dim3A_1876], %mul3A_1877 : memref<128x32xf32, #tpu.memory_space<vmem>>[vector<16xi32>, vector<16xi32>], vector<16xf32>,
        %sub3A_1878 = arith.constant 6.000000e+00 : f32
        %sub3A_1879 = vector.broadcast %sub3A_1878 : f32 to vector<16xf32>
        %sub3A_1880 = arith.subf %min3A_1694, %sub3A_1879 : vector<16xf32>
        %mul3A_1881 = arith.mulf %sub3A_1880, %sub3A_1880 : vector<16xf32>
        %mul3A_1882 = arith.constant -4.000000e+00 : f32
        %mul3A_1883 = vector.broadcast %mul3A_1882 : f32 to vector<16xf32>
        %mul3A_1884 = arith.mulf %mul3A_1883, %mul3A_1881 : vector<16xf32>
        %exp3A_1885 = math.exp %mul3A_1884 : vector<16xf32>
        %mul3A_1886 = arith.mulf %exp3A_1885, %select_n3A_1734 : vector<16xf32>
        %broadcast_in_dim3A_1887 = arith.constant 7 : i32
        %broadcast_in_dim3A_1888 = vector.broadcast %broadcast_in_dim3A_1887 : i32 to vector<16xi32>
        tpu.vector_store_idx %arg11[%add3A_1632, %broadcast_in_dim3A_1888], %mul3A_1886 : memref<128x32xf32, #tpu.memory_space<vmem>>[vector<16xi32>, vector<16xi32>], vector<16xf32>,
        %broadcast_in_dim3A_1889 = arith.constant 15 : i32
        %broadcast_in_dim3A_1890 = vector.broadcast %broadcast_in_dim3A_1889 : i32 to vector<16xi32>
        %mul3A_1891 = arith.mulf %mul3A_1886, %mul3A_1735 : vector<16xf32>
        tpu.vector_store_idx %arg11[%add3A_1632, %broadcast_in_dim3A_1890], %mul3A_1891 : memref<128x32xf32, #tpu.memory_space<vmem>>[vector<16xi32>, vector<16xi32>], vector<16xf32>,
        %broadcast_in_dim3A_1892 = arith.constant 23 : i32
        %broadcast_in_dim3A_1893 = vector.broadcast %broadcast_in_dim3A_1892 : i32 to vector<16xi32>
        %mul3A_1894 = arith.mulf %mul3A_1886, %mul3A_1736 : vector<16xf32>
        tpu.vector_store_idx %arg11[%add3A_1632, %broadcast_in_dim3A_1893], %mul3A_1894 : memref<128x32xf32, #tpu.memory_space<vmem>>[vector<16xi32>, vector<16xi32>], vector<16xf32>,
        %broadcast_in_dim3A_1895 = arith.constant 31 : i32
        %broadcast_in_dim3A_1896 = vector.broadcast %broadcast_in_dim3A_1895 : i32 to vector<16xi32>
        %mul3A_1897 = arith.mulf %mul3A_1886, %mul3A_1737 : vector<16xf32>
        tpu.vector_store_idx %arg11[%add3A_1632, %broadcast_in_dim3A_1896], %mul3A_1897 : memref<128x32xf32, #tpu.memory_space<vmem>>[vector<16xi32>, vector<16xi32>], vector<16xf32>,
        %add3A_1898 = arith.constant 112 : i32
        %add3A_1899 = vector.broadcast %add3A_1898 : i32 to vector<16xi32>
        %add3A_1900 = arith.addi %iota3A, %add3A_1899 : vector<16xi32>
        %broadcast_in_dim3A_1901 = arith.constant 0 : i32
        %broadcast_in_dim3A_1902 = vector.broadcast %broadcast_in_dim3A_1901 : i32 to vector<16xi32>
        %gather3A_1903 = tpu.vector_load_idx %arg9[%add3A_1900, %broadcast_in_dim3A_1902] : memref<128x16xf32, #tpu.memory_space<vmem>>[vector<16xi32>, vector<16xi32>], vector<16xf32>,
        %broadcast_in_dim3A_1904 = arith.constant 1 : i32
        %broadcast_in_dim3A_1905 = vector.broadcast %broadcast_in_dim3A_1904 : i32 to vector<16xi32>
        %gather3A_1906 = tpu.vector_load_idx %arg9[%add3A_1900, %broadcast_in_dim3A_1905] : memref<128x16xf32, #tpu.memory_space<vmem>>[vector<16xi32>, vector<16xi32>], vector<16xf32>,
        %broadcast_in_dim3A_1907 = arith.constant 2 : i32
        %broadcast_in_dim3A_1908 = vector.broadcast %broadcast_in_dim3A_1907 : i32 to vector<16xi32>
        %gather3A_1909 = tpu.vector_load_idx %arg9[%add3A_1900, %broadcast_in_dim3A_1908] : memref<128x16xf32, #tpu.memory_space<vmem>>[vector<16xi32>, vector<16xi32>], vector<16xf32>,
        %broadcast_in_dim3A_1910 = arith.constant 0 : i32
        %broadcast_in_dim3A_1911 = vector.broadcast %broadcast_in_dim3A_1910 : i32 to vector<16xi32>
        %gather3A_1912 = tpu.vector_load_idx %arg10[%add3A_1900, %broadcast_in_dim3A_1911] : memref<128x16xf32, #tpu.memory_space<vmem>>[vector<16xi32>, vector<16xi32>], vector<16xf32>,
        %broadcast_in_dim3A_1913 = arith.constant 1 : i32
        %broadcast_in_dim3A_1914 = vector.broadcast %broadcast_in_dim3A_1913 : i32 to vector<16xi32>
        %gather3A_1915 = tpu.vector_load_idx %arg10[%add3A_1900, %broadcast_in_dim3A_1914] : memref<128x16xf32, #tpu.memory_space<vmem>>[vector<16xi32>, vector<16xi32>], vector<16xf32>,
        %broadcast_in_dim3A_1916 = arith.constant 2 : i32
        %broadcast_in_dim3A_1917 = vector.broadcast %broadcast_in_dim3A_1916 : i32 to vector<16xi32>
        %gather3A_1918 = tpu.vector_load_idx %arg10[%add3A_1900, %broadcast_in_dim3A_1917] : memref<128x16xf32, #tpu.memory_space<vmem>>[vector<16xi32>, vector<16xi32>], vector<16xf32>,
        %sub3A_1919 = arith.subf %gather3A_1912, %gather3A_1903 : vector<16xf32>
        %sub3A_1920 = arith.subf %gather3A_1915, %gather3A_1906 : vector<16xf32>
        %sub3A_1921 = arith.subf %gather3A_1918, %gather3A_1909 : vector<16xf32>
        %mul3A_1922 = arith.mulf %sub3A_1919, %sub3A_1919 : vector<16xf32>
        %mul3A_1923 = arith.mulf %sub3A_1920, %sub3A_1920 : vector<16xf32>
        %add3A_1924 = arith.addf %mul3A_1922, %mul3A_1923 : vector<16xf32>
        %mul3A_1925 = arith.mulf %sub3A_1921, %sub3A_1921 : vector<16xf32>
        %add3A_1926 = arith.addf %add3A_1924, %mul3A_1925 : vector<16xf32>
        %add3A_1927 = arith.constant 9.99999996E-13 : f32
        %add3A_1928 = vector.broadcast %add3A_1927 : f32 to vector<16xf32>
        %add3A_1929 = arith.addf %add3A_1926, %add3A_1928 : vector<16xf32>
        %bitcast3A_1930 = vector.bitcast %add3A_1929 : vector<16xf32> to vector<16xi32>
        %shift_right_arithmetic3A_1931 = arith.constant 1 : i32
        %shift_right_arithmetic3A_1932 = vector.broadcast %shift_right_arithmetic3A_1931 : i32 to vector<16xi32>
        %shift_right_arithmetic3A_1933 = arith.shrsi %bitcast3A_1930, %shift_right_arithmetic3A_1932 : vector<16xi32>
        %sub3A_1934 = arith.constant 1597463007 : i32
        %sub3A_1935 = vector.broadcast %sub3A_1934 : i32 to vector<16xi32>
        %sub3A_1936 = arith.subi %sub3A_1935, %shift_right_arithmetic3A_1933 : vector<16xi32>
        %bitcast3A_1937 = vector.bitcast %sub3A_1936 : vector<16xi32> to vector<16xf32>
        %mul3A_1938 = arith.constant 5.000000e-01 : f32
        %mul3A_1939 = vector.broadcast %mul3A_1938 : f32 to vector<16xf32>
        %mul3A_1940 = arith.mulf %mul3A_1939, %add3A_1929 : vector<16xf32>
        %mul3A_1941 = arith.mulf %mul3A_1940, %bitcast3A_1937 : vector<16xf32>
        %mul3A_1942 = arith.mulf %mul3A_1941, %bitcast3A_1937 : vector<16xf32>
        %sub3A_1943 = arith.constant 1.500000e+00 : f32
        %sub3A_1944 = vector.broadcast %sub3A_1943 : f32 to vector<16xf32>
        %sub3A_1945 = arith.subf %sub3A_1944, %mul3A_1942 : vector<16xf32>
        %mul3A_1946 = arith.mulf %bitcast3A_1937, %sub3A_1945 : vector<16xf32>
        %mul3A_1947 = arith.mulf %mul3A_1940, %mul3A_1946 : vector<16xf32>
        %mul3A_1948 = arith.mulf %mul3A_1947, %mul3A_1946 : vector<16xf32>
        %sub3A_1949 = arith.constant 1.500000e+00 : f32
        %sub3A_1950 = vector.broadcast %sub3A_1949 : f32 to vector<16xf32>
        %sub3A_1951 = arith.subf %sub3A_1950, %mul3A_1948 : vector<16xf32>
        %mul3A_1952 = arith.mulf %mul3A_1946, %sub3A_1951 : vector<16xf32>
        %mul3A_1953 = arith.mulf %mul3A_1940, %mul3A_1952 : vector<16xf32>
        %mul3A_1954 = arith.mulf %mul3A_1953, %mul3A_1952 : vector<16xf32>
        %sub3A_1955 = arith.constant 1.500000e+00 : f32
        %sub3A_1956 = vector.broadcast %sub3A_1955 : f32 to vector<16xf32>
        %sub3A_1957 = arith.subf %sub3A_1956, %mul3A_1954 : vector<16xf32>
        %mul3A_1958 = arith.mulf %mul3A_1952, %sub3A_1957 : vector<16xf32>
        %mul3A_1959 = arith.mulf %add3A_1929, %mul3A_1958 : vector<16xf32>
        %min3A_1960 = arith.constant 6.000000e+00 : f32
        %min3A_1961 = vector.broadcast %min3A_1960 : f32 to vector<16xf32>
        %min3A_1962 = arith.minimumf %mul3A_1959, %min3A_1961 : vector<16xf32>
        %mul3A_1963 = arith.constant 0.166666672 : f32
        %mul3A_1964 = vector.broadcast %mul3A_1963 : f32 to vector<16xf32>
        %mul3A_1965 = arith.mulf %min3A_1962, %mul3A_1964 : vector<16xf32>
        %mul3A_1966 = arith.mulf %mul3A_1965, %mul3A_1965 : vector<16xf32>
        %mul3A_1967 = arith.constant 2.46740103 : f32
        %mul3A_1968 = vector.broadcast %mul3A_1967 : f32 to vector<16xf32>
        %mul3A_1969 = arith.mulf %mul3A_1968, %mul3A_1966 : vector<16xf32>
        %mul3A_1970 = arith.constant 2.08767559E-9 : f32
        %mul3A_1971 = vector.broadcast %mul3A_1970 : f32 to vector<16xf32>
        %mul3A_1972 = arith.mulf %mul3A_1971, %mul3A_1969 : vector<16xf32>
        %add3A_1973 = arith.constant -2.755732E-7 : f32
        %add3A_1974 = vector.broadcast %add3A_1973 : f32 to vector<16xf32>
        %add3A_1975 = arith.addf %mul3A_1972, %add3A_1974 : vector<16xf32>
        %mul3A_1976 = arith.mulf %add3A_1975, %mul3A_1969 : vector<16xf32>
        %add3A_1977 = arith.constant 2.48015876E-5 : f32
        %add3A_1978 = vector.broadcast %add3A_1977 : f32 to vector<16xf32>
        %add3A_1979 = arith.addf %mul3A_1976, %add3A_1978 : vector<16xf32>
        %mul3A_1980 = arith.mulf %add3A_1979, %mul3A_1969 : vector<16xf32>
        %add3A_1981 = arith.constant -0.00138888892 : f32
        %add3A_1982 = vector.broadcast %add3A_1981 : f32 to vector<16xf32>
        %add3A_1983 = arith.addf %mul3A_1980, %add3A_1982 : vector<16xf32>
        %mul3A_1984 = arith.mulf %add3A_1983, %mul3A_1969 : vector<16xf32>
        %add3A_1985 = arith.constant 0.0416666679 : f32
        %add3A_1986 = vector.broadcast %add3A_1985 : f32 to vector<16xf32>
        %add3A_1987 = arith.addf %mul3A_1984, %add3A_1986 : vector<16xf32>
        %mul3A_1988 = arith.mulf %add3A_1987, %mul3A_1969 : vector<16xf32>
        %add3A_1989 = arith.constant -5.000000e-01 : f32
        %add3A_1990 = vector.broadcast %add3A_1989 : f32 to vector<16xf32>
        %add3A_1991 = arith.addf %mul3A_1988, %add3A_1990 : vector<16xf32>
        %mul3A_1992 = arith.mulf %add3A_1991, %mul3A_1969 : vector<16xf32>
        %add3A_1993 = arith.constant 1.000000e+00 : f32
        %add3A_1994 = vector.broadcast %add3A_1993 : f32 to vector<16xf32>
        %add3A_1995 = arith.addf %mul3A_1992, %add3A_1994 : vector<16xf32>
        %lt3A_1996 = arith.constant 6.000000e+00 : f32
        %lt3A_1997 = vector.broadcast %lt3A_1996 : f32 to vector<16xf32>
        %lt3A_1998 = arith.cmpf olt, %mul3A_1959, %lt3A_1997 : vector<16xf32>
        %mul3A_1999 = arith.mulf %add3A_1995, %add3A_1995 : vector<16xf32>
        %jit3A_2000 = arith.constant 0.000000e+00 : f32
        %broadcast_in_dim3A_2001 = vector.broadcast %jit3A_2000 : f32 to vector<16xf32>
        %select_n3A_2002 = arith.select %lt3A_1998, %mul3A_1999, %broadcast_in_dim3A_2001 : vector<16xi1>, vector<16xf32>
        %mul3A_2003 = arith.mulf %sub3A_1919, %mul3A_1958 : vector<16xf32>
        %mul3A_2004 = arith.mulf %sub3A_1920, %mul3A_1958 : vector<16xf32>
        %mul3A_2005 = arith.mulf %sub3A_1921, %mul3A_1958 : vector<16xf32>
        %sub3A_2006 = arith.constant 5.000000e-01 : f32
        %sub3A_2007 = vector.broadcast %sub3A_2006 : f32 to vector<16xf32>
        %sub3A_2008 = arith.subf %min3A_1962, %sub3A_2007 : vector<16xf32>
        %mul3A_2009 = arith.mulf %sub3A_2008, %sub3A_2008 : vector<16xf32>
        %mul3A_2010 = arith.constant -4.000000e+00 : f32
        %mul3A_2011 = vector.broadcast %mul3A_2010 : f32 to vector<16xf32>
        %mul3A_2012 = arith.mulf %mul3A_2011, %mul3A_2009 : vector<16xf32>
        %exp3A_2013 = math.exp %mul3A_2012 : vector<16xf32>
        %mul3A_2014 = arith.mulf %exp3A_2013, %select_n3A_2002 : vector<16xf32>
        %broadcast_in_dim3A_2015 = arith.constant 0 : i32
        %broadcast_in_dim3A_2016 = vector.broadcast %broadcast_in_dim3A_2015 : i32 to vector<16xi32>
        tpu.vector_store_idx %arg11[%add3A_1900, %broadcast_in_dim3A_2016], %mul3A_2014 : memref<128x32xf32, #tpu.memory_space<vmem>>[vector<16xi32>, vector<16xi32>], vector<16xf32>,
        %broadcast_in_dim3A_2017 = arith.constant 8 : i32
        %broadcast_in_dim3A_2018 = vector.broadcast %broadcast_in_dim3A_2017 : i32 to vector<16xi32>
        %mul3A_2019 = arith.mulf %mul3A_2014, %mul3A_2003 : vector<16xf32>
        tpu.vector_store_idx %arg11[%add3A_1900, %broadcast_in_dim3A_2018], %mul3A_2019 : memref<128x32xf32, #tpu.memory_space<vmem>>[vector<16xi32>, vector<16xi32>], vector<16xf32>,
        %broadcast_in_dim3A_2020 = arith.constant 16 : i32
        %broadcast_in_dim3A_2021 = vector.broadcast %broadcast_in_dim3A_2020 : i32 to vector<16xi32>
        %mul3A_2022 = arith.mulf %mul3A_2014, %mul3A_2004 : vector<16xf32>
        tpu.vector_store_idx %arg11[%add3A_1900, %broadcast_in_dim3A_2021], %mul3A_2022 : memref<128x32xf32, #tpu.memory_space<vmem>>[vector<16xi32>, vector<16xi32>], vector<16xf32>,
        %broadcast_in_dim3A_2023 = arith.constant 24 : i32
        %broadcast_in_dim3A_2024 = vector.broadcast %broadcast_in_dim3A_2023 : i32 to vector<16xi32>
        %mul3A_2025 = arith.mulf %mul3A_2014, %mul3A_2005 : vector<16xf32>
        tpu.vector_store_idx %arg11[%add3A_1900, %broadcast_in_dim3A_2024], %mul3A_2025 : memref<128x32xf32, #tpu.memory_space<vmem>>[vector<16xi32>, vector<16xi32>], vector<16xf32>,
        %sub3A_2026 = arith.constant 1.28571427 : f32
        %sub3A_2027 = vector.broadcast %sub3A_2026 : f32 to vector<16xf32>
        %sub3A_2028 = arith.subf %min3A_1962, %sub3A_2027 : vector<16xf32>
        %mul3A_2029 = arith.mulf %sub3A_2028, %sub3A_2028 : vector<16xf32>
        %mul3A_2030 = arith.constant -4.000000e+00 : f32
        %mul3A_2031 = vector.broadcast %mul3A_2030 : f32 to vector<16xf32>
        %mul3A_2032 = arith.mulf %mul3A_2031, %mul3A_2029 : vector<16xf32>
        %exp3A_2033 = math.exp %mul3A_2032 : vector<16xf32>
        %mul3A_2034 = arith.mulf %exp3A_2033, %select_n3A_2002 : vector<16xf32>
        %broadcast_in_dim3A_2035 = arith.constant 1 : i32
        %broadcast_in_dim3A_2036 = vector.broadcast %broadcast_in_dim3A_2035 : i32 to vector<16xi32>
        tpu.vector_store_idx %arg11[%add3A_1900, %broadcast_in_dim3A_2036], %mul3A_2034 : memref<128x32xf32, #tpu.memory_space<vmem>>[vector<16xi32>, vector<16xi32>], vector<16xf32>,
        %broadcast_in_dim3A_2037 = arith.constant 9 : i32
        %broadcast_in_dim3A_2038 = vector.broadcast %broadcast_in_dim3A_2037 : i32 to vector<16xi32>
        %mul3A_2039 = arith.mulf %mul3A_2034, %mul3A_2003 : vector<16xf32>
        tpu.vector_store_idx %arg11[%add3A_1900, %broadcast_in_dim3A_2038], %mul3A_2039 : memref<128x32xf32, #tpu.memory_space<vmem>>[vector<16xi32>, vector<16xi32>], vector<16xf32>,
        %broadcast_in_dim3A_2040 = arith.constant 17 : i32
        %broadcast_in_dim3A_2041 = vector.broadcast %broadcast_in_dim3A_2040 : i32 to vector<16xi32>
        %mul3A_2042 = arith.mulf %mul3A_2034, %mul3A_2004 : vector<16xf32>
        tpu.vector_store_idx %arg11[%add3A_1900, %broadcast_in_dim3A_2041], %mul3A_2042 : memref<128x32xf32, #tpu.memory_space<vmem>>[vector<16xi32>, vector<16xi32>], vector<16xf32>,
        %broadcast_in_dim3A_2043 = arith.constant 25 : i32
        %broadcast_in_dim3A_2044 = vector.broadcast %broadcast_in_dim3A_2043 : i32 to vector<16xi32>
        %mul3A_2045 = arith.mulf %mul3A_2034, %mul3A_2005 : vector<16xf32>
        tpu.vector_store_idx %arg11[%add3A_1900, %broadcast_in_dim3A_2044], %mul3A_2045 : memref<128x32xf32, #tpu.memory_space<vmem>>[vector<16xi32>, vector<16xi32>], vector<16xf32>,
        %sub3A_2046 = arith.constant 2.07142854 : f32
        %sub3A_2047 = vector.broadcast %sub3A_2046 : f32 to vector<16xf32>
        %sub3A_2048 = arith.subf %min3A_1962, %sub3A_2047 : vector<16xf32>
        %mul3A_2049 = arith.mulf %sub3A_2048, %sub3A_2048 : vector<16xf32>
        %mul3A_2050 = arith.constant -4.000000e+00 : f32
        %mul3A_2051 = vector.broadcast %mul3A_2050 : f32 to vector<16xf32>
        %mul3A_2052 = arith.mulf %mul3A_2051, %mul3A_2049 : vector<16xf32>
        %exp3A_2053 = math.exp %mul3A_2052 : vector<16xf32>
        %mul3A_2054 = arith.mulf %exp3A_2053, %select_n3A_2002 : vector<16xf32>
        %broadcast_in_dim3A_2055 = arith.constant 2 : i32
        %broadcast_in_dim3A_2056 = vector.broadcast %broadcast_in_dim3A_2055 : i32 to vector<16xi32>
        tpu.vector_store_idx %arg11[%add3A_1900, %broadcast_in_dim3A_2056], %mul3A_2054 : memref<128x32xf32, #tpu.memory_space<vmem>>[vector<16xi32>, vector<16xi32>], vector<16xf32>,
        %broadcast_in_dim3A_2057 = arith.constant 10 : i32
        %broadcast_in_dim3A_2058 = vector.broadcast %broadcast_in_dim3A_2057 : i32 to vector<16xi32>
        %mul3A_2059 = arith.mulf %mul3A_2054, %mul3A_2003 : vector<16xf32>
        tpu.vector_store_idx %arg11[%add3A_1900, %broadcast_in_dim3A_2058], %mul3A_2059 : memref<128x32xf32, #tpu.memory_space<vmem>>[vector<16xi32>, vector<16xi32>], vector<16xf32>,
        %broadcast_in_dim3A_2060 = arith.constant 18 : i32
        %broadcast_in_dim3A_2061 = vector.broadcast %broadcast_in_dim3A_2060 : i32 to vector<16xi32>
        %mul3A_2062 = arith.mulf %mul3A_2054, %mul3A_2004 : vector<16xf32>
        tpu.vector_store_idx %arg11[%add3A_1900, %broadcast_in_dim3A_2061], %mul3A_2062 : memref<128x32xf32, #tpu.memory_space<vmem>>[vector<16xi32>, vector<16xi32>], vector<16xf32>,
        %broadcast_in_dim3A_2063 = arith.constant 26 : i32
        %broadcast_in_dim3A_2064 = vector.broadcast %broadcast_in_dim3A_2063 : i32 to vector<16xi32>
        %mul3A_2065 = arith.mulf %mul3A_2054, %mul3A_2005 : vector<16xf32>
        tpu.vector_store_idx %arg11[%add3A_1900, %broadcast_in_dim3A_2064], %mul3A_2065 : memref<128x32xf32, #tpu.memory_space<vmem>>[vector<16xi32>, vector<16xi32>], vector<16xf32>,
        %sub3A_2066 = arith.constant 2.85714293 : f32
        %sub3A_2067 = vector.broadcast %sub3A_2066 : f32 to vector<16xf32>
        %sub3A_2068 = arith.subf %min3A_1962, %sub3A_2067 : vector<16xf32>
        %mul3A_2069 = arith.mulf %sub3A_2068, %sub3A_2068 : vector<16xf32>
        %mul3A_2070 = arith.constant -4.000000e+00 : f32
        %mul3A_2071 = vector.broadcast %mul3A_2070 : f32 to vector<16xf32>
        %mul3A_2072 = arith.mulf %mul3A_2071, %mul3A_2069 : vector<16xf32>
        %exp3A_2073 = math.exp %mul3A_2072 : vector<16xf32>
        %mul3A_2074 = arith.mulf %exp3A_2073, %select_n3A_2002 : vector<16xf32>
        %broadcast_in_dim3A_2075 = arith.constant 3 : i32
        %broadcast_in_dim3A_2076 = vector.broadcast %broadcast_in_dim3A_2075 : i32 to vector<16xi32>
        tpu.vector_store_idx %arg11[%add3A_1900, %broadcast_in_dim3A_2076], %mul3A_2074 : memref<128x32xf32, #tpu.memory_space<vmem>>[vector<16xi32>, vector<16xi32>], vector<16xf32>,
        %broadcast_in_dim3A_2077 = arith.constant 11 : i32
        %broadcast_in_dim3A_2078 = vector.broadcast %broadcast_in_dim3A_2077 : i32 to vector<16xi32>
        %mul3A_2079 = arith.mulf %mul3A_2074, %mul3A_2003 : vector<16xf32>
        tpu.vector_store_idx %arg11[%add3A_1900, %broadcast_in_dim3A_2078], %mul3A_2079 : memref<128x32xf32, #tpu.memory_space<vmem>>[vector<16xi32>, vector<16xi32>], vector<16xf32>,
        %broadcast_in_dim3A_2080 = arith.constant 19 : i32
        %broadcast_in_dim3A_2081 = vector.broadcast %broadcast_in_dim3A_2080 : i32 to vector<16xi32>
        %mul3A_2082 = arith.mulf %mul3A_2074, %mul3A_2004 : vector<16xf32>
        tpu.vector_store_idx %arg11[%add3A_1900, %broadcast_in_dim3A_2081], %mul3A_2082 : memref<128x32xf32, #tpu.memory_space<vmem>>[vector<16xi32>, vector<16xi32>], vector<16xf32>,
        %broadcast_in_dim3A_2083 = arith.constant 27 : i32
        %broadcast_in_dim3A_2084 = vector.broadcast %broadcast_in_dim3A_2083 : i32 to vector<16xi32>
        %mul3A_2085 = arith.mulf %mul3A_2074, %mul3A_2005 : vector<16xf32>
        tpu.vector_store_idx %arg11[%add3A_1900, %broadcast_in_dim3A_2084], %mul3A_2085 : memref<128x32xf32, #tpu.memory_space<vmem>>[vector<16xi32>, vector<16xi32>], vector<16xf32>,
        %sub3A_2086 = arith.constant 3.64285707 : f32
        %sub3A_2087 = vector.broadcast %sub3A_2086 : f32 to vector<16xf32>
        %sub3A_2088 = arith.subf %min3A_1962, %sub3A_2087 : vector<16xf32>
        %mul3A_2089 = arith.mulf %sub3A_2088, %sub3A_2088 : vector<16xf32>
        %mul3A_2090 = arith.constant -4.000000e+00 : f32
        %mul3A_2091 = vector.broadcast %mul3A_2090 : f32 to vector<16xf32>
        %mul3A_2092 = arith.mulf %mul3A_2091, %mul3A_2089 : vector<16xf32>
        %exp3A_2093 = math.exp %mul3A_2092 : vector<16xf32>
        %mul3A_2094 = arith.mulf %exp3A_2093, %select_n3A_2002 : vector<16xf32>
        %broadcast_in_dim3A_2095 = arith.constant 4 : i32
        %broadcast_in_dim3A_2096 = vector.broadcast %broadcast_in_dim3A_2095 : i32 to vector<16xi32>
        tpu.vector_store_idx %arg11[%add3A_1900, %broadcast_in_dim3A_2096], %mul3A_2094 : memref<128x32xf32, #tpu.memory_space<vmem>>[vector<16xi32>, vector<16xi32>], vector<16xf32>,
        %broadcast_in_dim3A_2097 = arith.constant 12 : i32
        %broadcast_in_dim3A_2098 = vector.broadcast %broadcast_in_dim3A_2097 : i32 to vector<16xi32>
        %mul3A_2099 = arith.mulf %mul3A_2094, %mul3A_2003 : vector<16xf32>
        tpu.vector_store_idx %arg11[%add3A_1900, %broadcast_in_dim3A_2098], %mul3A_2099 : memref<128x32xf32, #tpu.memory_space<vmem>>[vector<16xi32>, vector<16xi32>], vector<16xf32>,
        %broadcast_in_dim3A_2100 = arith.constant 20 : i32
        %broadcast_in_dim3A_2101 = vector.broadcast %broadcast_in_dim3A_2100 : i32 to vector<16xi32>
        %mul3A_2102 = arith.mulf %mul3A_2094, %mul3A_2004 : vector<16xf32>
        tpu.vector_store_idx %arg11[%add3A_1900, %broadcast_in_dim3A_2101], %mul3A_2102 : memref<128x32xf32, #tpu.memory_space<vmem>>[vector<16xi32>, vector<16xi32>], vector<16xf32>,
        %broadcast_in_dim3A_2103 = arith.constant 28 : i32
        %broadcast_in_dim3A_2104 = vector.broadcast %broadcast_in_dim3A_2103 : i32 to vector<16xi32>
        %mul3A_2105 = arith.mulf %mul3A_2094, %mul3A_2005 : vector<16xf32>
        tpu.vector_store_idx %arg11[%add3A_1900, %broadcast_in_dim3A_2104], %mul3A_2105 : memref<128x32xf32, #tpu.memory_space<vmem>>[vector<16xi32>, vector<16xi32>], vector<16xf32>,
        %sub3A_2106 = arith.constant 4.42857122 : f32
        %sub3A_2107 = vector.broadcast %sub3A_2106 : f32 to vector<16xf32>
        %sub3A_2108 = arith.subf %min3A_1962, %sub3A_2107 : vector<16xf32>
        %mul3A_2109 = arith.mulf %sub3A_2108, %sub3A_2108 : vector<16xf32>
        %mul3A_2110 = arith.constant -4.000000e+00 : f32
        %mul3A_2111 = vector.broadcast %mul3A_2110 : f32 to vector<16xf32>
        %mul3A_2112 = arith.mulf %mul3A_2111, %mul3A_2109 : vector<16xf32>
        %exp3A_2113 = math.exp %mul3A_2112 : vector<16xf32>
        %mul3A_2114 = arith.mulf %exp3A_2113, %select_n3A_2002 : vector<16xf32>
        %broadcast_in_dim3A_2115 = arith.constant 5 : i32
        %broadcast_in_dim3A_2116 = vector.broadcast %broadcast_in_dim3A_2115 : i32 to vector<16xi32>
        tpu.vector_store_idx %arg11[%add3A_1900, %broadcast_in_dim3A_2116], %mul3A_2114 : memref<128x32xf32, #tpu.memory_space<vmem>>[vector<16xi32>, vector<16xi32>], vector<16xf32>,
        %broadcast_in_dim3A_2117 = arith.constant 13 : i32
        %broadcast_in_dim3A_2118 = vector.broadcast %broadcast_in_dim3A_2117 : i32 to vector<16xi32>
        %mul3A_2119 = arith.mulf %mul3A_2114, %mul3A_2003 : vector<16xf32>
        tpu.vector_store_idx %arg11[%add3A_1900, %broadcast_in_dim3A_2118], %mul3A_2119 : memref<128x32xf32, #tpu.memory_space<vmem>>[vector<16xi32>, vector<16xi32>], vector<16xf32>,
        %broadcast_in_dim3A_2120 = arith.constant 21 : i32
        %broadcast_in_dim3A_2121 = vector.broadcast %broadcast_in_dim3A_2120 : i32 to vector<16xi32>
        %mul3A_2122 = arith.mulf %mul3A_2114, %mul3A_2004 : vector<16xf32>
        tpu.vector_store_idx %arg11[%add3A_1900, %broadcast_in_dim3A_2121], %mul3A_2122 : memref<128x32xf32, #tpu.memory_space<vmem>>[vector<16xi32>, vector<16xi32>], vector<16xf32>,
        %broadcast_in_dim3A_2123 = arith.constant 29 : i32
        %broadcast_in_dim3A_2124 = vector.broadcast %broadcast_in_dim3A_2123 : i32 to vector<16xi32>
        %mul3A_2125 = arith.mulf %mul3A_2114, %mul3A_2005 : vector<16xf32>
        tpu.vector_store_idx %arg11[%add3A_1900, %broadcast_in_dim3A_2124], %mul3A_2125 : memref<128x32xf32, #tpu.memory_space<vmem>>[vector<16xi32>, vector<16xi32>], vector<16xf32>,
        %sub3A_2126 = arith.constant 5.21428585 : f32
        %sub3A_2127 = vector.broadcast %sub3A_2126 : f32 to vector<16xf32>
        %sub3A_2128 = arith.subf %min3A_1962, %sub3A_2127 : vector<16xf32>
        %mul3A_2129 = arith.mulf %sub3A_2128, %sub3A_2128 : vector<16xf32>
        %mul3A_2130 = arith.constant -4.000000e+00 : f32
        %mul3A_2131 = vector.broadcast %mul3A_2130 : f32 to vector<16xf32>
        %mul3A_2132 = arith.mulf %mul3A_2131, %mul3A_2129 : vector<16xf32>
        %exp3A_2133 = math.exp %mul3A_2132 : vector<16xf32>
        %mul3A_2134 = arith.mulf %exp3A_2133, %select_n3A_2002 : vector<16xf32>
        %broadcast_in_dim3A_2135 = arith.constant 6 : i32
        %broadcast_in_dim3A_2136 = vector.broadcast %broadcast_in_dim3A_2135 : i32 to vector<16xi32>
        tpu.vector_store_idx %arg11[%add3A_1900, %broadcast_in_dim3A_2136], %mul3A_2134 : memref<128x32xf32, #tpu.memory_space<vmem>>[vector<16xi32>, vector<16xi32>], vector<16xf32>,
        %broadcast_in_dim3A_2137 = arith.constant 14 : i32
        %broadcast_in_dim3A_2138 = vector.broadcast %broadcast_in_dim3A_2137 : i32 to vector<16xi32>
        %mul3A_2139 = arith.mulf %mul3A_2134, %mul3A_2003 : vector<16xf32>
        tpu.vector_store_idx %arg11[%add3A_1900, %broadcast_in_dim3A_2138], %mul3A_2139 : memref<128x32xf32, #tpu.memory_space<vmem>>[vector<16xi32>, vector<16xi32>], vector<16xf32>,
        %broadcast_in_dim3A_2140 = arith.constant 22 : i32
        %broadcast_in_dim3A_2141 = vector.broadcast %broadcast_in_dim3A_2140 : i32 to vector<16xi32>
        %mul3A_2142 = arith.mulf %mul3A_2134, %mul3A_2004 : vector<16xf32>
        tpu.vector_store_idx %arg11[%add3A_1900, %broadcast_in_dim3A_2141], %mul3A_2142 : memref<128x32xf32, #tpu.memory_space<vmem>>[vector<16xi32>, vector<16xi32>], vector<16xf32>,
        %broadcast_in_dim3A_2143 = arith.constant 30 : i32
        %broadcast_in_dim3A_2144 = vector.broadcast %broadcast_in_dim3A_2143 : i32 to vector<16xi32>
        %mul3A_2145 = arith.mulf %mul3A_2134, %mul3A_2005 : vector<16xf32>
        tpu.vector_store_idx %arg11[%add3A_1900, %broadcast_in_dim3A_2144], %mul3A_2145 : memref<128x32xf32, #tpu.memory_space<vmem>>[vector<16xi32>, vector<16xi32>], vector<16xf32>,
        %sub3A_2146 = arith.constant 6.000000e+00 : f32
        %sub3A_2147 = vector.broadcast %sub3A_2146 : f32 to vector<16xf32>
        %sub3A_2148 = arith.subf %min3A_1962, %sub3A_2147 : vector<16xf32>
        %mul3A_2149 = arith.mulf %sub3A_2148, %sub3A_2148 : vector<16xf32>
        %mul3A_2150 = arith.constant -4.000000e+00 : f32
        %mul3A_2151 = vector.broadcast %mul3A_2150 : f32 to vector<16xf32>
        %mul3A_2152 = arith.mulf %mul3A_2151, %mul3A_2149 : vector<16xf32>
        %exp3A_2153 = math.exp %mul3A_2152 : vector<16xf32>
        %mul3A_2154 = arith.mulf %exp3A_2153, %select_n3A_2002 : vector<16xf32>
        %broadcast_in_dim3A_2155 = arith.constant 7 : i32
        %broadcast_in_dim3A_2156 = vector.broadcast %broadcast_in_dim3A_2155 : i32 to vector<16xi32>
        tpu.vector_store_idx %arg11[%add3A_1900, %broadcast_in_dim3A_2156], %mul3A_2154 : memref<128x32xf32, #tpu.memory_space<vmem>>[vector<16xi32>, vector<16xi32>], vector<16xf32>,
        %broadcast_in_dim3A_2157 = arith.constant 15 : i32
        %broadcast_in_dim3A_2158 = vector.broadcast %broadcast_in_dim3A_2157 : i32 to vector<16xi32>
        %mul3A_2159 = arith.mulf %mul3A_2154, %mul3A_2003 : vector<16xf32>
        tpu.vector_store_idx %arg11[%add3A_1900, %broadcast_in_dim3A_2158], %mul3A_2159 : memref<128x32xf32, #tpu.memory_space<vmem>>[vector<16xi32>, vector<16xi32>], vector<16xf32>,
        %broadcast_in_dim3A_2160 = arith.constant 23 : i32
        %broadcast_in_dim3A_2161 = vector.broadcast %broadcast_in_dim3A_2160 : i32 to vector<16xi32>
        %mul3A_2162 = arith.mulf %mul3A_2154, %mul3A_2004 : vector<16xf32>
        tpu.vector_store_idx %arg11[%add3A_1900, %broadcast_in_dim3A_2161], %mul3A_2162 : memref<128x32xf32, #tpu.memory_space<vmem>>[vector<16xi32>, vector<16xi32>], vector<16xf32>,
        %broadcast_in_dim3A_2163 = arith.constant 31 : i32
        %broadcast_in_dim3A_2164 = vector.broadcast %broadcast_in_dim3A_2163 : i32 to vector<16xi32>
        %mul3A_2165 = arith.mulf %mul3A_2154, %mul3A_2005 : vector<16xf32>
        tpu.vector_store_idx %arg11[%add3A_1900, %broadcast_in_dim3A_2164], %mul3A_2165 : memref<128x32xf32, #tpu.memory_space<vmem>>[vector<16xi32>, vector<16xi32>], vector<16xf32>,
        "tpu.region"() ({
          %run_scoped3A = tpu.sem_alloc : memref<!tpu.dma_semaphore, #tpu.memory_space<semaphore_mem>>
          %dma_start3A_2166 = arith.constant 0 : i32
          %dma_start3A_2167 = arith.constant 0 : i32
          %dma_start3A_2168 = tpu.memref_slice %arg12[%dma_start3A_2166, %dma_start3A_2167] : memref<50048x32xf32, #tpu.memory_space<vmem_shared>> -> memref<50048x32xf32, #tpu.memory_space<vmem_shared>>
          tpu.enqueue_indirect_dma source(%arg11 : memref<128x32xf32, #tpu.memory_space<vmem>>) target(%dma_start3A_2168 : memref<50048x32xf32, #tpu.memory_space<vmem_shared>>) offsets(%arg7 : memref<128xi32, #tpu.memory_space<vmem>>) semaphore(%run_scoped3A : memref<!tpu.dma_semaphore, #tpu.memory_space<semaphore_mem>>) {add = true}
          %dma_wait3A_2169 = arith.constant 0 : i32
          %dma_wait3A_2170 = arith.constant 0 : i32
          %dma_wait3A_2171 = tpu.memref_slice %arg12[%dma_wait3A_2169, %dma_wait3A_2170] : memref<50048x32xf32, #tpu.memory_space<vmem_shared>> -> memref<50048x32xf32, #tpu.memory_space<vmem_shared>>
          tpu.wait_indirect_dma semaphore(%run_scoped3A : memref<!tpu.dma_semaphore, #tpu.memory_space<semaphore_mem>>) src(%arg11 : memref<128x32xf32, #tpu.memory_space<vmem>>) dst(%dma_wait3A_2171 : memref<50048x32xf32, #tpu.memory_space<vmem_shared>>)
          tpu.yield
        }) : () -> ()
      } else {
      }
    }
    %scan3A_7 = arith.constant 391 : i32
    %barrier3A_8 = arith.constant 0 : index
    tpu.barrier barrier_id(%barrier3A_8)
    %mul3A_9 = arith.constant 3128 : i32
    %mul3A_10 = arith.muli %arg1, %mul3A_9 : i32
    %mul3A_11 = arith.constant 3128 : i32
    %mul3A_12 = arith.muli %arg1, %mul3A_11 : i32
    "tpu.region"() ({
      %run_scoped3A = tpu.sem_alloc : memref<!tpu.dma_semaphore, #tpu.memory_space<semaphore_mem>>
      %dma_start3A = arith.constant 0 : i32
      %dma_start3A_13 = tpu.memref_slice %arg6[%arg0, %mul3A_12, %dma_start3A] : memref<2x50048x32xf32, #tpu.memory_space<hbm>> -> memref<1x3128x32xf32, #tpu.memory_space<hbm>>
      %dma_start3A_14 = tpu.memref_squeeze %dma_start3A_13 : memref<1x3128x32xf32, #tpu.memory_space<hbm>> -> memref<3128x32xf32, #tpu.memory_space<hbm>>
      %dma_start3A_15 = arith.constant 0 : i32
      %dma_start3A_16 = tpu.memref_slice %arg12[%mul3A_10, %dma_start3A_15] : memref<50048x32xf32, #tpu.memory_space<vmem_shared>> -> memref<3128x32xf32, #tpu.memory_space<vmem_shared>>
      tpu.enqueue_dma source(%dma_start3A_16 : memref<3128x32xf32, #tpu.memory_space<vmem_shared>>) target(%dma_start3A_14 : memref<3128x32xf32, #tpu.memory_space<hbm>>) target_semaphore(%run_scoped3A : memref<!tpu.dma_semaphore, #tpu.memory_space<semaphore_mem>>)
      %dma_wait3A = arith.constant 0 : i32
      %dma_wait3A_17 = tpu.memref_slice %arg6[%arg0, %mul3A_12, %dma_wait3A] : memref<2x50048x32xf32, #tpu.memory_space<hbm>> -> memref<1x3128x32xf32, #tpu.memory_space<hbm>>
      %dma_wait3A_18 = tpu.memref_squeeze %dma_wait3A_17 : memref<1x3128x32xf32, #tpu.memory_space<hbm>> -> memref<3128x32xf32, #tpu.memory_space<hbm>>
      %dma_wait3A_19 = arith.constant 0 : i32
      %dma_wait3A_20 = tpu.memref_slice %arg12[%mul3A_10, %dma_wait3A_19] : memref<50048x32xf32, #tpu.memory_space<vmem_shared>> -> memref<3128x32xf32, #tpu.memory_space<vmem_shared>>
      tpu.wait_dma2 semaphore(%run_scoped3A : memref<!tpu.dma_semaphore, #tpu.memory_space<semaphore_mem>>) src(%dma_wait3A_20 : memref<3128x32xf32, #tpu.memory_space<vmem_shared>>) dst(%dma_wait3A_18 : memref<3128x32xf32, #tpu.memory_space<hbm>>)
      tpu.yield
    }) : () -> ()
    return
  }
}

module attributes {stable_mosaic.version = 14 : i64} {
  func.func @body(%arg0: i32, %arg1: memref<2x2000x32xf32, #tpu.memory_space<vmem>>, %arg2: memref<2000x1xf32, #tpu.memory_space<vmem>>, %arg3: memref<2000x1xf32, #tpu.memory_space<vmem>>, %arg4: memref<72x64xf32, #tpu.memory_space<vmem>>, %arg5: memref<1x64xf32, #tpu.memory_space<vmem>>, %arg6: memref<64x64xf32, #tpu.memory_space<vmem>>, %arg7: memref<1x64xf32, #tpu.memory_space<vmem>>, %arg8: memref<64x1xf32, #tpu.memory_space<vmem>>, %arg9: memref<1x1xf32, #tpu.memory_space<vmem>>, %arg10: memref<1x1xf32, #tpu.memory_space<vmem>>) attributes {dimension_semantics = [#tpu.dimension_semantics<arbitrary>], iteration_bounds = array<i64: 25>, scalar_prefetch = 0 : i64, scratch_operands = 0 : i64, tpu.core_type = #tpu.core_type<tc>, window_params = [{transform_indices = @transform_0, window_bounds = array<i64: 2, 2000, 32>}, {transform_indices = @transform_1, window_bounds = array<i64: 2000, 1>}, {transform_indices = @transform_2, window_bounds = array<i64: 2000, 1>}, {pipeline_mode = #tpu.pipeline_mode<synchronous>, transform_indices = @transform_3, window_bounds = array<i64: 72, 64>}, {pipeline_mode = #tpu.pipeline_mode<synchronous>, transform_indices = @transform_4, window_bounds = array<i64: 1, 64>}, {pipeline_mode = #tpu.pipeline_mode<synchronous>, transform_indices = @transform_5, window_bounds = array<i64: 64, 64>}, {pipeline_mode = #tpu.pipeline_mode<synchronous>, transform_indices = @transform_6, window_bounds = array<i64: 1, 64>}, {pipeline_mode = #tpu.pipeline_mode<synchronous>, transform_indices = @transform_7, window_bounds = array<i64: 64, 1>}, {pipeline_mode = #tpu.pipeline_mode<synchronous>, transform_indices = @transform_8, window_bounds = array<i64: 1, 1>}, {pipeline_mode = #tpu.pipeline_mode<synchronous>, transform_indices = @transform_9, window_bounds = array<i64: 1, 1>}]} {
    %get3A = arith.constant 0 : index
    %get3A_0 = arith.constant 0 : index
    %get3A_1 = arith.constant 0 : index
    %get3A_2 = vector.load %arg1[%get3A, %get3A_0, %get3A_1] : memref<2x2000x32xf32, #tpu.memory_space<vmem>>, vector<1x2000x32xf32>
    %get3A_3 = vector.shape_cast %get3A_2 : vector<1x2000x32xf32> to vector<2000x32xf32>
    %get3A_4 = arith.constant 1 : index
    %get3A_5 = arith.constant 0 : index
    %get3A_6 = arith.constant 0 : index
    %get3A_7 = vector.load %arg1[%get3A_4, %get3A_5, %get3A_6] : memref<2x2000x32xf32, #tpu.memory_space<vmem>>, vector<1x2000x32xf32>
    %get3A_8 = vector.shape_cast %get3A_7 : vector<1x2000x32xf32> to vector<2000x32xf32>
    %add3A = arith.addf %get3A_3, %get3A_8 : vector<2000x32xf32>
    %slice3A = vector.extract_strided_slice %add3A {offsets = [0, 0], sizes = [2000, 8], strides = [1, 1]} : vector<2000x32xf32> to vector<2000x8xf32>
    %slice3A_9 = vector.extract_strided_slice %add3A {offsets = [0, 8], sizes = [2000, 8], strides = [1, 1]} : vector<2000x32xf32> to vector<2000x8xf32>
    %slice3A_10 = vector.extract_strided_slice %add3A {offsets = [0, 16], sizes = [2000, 8], strides = [1, 1]} : vector<2000x32xf32> to vector<2000x8xf32>
    %slice3A_11 = vector.extract_strided_slice %add3A {offsets = [0, 24], sizes = [2000, 8], strides = [1, 1]} : vector<2000x32xf32> to vector<2000x8xf32>
    %slice3A_12 = vector.extract_strided_slice %slice3A_9 {offsets = [0, 0], sizes = [2000, 1], strides = [1, 1]} : vector<2000x8xf32> to vector<2000x1xf32>
    %mul3A = vector.broadcast %slice3A_12 : vector<2000x1xf32> to vector<2000x8xf32>
    %mul3A_13 = arith.mulf %mul3A, %slice3A_9 : vector<2000x8xf32>
    %slice3A_14 = vector.extract_strided_slice %slice3A_10 {offsets = [0, 0], sizes = [2000, 1], strides = [1, 1]} : vector<2000x8xf32> to vector<2000x1xf32>
    %mul3A_15 = vector.broadcast %slice3A_14 : vector<2000x1xf32> to vector<2000x8xf32>
    %mul3A_16 = arith.mulf %mul3A_15, %slice3A_10 : vector<2000x8xf32>
    %add3A_17 = arith.addf %mul3A_13, %mul3A_16 : vector<2000x8xf32>
    %slice3A_18 = vector.extract_strided_slice %slice3A_11 {offsets = [0, 0], sizes = [2000, 1], strides = [1, 1]} : vector<2000x8xf32> to vector<2000x1xf32>
    %mul3A_19 = vector.broadcast %slice3A_18 : vector<2000x1xf32> to vector<2000x8xf32>
    %mul3A_20 = arith.mulf %mul3A_19, %slice3A_11 : vector<2000x8xf32>
    %add3A_21 = arith.addf %add3A_17, %mul3A_20 : vector<2000x8xf32>
    %slice3A_22 = vector.extract_strided_slice %slice3A_9 {offsets = [0, 1], sizes = [2000, 1], strides = [1, 1]} : vector<2000x8xf32> to vector<2000x1xf32>
    %mul3A_23 = vector.broadcast %slice3A_22 : vector<2000x1xf32> to vector<2000x8xf32>
    %mul3A_24 = arith.mulf %mul3A_23, %slice3A_9 : vector<2000x8xf32>
    %slice3A_25 = vector.extract_strided_slice %slice3A_10 {offsets = [0, 1], sizes = [2000, 1], strides = [1, 1]} : vector<2000x8xf32> to vector<2000x1xf32>
    %mul3A_26 = vector.broadcast %slice3A_25 : vector<2000x1xf32> to vector<2000x8xf32>
    %mul3A_27 = arith.mulf %mul3A_26, %slice3A_10 : vector<2000x8xf32>
    %add3A_28 = arith.addf %mul3A_24, %mul3A_27 : vector<2000x8xf32>
    %slice3A_29 = vector.extract_strided_slice %slice3A_11 {offsets = [0, 1], sizes = [2000, 1], strides = [1, 1]} : vector<2000x8xf32> to vector<2000x1xf32>
    %mul3A_30 = vector.broadcast %slice3A_29 : vector<2000x1xf32> to vector<2000x8xf32>
    %mul3A_31 = arith.mulf %mul3A_30, %slice3A_11 : vector<2000x8xf32>
    %add3A_32 = arith.addf %add3A_28, %mul3A_31 : vector<2000x8xf32>
    %slice3A_33 = vector.extract_strided_slice %slice3A_9 {offsets = [0, 2], sizes = [2000, 1], strides = [1, 1]} : vector<2000x8xf32> to vector<2000x1xf32>
    %mul3A_34 = vector.broadcast %slice3A_33 : vector<2000x1xf32> to vector<2000x8xf32>
    %mul3A_35 = arith.mulf %mul3A_34, %slice3A_9 : vector<2000x8xf32>
    %slice3A_36 = vector.extract_strided_slice %slice3A_10 {offsets = [0, 2], sizes = [2000, 1], strides = [1, 1]} : vector<2000x8xf32> to vector<2000x1xf32>
    %mul3A_37 = vector.broadcast %slice3A_36 : vector<2000x1xf32> to vector<2000x8xf32>
    %mul3A_38 = arith.mulf %mul3A_37, %slice3A_10 : vector<2000x8xf32>
    %add3A_39 = arith.addf %mul3A_35, %mul3A_38 : vector<2000x8xf32>
    %slice3A_40 = vector.extract_strided_slice %slice3A_11 {offsets = [0, 2], sizes = [2000, 1], strides = [1, 1]} : vector<2000x8xf32> to vector<2000x1xf32>
    %mul3A_41 = vector.broadcast %slice3A_40 : vector<2000x1xf32> to vector<2000x8xf32>
    %mul3A_42 = arith.mulf %mul3A_41, %slice3A_11 : vector<2000x8xf32>
    %add3A_43 = arith.addf %add3A_39, %mul3A_42 : vector<2000x8xf32>
    %slice3A_44 = vector.extract_strided_slice %slice3A_9 {offsets = [0, 3], sizes = [2000, 1], strides = [1, 1]} : vector<2000x8xf32> to vector<2000x1xf32>
    %mul3A_45 = vector.broadcast %slice3A_44 : vector<2000x1xf32> to vector<2000x8xf32>
    %mul3A_46 = arith.mulf %mul3A_45, %slice3A_9 : vector<2000x8xf32>
    %slice3A_47 = vector.extract_strided_slice %slice3A_10 {offsets = [0, 3], sizes = [2000, 1], strides = [1, 1]} : vector<2000x8xf32> to vector<2000x1xf32>
    %mul3A_48 = vector.broadcast %slice3A_47 : vector<2000x1xf32> to vector<2000x8xf32>
    %mul3A_49 = arith.mulf %mul3A_48, %slice3A_10 : vector<2000x8xf32>
    %add3A_50 = arith.addf %mul3A_46, %mul3A_49 : vector<2000x8xf32>
    %slice3A_51 = vector.extract_strided_slice %slice3A_11 {offsets = [0, 3], sizes = [2000, 1], strides = [1, 1]} : vector<2000x8xf32> to vector<2000x1xf32>
    %mul3A_52 = vector.broadcast %slice3A_51 : vector<2000x1xf32> to vector<2000x8xf32>
    %mul3A_53 = arith.mulf %mul3A_52, %slice3A_11 : vector<2000x8xf32>
    %add3A_54 = arith.addf %add3A_50, %mul3A_53 : vector<2000x8xf32>
    %slice3A_55 = vector.extract_strided_slice %slice3A_9 {offsets = [0, 4], sizes = [2000, 1], strides = [1, 1]} : vector<2000x8xf32> to vector<2000x1xf32>
    %mul3A_56 = vector.broadcast %slice3A_55 : vector<2000x1xf32> to vector<2000x8xf32>
    %mul3A_57 = arith.mulf %mul3A_56, %slice3A_9 : vector<2000x8xf32>
    %slice3A_58 = vector.extract_strided_slice %slice3A_10 {offsets = [0, 4], sizes = [2000, 1], strides = [1, 1]} : vector<2000x8xf32> to vector<2000x1xf32>
    %mul3A_59 = vector.broadcast %slice3A_58 : vector<2000x1xf32> to vector<2000x8xf32>
    %mul3A_60 = arith.mulf %mul3A_59, %slice3A_10 : vector<2000x8xf32>
    %add3A_61 = arith.addf %mul3A_57, %mul3A_60 : vector<2000x8xf32>
    %slice3A_62 = vector.extract_strided_slice %slice3A_11 {offsets = [0, 4], sizes = [2000, 1], strides = [1, 1]} : vector<2000x8xf32> to vector<2000x1xf32>
    %mul3A_63 = vector.broadcast %slice3A_62 : vector<2000x1xf32> to vector<2000x8xf32>
    %mul3A_64 = arith.mulf %mul3A_63, %slice3A_11 : vector<2000x8xf32>
    %add3A_65 = arith.addf %add3A_61, %mul3A_64 : vector<2000x8xf32>
    %slice3A_66 = vector.extract_strided_slice %slice3A_9 {offsets = [0, 5], sizes = [2000, 1], strides = [1, 1]} : vector<2000x8xf32> to vector<2000x1xf32>
    %mul3A_67 = vector.broadcast %slice3A_66 : vector<2000x1xf32> to vector<2000x8xf32>
    %mul3A_68 = arith.mulf %mul3A_67, %slice3A_9 : vector<2000x8xf32>
    %slice3A_69 = vector.extract_strided_slice %slice3A_10 {offsets = [0, 5], sizes = [2000, 1], strides = [1, 1]} : vector<2000x8xf32> to vector<2000x1xf32>
    %mul3A_70 = vector.broadcast %slice3A_69 : vector<2000x1xf32> to vector<2000x8xf32>
    %mul3A_71 = arith.mulf %mul3A_70, %slice3A_10 : vector<2000x8xf32>
    %add3A_72 = arith.addf %mul3A_68, %mul3A_71 : vector<2000x8xf32>
    %slice3A_73 = vector.extract_strided_slice %slice3A_11 {offsets = [0, 5], sizes = [2000, 1], strides = [1, 1]} : vector<2000x8xf32> to vector<2000x1xf32>
    %mul3A_74 = vector.broadcast %slice3A_73 : vector<2000x1xf32> to vector<2000x8xf32>
    %mul3A_75 = arith.mulf %mul3A_74, %slice3A_11 : vector<2000x8xf32>
    %add3A_76 = arith.addf %add3A_72, %mul3A_75 : vector<2000x8xf32>
    %slice3A_77 = vector.extract_strided_slice %slice3A_9 {offsets = [0, 6], sizes = [2000, 1], strides = [1, 1]} : vector<2000x8xf32> to vector<2000x1xf32>
    %mul3A_78 = vector.broadcast %slice3A_77 : vector<2000x1xf32> to vector<2000x8xf32>
    %mul3A_79 = arith.mulf %mul3A_78, %slice3A_9 : vector<2000x8xf32>
    %slice3A_80 = vector.extract_strided_slice %slice3A_10 {offsets = [0, 6], sizes = [2000, 1], strides = [1, 1]} : vector<2000x8xf32> to vector<2000x1xf32>
    %mul3A_81 = vector.broadcast %slice3A_80 : vector<2000x1xf32> to vector<2000x8xf32>
    %mul3A_82 = arith.mulf %mul3A_81, %slice3A_10 : vector<2000x8xf32>
    %add3A_83 = arith.addf %mul3A_79, %mul3A_82 : vector<2000x8xf32>
    %slice3A_84 = vector.extract_strided_slice %slice3A_11 {offsets = [0, 6], sizes = [2000, 1], strides = [1, 1]} : vector<2000x8xf32> to vector<2000x1xf32>
    %mul3A_85 = vector.broadcast %slice3A_84 : vector<2000x1xf32> to vector<2000x8xf32>
    %mul3A_86 = arith.mulf %mul3A_85, %slice3A_11 : vector<2000x8xf32>
    %add3A_87 = arith.addf %add3A_83, %mul3A_86 : vector<2000x8xf32>
    %slice3A_88 = vector.extract_strided_slice %slice3A_9 {offsets = [0, 7], sizes = [2000, 1], strides = [1, 1]} : vector<2000x8xf32> to vector<2000x1xf32>
    %mul3A_89 = vector.broadcast %slice3A_88 : vector<2000x1xf32> to vector<2000x8xf32>
    %mul3A_90 = arith.mulf %mul3A_89, %slice3A_9 : vector<2000x8xf32>
    %slice3A_91 = vector.extract_strided_slice %slice3A_10 {offsets = [0, 7], sizes = [2000, 1], strides = [1, 1]} : vector<2000x8xf32> to vector<2000x1xf32>
    %mul3A_92 = vector.broadcast %slice3A_91 : vector<2000x1xf32> to vector<2000x8xf32>
    %mul3A_93 = arith.mulf %mul3A_92, %slice3A_10 : vector<2000x8xf32>
    %add3A_94 = arith.addf %mul3A_90, %mul3A_93 : vector<2000x8xf32>
    %slice3A_95 = vector.extract_strided_slice %slice3A_11 {offsets = [0, 7], sizes = [2000, 1], strides = [1, 1]} : vector<2000x8xf32> to vector<2000x1xf32>
    %mul3A_96 = vector.broadcast %slice3A_95 : vector<2000x1xf32> to vector<2000x8xf32>
    %mul3A_97 = arith.mulf %mul3A_96, %slice3A_11 : vector<2000x8xf32>
    %add3A_98 = arith.addf %add3A_94, %mul3A_97 : vector<2000x8xf32>
    %concatenate3A = tpu.concatenate %slice3A, %add3A_21, %add3A_32, %add3A_43, %add3A_54, %add3A_65, %add3A_76, %add3A_87, %add3A_98 in 1 : vector<2000x8xf32>, vector<2000x8xf32>, vector<2000x8xf32>, vector<2000x8xf32>, vector<2000x8xf32>, vector<2000x8xf32>, vector<2000x8xf32>, vector<2000x8xf32>, vector<2000x8xf32> -> vector<2000x72xf32>
    %get3A_99 = arith.constant 0 : index
    %get3A_100 = arith.constant 0 : index
    %get3A_101 = vector.load %arg4[%get3A_99, %get3A_100] : memref<72x64xf32, #tpu.memory_space<vmem>>, vector<72x64xf32>
    %dot_general3A = arith.constant dense<0.000000e+00> : vector<2000x64xf32>
    %dot_general3A_102 = tpu.matmul %concatenate3A, %get3A_101, %dot_general3A {dimension_numbers = #tpu.dot_dimension_numbers<[1], [0], [0], [1], [0, 0, 1, 1], [], []>, precision = #tpu.contract_precision<fp32>, transpose_lhs_hint = false} : vector<2000x72xf32>, vector<72x64xf32>, vector<2000x64xf32> -> vector<2000x64xf32>
    %get3A_103 = arith.constant 0 : index
    %get3A_104 = arith.constant 0 : index
    %get3A_105 = vector.load %arg5[%get3A_103, %get3A_104] : memref<1x64xf32, #tpu.memory_space<vmem>>, vector<1x64xf32>
    %add3A_106 = vector.broadcast %get3A_105 : vector<1x64xf32> to vector<2000x64xf32>
    %add3A_107 = arith.addf %dot_general3A_102, %add3A_106 : vector<2000x64xf32>
    %tanh3A = math.tanh %add3A_107 : vector<2000x64xf32>
    %get3A_108 = arith.constant 0 : index
    %get3A_109 = arith.constant 0 : index
    %get3A_110 = vector.load %arg6[%get3A_108, %get3A_109] : memref<64x64xf32, #tpu.memory_space<vmem>>, vector<64x64xf32>
    %dot_general3A_111 = arith.constant dense<0.000000e+00> : vector<2000x64xf32>
    %dot_general3A_112 = tpu.matmul %tanh3A, %get3A_110, %dot_general3A_111 {dimension_numbers = #tpu.dot_dimension_numbers<[1], [0], [0], [1], [0, 0, 1, 1], [], []>, precision = #tpu.contract_precision<fp32>, transpose_lhs_hint = false} : vector<2000x64xf32>, vector<64x64xf32>, vector<2000x64xf32> -> vector<2000x64xf32>
    %get3A_113 = arith.constant 0 : index
    %get3A_114 = arith.constant 0 : index
    %get3A_115 = vector.load %arg7[%get3A_113, %get3A_114] : memref<1x64xf32, #tpu.memory_space<vmem>>, vector<1x64xf32>
    %add3A_116 = vector.broadcast %get3A_115 : vector<1x64xf32> to vector<2000x64xf32>
    %add3A_117 = arith.addf %dot_general3A_112, %add3A_116 : vector<2000x64xf32>
    %tanh3A_118 = math.tanh %add3A_117 : vector<2000x64xf32>
    %get3A_119 = arith.constant 0 : index
    %get3A_120 = arith.constant 0 : index
    %get3A_121 = vector.load %arg8[%get3A_119, %get3A_120] : memref<64x1xf32, #tpu.memory_space<vmem>>, vector<64x1xf32>
    %dot_general3A_122 = arith.constant dense<0.000000e+00> : vector<2000x1xf32>
    %dot_general3A_123 = tpu.matmul %tanh3A_118, %get3A_121, %dot_general3A_122 {dimension_numbers = #tpu.dot_dimension_numbers<[1], [0], [0], [1], [0, 0, 1, 1], [], []>, precision = #tpu.contract_precision<fp32>, transpose_lhs_hint = false} : vector<2000x64xf32>, vector<64x1xf32>, vector<2000x1xf32> -> vector<2000x1xf32>
    %get3A_124 = arith.constant 0 : index
    %get3A_125 = arith.constant 0 : index
    %get3A_126 = vector.load %arg9[%get3A_124, %get3A_125] : memref<1x1xf32, #tpu.memory_space<vmem>>, vector<1x1xf32>
    %get3A_127 = vector.extract %get3A_126[0, 0] : f32 from vector<1x1xf32>
    %add3A_128 = vector.broadcast %get3A_127 : f32 to vector<2000x1xf32>
    %add3A_129 = arith.addf %dot_general3A_123, %add3A_128 : vector<2000x1xf32>
    %get3A_130 = arith.constant 0 : index
    %get3A_131 = arith.constant 0 : index
    %get3A_132 = vector.load %arg2[%get3A_130, %get3A_131] : memref<2000x1xf32, #tpu.memory_space<vmem>>, vector<2000x1xf32>
    %mul3A_133 = arith.mulf %get3A_132, %add3A_129 : vector<2000x1xf32>
    %get3A_134 = arith.constant 0 : index
    %get3A_135 = arith.constant 0 : index
    %get3A_136 = vector.load %arg3[%get3A_134, %get3A_135] : memref<2000x1xf32, #tpu.memory_space<vmem>>, vector<2000x1xf32>
    %add3A_137 = arith.addf %mul3A_133, %get3A_136 : vector<2000x1xf32>
    %reduce_sum3A = vector.shape_cast %add3A_137 : vector<2000x1xf32> to vector<1x2000x1xf32>
    %reduce_sum3A_138 = arith.constant dense<0.000000e+00> : vector<1xf32>
    %reduce_sum3A_139 = vector.multi_reduction <add>, %reduce_sum3A, %reduce_sum3A_138 [1, 2] : vector<1x2000x1xf32> to vector<1xf32>
    %reduce_sum3A_140 = vector.shape_cast %reduce_sum3A_139 : vector<1xf32> to vector<1x1x1xf32>
    %reduce_sum3A_141 = vector.extract %reduce_sum3A_140[0, 0, 0] : f32 from vector<1x1x1xf32>
    %reshape3A = vector.broadcast %reduce_sum3A_141 : f32 to vector<1x1xf32>
    %eq3A = arith.constant 0 : i32
    %eq3A_142 = arith.cmpi eq, %arg0, %eq3A : i32
    %convert_element_type3A = arith.extui %eq3A_142 : i1 to i32
    %cond3A = arith.constant 0 : i32
    %cond3A_143 = arith.cmpi ne, %convert_element_type3A, %cond3A : i32
    scf.if %cond3A_143 {
      %broadcast_in_dim3A = arith.constant 0.000000e+00 : f32
      %broadcast_in_dim3A_150 = vector.broadcast %broadcast_in_dim3A : f32 to vector<1x1xf32>
      %swap3A_151 = arith.constant 0 : index
      %swap3A_152 = arith.constant 0 : index
      %swap3A_153 = vector.load %arg10[%swap3A_151, %swap3A_152] : memref<1x1xf32, #tpu.memory_space<vmem>>, vector<1x1xf32>
      tpu.vector_store %arg10[%swap3A_151, %swap3A_152], %broadcast_in_dim3A_150 {strides = array<i32>} : memref<1x1xf32, #tpu.memory_space<vmem>>, vector<1x1xf32>,
    } else {
    }
    %get3A_144 = arith.constant 0 : index
    %get3A_145 = arith.constant 0 : index
    %get3A_146 = vector.load %arg10[%get3A_144, %get3A_145] : memref<1x1xf32, #tpu.memory_space<vmem>>, vector<1x1xf32>
    %add3A_147 = arith.addf %get3A_146, %reshape3A : vector<1x1xf32>
    %swap3A = arith.constant 0 : index
    %swap3A_148 = arith.constant 0 : index
    %swap3A_149 = vector.load %arg10[%swap3A, %swap3A_148] : memref<1x1xf32, #tpu.memory_space<vmem>>, vector<1x1xf32>
    tpu.vector_store %arg10[%swap3A, %swap3A_148], %add3A_147 {strides = array<i32>} : memref<1x1xf32, #tpu.memory_space<vmem>>, vector<1x1xf32>,
    return
  }
  func.func @transform_0(%arg0: i32) -> (i32, i32, i32) {
    %c0_i32 = arith.constant 0 : i32
    %c0_i32_0 = arith.constant 0 : i32
    %c0_i32_1 = arith.constant 0 : i32
    return %c0_i32, %arg0, %c0_i32_0 : i32, i32, i32
  }
  func.func @transform_1(%arg0: i32) -> (i32, i32) {
    %c0_i32 = arith.constant 0 : i32
    %c0_i32_0 = arith.constant 0 : i32
    return %arg0, %c0_i32 : i32, i32
  }
  func.func @transform_2(%arg0: i32) -> (i32, i32) {
    %c0_i32 = arith.constant 0 : i32
    %c0_i32_0 = arith.constant 0 : i32
    return %arg0, %c0_i32 : i32, i32
  }
  func.func @transform_3(%arg0: i32) -> (i32, i32) {
    %c0_i32 = arith.constant 0 : i32
    %c0_i32_0 = arith.constant 0 : i32
    %c0_i32_1 = arith.constant 0 : i32
    return %c0_i32, %c0_i32_0 : i32, i32
  }
  func.func @transform_4(%arg0: i32) -> (i32, i32) {
    %c0_i32 = arith.constant 0 : i32
    %c0_i32_0 = arith.constant 0 : i32
    %c0_i32_1 = arith.constant 0 : i32
    return %c0_i32, %c0_i32_0 : i32, i32
  }
  func.func @transform_5(%arg0: i32) -> (i32, i32) {
    %c0_i32 = arith.constant 0 : i32
    %c0_i32_0 = arith.constant 0 : i32
    %c0_i32_1 = arith.constant 0 : i32
    return %c0_i32, %c0_i32_0 : i32, i32
  }
  func.func @transform_6(%arg0: i32) -> (i32, i32) {
    %c0_i32 = arith.constant 0 : i32
    %c0_i32_0 = arith.constant 0 : i32
    %c0_i32_1 = arith.constant 0 : i32
    return %c0_i32, %c0_i32_0 : i32, i32
  }
  func.func @transform_7(%arg0: i32) -> (i32, i32) {
    %c0_i32 = arith.constant 0 : i32
    %c0_i32_0 = arith.constant 0 : i32
    %c0_i32_1 = arith.constant 0 : i32
    return %c0_i32, %c0_i32_0 : i32, i32
  }
  func.func @transform_8(%arg0: i32) -> (i32, i32) {
    %c0_i32 = arith.constant 0 : i32
    %c0_i32_0 = arith.constant 0 : i32
    %c0_i32_1 = arith.constant 0 : i32
    return %c0_i32, %c0_i32_0 : i32, i32
  }
  func.func @transform_9(%arg0: i32) -> (i32, i32) {
    %c0_i32 = arith.constant 0 : i32
    %c0_i32_0 = arith.constant 0 : i32
    %c0_i32_1 = arith.constant 0 : i32
    return %c0_i32, %c0_i32_0 : i32, i32
  }
}

</mosaic_0001>

<sc_bundles>
// kernel: kernel.4.cloned.1.call-start
scs
__scs_entry_jumppad:
0x0: {  	(pc) =	sbr.rel $0x88, $3  }
0x1: {  	(tag) =	ssettag $0x0;
	lr =	simm.s32 $0x1  }
0x2: {  	[smem:$0x3F96] =	sst lr;
	_ =	strace $0xD0000000  }
0x3: {  	_ = 	snop  }
0x4: {  	_ = 	snop  }
0x5: {  	_ = 	snop  }
0x6: {  	_ = 	snop  }
0x7: {  	_ = 	snop  }
__scs_overlays_trampoline_lowered:
0x8: {  	[smem:$0x3FA5] =	sst s0  }
0x9: {  	[smem:$0x3FA6] =	sst s1  }
0xa: {  	[smem:$0x3FA7] =	sst s2  }
0xb: {  	[smem:$0x3FA8] =	sst s3  }
0xc: {  	[smem:$0x3FA9] =	sst s4  }
0xd: {  	[smem:$0x3FAA] =	sst s5  }
0xe: {  	[smem:$0x3FAB] =	sst s6  }
0xf: {  	[smem:$0x3FAC] =	sst s7  }
0x10: {  	[smem:$0x3FAD] =	sst s8  }
0x11: {  	[smem:$0x3FAE] =	sst s9;
	s0 =	simm.s32 @!p0 $0x0  }
0x12: {  	s1 =	sld [smem:$0x3F94];
	s0 =	simm.s32 @p0 $0x1  }
0x13: {  	[smem:$0x3FAF] =	sst s0;
	s0 =	simm.s32 @!p1 $0x0  }
0x14: {  	s2 =	sld [smem:$0x3F93];
	s0 =	simm.s32 @p1 $0x1  }
0x15: {  	[smem:$0x3FB0] =	sst s0;
	s0 =	simm.s32 @!p2 $0x0  }
0x16: {  	s3 =	sld [smem:$0x3FDB];
	s0 =	simm.s32 @p2 $0x1  }
0x17: {  	s4 =	simm.s32 $0x1BF5;
	[smem:$0x3FB2] =	sst s0  }
0x18: {  	s0 =	sld [smem:$0x3F95];
	_ =	swait.ge [sflag:s4], $0x0  }
0x19: {  	s7 =	sld [smem:$0x3F96]  }
0x1a: {  	s8 =	sadd.s32 $0xFFFFE003, lr  }
0x1b: {  	s9 =	sadd.s32 $0xFFFFFEF7, lr;
	s5 =	simm.s32 $0xFFFFFFFF;
	p2 =	slt.u32 s8, $0xFFFFF086  }
0x1c: {  	p1 =	slt.u32 s9, $0xF7A;
	s5 =	simm.s32 @!p2 $0x0  }
0x1d: {  	s5 =	simm.s32 @p1 $0x1;
	p0 =	seq.s32 s7, s2  }
0x1e: {  	s7 =	smul.u32 @!p0 $0xF7A, s2;
	p2 =	seq.s32 @!p0 s5, $0x0  }
0x1f: {  	s9 =	smul.u32 $0xF7A, s1;
	s8 =	simm.s32 @!p0 $0x1BF5;
	p2 =	por !p2, p0  }
0x20: {  	[sflag:s8] =	ssyncset.s32 @!p0 $0xFFFFF086;
	s6 =	sadd.s32 @!p0 s3, s7;
	s7 =	simm.s32 @!p0 $0x108  }
0x21: {  	s3 =	sadd.s32 s3, s9;
	s6 =	sadd.s32 @!p0 $0x88, s6;
	s7 =	simm.s32 @p2 $0x1082  }
0x22: {  	[simem:s7], [sflag:s8] =	dma.local @!p0 [hbm:s6], $0xF7A  }
0x23: {  	s9 =	sor.u32 $0xD0000000, s2;
	s6 =	simm.s32 $0x108;
	_ =	swait.ge @!p0 [sflag:s8], $0x0  }
0x24: {  	s3 =	sadd.s32 $0x88, s3;
	s6 =	simm.s32 @!p1 $0x1082;
	[sflag:s4] =	ssyncset.s32 $0xFFFFF086  }
0x25: {  	[simem:s6], [sflag:s4] =	dma.local [hbm:s3], $0xF7A  }
0x26: {  	[smem:$0x3F96] =	sst s1;
	(tag) =	ssettag s2;
	_ =	strace s9  }
0x27: {  	s1 =	sld [smem:$0x3FA6]  }
0x28: {  	s2 =	sld [smem:$0x3FA7]  }
0x29: {  	s4 =	sld [smem:$0x3FA9]  }
0x2a: {  	p0 =	seq.s32 s5, $0x0;
	s5 =	sld [smem:$0x3FAA]  }
0x2b: {  	s6 =	sld [smem:$0x3FAB]  }
0x2c: {  	s7 =	sld [smem:$0x3FAC]  }
0x2d: {  	s3 =	simm.s32 $0x108;
	s8 =	sld [smem:$0x3FAD]  }
0x2e: {  	s3 =	simm.s32 @!p0 $0x1082;
	s9 =	sld [smem:$0x3FAE]  }
0x2f: {  	lr =	sadd.s32 s0, s3;
	s0 =	sld [smem:$0x3FA5]  }
0x30: {  	s3 =	sld [smem:$0x3FA8]  }
0x31: {  	[smem:$0x3FB1] =	sst s10  }
0x32: {  	s10 =	sld [smem:$0x3FAF];
	_ =	sdelay $0x3  }
0x33: {  	p0 =	seq.s32 s10, $0x1;
	s10 =	sld [smem:$0x3FB1];
	_ =	sdelay $0x3  }
0x34: {  	[smem:$0x3FB1] =	sst s10  }
0x35: {  	s10 =	sld [smem:$0x3FB0];
	_ =	sdelay $0x3  }
0x36: {  	p1 =	seq.s32 s10, $0x1;
	s10 =	sld [smem:$0x3FB1];
	_ =	sdelay $0x3  }
0x37: {  	[smem:$0x3FB1] =	sst s10  }
0x38: {  	s10 =	sld [smem:$0x3FB2]  }
0x39: {  	_ = 	snop;
	(pc) =	sbr.ind lr, $3  }
0x3a: {  	_ = 	snop  }
0x3b: {  	_ = 	snop  }
0x3c: {  	p2 =	seq.s32 s10, $0x1;
	s10 =	sld [smem:$0x3FB1]  }
0x3d: {  	_ =	shalt  }
0x3e: {  	_ =	shalt  }
0x3f: {  	_ =	shalt  }
0x40: {  	_ =	shalt  }
0x41: {  	_ =	shalt  }
0x42: {  	_ =	shalt  }
0x43: {  	_ =	shalt  }
0x44: {  	_ =	shalt  }
0x45: {  	_ =	shalt  }
0x46: {  	_ =	shalt  }
0x47: {  	_ =	shalt  }
0x48: {  	_ =	shalt  }
0x49: {  	_ =	shalt  }
0x4a: {  	_ =	shalt  }
0x4b: {  	_ =	shalt  }
0x4c: {  	_ =	shalt  }
0x4d: {  	_ =	shalt  }
0x4e: {  	_ =	shalt  }
0x4f: {  	_ =	shalt  }
0x50: {  	_ =	shalt  }
0x51: {  	_ =	shalt  }
0x52: {  	_ =	shalt  }
0x53: {  	_ =	shalt  }
0x54: {  	_ =	shalt  }
0x55: {  	_ =	shalt  }
0x56: {  	_ =	shalt  }
0x57: {  	_ =	shalt  }
0x58: {  	_ =	shalt  }
0x59: {  	_ =	shalt  }
0x5a: {  	_ =	shalt  }
0x5b: {  	_ =	shalt  }
0x5c: {  	_ =	shalt  }
0x5d: {  	_ =	shalt  }
0x5e: {  	_ =	shalt  }
0x5f: {  	_ =	shalt  }
0x60: {  	_ =	shalt  }
0x61: {  	_ =	shalt  }
0x62: {  	_ =	shalt  }
0x63: {  	_ =	shalt  }
0x64: {  	_ =	shalt  }
0x65: {  	_ =	shalt  }
0x66: {  	_ =	shalt  }
0x67: {  	_ =	shalt  }
0x68: {  	_ =	shalt  }
0x69: {  	_ =	shalt  }
0x6a: {  	_ =	shalt  }
0x6b: {  	_ =	shalt  }
0x6c: {  	_ =	shalt  }
0x6d: {  	_ =	shalt  }
0x6e: {  	_ =	shalt  }
0x6f: {  	_ =	shalt  }
0x70: {  	_ =	shalt  }
0x71: {  	_ =	shalt  }
0x72: {  	_ =	shalt  }
0x73: {  	_ =	shalt  }
0x74: {  	_ =	shalt  }
0x75: {  	_ =	shalt  }
0x76: {  	_ =	shalt  }
0x77: {  	_ =	shalt  }
0x78: {  	_ =	shalt  }
0x79: {  	_ =	shalt  }
0x7a: {  	_ =	shalt  }
0x7b: {  	_ =	shalt  }
0x7c: {  	_ =	shalt  }
0x7d: {  	_ =	shalt  }
0x7e: {  	_ =	shalt  }
0x7f: {  	_ =	shalt  }
0x80: {  	_ =	shalt  }
0x81: {  	_ =	shalt  }
0x82: {  	_ =	shalt  }
0x83: {  	_ =	shalt  }
0x84: {  	_ =	shalt  }
0x85: {  	_ =	shalt  }
0x86: {  	_ =	shalt  }
0x87: {  	_ =	shalt  }
.Lfunc_end0:
.L_simem_size_0:
called_computation_lowered:
.L_overlay_start_0:
0x88: {  	s2 =	sld [smem:$0x3FD9]  }
0x89: {  	s3 =	sld [smem:$0x3FFE];
	_ =	sdelay $0x1  }
0x8a: {  	s1 =	srdreg.scid  }
0x8b: {  	s0 =	sand.u32 $0x1, s1  }
0x8c: {  	s16 =	sshll.u32 s0, $0xA;
	s2 =	sadd.s32 s3, s2  }
0x8d: {  	s2 =	sadd.s32 s2, s16  }
0x8e: {  	[smem:$0x3FBD] =	sst s2  }
0x8f: {  	_ = 	snop  }
0x90: {  	(tm) =	ssettm $0x1  }
0x91: {  	s17 =	sld [smem:$0x3FFB];
	_ =	sdelay $0x3  }
0x92: {  	_ =	strace s17  }
0x93: {  	s2 =	sld [smem:$0x3FFC];
	_ =	sdelay $0x3  }
0x94: {  	_ =	strace s2  }
0x95: {  	s2 =	sld [smem:$0x3FFD];
	_ =	sdelay $0x3  }
0x96: {  	_ =	strace s2  }
0x97: {  	_ =	strace $0x8FFFFFFF  }
0x98: {  	s18 =	sld [smem:$0x3FDB];
	_ =	sdelay $0x1  }
0x99: {  	s19 =	simm.s32 $_scs_section_size  }
0x9a: {  	s4 =	simm.s32 $_size__tile_overlayer_lowered;
	s5 =	simm.s32 $_tile_overlayer_lowered  }
0x9b: {  	s22 =	simm.s32 $0x1BFF;
	s21 =	sshll.u32 s5, $0x1;
	s2 =	sadd.s32 s19, s18  }
0x9c: {  	s6 =	simm.s32 $0x0;
	s20 =	sshll.u32 s4, $0x1;
	s4 =	sadd.s32 s21, s2  }
0x9d: {  	[timem:s6], [sflag:s22] =	dma.local [hbm:s4], s20  }
0x9e: {  	_ =	swait.ge [sflag:s22], s20  }
0x9f: {  	s3 =	ssub.s32 $0x0, s20;
	[sflag:s22] =	ssyncset.done $0x0  }
0xa0: {  	[sflag:s22] =	ssyncadd.s32 s3;
	_ =	sdelay $0x1  }
0xa1: {  	s23 =	simm.s32 $0x1B8B  }
0xa2: {  	_ =	swait.ge [sflag:s23], $0x1  }
0xa3: {  	[sflag:s23] =	ssyncset.done $0x0  }
0xa4: {  	s25 =	simm.s32 $0x1B8E;
	s24 =	sld [smem:$0x3FFE];
	[sflag:s23] =	ssyncadd.s32 $0xFFFFFFFF  }
0xa5: {  	s26 =	simm.s32 $execute0_lowered;
	[smem:$0x3FD2] =	sst s25  }
0xa6: {  	s4 =	sshll.u32 s26, $0x1;
	_ =	strace $0x80000046;
	[dreg:$0x1] =	wrdreg $0xFFFFFFFF  }
0xa7: {  	s28 =	simm.s32 $_size_execute0_lowered;
	s2 =	sadd.s32 s2, s4;
	[dreg:$0x0] =	wrdreg $0x0  }
0xa8: {  	s4 =	sshll.u32 s28, $0x1;
	[dreg:$0x2] =	wrdreg s2  }
0xa9: {  	[dreg:$0x3] =	wrdreg s4  }
0xaa: {  	[dreg:$0x4] =	wrdreg $0xC0  }
0xab: {  	_ =	task [dreg:s6], $0x5FFFF  }
0xac: {  	[dreg:$0x1] =	wrdreg $0xFFFFFFFF  }
0xad: {  	[dreg:$0x0] =	wrdreg $0x60  }
0xae: {  	[dreg:$0x2] =	wrdreg s24  }
0xaf: {  	[dreg:$0x3] =	wrdreg $0x21000  }
0xb0: {  	[dreg:$0x4] =	wrdreg $0x9  }
0xb1: {  	_ =	task.clear_ibuf [dreg:s6], $0x5FFFF;
	_ =	strace $0x90000046  }
0xb2: {  	s29 =	simm.s32 $0x9;
	_ =	strace $0x80000048  }
0xb3: {  	_ =	swait.ge [sflag:s29], $0x1  }
0xb4: {  	[sflag:s29] =	ssyncadd.s32 $0xFFFFFFFF  }
0xb5: {  	_ =	strace $0x90000048  }
0xb6: {  	_ =	sfence  }
0xb7: {  	s30 =	sld [smem:$0x0];
	_ =	sdelay $0x2  }
0xb8: {  	s31 =	sshll.u32 s1, $0xD;
	s1 =	sshrl.u32 s1, $0x2  }
0xb9: {  	s3 =	sand.u32 $0x4000, s31;
	s1 =	sadd.s32 s1, s30  }
0xba: {  	s0 =	sor.u32 s3, s0;
	s1 =	sshll.u32 s1, $0x11  }
0xbb: {  	s0 =	sor.u32 s1, s0  }
0xbc: {  	s0 =	sadd.s32 $0x8F2B, s0  }
0xbd: {  	[sflag:s0] =	ssyncadd.remote.s32 $0x1  }
0xbe: {  	_ =	sfence.sel $0xFFFF  }
0xbf: {  	[dreg:$0x0] =	wrdreg $0xFFFFFFFF;
	(pc) =	sbr.abs _section_cstart, $3  }
0xc0: {  	[dreg:$0x1] =	wrdreg $0xFFFFFFFF  }
0xc1: {  	_ =	task.clear_ibuf [dreg:s6], $0x2FFFF;
	_ =	strace $0x9FFFFFFF  }
0xc2: {  	(tm) =	ssettm $0x7FFFFFFF  }
0xc3: {  	_ =	shalt  }
tec
execute0_lowered:
.L_overlay_start_1:
0x0: {  	(tag) =	ssettag $0x1  }
0x1: {  	v1 =	vlaneseq.u32  }
0x2: {  	v0 =	vmul.u32 $0x10, v1  }
0x3: {  	v1 =	vmul.u32 $0x20, v1  }
0x4: {  	v2 =	vor.u32 $0x1, v0  }
0x5: {  	v3 =	vor.u32 $0x2, v0;
	v4 =	vor.u32 $0x8, v1;
	v21 =	vor.u32 $0x14, v1  }
0x6: {  	v22 =	vor.u32 $0x1C, v1;
	v23 =	vor.u32 $0x5, v1;
	v24 =	vor.u32 $0xD, v1  }
0x7: {  	v25 =	vor.u32 $0x15, v1;
	v26 =	vor.u32 $0x1D, v1;
	[tilespmem:$0x1FEF0] =	vst v4;
	v4 =	vor.u32 $0x10, v1  }
0x8: {  	v27 =	vor.u32 $0x6, v1;
	v28 =	vor.u32 $0xE, v1;
	[tilespmem:$0x1FF00] =	vst v4;
	v4 =	vor.u32 $0x18, v1  }
0x9: {  	s6 =	rddreg [dreg:$0x0];
	v29 =	vor.u32 $0x16, v1;
	v30 =	vor.u32 $0x1E, v1;
	[tilespmem:$0x1FF10] =	vst v4;
	v4 =	vor.u32 $0x1, v1  }
0xa: {  	s1 =	rddreg [dreg:$0x1];
	v31 =	vor.u32 $0x7, v1;
	v32 =	vor.u32 $0xF, v1;
	[tilespmem:$0x1FF20] =	vst v4;
	v4 =	vor.u32 $0x9, v1  }
0xb: {  	s0 =	rddreg [dreg:$0x2];
	v33 =	vor.u32 $0x17, v1;
	v34 =	vor.u32 $0x1F, v1;
	[tilespmem:$0x1FF30] =	vst v4;
	v4 =	vor.u32 $0x11, v1  }
0xc: {  	s2 =	stileid.u32;
	s4 =	srdreg.scid;
	s3 =	simm.s32 $0x0;
	v35 =	vor.u32 $0x100, v0;
	v36 =	vor.u32 $0x101, v0;
	[tilespmem:$0x1FF40] =	vst v4;
	v4 =	vor.u32 $0x19, v1  }
0xd: {  	s14 =	simm.s32 $0x4;
	s15 =	simm.s32 $0x80;
	s16 =	simm.s32 $0x100;
	v37 =	vor.u32 $0x102, v0;
	v38 =	vor.u32 $0x200, v1;
	[tilespmem:$0x1FF50] =	vst v4;
	v4 =	vor.u32 $0x2, v1  }
0xe: {  	s17 =	simm.s32 $0x900;
	s18 =	simm.s32 $0x1;
	s19 =	simm.s32 $0x2;
	v39 =	vor.u32 $0x208, v1;
	v40 =	vor.u32 $0x210, v1;
	[tilespmem:$0x1FF60] =	vst v4;
	v4 =	vor.u32 $0xA, v1  }
0xf: {  	s20 =	simm.s32 $0x1100;
	s21 =	simm.s32 $0x0;
	s7 =	smul.u32 $0x18700, s2;
	v41 =	vor.u32 $0x218, v1;
	v42 =	vor.u32 $0x201, v1;
	[tilespmem:$0x1FF70] =	vst v4;
	v4 =	vor.u32 $0x12, v1  }
0x10: {  	s8 =	sand.u32 $0x1, s4;
	[smem:$0x7FF] =	sst s3;
	s4 =	sadd.s32 $0xC4800, s6;
	v43 =	vor.u32 $0x209, v1;
	v44 =	vor.u32 $0x211, v1;
	[tilespmem:$0x1FF80] =	vst v4;
	v4 =	vor.u32 $0x1A, v1  }
0x11: {  	s9 =	sshll.u32 s2, $0x5;
	s12 =	sshll.u32 s2, $0x6;
	s5 =	smul.u32 $0x187000, s8;
	v45 =	vor.u32 $0x219, v1;
	v46 =	vor.u32 $0x202, v1;
	[tilespmem:$0x1FF90] =	vst v4;
	v4 =	vor.u32 $0x3, v1  }
0x12: {  	s10 =	sadd.s32 s9, s6;
	s11 =	ssub.s32 $0x2, s8;
	s30 =	sshll.u32 s8, $0x4;
	v47 =	vor.u32 $0x20A, v1;
	v48 =	vor.u32 $0x212, v1;
	[tilespmem:$0x1FFA0] =	vst v4;
	v4 =	vor.u32 $0xB, v1  }
0x13: {  	s29 =	sshrl.u32 s11, $0x1;
	s13 =	sadd.s32 s7, s1;
	s31 =	sadd.s32 s30, s10;
	v49 =	vor.u32 $0x21A, v1;
	v50 =	vor.u32 $0x203, v1;
	[tilespmem:$0x1FFB0] =	vst v4;
	v4 =	vor.u32 $0x13, v1  }
.Ltmp0:
0x14: {  	v51 =	vor.u32 $0x20B, v1;
	v52 =	vor.u32 $0x213, v1;
	s5 =	sadd.s32 s7, s5;
	s11 =	ssub.s32 s11, s29;
	[tilespmem:$0x1FFC0] =	vst v4;
	v4 =	vor.u32 $0x1B, v1;
	(pc) =	sbr.rel .LBB2_1-.Ltmp0, $4  }
0x15: {  	v53 =	vor.u32 $0x21B, v1;
	v54 =	vor.u32 $0x204, v1;
	s7 =	sor.u32 $0x1C03, s12;
	s10 =	sadd.s32 $0x1200, s31;
	s28 =	sshrl.u32 s5, $0x3;
	[tilespmem:$0x1FFD0] =	vst v4;
	v4 =	vor.u32 $0x4, v1  }
0x16: {  	v55 =	vor.u32 $0x20C, v1;
	v56 =	vor.u32 $0x214, v1;
	s12 =	sshrl.u32 s13, $0x3;
	s13 =	simm.s32 $0x3;
	s9 =	sadd.s32 s28, s6;
	[tilespmem:$0x1FFE0] =	vst v4;
	v4 =	vor.u32 $0xC, v1  }
0x17: {  	v57 =	vor.u32 $0x21C, v1;
	v58 =	vor.u32 $0x205, v1;
	v59 =	vor.u32 $0x20D, v1;
	s5 =	sadd.s32 $0x62E00, s6;
	s6 =	sshll.u32 s2, $0x1;
	s8 =	sadd.s32 $0xDD000, s9;
	[tilespmem:$0x1FFF0] =	vst v4  }
0x18: {  	v60 =	vor.u32 $0x215, v1;
	v61 =	vor.u32 $0x21D, v1;
	v62 =	vor.u32 $0x206, v1;
	s9 =	smax.u32 s11, $0x1;
	s11 =	sadd.s32 $0x32000, s31;
	_ =	strace $0x80000047  }
.LBB2_5:
0x19: {  	s21 =	sadd.s32 $0x1, s21  }
0x1a: {  	p0 =	sne.s32 s21, s9  }
.Ltmp1:
0x1b: {  	[bflag:$0x0] =	sbarrier.arrive $0xFFFF;
	(pc) =	sbr.rel @!p0 .LBB2_6-.Ltmp1, $4  }
0x1c: {  	[hbm:s8], [sflag:s7] =	dma.local [spmem:s12], $0x30E0  }
0x1d: {  	_ =	swait.ge [sflag:s13], $0x30E0  }
0x1e: {  	[sflag:s13] =	ssyncset.done $0x0  }
0x1f: {  	[sflag:s13] =	ssyncadd.s32 $0xFFFFCF20  }
.LBB2_1:
0x20: {  	[spmem:s12], [sflag:s7] =	dma.local [hbm:s5], $0x30E0  }
.Ltmp2:
0x21: {  	_ =	swait.ge [sflag:s13], $0x30E0;
	(pc) =	sbr.rel .LBB2_2-.Ltmp2, $4  }
0x22: {  	[sflag:s13] =	ssyncset.done $0x0  }
0x23: {  	[sflag:s13] =	ssyncadd.s32 $0xFFFFCF20  }
0x24: {  	[bflag:$0x0] =	sbarrier.arrive $0xFFFF  }
0x25: {  	s22 =	smov.u32 s6;
	s23 =	simm.s32 $0x0  }
.LBB2_4:
0x26: {  	s23 =	sadd.s32 $0x200, s23  }
0x27: {  	p0 =	sne.s32 s23, $0x30E00  }
.Ltmp3:
0x28: {  	_ = 	snop;
	(pc) =	sbr.rel @!p0 .LBB2_5-.Ltmp3, $2  }
0x29: {  	_ =	sdelay $0x2  }
0x2a: {  	s22 =	sadd.s32 $0x20, s22  }
.LBB2_2:
0x2b: {  	p0 =	sgt.u32 s22, $0x30D3  }
.Ltmp4:
0x2c: {  	_ = 	snop;
	(pc) =	sbr.rel @p0 .LBB2_4-.Ltmp4, $1  }
0x2d: {  	_ =	sdelay $0x3  }
0x2e: {  	s24 =	sadd.s32 s23, s11  }
0x2f: {  	[tilespmem:s3], [sflag:$0x4] =	stream.linear.gather [hbm4b:s24+s3], $0x80, $0x38;
	[tilespmem:$0x1A800] =	vst v63  }
0x30: {  	_ =	swait.ge [sflag:s14], $0x80  }
0x31: {  	[sflag:s14] =	ssyncset.done $0x0  }
0x32: {  	s31 =	sadd.s32 s23, s10;
	[sflag:s14] =	ssyncadd.s32 $0xFFFFFF80  }
0x33: {  	[tilespmem:s15], [sflag:$0x4] =	stream.linear.gather [hbm4b:s31+s3], $0x80, $0x38;
	[tilespmem:$0x1A800] =	vst v63  }
0x34: {  	_ =	swait.ge [sflag:s14], $0x80  }
0x35: {  	[sflag:s14] =	ssyncset.done $0x0  }
0x36: {  	[sflag:s14] =	ssyncadd.s32 $0xFFFFFF80  }
0x37: {  	[tilespmem:s16], [sflag:$0x1] =	stream.indirect.gather [hbm4b:s4+s15], $0x10, s3, s15, $0xb8;
	[tilespmem:$0x1A800] =	vst v63  }
0x38: {  	_ = 	snop  }
0x39: {  	[tilespmem:s17], [sflag:$0x2] =	stream.indirect.gather [hbm4b:s4+s15], $0x10, s15, s15, $0xb8;
	[tilespmem:$0x1A800] =	vst v63  }
0x3a: {  	_ =	swait.ge [sflag:s18], $0x800  }
0x3b: {  	[sflag:s18] =	ssyncset.done $0x0  }
0x3c: {  	[sflag:s18] =	ssyncadd.s32 $0xFFFFF800  }
0x3d: {  	_ =	swait.ge [sflag:s19], $0x800  }
0x3e: {  	[sflag:s19] =	ssyncset.done $0x0  }
0x3f: {  	[sflag:s19] =	ssyncadd.s32 $0xFFFFF800  }
0x40: {  	v63 =	vld.idx.msk [tilespmem:v0+s16+$0x0], $0xffff  }
0x41: {  	v4 =	vld.idx.msk [tilespmem:v2+s16+$0x0], $0xffff  }
0x42: {  	v5 =	vld.idx.msk [tilespmem:v0+s17+$0x0], $0xffff  }
0x43: {  	v6 =	vld.idx.msk [tilespmem:v2+s17+$0x0], $0xffff  }
0x44: {  	v7 =	vld.idx.msk [tilespmem:v3+s16+$0x0], $0xffff  }
0x45: {  	v8 =	vld.idx.msk [tilespmem:v3+s17+$0x0], $0xffff;
	_ =	sdelay $0x2  }
0x46: {  	v5 =	vsub.f32 v5, v63;
	v4 =	vsub.f32 v6, v4;
	_ =	sdelay $0x1  }
0x47: {  	v6 =	vsub.f32 v8, v7;
	v63 =	vmul.f32 v5, v5;
	v12 =	vmul.f32 v4, v4;
	_ =	sdelay $0x1  }
0x48: {  	v13 =	vmul.f32 v6, v6;
	v7 =	vadd.f32 v12, v63;
	_ =	sdelay $0x1  }
0x49: {  	v7 =	vadd.f32 v13, v7;
	_ =	sdelay $0x1  }
0x4a: {  	v7 =	vadd.f32 $9.999999960e-13, v7;
	_ =	sdelay $0x1  }
0x4b: {  	v14 =	vshra.s32 v7, $0x1;
	v15 =	vmul.f32 $5.000000000e-01, v7  }
0x4c: {  	v8 =	vsub.s32 $0x5F3759DF, v14  }
0x4d: {  	v9 =	vmul.f32 v8, v15;
	_ =	sdelay $0x1  }
0x4e: {  	v9 =	vmul.f32 v8, v9;
	_ =	sdelay $0x1  }
0x4f: {  	v9 =	vsub.f32 $1.500000000e+00, v9;
	_ =	sdelay $0x1  }
0x50: {  	v8 =	vmul.f32 v8, v9;
	_ =	sdelay $0x1  }
0x51: {  	v9 =	vmul.f32 v8, v15;
	_ =	sdelay $0x1  }
0x52: {  	v9 =	vmul.f32 v9, v8;
	_ =	sdelay $0x1  }
0x53: {  	v9 =	vsub.f32 $1.500000000e+00, v9;
	_ =	sdelay $0x1  }
0x54: {  	v8 =	vmul.f32 v9, v8;
	_ =	sdelay $0x1  }
0x55: {  	v9 =	vmul.f32 v8, v15;
	_ =	sdelay $0x1  }
0x56: {  	v9 =	vmul.f32 v9, v8;
	_ =	sdelay $0x1  }
0x57: {  	v9 =	vsub.f32 $1.500000000e+00, v9;
	_ =	sdelay $0x1  }
0x58: {  	v8 =	vmul.f32 v9, v8;
	_ =	sdelay $0x1  }
0x59: {  	v7 =	vmul.f32 v8, v7;
	_ =	sdelay $0x1  }
0x5a: {  	v9 =	vmin.f32 v7, $6.000000000e+00  }
0x5b: {  	v16 =	vmul.f32 $1.666666720e-01, v9;
	_ =	sdelay $0x1  }
0x5c: {  	v63 =	vmul.f32 v16, v16;
	_ =	sdelay $0x1  }
0x5d: {  	v63 =	vmul.f32 $2.467401030e+00, v63;
	_ =	sdelay $0x1  }
0x5e: {  	v10 =	vmul.f32 $2.087675590e-09, v63;
	_ =	sdelay $0x1  }
0x5f: {  	v10 =	vadd.f32 $-2.755732000e-07, v10;
	_ =	sdelay $0x1  }
0x60: {  	v10 =	vmul.f32 v10, v63;
	_ =	sdelay $0x1  }
0x61: {  	v10 =	vadd.f32 $2.480158760e-05, v10;
	_ =	sdelay $0x1  }
0x62: {  	v10 =	vmul.f32 v10, v63  }
0x63: {  	v11 =	vadd.f32 $-5.000000000e-01, v9  }
0x64: {  	v10 =	vadd.f32 $-1.388888920e-03, v10  }
0x65: {  	v11 =	vmul.f32 v11, v11  }
0x66: {  	v10 =	vmul.f32 v10, v63  }
0x67: {  	v11 =	vmul.f32 $-4.000000000e+00, v11  }
0x68: {  	v10 =	vadd.f32 $4.166666790e-02, v10  }
0x69: {  	v12 =	vadd.f32 $-1.285714270e+00, v9;
	v11 =	vmul.f32 $1.442695020e+00, v11  }
0x6a: {  	v10 =	vmul.f32 v10, v63  }
0x6b: {  	v12 =	vmul.f32 v12, v12;
	(erf) = vpow2.f32 v11  }
0x6c: {  	v18 =	vadd.f32 $-2.071428540e+00, v9;
	v10 =	vadd.f32 $-5.000000000e-01, v10  }
0x6d: {  	v17 =	vmul.f32 $-4.000000000e+00, v12  }
0x6e: {  	v12 =	vmul.f32 v18, v18;
	v10 =	vmul.f32 v10, v63  }
0x6f: {  	v11 =	vmul.f32 $1.442695020e+00, v17  }
0x70: {  	v19 =	vmul.f32 $-4.000000000e+00, v12;
	v10 =	vadd.f32 $1.000000000e+00, v10  }
0x71: {  	v14 =	vld [tilespmem:$0x1FEF0];
	(erf) = vpow2.f32 v11;
	v63 =	vadd.f32 $-2.857142930e+00, v9  }
0x72: {  	v11 =	vmul.f32 $1.442695020e+00, v19;
	v10 =	vmul.f32 v10, v10  }
0x73: {  	vm0 =	vlt.f32 v7, $6.000000000e+00;
	v12 =	vmul.f32 v63, v63  }
0x74: {  	v5 =	vmul.f32 v8, v5;
	(erf) = vpow2.f32 v11;
	v17 =	vpop (erf);
	v7 =	vnsel vm0, $0x0, v10  }
0x75: {  	v16 =	vmul.f32 $-4.000000000e+00, v12;
	v11 =	vmul.f32 v7, v17;
	_ =	sdelay $0x1  }
0x76: {  	v10 =	vmul.f32 $1.442695020e+00, v16;
	v16 =	vmul.f32 v11, v5  }
0x77: {  	[tilespmem:v1+s20+$0x0] =	vst.idx.msk $0xffff, v11  }
0x78: {  	[tilespmem:v14+s20+$0x0] =	vst.idx.msk $0xffff, v16;
	v16 =	vld [tilespmem:$0x1FF00];
	_ =	sdelay $0x3  }
0x79: {  	v4 =	vmul.f32 v8, v4;
	_ =	sdelay $0x1  }
0x7a: {  	v17 =	vmul.f32 v11, v4;
	_ =	sdelay $0x1  }
0x7b: {  	[tilespmem:v16+s20+$0x0] =	vst.idx.msk $0xffff, v17;
	v17 =	vld [tilespmem:$0x1FF10];
	_ =	sdelay $0x3  }
0x7c: {  	v6 =	vmul.f32 v8, v6;
	_ =	sdelay $0x1  }
0x7d: {  	v18 =	vadd.f32 $-3.642857070e+00, v9;
	v11 =	vmul.f32 v11, v6;
	_ =	sdelay $0x1  }
0x7e: {  	v13 =	vadd.f32 $-4.428571220e+00, v9;
	v19 =	vmul.f32 v18, v18;
	[tilespmem:v17+s20+$0x0] =	vst.idx.msk $0xffff, v11;
	v17 =	vld [tilespmem:$0x1FF20];
	_ =	sdelay $0x1  }
0x7f: {  	v8 =	vmul.f32 $-4.000000000e+00, v19;
	v19 =	vmul.f32 v13, v13;
	_ =	sdelay $0x1  }
0x80: {  	v8 =	vmul.f32 $1.442695020e+00, v8;
	v19 =	vmul.f32 $-4.000000000e+00, v19;
	v18 =	vpop (erf)  }
0x81: {  	v63 =	vmul.f32 v7, v18;
	v18 =	vpop (erf);
	(erf) = vpow2.f32 v10;
	v16 =	vadd.f32 $-5.214285850e+00, v9  }
0x82: {  	(erf) = vpow2.f32 v8;
	v11 =	vmul.f32 v7, v18;
	v18 =	vld [tilespmem:$0x1FF30]  }
0x83: {  	v8 =	vmul.f32 $1.442695020e+00, v19;
	v19 =	vmul.f32 v16, v16;
	v16 =	vld [tilespmem:$0x1FF40]  }
0x84: {  	[tilespmem:v17+s20+$0x0] =	vst.idx.msk $0xffff, v63;
	v17 =	vld [tilespmem:$0x1FF50]  }
0x85: {  	v15 =	vld [tilespmem:$0x1FF60];
	_ =	sdelay $0x2  }
0x86: {  	v10 =	vmul.f32 v63, v5  }
0x87: {  	v13 =	vmul.f32 v63, v4  }
0x88: {  	v63 =	vmul.f32 v63, v6;
	[tilespmem:v18+s20+$0x0] =	vst.idx.msk $0xffff, v10  }
0x89: {  	v19 =	vmul.f32 $-4.000000000e+00, v19;
	[tilespmem:v16+s20+$0x0] =	vst.idx.msk $0xffff, v13  }
0x8a: {  	v12 =	vmul.f32 v11, v5;
	v18 =	vpop (erf);
	v13 =	vmul.f32 v11, v4;
	[tilespmem:v17+s20+$0x0] =	vst.idx.msk $0xffff, v63;
	v17 =	vld [tilespmem:$0x1FF70]  }
0x8b: {  	v16 =	vmul.f32 v11, v6;
	[tilespmem:v15+s20+$0x0] =	vst.idx.msk $0xffff, v11;
	v11 =	vmul.f32 v7, v18;
	v18 =	vld [tilespmem:$0x1FF80]  }
0x8c: {  	(erf) = vpow2.f32 v8;
	v8 =	vmul.f32 $1.442695020e+00, v19;
	v19 =	vld [tilespmem:$0x1FF90];
	_ =	sdelay $0x2  }
0x8d: {  	v9 =	vadd.f32 $-6.000000000e+00, v9;
	_ =	sdelay $0x1  }
0x8e: {  	v9 =	vmul.f32 v9, v9  }
0x8f: {  	[tilespmem:v17+s20+$0x0] =	vst.idx.msk $0xffff, v12  }
0x90: {  	v63 =	vmul.f32 $-4.000000000e+00, v9;
	v15 =	vld [tilespmem:$0x1FFA0];
	[tilespmem:v18+s20+$0x0] =	vst.idx.msk $0xffff, v13  }
0x91: {  	[tilespmem:v19+s20+$0x0] =	vst.idx.msk $0xffff, v16;
	v19 =	vld [tilespmem:$0x1FFB0]  }
0x92: {  	(erf) = vpow2.f32 v8;
	v8 =	vmul.f32 $1.442695020e+00, v63;
	v63 =	vld [tilespmem:$0x1FFC0];
	_ =	sdelay $0x4  }
0x93: {  	v12 =	vmul.f32 v11, v5  }
0x94: {  	v16 =	vmul.f32 v11, v4;
	[tilespmem:v15+s20+$0x0] =	vst.idx.msk $0xffff, v11  }
0x95: {  	[tilespmem:v19+s20+$0x0] =	vst.idx.msk $0xffff, v12  }
0x96: {  	[tilespmem:v63+s20+$0x0] =	vst.idx.msk $0xffff, v16;
	v16 =	vld [tilespmem:$0x1FFD0];
	_ =	sdelay $0x5  }
0x97: {  	v17 =	vmul.f32 v11, v6;
	v18 =	vpop (erf)  }
0x98: {  	v11 =	vmul.f32 v7, v18;
	v18 =	vld [tilespmem:$0x1FFE0]  }
0x99: {  	[tilespmem:v16+s20+$0x0] =	vst.idx.msk $0xffff, v17;
	v16 =	vld [tilespmem:$0x1FFF0];
	_ =	sdelay $0x5  }
0x9a: {  	(erf) = vpow2.f32 v8;
	v17 =	vmul.f32 v11, v5  }
0x9b: {  	v19 =	vmul.f32 v11, v4;
	v63 =	vpop (erf);
	[tilespmem:v18+s20+$0x0] =	vst.idx.msk $0xffff, v11  }
0x9c: {  	v10 =	vmul.f32 v7, v63;
	[tilespmem:v16+s20+$0x0] =	vst.idx.msk $0xffff, v17;
	v17 =	vmul.f32 v11, v6  }
0x9d: {  	[tilespmem:v21+s20+$0x0] =	vst.idx.msk $0xffff, v19  }
0x9e: {  	v18 =	vmul.f32 v10, v5;
	[tilespmem:v22+s20+$0x0] =	vst.idx.msk $0xffff, v17  }
0x9f: {  	v63 =	vpop (erf);
	v19 =	vmul.f32 v10, v4;
	[tilespmem:v23+s20+$0x0] =	vst.idx.msk $0xffff, v10  }
0xa0: {  	v13 =	vmul.f32 v7, v63;
	v12 =	vmul.f32 v10, v6;
	[tilespmem:v24+s20+$0x0] =	vst.idx.msk $0xffff, v18  }
0xa1: {  	[tilespmem:v25+s20+$0x0] =	vst.idx.msk $0xffff, v19  }
0xa2: {  	v14 =	vmul.f32 v13, v5;
	[tilespmem:v26+s20+$0x0] =	vst.idx.msk $0xffff, v12  }
0xa3: {  	v15 =	vmul.f32 v13, v4;
	v16 =	vpop (erf);
	[tilespmem:v27+s20+$0x0] =	vst.idx.msk $0xffff, v13  }
0xa4: {  	v7 =	vmul.f32 v7, v16;
	v17 =	vmul.f32 v13, v6;
	[tilespmem:v28+s20+$0x0] =	vst.idx.msk $0xffff, v14  }
0xa5: {  	[tilespmem:v29+s20+$0x0] =	vst.idx.msk $0xffff, v15  }
0xa6: {  	v5 =	vmul.f32 v7, v5;
	[tilespmem:v30+s20+$0x0] =	vst.idx.msk $0xffff, v17  }
0xa7: {  	v4 =	vmul.f32 v7, v4;
	[tilespmem:v31+s20+$0x0] =	vst.idx.msk $0xffff, v7  }
0xa8: {  	[tilespmem:v32+s20+$0x0] =	vst.idx.msk $0xffff, v5;
	v5 =	vmul.f32 v7, v6  }
0xa9: {  	[tilespmem:v33+s20+$0x0] =	vst.idx.msk $0xffff, v4  }
0xaa: {  	[tilespmem:v34+s20+$0x0] =	vst.idx.msk $0xffff, v5  }
0xab: {  	v4 =	vld.idx.msk [tilespmem:v35+s16+$0x0], $0xffff  }
0xac: {  	v5 =	vld.idx.msk [tilespmem:v36+s16+$0x0], $0xffff  }
0xad: {  	v18 =	vld.idx.msk [tilespmem:v35+s17+$0x0], $0xffff  }
0xae: {  	v19 =	vld.idx.msk [tilespmem:v36+s17+$0x0], $0xffff  }
0xaf: {  	v8 =	vld.idx.msk [tilespmem:v37+s16+$0x0], $0xffff  }
0xb0: {  	v9 =	vld.idx.msk [tilespmem:v37+s17+$0x0], $0xffff;
	_ =	sdelay $0x2  }
0xb1: {  	v4 =	vsub.f32 v18, v4;
	v5 =	vsub.f32 v19, v5;
	_ =	sdelay $0x1  }
0xb2: {  	v6 =	vsub.f32 v9, v8;
	v63 =	vmul.f32 v4, v4;
	v12 =	vmul.f32 v5, v5;
	_ =	sdelay $0x1  }
0xb3: {  	v13 =	vmul.f32 v6, v6;
	v7 =	vadd.f32 v12, v63;
	_ =	sdelay $0x1  }
0xb4: {  	v7 =	vadd.f32 v13, v7;
	_ =	sdelay $0x1  }
0xb5: {  	v7 =	vadd.f32 $9.999999960e-13, v7;
	_ =	sdelay $0x1  }
0xb6: {  	v14 =	vshra.s32 v7, $0x1;
	v15 =	vmul.f32 $5.000000000e-01, v7  }
0xb7: {  	v8 =	vsub.s32 $0x5F3759DF, v14  }
0xb8: {  	v16 =	vmul.f32 v8, v15;
	_ =	sdelay $0x1  }
0xb9: {  	v10 =	vmul.f32 v8, v16;
	_ =	sdelay $0x1  }
0xba: {  	v10 =	vsub.f32 $1.500000000e+00, v10;
	_ =	sdelay $0x1  }
0xbb: {  	v8 =	vmul.f32 v8, v10;
	_ =	sdelay $0x1  }
0xbc: {  	v10 =	vmul.f32 v8, v15;
	_ =	sdelay $0x1  }
0xbd: {  	v10 =	vmul.f32 v10, v8;
	_ =	sdelay $0x1  }
0xbe: {  	v10 =	vsub.f32 $1.500000000e+00, v10;
	_ =	sdelay $0x1  }
0xbf: {  	v8 =	vmul.f32 v10, v8;
	_ =	sdelay $0x1  }
0xc0: {  	v9 =	vmul.f32 v8, v15;
	_ =	sdelay $0x1  }
0xc1: {  	v9 =	vmul.f32 v9, v8;
	_ =	sdelay $0x1  }
0xc2: {  	v9 =	vsub.f32 $1.500000000e+00, v9;
	_ =	sdelay $0x1  }
0xc3: {  	v8 =	vmul.f32 v9, v8;
	_ =	sdelay $0x1  }
0xc4: {  	v7 =	vmul.f32 v8, v7;
	_ =	sdelay $0x1  }
0xc5: {  	v9 =	vmin.f32 v7, $6.000000000e+00  }
0xc6: {  	v17 =	vmul.f32 $1.666666720e-01, v9;
	_ =	sdelay $0x1  }
0xc7: {  	v10 =	vmul.f32 v17, v17;
	_ =	sdelay $0x1  }
0xc8: {  	v10 =	vmul.f32 $2.467401030e+00, v10;
	_ =	sdelay $0x1  }
0xc9: {  	v18 =	vmul.f32 $2.087675590e-09, v10;
	_ =	sdelay $0x1  }
0xca: {  	v11 =	vadd.f32 $-2.755732000e-07, v18;
	_ =	sdelay $0x1  }
0xcb: {  	v11 =	vmul.f32 v11, v10;
	_ =	sdelay $0x1  }
0xcc: {  	v11 =	vadd.f32 $2.480158760e-05, v11;
	_ =	sdelay $0x1  }
0xcd: {  	v11 =	vmul.f32 v11, v10  }
0xce: {  	v19 =	vadd.f32 $-5.000000000e-01, v9  }
0xcf: {  	v11 =	vadd.f32 $-1.388888920e-03, v11  }
0xd0: {  	v12 =	vmul.f32 v19, v19  }
0xd1: {  	v63 =	vadd.f32 $-1.285714270e+00, v9;
	v11 =	vmul.f32 v11, v10  }
0xd2: {  	v12 =	vmul.f32 $-4.000000000e+00, v12  }
0xd3: {  	v13 =	vmul.f32 v63, v63;
	v11 =	vadd.f32 $4.166666790e-02, v11  }
0xd4: {  	v17 =	vadd.f32 $-2.071428540e+00, v9;
	v12 =	vmul.f32 $1.442695020e+00, v12  }
0xd5: {  	v16 =	vmul.f32 $-4.000000000e+00, v13;
	v11 =	vmul.f32 v11, v10  }
0xd6: {  	v19 =	vmul.f32 v17, v17;
	(erf) = vpow2.f32 v12  }
0xd7: {  	v18 =	vmul.f32 $1.442695020e+00, v16;
	v11 =	vadd.f32 $-5.000000000e-01, v11  }
0xd8: {  	v63 =	vmul.f32 $-4.000000000e+00, v19;
	v16 =	vadd.f32 $-2.857142930e+00, v9  }
0xd9: {  	(erf) = vpow2.f32 v18;
	v10 =	vmul.f32 v11, v10  }
0xda: {  	v12 =	vmul.f32 v16, v16  }
0xdb: {  	v11 =	vmul.f32 $1.442695020e+00, v63;
	v10 =	vadd.f32 $1.000000000e+00, v10  }
0xdc: {  	v4 =	vmul.f32 v8, v4;
	v19 =	vadd.f32 $-3.642857070e+00, v9;
	v17 =	vmul.f32 $-4.000000000e+00, v12  }
0xdd: {  	(erf) = vpow2.f32 v11;
	v10 =	vmul.f32 v10, v10  }
0xde: {  	v5 =	vmul.f32 v8, v5;
	vm9 =	vlt.f32 v7, $6.000000000e+00;
	v63 =	vmul.f32 v19, v19  }
0xdf: {  	v6 =	vmul.f32 v8, v6;
	v18 =	vpop (erf);
	v7 =	vnsel vm9, $0x0, v10;
	v10 =	vmul.f32 $1.442695020e+00, v17  }
0xe0: {  	v8 =	vmul.f32 $-4.000000000e+00, v63;
	v11 =	vmul.f32 v7, v18  }
0xe1: {  	(erf) = vpow2.f32 v10  }
0xe2: {  	v19 =	vadd.f32 $-4.428571220e+00, v9;
	v8 =	vmul.f32 $1.442695020e+00, v8;
	v18 =	vpop (erf);
	v16 =	vmul.f32 v11, v4  }
0xe3: {  	v13 =	vmul.f32 v7, v18;
	v17 =	vmul.f32 v11, v5;
	[tilespmem:v38+s20+$0x0] =	vst.idx.msk $0xffff, v11  }
0xe4: {  	v11 =	vmul.f32 v11, v6;
	[tilespmem:v39+s20+$0x0] =	vst.idx.msk $0xffff, v16;
	v16 =	vmul.f32 v19, v19  }
0xe5: {  	(erf) = vpow2.f32 v8;
	v63 =	vmul.f32 v13, v5;
	[tilespmem:v40+s20+$0x0] =	vst.idx.msk $0xffff, v17  }
0xe6: {  	v18 =	vpop (erf);
	v17 =	vmul.f32 v13, v4;
	[tilespmem:v41+s20+$0x0] =	vst.idx.msk $0xffff, v11;
	v19 =	vmul.f32 $-4.000000000e+00, v16;
	v16 =	vadd.f32 $-5.214285850e+00, v9  }
0xe7: {  	v11 =	vmul.f32 v7, v18;
	[tilespmem:v42+s20+$0x0] =	vst.idx.msk $0xffff, v13;
	v13 =	vmul.f32 v13, v6  }
0xe8: {  	[tilespmem:v43+s20+$0x0] =	vst.idx.msk $0xffff, v17;
	v8 =	vmul.f32 $1.442695020e+00, v19;
	v17 =	vmul.f32 v16, v16  }
0xe9: {  	v9 =	vadd.f32 $-6.000000000e+00, v9;
	v12 =	vmul.f32 v11, v4;
	v18 =	vmul.f32 v11, v5;
	[tilespmem:v44+s20+$0x0] =	vst.idx.msk $0xffff, v63  }
0xea: {  	[tilespmem:v45+s20+$0x0] =	vst.idx.msk $0xffff, v13;
	v19 =	vpop (erf);
	(erf) = vpow2.f32 v8;
	v15 =	vmul.f32 $-4.000000000e+00, v17  }
0xeb: {  	v16 =	vmul.f32 v11, v6;
	v9 =	vmul.f32 v9, v9;
	[tilespmem:v46+s20+$0x0] =	vst.idx.msk $0xffff, v11  }
0xec: {  	v17 =	vmul.f32 v7, v19;
	[tilespmem:v47+s20+$0x0] =	vst.idx.msk $0xffff, v12;
	v8 =	vmul.f32 $1.442695020e+00, v15  }
0xed: {  	v19 =	vmul.f32 $-4.000000000e+00, v9;
	[tilespmem:v48+s20+$0x0] =	vst.idx.msk $0xffff, v18  }
0xee: {  	v14 =	vpop (erf);
	v18 =	vmul.f32 v17, v4;
	[tilespmem:v49+s20+$0x0] =	vst.idx.msk $0xffff, v16;
	(erf) = vpow2.f32 v8  }
0xef: {  	v11 =	vmul.f32 v7, v14;
	v63 =	vmul.f32 v17, v5;
	[tilespmem:v50+s20+$0x0] =	vst.idx.msk $0xffff, v17  }
0xf0: {  	v13 =	vmul.f32 v17, v6;
	v8 =	vmul.f32 $1.442695020e+00, v19;
	[tilespmem:v51+s20+$0x0] =	vst.idx.msk $0xffff, v18  }
0xf1: {  	[tilespmem:v52+s20+$0x0] =	vst.idx.msk $0xffff, v63  }
0xf2: {  	v15 =	vmul.f32 v11, v4;
	(erf) = vpow2.f32 v8;
	[tilespmem:v53+s20+$0x0] =	vst.idx.msk $0xffff, v13  }
0xf3: {  	v16 =	vmul.f32 v11, v5;
	[tilespmem:v54+s20+$0x0] =	vst.idx.msk $0xffff, v11;
	v17 =	vpop (erf)  }
0xf4: {  	v18 =	vmul.f32 v11, v6;
	[tilespmem:v55+s20+$0x0] =	vst.idx.msk $0xffff, v15;
	v10 =	vmul.f32 v7, v17  }
0xf5: {  	[tilespmem:v56+s20+$0x0] =	vst.idx.msk $0xffff, v16  }
0xf6: {  	[tilespmem:v57+s20+$0x0] =	vst.idx.msk $0xffff, v18;
	v19 =	vmul.f32 v10, v4  }
0xf7: {  	v12 =	vor.u32 $0x20E, v1;
	v63 =	vmul.f32 v10, v5;
	[tilespmem:v58+s20+$0x0] =	vst.idx.msk $0xffff, v10;
	v16 =	vpop (erf)  }
0xf8: {  	v11 =	vor.u32 $0x216, v1;
	v17 =	vmul.f32 v10, v6;
	[tilespmem:v59+s20+$0x0] =	vst.idx.msk $0xffff, v19;
	v10 =	vmul.f32 v7, v16  }
0xf9: {  	v9 =	vor.u32 $0x21E, v1;
	[tilespmem:v60+s20+$0x0] =	vst.idx.msk $0xffff, v63  }
0xfa: {  	v13 =	vor.u32 $0x207, v1;
	[tilespmem:v61+s20+$0x0] =	vst.idx.msk $0xffff, v17;
	v8 =	vmul.f32 v10, v4  }
0xfb: {  	v15 =	vor.u32 $0x20F, v1;
	v18 =	vmul.f32 v10, v5;
	v19 =	vpop (erf);
	[tilespmem:v62+s20+$0x0] =	vst.idx.msk $0xffff, v10  }
0xfc: {  	v14 =	vor.u32 $0x217, v1;
	v7 =	vmul.f32 v7, v19;
	[tilespmem:v12+s20+$0x0] =	vst.idx.msk $0xffff, v8;
	v12 =	vmul.f32 v10, v6  }
0xfd: {  	v16 =	vor.u32 $0x21F, v1;
	[tilespmem:v11+s20+$0x0] =	vst.idx.msk $0xffff, v18  }
0xfe: {  	v17 =	vor.u32 $0x200, v0;
	v4 =	vmul.f32 v7, v4;
	[tilespmem:v9+s20+$0x0] =	vst.idx.msk $0xffff, v12  }
0xff: {  	v5 =	vmul.f32 v7, v5;
	v18 =	vor.u32 $0x201, v0;
	[tilespmem:v13+s20+$0x0] =	vst.idx.msk $0xffff, v7  }
0x100: {  	[tilespmem:v15+s20+$0x0] =	vst.idx.msk $0xffff, v4;
	v4 =	vmul.f32 v7, v6  }
0x101: {  	[tilespmem:v14+s20+$0x0] =	vst.idx.msk $0xffff, v5  }
0x102: {  	[tilespmem:v16+s20+$0x0] =	vst.idx.msk $0xffff, v4;
	v4 =	vor.u32 $0x202, v0  }
0x103: {  	v5 =	vld.idx.msk [tilespmem:v17+s16+$0x0], $0xffff  }
0x104: {  	v19 =	vld.idx.msk [tilespmem:v18+s16+$0x0], $0xffff  }
0x105: {  	v63 =	vld.idx.msk [tilespmem:v17+s17+$0x0], $0xffff  }
0x106: {  	v12 =	vld.idx.msk [tilespmem:v18+s17+$0x0], $0xffff  }
0x107: {  	v13 =	vld.idx.msk [tilespmem:v4+s16+$0x0], $0xffff  }
0x108: {  	v4 =	vld.idx.msk [tilespmem:v4+s17+$0x0], $0xffff;
	_ =	sdelay $0x2  }
0x109: {  	v5 =	vsub.f32 v63, v5;
	v6 =	vsub.f32 v12, v19;
	_ =	sdelay $0x1  }
0x10a: {  	v7 =	vmul.f32 v5, v5;
	v8 =	vmul.f32 v6, v6;
	v4 =	vsub.f32 v4, v13;
	_ =	sdelay $0x1  }
0x10b: {  	v7 =	vadd.f32 v8, v7;
	v14 =	vmul.f32 v4, v4;
	_ =	sdelay $0x1  }
0x10c: {  	v7 =	vadd.f32 v14, v7;
	_ =	sdelay $0x1  }
0x10d: {  	v7 =	vadd.f32 $9.999999960e-13, v7;
	_ =	sdelay $0x1  }
0x10e: {  	v15 =	vshra.s32 v7, $0x1;
	v16 =	vmul.f32 $5.000000000e-01, v7  }
0x10f: {  	v8 =	vsub.s32 $0x5F3759DF, v15  }
0x110: {  	v17 =	vmul.f32 v8, v16;
	_ =	sdelay $0x1  }
0x111: {  	v10 =	vmul.f32 v8, v17;
	_ =	sdelay $0x1  }
0x112: {  	v10 =	vsub.f32 $1.500000000e+00, v10;
	_ =	sdelay $0x1  }
0x113: {  	v8 =	vmul.f32 v8, v10;
	_ =	sdelay $0x1  }
0x114: {  	v10 =	vmul.f32 v8, v16;
	_ =	sdelay $0x1  }
0x115: {  	v10 =	vmul.f32 v10, v8;
	_ =	sdelay $0x1  }
0x116: {  	v10 =	vsub.f32 $1.500000000e+00, v10;
	_ =	sdelay $0x1  }
0x117: {  	v8 =	vmul.f32 v10, v8;
	_ =	sdelay $0x1  }
0x118: {  	v9 =	vmul.f32 v8, v16;
	_ =	sdelay $0x1  }
0x119: {  	v9 =	vmul.f32 v9, v8;
	_ =	sdelay $0x1  }
0x11a: {  	v9 =	vsub.f32 $1.500000000e+00, v9;
	_ =	sdelay $0x1  }
0x11b: {  	v8 =	vmul.f32 v9, v8;
	_ =	sdelay $0x1  }
0x11c: {  	v7 =	vmul.f32 v8, v7;
	_ =	sdelay $0x1  }
0x11d: {  	v9 =	vmin.f32 v7, $6.000000000e+00  }
0x11e: {  	v18 =	vmul.f32 $1.666666720e-01, v9;
	_ =	sdelay $0x1  }
0x11f: {  	v10 =	vmul.f32 v18, v18;
	_ =	sdelay $0x1  }
0x120: {  	v10 =	vmul.f32 $2.467401030e+00, v10;
	_ =	sdelay $0x1  }
0x121: {  	v19 =	vmul.f32 $2.087675590e-09, v10;
	_ =	sdelay $0x1  }
0x122: {  	v11 =	vadd.f32 $-2.755732000e-07, v19;
	_ =	sdelay $0x1  }
0x123: {  	v11 =	vmul.f32 v11, v10;
	_ =	sdelay $0x1  }
0x124: {  	v11 =	vadd.f32 $2.480158760e-05, v11;
	_ =	sdelay $0x1  }
0x125: {  	v11 =	vmul.f32 v11, v10  }
0x126: {  	v63 =	vadd.f32 $-5.000000000e-01, v9  }
0x127: {  	v11 =	vadd.f32 $-1.388888920e-03, v11  }
0x128: {  	v16 =	vadd.f32 $-1.285714270e+00, v9;
	v12 =	vmul.f32 v63, v63  }
0x129: {  	v11 =	vmul.f32 v11, v10  }
0x12a: {  	v13 =	vmul.f32 v16, v16;
	v12 =	vmul.f32 $-4.000000000e+00, v12  }
0x12b: {  	v18 =	vadd.f32 $-2.071428540e+00, v9;
	v11 =	vadd.f32 $4.166666790e-02, v11  }
0x12c: {  	v17 =	vmul.f32 $-4.000000000e+00, v13;
	v12 =	vmul.f32 $1.442695020e+00, v12  }
0x12d: {  	v63 =	vmul.f32 v18, v18;
	v11 =	vmul.f32 v11, v10  }
0x12e: {  	(erf) = vpow2.f32 v12;
	v19 =	vmul.f32 $1.442695020e+00, v17  }
0x12f: {  	v11 =	vadd.f32 $-5.000000000e-01, v11  }
0x130: {  	v15 =	vmul.f32 $-4.000000000e+00, v63;
	(erf) = vpow2.f32 v19  }
0x131: {  	v5 =	vmul.f32 v8, v5;
	v16 =	vadd.f32 $-2.857142930e+00, v9;
	v10 =	vmul.f32 v11, v10  }
0x132: {  	v6 =	vmul.f32 v8, v6;
	v13 =	vadd.f32 $-3.642857070e+00, v9;
	v11 =	vmul.f32 $1.442695020e+00, v15  }
0x133: {  	v4 =	vmul.f32 v8, v4;
	v18 =	vmul.f32 v16, v16;
	v10 =	vadd.f32 $1.000000000e+00, v10  }
0x134: {  	v13 =	vmul.f32 v13, v13;
	(erf) = vpow2.f32 v11  }
0x135: {  	v14 =	vor.u32 $0x408, v1;
	v19 =	vmul.f32 $-4.000000000e+00, v18;
	v10 =	vmul.f32 v10, v10  }
0x136: {  	vm10 =	vlt.f32 v7, $6.000000000e+00;
	v13 =	vmul.f32 $-4.000000000e+00, v13;
	v11 =	vor.u32 $0x400, v1  }
0x137: {  	v8 =	vmul.f32 $1.442695020e+00, v19;
	v19 =	vadd.f32 $-4.428571220e+00, v9;
	v17 =	vpop (erf);
	v7 =	vnsel vm10, $0x0, v10  }
0x138: {  	v63 =	vor.u32 $0x410, v1;
	v13 =	vmul.f32 $1.442695020e+00, v13;
	v10 =	vmul.f32 v7, v17  }
0x139: {  	v18 =	vor.u32 $0x418, v1;
	v19 =	vmul.f32 v19, v19;
	v17 =	vpop (erf);
	(erf) = vpow2.f32 v8  }
0x13a: {  	v8 =	vor.u32 $0x401, v1;
	v17 =	vmul.f32 v7, v17;
	v12 =	vmul.f32 v10, v5  }
0x13b: {  	v15 =	vmul.f32 v10, v6;
	v16 =	vmul.f32 v10, v4;
	[tilespmem:v11+s20+$0x0] =	vst.idx.msk $0xffff, v10;
	v11 =	vor.u32 $0x409, v1  }
0x13c: {  	v10 =	vmul.f32 v17, v5;
	v20 =	vmul.f32 v17, v6;
	[tilespmem:v14+s20+$0x0] =	vst.idx.msk $0xffff, v12;
	v12 =	vor.u32 $0x411, v1  }
0x13d: {  	v14 =	vpop (erf);
	(erf) = vpow2.f32 v13;
	v13 =	vmul.f32 $-4.000000000e+00, v19;
	[tilespmem:v63+s20+$0x0] =	vst.idx.msk $0xffff, v15;
	v15 =	vor.u32 $0x419, v1  }
0x13e: {  	v14 =	vmul.f32 v7, v14;
	v63 =	vor.u32 $0x402, v1;
	[tilespmem:v18+s20+$0x0] =	vst.idx.msk $0xffff, v16;
	v16 =	vadd.f32 $-5.214285850e+00, v9  }
0x13f: {  	v18 =	vor.u32 $0x40A, v1;
	v9 =	vadd.f32 $-6.000000000e+00, v9;
	[tilespmem:v8+s20+$0x0] =	vst.idx.msk $0xffff, v17;
	v8 =	vmul.f32 v17, v4  }
0x140: {  	[tilespmem:v11+s20+$0x0] =	vst.idx.msk $0xffff, v10;
	v10 =	vor.u32 $0x412, v1;
	v11 =	vmul.f32 $1.442695020e+00, v13;
	v13 =	vmul.f32 v16, v16  }
0x141: {  	v17 =	vmul.f32 v14, v5;
	v16 =	vor.u32 $0x41A, v1;
	v9 =	vmul.f32 v9, v9;
	[tilespmem:v12+s20+$0x0] =	vst.idx.msk $0xffff, v20  }
0x142: {  	v19 =	vor.u32 $0x403, v1;
	[tilespmem:v15+s20+$0x0] =	vst.idx.msk $0xffff, v8;
	(erf) = vpow2.f32 v11;
	v11 =	vmul.f32 $-4.000000000e+00, v13  }
0x143: {  	v12 =	vmul.f32 v14, v6;
	v8 =	vpop (erf);
	[tilespmem:v63+s20+$0x0] =	vst.idx.msk $0xffff, v14;
	v63 =	vmul.f32 v14, v4;
	v14 =	vor.u32 $0x40B, v1  }
0x144: {  	v15 =	vor.u32 $0x413, v1;
	v8 =	vmul.f32 v7, v8;
	[tilespmem:v18+s20+$0x0] =	vst.idx.msk $0xffff, v17;
	v11 =	vmul.f32 $1.442695020e+00, v11  }
0x145: {  	v9 =	vmul.f32 $-4.000000000e+00, v9;
	[tilespmem:v10+s20+$0x0] =	vst.idx.msk $0xffff, v12;
	v12 =	vor.u32 $0x41B, v1  }
0x146: {  	v13 =	vor.u32 $0x404, v1;
	v10 =	vmul.f32 v8, v5;
	[tilespmem:v16+s20+$0x0] =	vst.idx.msk $0xffff, v63;
	(erf) = vpow2.f32 v11  }
0x147: {  	v17 =	vor.u32 $0x40C, v1;
	v9 =	vmul.f32 $1.442695020e+00, v9;
	v11 =	vmul.f32 v8, v6;
	[tilespmem:v19+s20+$0x0] =	vst.idx.msk $0xffff, v8;
	v63 =	vpop (erf)  }
0x148: {  	v8 =	vmul.f32 v8, v4;
	[tilespmem:v14+s20+$0x0] =	vst.idx.msk $0xffff, v10;
	v10 =	vmul.f32 v7, v63;
	v14 =	vor.u32 $0x414, v1  }
0x149: {  	[tilespmem:v15+s20+$0x0] =	vst.idx.msk $0xffff, v11;
	v11 =	vor.u32 $0x41C, v1  }
0x14a: {  	(erf) = vpow2.f32 v9;
	[tilespmem:v12+s20+$0x0] =	vst.idx.msk $0xffff, v8;
	v19 =	vmul.f32 v10, v5;
	v12 =	vor.u32 $0x405, v1  }
0x14b: {  	v15 =	vor.u32 $0x40D, v1;
	v63 =	vmul.f32 v10, v6;
	[tilespmem:v13+s20+$0x0] =	vst.idx.msk $0xffff, v10;
	v18 =	vpop (erf)  }
0x14c: {  	v13 =	vor.u32 $0x415, v1;
	[tilespmem:v17+s20+$0x0] =	vst.idx.msk $0xffff, v19;
	v19 =	vmul.f32 v10, v4;
	v10 =	vmul.f32 v7, v18  }
0x14d: {  	v9 =	vor.u32 $0x41D, v1;
	[tilespmem:v14+s20+$0x0] =	vst.idx.msk $0xffff, v63  }
0x14e: {  	[tilespmem:v11+s20+$0x0] =	vst.idx.msk $0xffff, v19;
	v8 =	vmul.f32 v10, v5;
	v11 =	vor.u32 $0x406, v1  }
0x14f: {  	v16 =	vor.u32 $0x40E, v1;
	v19 =	vmul.f32 v10, v4;
	[tilespmem:v12+s20+$0x0] =	vst.idx.msk $0xffff, v10;
	v12 =	vmul.f32 v10, v6;
	v63 =	vpop (erf)  }
0x150: {  	v14 =	vor.u32 $0x416, v1;
	[tilespmem:v15+s20+$0x0] =	vst.idx.msk $0xffff, v8;
	v10 =	vmul.f32 v7, v63  }
0x151: {  	[tilespmem:v13+s20+$0x0] =	vst.idx.msk $0xffff, v12;
	v12 =	vor.u32 $0x41E, v1  }
0x152: {  	[tilespmem:v9+s20+$0x0] =	vst.idx.msk $0xffff, v19;
	v63 =	vmul.f32 v10, v5;
	v9 =	vor.u32 $0x407, v1  }
0x153: {  	v15 =	vor.u32 $0x40F, v1;
	v18 =	vmul.f32 v10, v6;
	v19 =	vpop (erf);
	[tilespmem:v11+s20+$0x0] =	vst.idx.msk $0xffff, v10  }
0x154: {  	v7 =	vmul.f32 v7, v19;
	[tilespmem:v16+s20+$0x0] =	vst.idx.msk $0xffff, v63;
	v63 =	vmul.f32 v10, v4;
	v16 =	vor.u32 $0x417, v1  }
0x155: {  	v17 =	vor.u32 $0x41F, v1;
	[tilespmem:v14+s20+$0x0] =	vst.idx.msk $0xffff, v18  }
0x156: {  	v5 =	vmul.f32 v7, v5;
	v18 =	vor.u32 $0x300, v0;
	[tilespmem:v12+s20+$0x0] =	vst.idx.msk $0xffff, v63  }
0x157: {  	v19 =	vor.u32 $0x301, v0;
	v6 =	vmul.f32 v7, v6;
	[tilespmem:v9+s20+$0x0] =	vst.idx.msk $0xffff, v7  }
0x158: {  	v4 =	vmul.f32 v7, v4;
	[tilespmem:v15+s20+$0x0] =	vst.idx.msk $0xffff, v5  }
0x159: {  	[tilespmem:v16+s20+$0x0] =	vst.idx.msk $0xffff, v6  }
0x15a: {  	[tilespmem:v17+s20+$0x0] =	vst.idx.msk $0xffff, v4;
	v4 =	vor.u32 $0x302, v0  }
0x15b: {  	v5 =	vld.idx.msk [tilespmem:v18+s16+$0x0], $0xffff  }
0x15c: {  	v6 =	vld.idx.msk [tilespmem:v19+s16+$0x0], $0xffff  }
0x15d: {  	v63 =	vld.idx.msk [tilespmem:v18+s17+$0x0], $0xffff  }
0x15e: {  	v12 =	vld.idx.msk [tilespmem:v19+s17+$0x0], $0xffff  }
0x15f: {  	v13 =	vld.idx.msk [tilespmem:v4+s16+$0x0], $0xffff  }
0x160: {  	v4 =	vld.idx.msk [tilespmem:v4+s17+$0x0], $0xffff;
	_ =	sdelay $0x2  }
0x161: {  	v5 =	vsub.f32 v63, v5;
	v6 =	vsub.f32 v12, v6;
	_ =	sdelay $0x1  }
0x162: {  	v7 =	vmul.f32 v5, v5;
	v8 =	vmul.f32 v6, v6;
	v4 =	vsub.f32 v4, v13;
	_ =	sdelay $0x1  }
0x163: {  	v7 =	vadd.f32 v8, v7;
	v14 =	vmul.f32 v4, v4;
	_ =	sdelay $0x1  }
0x164: {  	v7 =	vadd.f32 v14, v7;
	_ =	sdelay $0x1  }
0x165: {  	v7 =	vadd.f32 $9.999999960e-13, v7;
	_ =	sdelay $0x1  }
0x166: {  	v15 =	vshra.s32 v7, $0x1;
	v16 =	vmul.f32 $5.000000000e-01, v7  }
0x167: {  	v8 =	vsub.s32 $0x5F3759DF, v15  }
0x168: {  	v17 =	vmul.f32 v8, v16;
	_ =	sdelay $0x1  }
0x169: {  	v10 =	vmul.f32 v8, v17;
	_ =	sdelay $0x1  }
0x16a: {  	v10 =	vsub.f32 $1.500000000e+00, v10;
	_ =	sdelay $0x1  }
0x16b: {  	v8 =	vmul.f32 v8, v10;
	_ =	sdelay $0x1  }
0x16c: {  	v10 =	vmul.f32 v8, v16;
	_ =	sdelay $0x1  }
0x16d: {  	v10 =	vmul.f32 v10, v8;
	_ =	sdelay $0x1  }
0x16e: {  	v10 =	vsub.f32 $1.500000000e+00, v10;
	_ =	sdelay $0x1  }
0x16f: {  	v8 =	vmul.f32 v10, v8;
	_ =	sdelay $0x1  }
0x170: {  	v9 =	vmul.f32 v8, v16;
	_ =	sdelay $0x1  }
0x171: {  	v9 =	vmul.f32 v9, v8;
	_ =	sdelay $0x1  }
0x172: {  	v9 =	vsub.f32 $1.500000000e+00, v9;
	_ =	sdelay $0x1  }
0x173: {  	v8 =	vmul.f32 v9, v8;
	_ =	sdelay $0x1  }
0x174: {  	v7 =	vmul.f32 v8, v7;
	_ =	sdelay $0x1  }
0x175: {  	v9 =	vmin.f32 v7, $6.000000000e+00  }
0x176: {  	v18 =	vmul.f32 $1.666666720e-01, v9;
	_ =	sdelay $0x1  }
0x177: {  	v10 =	vmul.f32 v18, v18;
	_ =	sdelay $0x1  }
0x178: {  	v10 =	vmul.f32 $2.467401030e+00, v10;
	_ =	sdelay $0x1  }
0x179: {  	v19 =	vmul.f32 $2.087675590e-09, v10;
	_ =	sdelay $0x1  }
0x17a: {  	v11 =	vadd.f32 $-2.755732000e-07, v19;
	_ =	sdelay $0x1  }
0x17b: {  	v11 =	vmul.f32 v11, v10;
	_ =	sdelay $0x1  }
0x17c: {  	v11 =	vadd.f32 $2.480158760e-05, v11;
	_ =	sdelay $0x1  }
0x17d: {  	v11 =	vmul.f32 v11, v10  }
0x17e: {  	v63 =	vadd.f32 $-5.000000000e-01, v9  }
0x17f: {  	v11 =	vadd.f32 $-1.388888920e-03, v11  }
0x180: {  	v16 =	vadd.f32 $-1.285714270e+00, v9;
	v12 =	vmul.f32 v63, v63  }
0x181: {  	v11 =	vmul.f32 v11, v10  }
0x182: {  	v13 =	vmul.f32 v16, v16;
	v12 =	vmul.f32 $-4.000000000e+00, v12  }
0x183: {  	v18 =	vadd.f32 $-2.071428540e+00, v9;
	v11 =	vadd.f32 $4.166666790e-02, v11  }
0x184: {  	v17 =	vmul.f32 $-4.000000000e+00, v13;
	v12 =	vmul.f32 $1.442695020e+00, v12  }
0x185: {  	v63 =	vmul.f32 v18, v18;
	v11 =	vmul.f32 v11, v10  }
0x186: {  	(erf) = vpow2.f32 v12;
	v19 =	vmul.f32 $1.442695020e+00, v17  }
0x187: {  	v11 =	vadd.f32 $-5.000000000e-01, v11  }
0x188: {  	v15 =	vmul.f32 $-4.000000000e+00, v63;
	(erf) = vpow2.f32 v19  }
0x189: {  	v5 =	vmul.f32 v8, v5;
	v16 =	vadd.f32 $-2.857142930e+00, v9;
	v10 =	vmul.f32 v11, v10  }
0x18a: {  	v6 =	vmul.f32 v8, v6;
	v13 =	vadd.f32 $-3.642857070e+00, v9;
	v11 =	vmul.f32 $1.442695020e+00, v15  }
0x18b: {  	v4 =	vmul.f32 v8, v4;
	v18 =	vmul.f32 v16, v16;
	v10 =	vadd.f32 $1.000000000e+00, v10  }
0x18c: {  	v13 =	vmul.f32 v13, v13;
	(erf) = vpow2.f32 v11  }
0x18d: {  	v14 =	vor.u32 $0x608, v1;
	v19 =	vmul.f32 $-4.000000000e+00, v18;
	v10 =	vmul.f32 v10, v10  }
0x18e: {  	vm11 =	vlt.f32 v7, $6.000000000e+00;
	v20 =	vadd.f32 $-4.428571220e+00, v9;
	v11 =	vor.u32 $0x600, v1  }
0x18f: {  	v13 =	vmul.f32 $-4.000000000e+00, v13;
	v8 =	vmul.f32 $1.442695020e+00, v19;
	v17 =	vpop (erf);
	v7 =	vnsel vm11, $0x0, v10  }
0x190: {  	v20 =	vmul.f32 v20, v20;
	v16 =	vor.u32 $0x610, v1;
	v10 =	vmul.f32 v7, v17  }
0x191: {  	v13 =	vmul.f32 $1.442695020e+00, v13;
	v19 =	vor.u32 $0x618, v1;
	v63 =	vpop (erf);
	(erf) = vpow2.f32 v8  }
0x192: {  	v8 =	vor.u32 $0x601, v1;
	v18 =	vmul.f32 v7, v63;
	v12 =	vmul.f32 v10, v5  }
0x193: {  	v15 =	vmul.f32 v10, v6;
	v17 =	vmul.f32 v10, v4;
	[tilespmem:v11+s20+$0x0] =	vst.idx.msk $0xffff, v10;
	v11 =	vor.u32 $0x609, v1  }
0x194: {  	v10 =	vmul.f32 v18, v5;
	v63 =	vmul.f32 v18, v6;
	[tilespmem:v14+s20+$0x0] =	vst.idx.msk $0xffff, v12;
	v12 =	vor.u32 $0x611, v1  }
0x195: {  	v14 =	vpop (erf);
	(erf) = vpow2.f32 v13;
	v13 =	vmul.f32 $-4.000000000e+00, v20;
	[tilespmem:v16+s20+$0x0] =	vst.idx.msk $0xffff, v15;
	v15 =	vor.u32 $0x619, v1  }
0x196: {  	v14 =	vmul.f32 v7, v14;
	v16 =	vor.u32 $0x602, v1;
	[tilespmem:v19+s20+$0x0] =	vst.idx.msk $0xffff, v17;
	v17 =	vadd.f32 $-5.214285850e+00, v9  }
0x197: {  	v19 =	vor.u32 $0x60A, v1;
	v9 =	vadd.f32 $-6.000000000e+00, v9;
	[tilespmem:v8+s20+$0x0] =	vst.idx.msk $0xffff, v18;
	v8 =	vmul.f32 v18, v4  }
0x198: {  	[tilespmem:v11+s20+$0x0] =	vst.idx.msk $0xffff, v10;
	v10 =	vor.u32 $0x612, v1;
	v11 =	vmul.f32 $1.442695020e+00, v13;
	v13 =	vmul.f32 v17, v17  }
0x199: {  	v18 =	vmul.f32 v14, v5;
	v17 =	vor.u32 $0x61A, v1;
	v9 =	vmul.f32 v9, v9;
	[tilespmem:v12+s20+$0x0] =	vst.idx.msk $0xffff, v63  }
0x19a: {  	v20 =	vor.u32 $0x603, v1;
	[tilespmem:v15+s20+$0x0] =	vst.idx.msk $0xffff, v8;
	(erf) = vpow2.f32 v11;
	v11 =	vmul.f32 $-4.000000000e+00, v13  }
0x19b: {  	v12 =	vmul.f32 v14, v6;
	v63 =	vmul.f32 v14, v4;
	v8 =	vpop (erf);
	[tilespmem:v16+s20+$0x0] =	vst.idx.msk $0xffff, v14;
	v14 =	vor.u32 $0x60B, v1  }
0x19c: {  	v15 =	vor.u32 $0x613, v1;
	v8 =	vmul.f32 v7, v8;
	[tilespmem:v19+s20+$0x0] =	vst.idx.msk $0xffff, v18;
	v11 =	vmul.f32 $1.442695020e+00, v11  }
0x19d: {  	v9 =	vmul.f32 $-4.000000000e+00, v9;
	[tilespmem:v10+s20+$0x0] =	vst.idx.msk $0xffff, v12;
	v12 =	vor.u32 $0x61B, v1  }
0x19e: {  	v13 =	vor.u32 $0x604, v1;
	v10 =	vmul.f32 v8, v5;
	[tilespmem:v17+s20+$0x0] =	vst.idx.msk $0xffff, v63;
	(erf) = vpow2.f32 v11  }
0x19f: {  	v9 =	vmul.f32 $1.442695020e+00, v9;
	v11 =	vmul.f32 v8, v6;
	v63 =	vpop (erf);
	v17 =	vor.u32 $0x60C, v1;
	[tilespmem:v20+s20+$0x0] =	vst.idx.msk $0xffff, v8  }
0x1a0: {  	v8 =	vmul.f32 v8, v4;
	[tilespmem:v14+s20+$0x0] =	vst.idx.msk $0xffff, v10;
	v10 =	vmul.f32 v7, v63;
	v14 =	vor.u32 $0x614, v1  }
0x1a1: {  	[tilespmem:v15+s20+$0x0] =	vst.idx.msk $0xffff, v11;
	v11 =	vor.u32 $0x61C, v1  }
0x1a2: {  	(erf) = vpow2.f32 v9;
	[tilespmem:v12+s20+$0x0] =	vst.idx.msk $0xffff, v8;
	v19 =	vmul.f32 v10, v5;
	v12 =	vor.u32 $0x605, v1  }
0x1a3: {  	v15 =	vor.u32 $0x60D, v1;
	v63 =	vmul.f32 v10, v6;
	[tilespmem:v13+s20+$0x0] =	vst.idx.msk $0xffff, v10;
	v18 =	vpop (erf)  }
0x1a4: {  	v13 =	vor.u32 $0x615, v1;
	[tilespmem:v17+s20+$0x0] =	vst.idx.msk $0xffff, v19;
	v19 =	vmul.f32 v10, v4;
	v10 =	vmul.f32 v7, v18  }
0x1a5: {  	v9 =	vor.u32 $0x61D, v1;
	[tilespmem:v14+s20+$0x0] =	vst.idx.msk $0xffff, v63  }
0x1a6: {  	[tilespmem:v11+s20+$0x0] =	vst.idx.msk $0xffff, v19;
	v8 =	vmul.f32 v10, v5;
	v11 =	vor.u32 $0x606, v1  }
0x1a7: {  	v16 =	vor.u32 $0x60E, v1;
	v19 =	vmul.f32 v10, v4;
	[tilespmem:v12+s20+$0x0] =	vst.idx.msk $0xffff, v10;
	v12 =	vmul.f32 v10, v6;
	v63 =	vpop (erf)  }
0x1a8: {  	v14 =	vor.u32 $0x616, v1;
	[tilespmem:v15+s20+$0x0] =	vst.idx.msk $0xffff, v8;
	v10 =	vmul.f32 v7, v63  }
0x1a9: {  	[tilespmem:v13+s20+$0x0] =	vst.idx.msk $0xffff, v12;
	v12 =	vor.u32 $0x61E, v1  }
0x1aa: {  	[tilespmem:v9+s20+$0x0] =	vst.idx.msk $0xffff, v19;
	v63 =	vmul.f32 v10, v5;
	v9 =	vor.u32 $0x607, v1  }
0x1ab: {  	v15 =	vor.u32 $0x60F, v1;
	v18 =	vmul.f32 v10, v6;
	v19 =	vpop (erf);
	[tilespmem:v11+s20+$0x0] =	vst.idx.msk $0xffff, v10  }
0x1ac: {  	v7 =	vmul.f32 v7, v19;
	[tilespmem:v16+s20+$0x0] =	vst.idx.msk $0xffff, v63;
	v63 =	vmul.f32 v10, v4;
	v16 =	vor.u32 $0x617, v1  }
0x1ad: {  	v17 =	vor.u32 $0x61F, v1;
	[tilespmem:v14+s20+$0x0] =	vst.idx.msk $0xffff, v18  }
0x1ae: {  	v5 =	vmul.f32 v7, v5;
	v18 =	vor.u32 $0x400, v0;
	[tilespmem:v12+s20+$0x0] =	vst.idx.msk $0xffff, v63  }
0x1af: {  	v19 =	vor.u32 $0x401, v0;
	v6 =	vmul.f32 v7, v6;
	[tilespmem:v9+s20+$0x0] =	vst.idx.msk $0xffff, v7  }
0x1b0: {  	v4 =	vmul.f32 v7, v4;
	[tilespmem:v15+s20+$0x0] =	vst.idx.msk $0xffff, v5  }
0x1b1: {  	[tilespmem:v16+s20+$0x0] =	vst.idx.msk $0xffff, v6  }
0x1b2: {  	[tilespmem:v17+s20+$0x0] =	vst.idx.msk $0xffff, v4;
	v4 =	vor.u32 $0x402, v0  }
0x1b3: {  	v5 =	vld.idx.msk [tilespmem:v18+s16+$0x0], $0xffff  }
0x1b4: {  	v6 =	vld.idx.msk [tilespmem:v19+s16+$0x0], $0xffff  }
0x1b5: {  	v63 =	vld.idx.msk [tilespmem:v18+s17+$0x0], $0xffff  }
0x1b6: {  	v12 =	vld.idx.msk [tilespmem:v19+s17+$0x0], $0xffff  }
0x1b7: {  	v13 =	vld.idx.msk [tilespmem:v4+s16+$0x0], $0xffff  }
0x1b8: {  	v4 =	vld.idx.msk [tilespmem:v4+s17+$0x0], $0xffff;
	_ =	sdelay $0x2  }
0x1b9: {  	v5 =	vsub.f32 v63, v5;
	v6 =	vsub.f32 v12, v6;
	_ =	sdelay $0x1  }
0x1ba: {  	v7 =	vmul.f32 v5, v5;
	v8 =	vmul.f32 v6, v6;
	v4 =	vsub.f32 v4, v13;
	_ =	sdelay $0x1  }
0x1bb: {  	v7 =	vadd.f32 v8, v7;
	v14 =	vmul.f32 v4, v4;
	_ =	sdelay $0x1  }
0x1bc: {  	v7 =	vadd.f32 v14, v7;
	_ =	sdelay $0x1  }
0x1bd: {  	v7 =	vadd.f32 $9.999999960e-13, v7;
	_ =	sdelay $0x1  }
0x1be: {  	v15 =	vshra.s32 v7, $0x1;
	v16 =	vmul.f32 $5.000000000e-01, v7  }
0x1bf: {  	v8 =	vsub.s32 $0x5F3759DF, v15  }
0x1c0: {  	v17 =	vmul.f32 v8, v16;
	_ =	sdelay $0x1  }
0x1c1: {  	v10 =	vmul.f32 v8, v17;
	_ =	sdelay $0x1  }
0x1c2: {  	v10 =	vsub.f32 $1.500000000e+00, v10;
	_ =	sdelay $0x1  }
0x1c3: {  	v8 =	vmul.f32 v8, v10;
	_ =	sdelay $0x1  }
0x1c4: {  	v10 =	vmul.f32 v8, v16;
	_ =	sdelay $0x1  }
0x1c5: {  	v10 =	vmul.f32 v10, v8;
	_ =	sdelay $0x1  }
0x1c6: {  	v10 =	vsub.f32 $1.500000000e+00, v10;
	_ =	sdelay $0x1  }
0x1c7: {  	v8 =	vmul.f32 v10, v8;
	_ =	sdelay $0x1  }
0x1c8: {  	v9 =	vmul.f32 v8, v16;
	_ =	sdelay $0x1  }
0x1c9: {  	v9 =	vmul.f32 v9, v8;
	_ =	sdelay $0x1  }
0x1ca: {  	v9 =	vsub.f32 $1.500000000e+00, v9;
	_ =	sdelay $0x1  }
0x1cb: {  	v8 =	vmul.f32 v9, v8;
	_ =	sdelay $0x1  }
0x1cc: {  	v7 =	vmul.f32 v8, v7;
	_ =	sdelay $0x1  }
0x1cd: {  	v9 =	vmin.f32 v7, $6.000000000e+00  }
0x1ce: {  	v18 =	vmul.f32 $1.666666720e-01, v9;
	_ =	sdelay $0x1  }
0x1cf: {  	v10 =	vmul.f32 v18, v18;
	_ =	sdelay $0x1  }
0x1d0: {  	v10 =	vmul.f32 $2.467401030e+00, v10;
	_ =	sdelay $0x1  }
0x1d1: {  	v19 =	vmul.f32 $2.087675590e-09, v10;
	_ =	sdelay $0x1  }
0x1d2: {  	v11 =	vadd.f32 $-2.755732000e-07, v19;
	_ =	sdelay $0x1  }
0x1d3: {  	v11 =	vmul.f32 v11, v10;
	_ =	sdelay $0x1  }
0x1d4: {  	v11 =	vadd.f32 $2.480158760e-05, v11;
	_ =	sdelay $0x1  }
0x1d5: {  	v11 =	vmul.f32 v11, v10  }
0x1d6: {  	v63 =	vadd.f32 $-5.000000000e-01, v9  }
0x1d7: {  	v11 =	vadd.f32 $-1.388888920e-03, v11  }
0x1d8: {  	v16 =	vadd.f32 $-1.285714270e+00, v9;
	v12 =	vmul.f32 v63, v63  }
0x1d9: {  	v11 =	vmul.f32 v11, v10  }
0x1da: {  	v13 =	vmul.f32 v16, v16;
	v12 =	vmul.f32 $-4.000000000e+00, v12  }
0x1db: {  	v18 =	vadd.f32 $-2.071428540e+00, v9;
	v11 =	vadd.f32 $4.166666790e-02, v11  }
0x1dc: {  	v17 =	vmul.f32 $-4.000000000e+00, v13;
	v12 =	vmul.f32 $1.442695020e+00, v12  }
0x1dd: {  	v63 =	vmul.f32 v18, v18;
	v11 =	vmul.f32 v11, v10  }
0x1de: {  	(erf) = vpow2.f32 v12;
	v19 =	vmul.f32 $1.442695020e+00, v17  }
0x1df: {  	v11 =	vadd.f32 $-5.000000000e-01, v11  }
0x1e0: {  	v15 =	vmul.f32 $-4.000000000e+00, v63;
	(erf) = vpow2.f32 v19  }
0x1e1: {  	v5 =	vmul.f32 v8, v5;
	v16 =	vadd.f32 $-2.857142930e+00, v9;
	v10 =	vmul.f32 v11, v10  }
0x1e2: {  	v6 =	vmul.f32 v8, v6;
	v13 =	vadd.f32 $-3.642857070e+00, v9;
	v11 =	vmul.f32 $1.442695020e+00, v15  }
0x1e3: {  	v4 =	vmul.f32 v8, v4;
	v18 =	vmul.f32 v16, v16;
	v10 =	vadd.f32 $1.000000000e+00, v10  }
0x1e4: {  	v13 =	vmul.f32 v13, v13;
	(erf) = vpow2.f32 v11  }
0x1e5: {  	v14 =	vor.u32 $0x808, v1;
	v19 =	vmul.f32 $-4.000000000e+00, v18;
	v10 =	vmul.f32 v10, v10  }
0x1e6: {  	vm12 =	vlt.f32 v7, $6.000000000e+00;
	v20 =	vadd.f32 $-4.428571220e+00, v9;
	v11 =	vor.u32 $0x800, v1  }
0x1e7: {  	v13 =	vmul.f32 $-4.000000000e+00, v13;
	v8 =	vmul.f32 $1.442695020e+00, v19;
	v17 =	vpop (erf);
	v7 =	vnsel vm12, $0x0, v10  }
0x1e8: {  	v20 =	vmul.f32 v20, v20;
	v16 =	vor.u32 $0x810, v1;
	v10 =	vmul.f32 v7, v17  }
0x1e9: {  	v13 =	vmul.f32 $1.442695020e+00, v13;
	v19 =	vor.u32 $0x818, v1;
	v63 =	vpop (erf);
	(erf) = vpow2.f32 v8  }
0x1ea: {  	v8 =	vor.u32 $0x801, v1;
	v18 =	vmul.f32 v7, v63;
	v12 =	vmul.f32 v10, v5  }
0x1eb: {  	v15 =	vmul.f32 v10, v6;
	v17 =	vmul.f32 v10, v4;
	[tilespmem:v11+s20+$0x0] =	vst.idx.msk $0xffff, v10;
	v11 =	vor.u32 $0x809, v1  }
0x1ec: {  	v10 =	vmul.f32 v18, v5;
	v63 =	vmul.f32 v18, v6;
	[tilespmem:v14+s20+$0x0] =	vst.idx.msk $0xffff, v12;
	v12 =	vor.u32 $0x811, v1  }
0x1ed: {  	v14 =	vpop (erf);
	(erf) = vpow2.f32 v13;
	v13 =	vmul.f32 $-4.000000000e+00, v20;
	[tilespmem:v16+s20+$0x0] =	vst.idx.msk $0xffff, v15;
	v15 =	vor.u32 $0x819, v1  }
0x1ee: {  	v14 =	vmul.f32 v7, v14;
	v16 =	vor.u32 $0x802, v1;
	[tilespmem:v19+s20+$0x0] =	vst.idx.msk $0xffff, v17;
	v17 =	vadd.f32 $-5.214285850e+00, v9  }
0x1ef: {  	v19 =	vor.u32 $0x80A, v1;
	v9 =	vadd.f32 $-6.000000000e+00, v9;
	[tilespmem:v8+s20+$0x0] =	vst.idx.msk $0xffff, v18;
	v8 =	vmul.f32 v18, v4  }
0x1f0: {  	[tilespmem:v11+s20+$0x0] =	vst.idx.msk $0xffff, v10;
	v10 =	vor.u32 $0x812, v1;
	v11 =	vmul.f32 $1.442695020e+00, v13;
	v13 =	vmul.f32 v17, v17  }
0x1f1: {  	v18 =	vmul.f32 v14, v5;
	v17 =	vor.u32 $0x81A, v1;
	v9 =	vmul.f32 v9, v9;
	[tilespmem:v12+s20+$0x0] =	vst.idx.msk $0xffff, v63  }
0x1f2: {  	v20 =	vor.u32 $0x803, v1;
	[tilespmem:v15+s20+$0x0] =	vst.idx.msk $0xffff, v8;
	(erf) = vpow2.f32 v11;
	v11 =	vmul.f32 $-4.000000000e+00, v13  }
0x1f3: {  	v12 =	vmul.f32 v14, v6;
	v63 =	vmul.f32 v14, v4;
	v8 =	vpop (erf);
	[tilespmem:v16+s20+$0x0] =	vst.idx.msk $0xffff, v14;
	v14 =	vor.u32 $0x80B, v1  }
0x1f4: {  	v15 =	vor.u32 $0x813, v1;
	v8 =	vmul.f32 v7, v8;
	[tilespmem:v19+s20+$0x0] =	vst.idx.msk $0xffff, v18;
	v11 =	vmul.f32 $1.442695020e+00, v11  }
0x1f5: {  	v9 =	vmul.f32 $-4.000000000e+00, v9;
	[tilespmem:v10+s20+$0x0] =	vst.idx.msk $0xffff, v12;
	v12 =	vor.u32 $0x81B, v1  }
0x1f6: {  	v13 =	vor.u32 $0x804, v1;
	v10 =	vmul.f32 v8, v5;
	[tilespmem:v17+s20+$0x0] =	vst.idx.msk $0xffff, v63;
	(erf) = vpow2.f32 v11  }
0x1f7: {  	v9 =	vmul.f32 $1.442695020e+00, v9;
	v11 =	vmul.f32 v8, v6;
	v63 =	vpop (erf);
	v17 =	vor.u32 $0x80C, v1;
	[tilespmem:v20+s20+$0x0] =	vst.idx.msk $0xffff, v8  }
0x1f8: {  	v8 =	vmul.f32 v8, v4;
	[tilespmem:v14+s20+$0x0] =	vst.idx.msk $0xffff, v10;
	v10 =	vmul.f32 v7, v63;
	v14 =	vor.u32 $0x814, v1  }
0x1f9: {  	[tilespmem:v15+s20+$0x0] =	vst.idx.msk $0xffff, v11;
	v11 =	vor.u32 $0x81C, v1  }
0x1fa: {  	(erf) = vpow2.f32 v9;
	[tilespmem:v12+s20+$0x0] =	vst.idx.msk $0xffff, v8;
	v19 =	vmul.f32 v10, v5;
	v12 =	vor.u32 $0x805, v1  }
0x1fb: {  	v15 =	vor.u32 $0x80D, v1;
	v63 =	vmul.f32 v10, v6;
	[tilespmem:v13+s20+$0x0] =	vst.idx.msk $0xffff, v10;
	v18 =	vpop (erf)  }
0x1fc: {  	v13 =	vor.u32 $0x815, v1;
	[tilespmem:v17+s20+$0x0] =	vst.idx.msk $0xffff, v19;
	v19 =	vmul.f32 v10, v4;
	v10 =	vmul.f32 v7, v18  }
0x1fd: {  	v9 =	vor.u32 $0x81D, v1;
	[tilespmem:v14+s20+$0x0] =	vst.idx.msk $0xffff, v63  }
0x1fe: {  	[tilespmem:v11+s20+$0x0] =	vst.idx.msk $0xffff, v19;
	v8 =	vmul.f32 v10, v5;
	v11 =	vor.u32 $0x806, v1  }
0x1ff: {  	v16 =	vor.u32 $0x80E, v1;
	v19 =	vmul.f32 v10, v4;
	[tilespmem:v12+s20+$0x0] =	vst.idx.msk $0xffff, v10;
	v12 =	vmul.f32 v10, v6;
	v63 =	vpop (erf)  }
0x200: {  	v14 =	vor.u32 $0x816, v1;
	[tilespmem:v15+s20+$0x0] =	vst.idx.msk $0xffff, v8;
	v10 =	vmul.f32 v7, v63  }
0x201: {  	[tilespmem:v13+s20+$0x0] =	vst.idx.msk $0xffff, v12;
	v12 =	vor.u32 $0x81E, v1  }
0x202: {  	[tilespmem:v9+s20+$0x0] =	vst.idx.msk $0xffff, v19;
	v63 =	vmul.f32 v10, v5;
	v9 =	vor.u32 $0x807, v1  }
0x203: {  	v15 =	vor.u32 $0x80F, v1;
	v18 =	vmul.f32 v10, v6;
	v19 =	vpop (erf);
	[tilespmem:v11+s20+$0x0] =	vst.idx.msk $0xffff, v10  }
0x204: {  	v7 =	vmul.f32 v7, v19;
	[tilespmem:v16+s20+$0x0] =	vst.idx.msk $0xffff, v63;
	v63 =	vmul.f32 v10, v4;
	v16 =	vor.u32 $0x817, v1  }
0x205: {  	v17 =	vor.u32 $0x81F, v1;
	[tilespmem:v14+s20+$0x0] =	vst.idx.msk $0xffff, v18  }
0x206: {  	v5 =	vmul.f32 v7, v5;
	v18 =	vor.u32 $0x500, v0;
	[tilespmem:v12+s20+$0x0] =	vst.idx.msk $0xffff, v63  }
0x207: {  	v19 =	vor.u32 $0x501, v0;
	v6 =	vmul.f32 v7, v6;
	[tilespmem:v9+s20+$0x0] =	vst.idx.msk $0xffff, v7  }
0x208: {  	v4 =	vmul.f32 v7, v4;
	[tilespmem:v15+s20+$0x0] =	vst.idx.msk $0xffff, v5  }
0x209: {  	[tilespmem:v16+s20+$0x0] =	vst.idx.msk $0xffff, v6  }
0x20a: {  	[tilespmem:v17+s20+$0x0] =	vst.idx.msk $0xffff, v4;
	v4 =	vor.u32 $0x502, v0  }
0x20b: {  	v5 =	vld.idx.msk [tilespmem:v18+s16+$0x0], $0xffff  }
0x20c: {  	v6 =	vld.idx.msk [tilespmem:v19+s16+$0x0], $0xffff  }
0x20d: {  	v63 =	vld.idx.msk [tilespmem:v18+s17+$0x0], $0xffff  }
0x20e: {  	v12 =	vld.idx.msk [tilespmem:v19+s17+$0x0], $0xffff  }
0x20f: {  	v13 =	vld.idx.msk [tilespmem:v4+s16+$0x0], $0xffff  }
0x210: {  	v4 =	vld.idx.msk [tilespmem:v4+s17+$0x0], $0xffff;
	_ =	sdelay $0x2  }
0x211: {  	v5 =	vsub.f32 v63, v5;
	v6 =	vsub.f32 v12, v6;
	_ =	sdelay $0x1  }
0x212: {  	v7 =	vmul.f32 v5, v5;
	v8 =	vmul.f32 v6, v6;
	v4 =	vsub.f32 v4, v13;
	_ =	sdelay $0x1  }
0x213: {  	v7 =	vadd.f32 v8, v7;
	v14 =	vmul.f32 v4, v4;
	_ =	sdelay $0x1  }
0x214: {  	v7 =	vadd.f32 v14, v7;
	_ =	sdelay $0x1  }
0x215: {  	v7 =	vadd.f32 $9.999999960e-13, v7;
	_ =	sdelay $0x1  }
0x216: {  	v15 =	vshra.s32 v7, $0x1;
	v16 =	vmul.f32 $5.000000000e-01, v7  }
0x217: {  	v8 =	vsub.s32 $0x5F3759DF, v15  }
0x218: {  	v17 =	vmul.f32 v8, v16;
	_ =	sdelay $0x1  }
0x219: {  	v10 =	vmul.f32 v8, v17;
	_ =	sdelay $0x1  }
0x21a: {  	v10 =	vsub.f32 $1.500000000e+00, v10;
	_ =	sdelay $0x1  }
0x21b: {  	v8 =	vmul.f32 v8, v10;
	_ =	sdelay $0x1  }
0x21c: {  	v10 =	vmul.f32 v8, v16;
	_ =	sdelay $0x1  }
0x21d: {  	v10 =	vmul.f32 v10, v8;
	_ =	sdelay $0x1  }
0x21e: {  	v10 =	vsub.f32 $1.500000000e+00, v10;
	_ =	sdelay $0x1  }
0x21f: {  	v8 =	vmul.f32 v10, v8;
	_ =	sdelay $0x1  }
0x220: {  	v9 =	vmul.f32 v8, v16;
	_ =	sdelay $0x1  }
0x221: {  	v9 =	vmul.f32 v9, v8;
	_ =	sdelay $0x1  }
0x222: {  	v9 =	vsub.f32 $1.500000000e+00, v9;
	_ =	sdelay $0x1  }
0x223: {  	v8 =	vmul.f32 v9, v8;
	_ =	sdelay $0x1  }
0x224: {  	v7 =	vmul.f32 v8, v7;
	_ =	sdelay $0x1  }
0x225: {  	v9 =	vmin.f32 v7, $6.000000000e+00  }
0x226: {  	v18 =	vmul.f32 $1.666666720e-01, v9;
	_ =	sdelay $0x1  }
0x227: {  	v10 =	vmul.f32 v18, v18;
	_ =	sdelay $0x1  }
0x228: {  	v10 =	vmul.f32 $2.467401030e+00, v10;
	_ =	sdelay $0x1  }
0x229: {  	v19 =	vmul.f32 $2.087675590e-09, v10;
	_ =	sdelay $0x1  }
0x22a: {  	v11 =	vadd.f32 $-2.755732000e-07, v19;
	_ =	sdelay $0x1  }
0x22b: {  	v11 =	vmul.f32 v11, v10;
	_ =	sdelay $0x1  }
0x22c: {  	v11 =	vadd.f32 $2.480158760e-05, v11;
	_ =	sdelay $0x1  }
0x22d: {  	v11 =	vmul.f32 v11, v10  }
0x22e: {  	v63 =	vadd.f32 $-5.000000000e-01, v9  }
0x22f: {  	v11 =	vadd.f32 $-1.388888920e-03, v11  }
0x230: {  	v16 =	vadd.f32 $-1.285714270e+00, v9;
	v12 =	vmul.f32 v63, v63  }
0x231: {  	v11 =	vmul.f32 v11, v10  }
0x232: {  	v13 =	vmul.f32 v16, v16;
	v12 =	vmul.f32 $-4.000000000e+00, v12  }
0x233: {  	v18 =	vadd.f32 $-2.071428540e+00, v9;
	v11 =	vadd.f32 $4.166666790e-02, v11  }
0x234: {  	v17 =	vmul.f32 $-4.000000000e+00, v13;
	v12 =	vmul.f32 $1.442695020e+00, v12  }
0x235: {  	v63 =	vmul.f32 v18, v18;
	v11 =	vmul.f32 v11, v10  }
0x236: {  	(erf) = vpow2.f32 v12;
	v19 =	vmul.f32 $1.442695020e+00, v17  }
0x237: {  	v11 =	vadd.f32 $-5.000000000e-01, v11  }
0x238: {  	v15 =	vmul.f32 $-4.000000000e+00, v63;
	(erf) = vpow2.f32 v19  }
0x239: {  	v5 =	vmul.f32 v8, v5;
	v16 =	vadd.f32 $-2.857142930e+00, v9;
	v10 =	vmul.f32 v11, v10  }
0x23a: {  	v6 =	vmul.f32 v8, v6;
	v13 =	vadd.f32 $-3.642857070e+00, v9;
	v11 =	vmul.f32 $1.442695020e+00, v15  }
0x23b: {  	v4 =	vmul.f32 v8, v4;
	v18 =	vmul.f32 v16, v16;
	v10 =	vadd.f32 $1.000000000e+00, v10  }
0x23c: {  	v13 =	vmul.f32 v13, v13;
	(erf) = vpow2.f32 v11  }
0x23d: {  	v14 =	vor.u32 $0xA08, v1;
	v19 =	vmul.f32 $-4.000000000e+00, v18;
	v10 =	vmul.f32 v10, v10  }
0x23e: {  	vm13 =	vlt.f32 v7, $6.000000000e+00;
	v20 =	vadd.f32 $-4.428571220e+00, v9;
	v11 =	vor.u32 $0xA00, v1  }
0x23f: {  	v13 =	vmul.f32 $-4.000000000e+00, v13;
	v8 =	vmul.f32 $1.442695020e+00, v19;
	v17 =	vpop (erf);
	v7 =	vnsel vm13, $0x0, v10  }
0x240: {  	v20 =	vmul.f32 v20, v20;
	v16 =	vor.u32 $0xA10, v1;
	v10 =	vmul.f32 v7, v17  }
0x241: {  	v13 =	vmul.f32 $1.442695020e+00, v13;
	v19 =	vor.u32 $0xA18, v1;
	v63 =	vpop (erf);
	(erf) = vpow2.f32 v8  }
0x242: {  	v8 =	vor.u32 $0xA01, v1;
	v18 =	vmul.f32 v7, v63;
	v12 =	vmul.f32 v10, v5  }
0x243: {  	v15 =	vmul.f32 v10, v6;
	v17 =	vmul.f32 v10, v4;
	[tilespmem:v11+s20+$0x0] =	vst.idx.msk $0xffff, v10;
	v11 =	vor.u32 $0xA09, v1  }
0x244: {  	v10 =	vmul.f32 v18, v5;
	v63 =	vmul.f32 v18, v6;
	[tilespmem:v14+s20+$0x0] =	vst.idx.msk $0xffff, v12;
	v12 =	vor.u32 $0xA11, v1  }
0x245: {  	v14 =	vpop (erf);
	(erf) = vpow2.f32 v13;
	v13 =	vmul.f32 $-4.000000000e+00, v20;
	[tilespmem:v16+s20+$0x0] =	vst.idx.msk $0xffff, v15;
	v15 =	vor.u32 $0xA19, v1  }
0x246: {  	v14 =	vmul.f32 v7, v14;
	v16 =	vor.u32 $0xA02, v1;
	[tilespmem:v19+s20+$0x0] =	vst.idx.msk $0xffff, v17;
	v17 =	vadd.f32 $-5.214285850e+00, v9  }
0x247: {  	v19 =	vor.u32 $0xA0A, v1;
	v9 =	vadd.f32 $-6.000000000e+00, v9;
	[tilespmem:v8+s20+$0x0] =	vst.idx.msk $0xffff, v18;
	v8 =	vmul.f32 v18, v4  }
0x248: {  	[tilespmem:v11+s20+$0x0] =	vst.idx.msk $0xffff, v10;
	v10 =	vor.u32 $0xA12, v1;
	v11 =	vmul.f32 $1.442695020e+00, v13;
	v13 =	vmul.f32 v17, v17  }
0x249: {  	v18 =	vmul.f32 v14, v5;
	v17 =	vor.u32 $0xA1A, v1;
	v9 =	vmul.f32 v9, v9;
	[tilespmem:v12+s20+$0x0] =	vst.idx.msk $0xffff, v63  }
0x24a: {  	v20 =	vor.u32 $0xA03, v1;
	[tilespmem:v15+s20+$0x0] =	vst.idx.msk $0xffff, v8;
	(erf) = vpow2.f32 v11;
	v11 =	vmul.f32 $-4.000000000e+00, v13  }
0x24b: {  	v12 =	vmul.f32 v14, v6;
	v63 =	vmul.f32 v14, v4;
	v8 =	vpop (erf);
	[tilespmem:v16+s20+$0x0] =	vst.idx.msk $0xffff, v14;
	v14 =	vor.u32 $0xA0B, v1  }
0x24c: {  	v15 =	vor.u32 $0xA13, v1;
	v8 =	vmul.f32 v7, v8;
	[tilespmem:v19+s20+$0x0] =	vst.idx.msk $0xffff, v18;
	v11 =	vmul.f32 $1.442695020e+00, v11  }
0x24d: {  	v9 =	vmul.f32 $-4.000000000e+00, v9;
	[tilespmem:v10+s20+$0x0] =	vst.idx.msk $0xffff, v12;
	v12 =	vor.u32 $0xA1B, v1  }
0x24e: {  	v13 =	vor.u32 $0xA04, v1;
	v10 =	vmul.f32 v8, v5;
	[tilespmem:v17+s20+$0x0] =	vst.idx.msk $0xffff, v63;
	(erf) = vpow2.f32 v11  }
0x24f: {  	v9 =	vmul.f32 $1.442695020e+00, v9;
	v11 =	vmul.f32 v8, v6;
	v63 =	vpop (erf);
	v17 =	vor.u32 $0xA0C, v1;
	[tilespmem:v20+s20+$0x0] =	vst.idx.msk $0xffff, v8  }
0x250: {  	v8 =	vmul.f32 v8, v4;
	[tilespmem:v14+s20+$0x0] =	vst.idx.msk $0xffff, v10;
	v10 =	vmul.f32 v7, v63;
	v14 =	vor.u32 $0xA14, v1  }
0x251: {  	[tilespmem:v15+s20+$0x0] =	vst.idx.msk $0xffff, v11;
	v11 =	vor.u32 $0xA1C, v1  }
0x252: {  	(erf) = vpow2.f32 v9;
	[tilespmem:v12+s20+$0x0] =	vst.idx.msk $0xffff, v8;
	v19 =	vmul.f32 v10, v5;
	v12 =	vor.u32 $0xA05, v1  }
0x253: {  	v15 =	vor.u32 $0xA0D, v1;
	v63 =	vmul.f32 v10, v6;
	[tilespmem:v13+s20+$0x0] =	vst.idx.msk $0xffff, v10;
	v18 =	vpop (erf)  }
0x254: {  	v13 =	vor.u32 $0xA15, v1;
	[tilespmem:v17+s20+$0x0] =	vst.idx.msk $0xffff, v19;
	v19 =	vmul.f32 v10, v4;
	v10 =	vmul.f32 v7, v18  }
0x255: {  	v9 =	vor.u32 $0xA1D, v1;
	[tilespmem:v14+s20+$0x0] =	vst.idx.msk $0xffff, v63  }
0x256: {  	[tilespmem:v11+s20+$0x0] =	vst.idx.msk $0xffff, v19;
	v8 =	vmul.f32 v10, v5;
	v11 =	vor.u32 $0xA06, v1  }
0x257: {  	v16 =	vor.u32 $0xA0E, v1;
	v19 =	vmul.f32 v10, v4;
	[tilespmem:v12+s20+$0x0] =	vst.idx.msk $0xffff, v10;
	v12 =	vmul.f32 v10, v6;
	v63 =	vpop (erf)  }
0x258: {  	v14 =	vor.u32 $0xA16, v1;
	[tilespmem:v15+s20+$0x0] =	vst.idx.msk $0xffff, v8;
	v10 =	vmul.f32 v7, v63  }
0x259: {  	[tilespmem:v13+s20+$0x0] =	vst.idx.msk $0xffff, v12;
	v12 =	vor.u32 $0xA1E, v1  }
0x25a: {  	[tilespmem:v9+s20+$0x0] =	vst.idx.msk $0xffff, v19;
	v63 =	vmul.f32 v10, v5;
	v9 =	vor.u32 $0xA07, v1  }
0x25b: {  	v15 =	vor.u32 $0xA0F, v1;
	v18 =	vmul.f32 v10, v6;
	v19 =	vpop (erf);
	[tilespmem:v11+s20+$0x0] =	vst.idx.msk $0xffff, v10  }
0x25c: {  	v7 =	vmul.f32 v7, v19;
	[tilespmem:v16+s20+$0x0] =	vst.idx.msk $0xffff, v63;
	v63 =	vmul.f32 v10, v4;
	v16 =	vor.u32 $0xA17, v1  }
0x25d: {  	v17 =	vor.u32 $0xA1F, v1;
	[tilespmem:v14+s20+$0x0] =	vst.idx.msk $0xffff, v18  }
0x25e: {  	v5 =	vmul.f32 v7, v5;
	v18 =	vor.u32 $0x600, v0;
	[tilespmem:v12+s20+$0x0] =	vst.idx.msk $0xffff, v63  }
0x25f: {  	v19 =	vor.u32 $0x601, v0;
	v6 =	vmul.f32 v7, v6;
	[tilespmem:v9+s20+$0x0] =	vst.idx.msk $0xffff, v7  }
0x260: {  	v4 =	vmul.f32 v7, v4;
	[tilespmem:v15+s20+$0x0] =	vst.idx.msk $0xffff, v5  }
0x261: {  	[tilespmem:v16+s20+$0x0] =	vst.idx.msk $0xffff, v6  }
0x262: {  	[tilespmem:v17+s20+$0x0] =	vst.idx.msk $0xffff, v4;
	v4 =	vor.u32 $0x602, v0  }
0x263: {  	v5 =	vld.idx.msk [tilespmem:v18+s16+$0x0], $0xffff  }
0x264: {  	v6 =	vld.idx.msk [tilespmem:v19+s16+$0x0], $0xffff  }
0x265: {  	v63 =	vld.idx.msk [tilespmem:v18+s17+$0x0], $0xffff  }
0x266: {  	v12 =	vld.idx.msk [tilespmem:v19+s17+$0x0], $0xffff  }
0x267: {  	v13 =	vld.idx.msk [tilespmem:v4+s16+$0x0], $0xffff  }
0x268: {  	v4 =	vld.idx.msk [tilespmem:v4+s17+$0x0], $0xffff;
	_ =	sdelay $0x2  }
0x269: {  	v5 =	vsub.f32 v63, v5;
	v6 =	vsub.f32 v12, v6;
	_ =	sdelay $0x1  }
0x26a: {  	v7 =	vmul.f32 v5, v5;
	v8 =	vmul.f32 v6, v6;
	v4 =	vsub.f32 v4, v13;
	_ =	sdelay $0x1  }
0x26b: {  	v7 =	vadd.f32 v8, v7;
	v14 =	vmul.f32 v4, v4;
	_ =	sdelay $0x1  }
0x26c: {  	v7 =	vadd.f32 v14, v7;
	_ =	sdelay $0x1  }
0x26d: {  	v7 =	vadd.f32 $9.999999960e-13, v7;
	_ =	sdelay $0x1  }
0x26e: {  	v15 =	vshra.s32 v7, $0x1;
	v16 =	vmul.f32 $5.000000000e-01, v7  }
0x26f: {  	v8 =	vsub.s32 $0x5F3759DF, v15  }
0x270: {  	v17 =	vmul.f32 v8, v16;
	_ =	sdelay $0x1  }
0x271: {  	v10 =	vmul.f32 v8, v17;
	_ =	sdelay $0x1  }
0x272: {  	v10 =	vsub.f32 $1.500000000e+00, v10;
	_ =	sdelay $0x1  }
0x273: {  	v8 =	vmul.f32 v8, v10;
	_ =	sdelay $0x1  }
0x274: {  	v10 =	vmul.f32 v8, v16;
	_ =	sdelay $0x1  }
0x275: {  	v10 =	vmul.f32 v10, v8;
	_ =	sdelay $0x1  }
0x276: {  	v10 =	vsub.f32 $1.500000000e+00, v10;
	_ =	sdelay $0x1  }
0x277: {  	v8 =	vmul.f32 v10, v8;
	_ =	sdelay $0x1  }
0x278: {  	v9 =	vmul.f32 v8, v16;
	_ =	sdelay $0x1  }
0x279: {  	v9 =	vmul.f32 v9, v8;
	_ =	sdelay $0x1  }
0x27a: {  	v9 =	vsub.f32 $1.500000000e+00, v9;
	_ =	sdelay $0x1  }
0x27b: {  	v8 =	vmul.f32 v9, v8;
	_ =	sdelay $0x1  }
0x27c: {  	v7 =	vmul.f32 v8, v7;
	_ =	sdelay $0x1  }
0x27d: {  	v9 =	vmin.f32 v7, $6.000000000e+00  }
0x27e: {  	v18 =	vmul.f32 $1.666666720e-01, v9;
	_ =	sdelay $0x1  }
0x27f: {  	v10 =	vmul.f32 v18, v18;
	_ =	sdelay $0x1  }
0x280: {  	v10 =	vmul.f32 $2.467401030e+00, v10;
	_ =	sdelay $0x1  }
0x281: {  	v19 =	vmul.f32 $2.087675590e-09, v10;
	_ =	sdelay $0x1  }
0x282: {  	v11 =	vadd.f32 $-2.755732000e-07, v19;
	_ =	sdelay $0x1  }
0x283: {  	v11 =	vmul.f32 v11, v10;
	_ =	sdelay $0x1  }
0x284: {  	v11 =	vadd.f32 $2.480158760e-05, v11;
	_ =	sdelay $0x1  }
0x285: {  	v11 =	vmul.f32 v11, v10  }
0x286: {  	v63 =	vadd.f32 $-5.000000000e-01, v9  }
0x287: {  	v11 =	vadd.f32 $-1.388888920e-03, v11  }
0x288: {  	v16 =	vadd.f32 $-1.285714270e+00, v9;
	v12 =	vmul.f32 v63, v63  }
0x289: {  	v11 =	vmul.f32 v11, v10  }
0x28a: {  	v13 =	vmul.f32 v16, v16;
	v12 =	vmul.f32 $-4.000000000e+00, v12  }
0x28b: {  	v18 =	vadd.f32 $-2.071428540e+00, v9;
	v11 =	vadd.f32 $4.166666790e-02, v11  }
0x28c: {  	v17 =	vmul.f32 $-4.000000000e+00, v13;
	v12 =	vmul.f32 $1.442695020e+00, v12  }
0x28d: {  	v63 =	vmul.f32 v18, v18;
	v11 =	vmul.f32 v11, v10  }
0x28e: {  	(erf) = vpow2.f32 v12;
	v19 =	vmul.f32 $1.442695020e+00, v17  }
0x28f: {  	v11 =	vadd.f32 $-5.000000000e-01, v11  }
0x290: {  	v15 =	vmul.f32 $-4.000000000e+00, v63;
	(erf) = vpow2.f32 v19  }
0x291: {  	v5 =	vmul.f32 v8, v5;
	v16 =	vadd.f32 $-2.857142930e+00, v9;
	v10 =	vmul.f32 v11, v10  }
0x292: {  	v6 =	vmul.f32 v8, v6;
	v13 =	vadd.f32 $-3.642857070e+00, v9;
	v11 =	vmul.f32 $1.442695020e+00, v15  }
0x293: {  	v4 =	vmul.f32 v8, v4;
	v18 =	vmul.f32 v16, v16;
	v10 =	vadd.f32 $1.000000000e+00, v10  }
0x294: {  	v13 =	vmul.f32 v13, v13;
	(erf) = vpow2.f32 v11  }
0x295: {  	v14 =	vor.u32 $0xC08, v1;
	v19 =	vmul.f32 $-4.000000000e+00, v18;
	v10 =	vmul.f32 v10, v10  }
0x296: {  	vm14 =	vlt.f32 v7, $6.000000000e+00;
	v20 =	vadd.f32 $-4.428571220e+00, v9;
	v11 =	vor.u32 $0xC00, v1  }
0x297: {  	v13 =	vmul.f32 $-4.000000000e+00, v13;
	v8 =	vmul.f32 $1.442695020e+00, v19;
	v17 =	vpop (erf);
	v7 =	vnsel vm14, $0x0, v10  }
0x298: {  	v20 =	vmul.f32 v20, v20;
	v16 =	vor.u32 $0xC10, v1;
	v10 =	vmul.f32 v7, v17  }
0x299: {  	v13 =	vmul.f32 $1.442695020e+00, v13;
	v19 =	vor.u32 $0xC18, v1;
	v63 =	vpop (erf);
	(erf) = vpow2.f32 v8  }
0x29a: {  	v8 =	vor.u32 $0xC01, v1;
	v18 =	vmul.f32 v7, v63;
	v12 =	vmul.f32 v10, v5  }
0x29b: {  	v15 =	vmul.f32 v10, v6;
	v17 =	vmul.f32 v10, v4;
	[tilespmem:v11+s20+$0x0] =	vst.idx.msk $0xffff, v10;
	v11 =	vor.u32 $0xC09, v1  }
0x29c: {  	v10 =	vmul.f32 v18, v5;
	v63 =	vmul.f32 v18, v6;
	[tilespmem:v14+s20+$0x0] =	vst.idx.msk $0xffff, v12;
	v12 =	vor.u32 $0xC11, v1  }
0x29d: {  	v14 =	vpop (erf);
	(erf) = vpow2.f32 v13;
	v13 =	vmul.f32 $-4.000000000e+00, v20;
	[tilespmem:v16+s20+$0x0] =	vst.idx.msk $0xffff, v15;
	v15 =	vor.u32 $0xC19, v1  }
0x29e: {  	v14 =	vmul.f32 v7, v14;
	v16 =	vor.u32 $0xC02, v1;
	[tilespmem:v19+s20+$0x0] =	vst.idx.msk $0xffff, v17;
	v17 =	vadd.f32 $-5.214285850e+00, v9  }
0x29f: {  	v19 =	vor.u32 $0xC0A, v1;
	v9 =	vadd.f32 $-6.000000000e+00, v9;
	[tilespmem:v8+s20+$0x0] =	vst.idx.msk $0xffff, v18;
	v8 =	vmul.f32 v18, v4  }
0x2a0: {  	[tilespmem:v11+s20+$0x0] =	vst.idx.msk $0xffff, v10;
	v10 =	vor.u32 $0xC12, v1;
	v11 =	vmul.f32 $1.442695020e+00, v13;
	v13 =	vmul.f32 v17, v17  }
0x2a1: {  	v18 =	vmul.f32 v14, v5;
	v17 =	vor.u32 $0xC1A, v1;
	v9 =	vmul.f32 v9, v9;
	[tilespmem:v12+s20+$0x0] =	vst.idx.msk $0xffff, v63  }
0x2a2: {  	v20 =	vor.u32 $0xC03, v1;
	[tilespmem:v15+s20+$0x0] =	vst.idx.msk $0xffff, v8;
	(erf) = vpow2.f32 v11;
	v11 =	vmul.f32 $-4.000000000e+00, v13  }
0x2a3: {  	v12 =	vmul.f32 v14, v6;
	v63 =	vmul.f32 v14, v4;
	v8 =	vpop (erf);
	[tilespmem:v16+s20+$0x0] =	vst.idx.msk $0xffff, v14;
	v14 =	vor.u32 $0xC0B, v1  }
0x2a4: {  	v15 =	vor.u32 $0xC13, v1;
	v8 =	vmul.f32 v7, v8;
	[tilespmem:v19+s20+$0x0] =	vst.idx.msk $0xffff, v18;
	v11 =	vmul.f32 $1.442695020e+00, v11  }
0x2a5: {  	v9 =	vmul.f32 $-4.000000000e+00, v9;
	[tilespmem:v10+s20+$0x0] =	vst.idx.msk $0xffff, v12;
	v12 =	vor.u32 $0xC1B, v1  }
0x2a6: {  	v13 =	vor.u32 $0xC04, v1;
	v10 =	vmul.f32 v8, v5;
	[tilespmem:v17+s20+$0x0] =	vst.idx.msk $0xffff, v63;
	(erf) = vpow2.f32 v11  }
0x2a7: {  	v9 =	vmul.f32 $1.442695020e+00, v9;
	v11 =	vmul.f32 v8, v6;
	v63 =	vpop (erf);
	v17 =	vor.u32 $0xC0C, v1;
	[tilespmem:v20+s20+$0x0] =	vst.idx.msk $0xffff, v8  }
0x2a8: {  	v8 =	vmul.f32 v8, v4;
	[tilespmem:v14+s20+$0x0] =	vst.idx.msk $0xffff, v10;
	v10 =	vmul.f32 v7, v63;
	v14 =	vor.u32 $0xC14, v1  }
0x2a9: {  	[tilespmem:v15+s20+$0x0] =	vst.idx.msk $0xffff, v11;
	v11 =	vor.u32 $0xC1C, v1  }
0x2aa: {  	(erf) = vpow2.f32 v9;
	[tilespmem:v12+s20+$0x0] =	vst.idx.msk $0xffff, v8;
	v19 =	vmul.f32 v10, v5;
	v12 =	vor.u32 $0xC05, v1  }
0x2ab: {  	v15 =	vor.u32 $0xC0D, v1;
	v63 =	vmul.f32 v10, v6;
	[tilespmem:v13+s20+$0x0] =	vst.idx.msk $0xffff, v10;
	v18 =	vpop (erf)  }
0x2ac: {  	v13 =	vor.u32 $0xC15, v1;
	[tilespmem:v17+s20+$0x0] =	vst.idx.msk $0xffff, v19;
	v19 =	vmul.f32 v10, v4;
	v10 =	vmul.f32 v7, v18  }
0x2ad: {  	v9 =	vor.u32 $0xC1D, v1;
	[tilespmem:v14+s20+$0x0] =	vst.idx.msk $0xffff, v63  }
0x2ae: {  	[tilespmem:v11+s20+$0x0] =	vst.idx.msk $0xffff, v19;
	v8 =	vmul.f32 v10, v5;
	v11 =	vor.u32 $0xC06, v1  }
0x2af: {  	v16 =	vor.u32 $0xC0E, v1;
	v19 =	vmul.f32 v10, v4;
	[tilespmem:v12+s20+$0x0] =	vst.idx.msk $0xffff, v10;
	v12 =	vmul.f32 v10, v6;
	v63 =	vpop (erf)  }
0x2b0: {  	v14 =	vor.u32 $0xC16, v1;
	[tilespmem:v15+s20+$0x0] =	vst.idx.msk $0xffff, v8;
	v10 =	vmul.f32 v7, v63  }
0x2b1: {  	[tilespmem:v13+s20+$0x0] =	vst.idx.msk $0xffff, v12;
	v12 =	vor.u32 $0xC1E, v1  }
0x2b2: {  	[tilespmem:v9+s20+$0x0] =	vst.idx.msk $0xffff, v19;
	v63 =	vmul.f32 v10, v5;
	v9 =	vor.u32 $0xC07, v1  }
0x2b3: {  	v15 =	vor.u32 $0xC0F, v1;
	v18 =	vmul.f32 v10, v6;
	v19 =	vpop (erf);
	[tilespmem:v11+s20+$0x0] =	vst.idx.msk $0xffff, v10  }
0x2b4: {  	v7 =	vmul.f32 v7, v19;
	[tilespmem:v16+s20+$0x0] =	vst.idx.msk $0xffff, v63;
	v63 =	vmul.f32 v10, v4;
	v16 =	vor.u32 $0xC17, v1  }
0x2b5: {  	v17 =	vor.u32 $0xC1F, v1;
	[tilespmem:v14+s20+$0x0] =	vst.idx.msk $0xffff, v18  }
0x2b6: {  	v5 =	vmul.f32 v7, v5;
	v18 =	vor.u32 $0x700, v0;
	[tilespmem:v12+s20+$0x0] =	vst.idx.msk $0xffff, v63  }
0x2b7: {  	v19 =	vor.u32 $0x701, v0;
	v6 =	vmul.f32 v7, v6;
	[tilespmem:v9+s20+$0x0] =	vst.idx.msk $0xffff, v7  }
0x2b8: {  	v4 =	vmul.f32 v7, v4;
	[tilespmem:v15+s20+$0x0] =	vst.idx.msk $0xffff, v5  }
0x2b9: {  	[tilespmem:v16+s20+$0x0] =	vst.idx.msk $0xffff, v6  }
0x2ba: {  	[tilespmem:v17+s20+$0x0] =	vst.idx.msk $0xffff, v4;
	v4 =	vor.u32 $0x702, v0  }
0x2bb: {  	v5 =	vld.idx.msk [tilespmem:v18+s16+$0x0], $0xffff  }
0x2bc: {  	v6 =	vld.idx.msk [tilespmem:v19+s16+$0x0], $0xffff  }
0x2bd: {  	v63 =	vld.idx.msk [tilespmem:v18+s17+$0x0], $0xffff  }
0x2be: {  	v12 =	vld.idx.msk [tilespmem:v19+s17+$0x0], $0xffff  }
0x2bf: {  	v13 =	vld.idx.msk [tilespmem:v4+s16+$0x0], $0xffff  }
0x2c0: {  	v4 =	vld.idx.msk [tilespmem:v4+s17+$0x0], $0xffff;
	_ =	sdelay $0x2  }
0x2c1: {  	v5 =	vsub.f32 v63, v5;
	v6 =	vsub.f32 v12, v6;
	_ =	sdelay $0x1  }
0x2c2: {  	v7 =	vmul.f32 v5, v5;
	v8 =	vmul.f32 v6, v6;
	v4 =	vsub.f32 v4, v13;
	_ =	sdelay $0x1  }
0x2c3: {  	v7 =	vadd.f32 v8, v7;
	v14 =	vmul.f32 v4, v4;
	_ =	sdelay $0x1  }
0x2c4: {  	v7 =	vadd.f32 v14, v7;
	_ =	sdelay $0x1  }
0x2c5: {  	v7 =	vadd.f32 $9.999999960e-13, v7;
	_ =	sdelay $0x1  }
0x2c6: {  	v15 =	vshra.s32 v7, $0x1;
	v16 =	vmul.f32 $5.000000000e-01, v7  }
0x2c7: {  	v8 =	vsub.s32 $0x5F3759DF, v15  }
0x2c8: {  	v17 =	vmul.f32 v8, v16;
	_ =	sdelay $0x1  }
0x2c9: {  	v10 =	vmul.f32 v8, v17;
	_ =	sdelay $0x1  }
0x2ca: {  	v10 =	vsub.f32 $1.500000000e+00, v10;
	_ =	sdelay $0x1  }
0x2cb: {  	v8 =	vmul.f32 v8, v10;
	_ =	sdelay $0x1  }
0x2cc: {  	v10 =	vmul.f32 v8, v16;
	_ =	sdelay $0x1  }
0x2cd: {  	v10 =	vmul.f32 v10, v8;
	_ =	sdelay $0x1  }
0x2ce: {  	v10 =	vsub.f32 $1.500000000e+00, v10;
	_ =	sdelay $0x1  }
0x2cf: {  	v8 =	vmul.f32 v10, v8;
	_ =	sdelay $0x1  }
0x2d0: {  	v9 =	vmul.f32 v8, v16;
	_ =	sdelay $0x1  }
0x2d1: {  	v9 =	vmul.f32 v9, v8;
	_ =	sdelay $0x1  }
0x2d2: {  	v9 =	vsub.f32 $1.500000000e+00, v9;
	_ =	sdelay $0x1  }
0x2d3: {  	v8 =	vmul.f32 v9, v8;
	_ =	sdelay $0x1  }
0x2d4: {  	v7 =	vmul.f32 v8, v7;
	_ =	sdelay $0x1  }
0x2d5: {  	v9 =	vmin.f32 v7, $6.000000000e+00  }
0x2d6: {  	v18 =	vmul.f32 $1.666666720e-01, v9;
	_ =	sdelay $0x1  }
0x2d7: {  	v10 =	vmul.f32 v18, v18;
	_ =	sdelay $0x1  }
0x2d8: {  	v10 =	vmul.f32 $2.467401030e+00, v10;
	_ =	sdelay $0x1  }
0x2d9: {  	v19 =	vmul.f32 $2.087675590e-09, v10;
	_ =	sdelay $0x1  }
0x2da: {  	v11 =	vadd.f32 $-2.755732000e-07, v19;
	_ =	sdelay $0x1  }
0x2db: {  	v11 =	vmul.f32 v11, v10;
	_ =	sdelay $0x1  }
0x2dc: {  	v63 =	vadd.f32 $-5.000000000e-01, v9;
	v11 =	vadd.f32 $2.480158760e-05, v11;
	_ =	sdelay $0x1  }
0x2dd: {  	v12 =	vmul.f32 v63, v63;
	v11 =	vmul.f32 v11, v10  }
0x2de: {  	v16 =	vadd.f32 $-1.285714270e+00, v9  }
0x2df: {  	v12 =	vmul.f32 $-4.000000000e+00, v12;
	v11 =	vadd.f32 $-1.388888920e-03, v11  }
0x2e0: {  	v13 =	vmul.f32 v16, v16  }
0x2e1: {  	v12 =	vmul.f32 $1.442695020e+00, v12;
	v11 =	vmul.f32 v11, v10;
	_ =	sdelay $0x1  }
0x2e2: {  	v17 =	vmul.f32 $-4.000000000e+00, v13;
	(erf) = vpow2.f32 v12;
	v11 =	vadd.f32 $4.166666790e-02, v11  }
0x2e3: {  	v18 =	vadd.f32 $-2.071428540e+00, v9  }
0x2e4: {  	v19 =	vmul.f32 $1.442695020e+00, v17;
	v11 =	vmul.f32 v11, v10  }
0x2e5: {  	v63 =	vmul.f32 v18, v18  }
0x2e6: {  	(erf) = vpow2.f32 v19;
	v11 =	vadd.f32 $-5.000000000e-01, v11  }
0x2e7: {  	v5 =	vmul.f32 v8, v5;
	v16 =	vadd.f32 $-2.857142930e+00, v9;
	v15 =	vmul.f32 $-4.000000000e+00, v63  }
0x2e8: {  	v6 =	vmul.f32 v8, v6;
	v13 =	vadd.f32 $-3.642857070e+00, v9;
	v10 =	vmul.f32 v11, v10  }
0x2e9: {  	v18 =	vmul.f32 v16, v16;
	v11 =	vmul.f32 $1.442695020e+00, v15  }
0x2ea: {  	v4 =	vmul.f32 v8, v4;
	v13 =	vmul.f32 v13, v13;
	v10 =	vadd.f32 $1.000000000e+00, v10  }
0x2eb: {  	v19 =	vmul.f32 $-4.000000000e+00, v18;
	v17 =	vpop (erf);
	(erf) = vpow2.f32 v11  }
0x2ec: {  	v13 =	vmul.f32 $-4.000000000e+00, v13;
	v10 =	vmul.f32 v10, v10  }
0x2ed: {  	vm15 =	vlt.f32 v7, $6.000000000e+00;
	v8 =	vmul.f32 $1.442695020e+00, v19;
	v11 =	vor.u32 $0xE00, v1  }
0x2ee: {  	v14 =	vor.u32 $0xE08, v1;
	v13 =	vmul.f32 $1.442695020e+00, v13;
	v7 =	vnsel vm15, $0x0, v10  }
0x2ef: {  	v16 =	vor.u32 $0xE10, v1;
	v63 =	vpop (erf);
	(erf) = vpow2.f32 v8;
	v10 =	vmul.f32 v7, v17  }
0x2f0: {  	v17 =	vor.u32 $0xE18, v1;
	v18 =	vmul.f32 v7, v63;
	v63 =	vadd.f32 $-4.428571220e+00, v9  }
0x2f1: {  	v20 =	vor.u32 $0xE01, v1;
	(erf) = vpow2.f32 v13;
	v12 =	vmul.f32 v10, v5  }
0x2f2: {  	v15 =	vmul.f32 v10, v6;
	[tilespmem:v11+s20+$0x0] =	vst.idx.msk $0xffff, v10;
	v11 =	vor.u32 $0xE09, v1;
	v8 =	vmul.f32 v63, v63  }
0x2f3: {  	v19 =	vmul.f32 v10, v4;
	v10 =	vmul.f32 v18, v5;
	[tilespmem:v14+s20+$0x0] =	vst.idx.msk $0xffff, v12;
	v14 =	vor.u32 $0xE11, v1  }
0x2f4: {  	v12 =	vmul.f32 v18, v6;
	v63 =	vpop (erf);
	v8 =	vmul.f32 $-4.000000000e+00, v8;
	[tilespmem:v16+s20+$0x0] =	vst.idx.msk $0xffff, v15;
	v15 =	vor.u32 $0xE19, v1  }
0x2f5: {  	v16 =	vmul.f32 v7, v63;
	v63 =	vadd.f32 $-5.214285850e+00, v9;
	[tilespmem:v17+s20+$0x0] =	vst.idx.msk $0xffff, v19;
	v17 =	vor.u32 $0xE02, v1  }
0x2f6: {  	v9 =	vadd.f32 $-6.000000000e+00, v9;
	v19 =	vor.u32 $0xE0A, v1;
	v8 =	vmul.f32 $1.442695020e+00, v8;
	[tilespmem:v20+s20+$0x0] =	vst.idx.msk $0xffff, v18  }
0x2f7: {  	v18 =	vmul.f32 v18, v4;
	v13 =	vmul.f32 v63, v63;
	[tilespmem:v11+s20+$0x0] =	vst.idx.msk $0xffff, v10;
	v11 =	vor.u32 $0xE12, v1  }
0x2f8: {  	v9 =	vmul.f32 v9, v9;
	(erf) = vpow2.f32 v8;
	v8 =	vor.u32 $0xE1A, v1;
	[tilespmem:v14+s20+$0x0] =	vst.idx.msk $0xffff, v12  }
0x2f9: {  	v63 =	vor.u32 $0xE03, v1;
	v10 =	vmul.f32 v16, v5;
	v14 =	vpop (erf);
	v13 =	vmul.f32 $-4.000000000e+00, v13;
	[tilespmem:v15+s20+$0x0] =	vst.idx.msk $0xffff, v18  }
0x2fa: {  	v12 =	vmul.f32 v16, v6;
	v14 =	vmul.f32 v7, v14;
	[tilespmem:v17+s20+$0x0] =	vst.idx.msk $0xffff, v16;
	v17 =	vor.u32 $0xE0B, v1  }
0x2fb: {  	v16 =	vmul.f32 v16, v4;
	v13 =	vmul.f32 $1.442695020e+00, v13;
	[tilespmem:v19+s20+$0x0] =	vst.idx.msk $0xffff, v10;
	v10 =	vor.u32 $0xE13, v1  }
0x2fc: {  	v9 =	vmul.f32 $-4.000000000e+00, v9;
	[tilespmem:v11+s20+$0x0] =	vst.idx.msk $0xffff, v12;
	v12 =	vor.u32 $0xE1B, v1  }
0x2fd: {  	v11 =	vmul.f32 v14, v5;
	(erf) = vpow2.f32 v13;
	[tilespmem:v8+s20+$0x0] =	vst.idx.msk $0xffff, v16;
	v8 =	vor.u32 $0xE04, v1  }
0x2fe: {  	v9 =	vmul.f32 $1.442695020e+00, v9;
	v13 =	vmul.f32 v14, v6;
	v16 =	vor.u32 $0xE0C, v1;
	[tilespmem:v63+s20+$0x0] =	vst.idx.msk $0xffff, v14;
	v63 =	vpop (erf)  }
0x2ff: {  	v15 =	vor.u32 $0xE14, v1;
	v14 =	vmul.f32 v14, v4;
	[tilespmem:v17+s20+$0x0] =	vst.idx.msk $0xffff, v11;
	v11 =	vmul.f32 v7, v63  }
0x300: {  	[tilespmem:v10+s20+$0x0] =	vst.idx.msk $0xffff, v13;
	v10 =	vor.u32 $0xE1C, v1  }
0x301: {  	(erf) = vpow2.f32 v9;
	v63 =	vor.u32 $0xE05, v1;
	[tilespmem:v12+s20+$0x0] =	vst.idx.msk $0xffff, v14;
	v17 =	vmul.f32 v11, v5  }
0x302: {  	v18 =	vpop (erf);
	v19 =	vmul.f32 v11, v6;
	v14 =	vor.u32 $0xE0D, v1;
	[tilespmem:v8+s20+$0x0] =	vst.idx.msk $0xffff, v11  }
0x303: {  	v9 =	vmul.f32 v7, v18;
	v12 =	vor.u32 $0xE15, v1;
	v11 =	vmul.f32 v11, v4;
	[tilespmem:v16+s20+$0x0] =	vst.idx.msk $0xffff, v17  }
0x304: {  	v8 =	vor.u32 $0xE1D, v1;
	[tilespmem:v15+s20+$0x0] =	vst.idx.msk $0xffff, v19  }
0x305: {  	[tilespmem:v10+s20+$0x0] =	vst.idx.msk $0xffff, v11;
	v10 =	vmul.f32 v9, v5;
	v11 =	vor.u32 $0xE06, v1  }
0x306: {  	v16 =	vor.u32 $0xE0E, v1;
	v15 =	vpop (erf);
	[tilespmem:v63+s20+$0x0] =	vst.idx.msk $0xffff, v9;
	v63 =	vmul.f32 v9, v6  }
0x307: {  	v9 =	vmul.f32 v9, v4;
	v18 =	vmul.f32 v7, v15;
	[tilespmem:v14+s20+$0x0] =	vst.idx.msk $0xffff, v10;
	v14 =	vor.u32 $0xE16, v1  }
0x308: {  	[tilespmem:v12+s20+$0x0] =	vst.idx.msk $0xffff, v63;
	v12 =	vor.u32 $0xE1E, v1  }
0x309: {  	v19 =	vmul.f32 v18, v5;
	[tilespmem:v8+s20+$0x0] =	vst.idx.msk $0xffff, v9;
	v9 =	vor.u32 $0xE07, v1  }
0x30a: {  	v15 =	vor.u32 $0xE0F, v1;
	[tilespmem:v11+s20+$0x0] =	vst.idx.msk $0xffff, v18;
	v11 =	vmul.f32 v18, v6;
	v63 =	vpop (erf)  }
0x30b: {  	v18 =	vmul.f32 v18, v4;
	[tilespmem:v16+s20+$0x0] =	vst.idx.msk $0xffff, v19;
	v7 =	vmul.f32 v7, v63;
	v19 =	vor.u32 $0xE17, v1  }
0x30c: {  	v63 =	vor.u32 $0xE1F, v1;
	[tilespmem:v14+s20+$0x0] =	vst.idx.msk $0xffff, v11  }
0x30d: {  	[tilespmem:v12+s20+$0x0] =	vst.idx.msk $0xffff, v18;
	v5 =	vmul.f32 v7, v5  }
0x30e: {  	v6 =	vmul.f32 v7, v6;
	[tilespmem:v9+s20+$0x0] =	vst.idx.msk $0xffff, v7  }
0x30f: {  	v4 =	vmul.f32 v7, v4;
	[tilespmem:v15+s20+$0x0] =	vst.idx.msk $0xffff, v5  }
0x310: {  	[tilespmem:v19+s20+$0x0] =	vst.idx.msk $0xffff, v6  }
.Ltmp5:
0x311: {  	[tilespmem:v63+s20+$0x0] =	vst.idx.msk $0xffff, v4;
	(pc) =	sbr.rel .LBB2_4-.Ltmp5, $4  }
0x312: {  	[spmem:s1] =	stream.indirect.scatter.add.f32 [tilespmem:s20], [sflag:$0x3], $0x20, s3, s15, $0xb8;
	[tilespmem:$0x1A800] =	vst v63  }
0x313: {  	_ =	swait.ge [sflag:s13], $0x1000  }
0x314: {  	[sflag:s13] =	ssyncset.done $0x0  }
0x315: {  	[sflag:s13] =	ssyncadd.s32 $0xFFFFF000  }
.LBB2_6:
0x316: {  	_ =	sfence.sel $0x180000  }
0x317: {  	[bflag:$0x0] =	sbarrier.arrive $0xFFFF  }
0x318: {  	p0 =	sne.s32 s2, $0x0;
	_ =	strace $0x90000047  }
0x319: {  	s0 =	sadd.s32 @!p0 $0x100000, s0;
	[bflag:$0x2] =	sbarrier.arrive $0xFFFF  }
0x31a: {  	[sflag:s0] =	ssyncadd.tile.s32 @!p0 $0x1;
	_ =	shalt  }
.Lfunc_end2:
_tile_overlayer_lowered:
.L_overlay_start_2:
0x31b: {  	(tag) =	ssettag $0x2  }
0x31c: {  	s0 =	rddreg [dreg:$0x0];
	s2 =	stileid.u32  }
0x31d: {  	s1 =	rddreg [dreg:$0x1];
	p0 =	sne.s32 s2, $0x0  }
0x31e: {  	s3 =	rddreg [dreg:$0x2];
	[bflag:$0x3] =	sbarrier.arrive $0xFFFF;
	s2 =	simm.s32 @!p0 $0x1C03  }
0x31f: {  	[timem:s3], [sflag:s2] =	dma.local @!p0 [hbm:s0], s1  }
0x320: {  	s0 =	simm.s32 @!p0 $0x3  }
0x321: {  	_ =	swait.ge @!p0 [sflag:s0], s1  }
0x322: {  	s1 =	ssub.s32 @!p0 $0x0, s1;
	[sflag:s0] =	ssyncset.done @!p0 $0x0  }
0x323: {  	[sflag:s0] =	ssyncadd.s32 @!p0 s1  }
0x324: {  	[bflag:$0x3] =	sbarrier.arrive $0xFFFF  }
0x325: {  	_ =	shalt  }

</sc_bundles>
